<compile_context>
chip_gen: v7x
topology: tpu7x:2x2x1
jax: 0.10.2.dev20260603
libtpu: 0.0.44.dev20260713+nightly
codegen_flags: <defaults>
</compile_context>

<pallas_src>
import functools

import jax
import jax.numpy as jnp
from jax import lax
from jax.experimental import pallas as pl
from jax.experimental.pallas import tpu as pltpu
from jax.experimental.pallas import tpu_sc as plsc

N = 10000
NP = 10240
E = 320000
F_IN = 128
C_OUT = 64
CH_W = 32
NC = 2
NS = 16
NW = NC * NS
EW = E // NW
K = 80
CH = EW // K
CHT = 2 * CH
RPT = NP // NS
NBUF = 10
BRN = 2000

_mesh = plsc.VectorSubcoreMesh(core_axis_name="c", subcore_axis_name="s")


@functools.partial(
    pl.kernel,
    out_type=jax.ShapeDtypeStruct((NC, NP), jnp.float32),
    mesh=_mesh,
    scratch_types=[
        pltpu.VMEM((CH, K), jnp.int32),
        pltpu.VMEM((K,), jnp.float32),
        pltpu.VMEM_SHARED((NP,), jnp.float32),
        pltpu.SemaphoreType.DMA,
    ],
)
def _sc_degree(dst_hbm, zeros_hbm, out_hbm, dst_v, ones_v, dacc_sh, ssem):
    c = lax.axis_index("c")
    s = lax.axis_index("s")
    wid = c * NS + s
    pltpu.sync_copy(zeros_hbm.at[pl.ds(s * RPT, RPT)],
                    dacc_sh.at[pl.ds(s * RPT, RPT)])
    pltpu.sync_copy(dst_hbm.at[wid], dst_v)
    for j in range(K // 16):
        ones_v[pl.ds(j * 16, 16)] = jnp.full((16,), 1.0, jnp.float32)
    plsc.subcore_barrier()

    def body(i, _):
        pltpu.async_copy(ones_v, dacc_sh.at[dst_v.at[i]], ssem, add=True)
        return ()

    lax.fori_loop(0, CH, body, ())

    def drain(i, _):
        pltpu.make_async_copy(ones_v, dacc_sh.at[dst_v.at[0]], ssem).wait()
        return ()

    lax.fori_loop(0, CH, drain, ())
    plsc.subcore_barrier()
    pltpu.sync_copy(dacc_sh.at[pl.ds(s * RPT, RPT)],
                    out_hbm.at[c].at[pl.ds(s * RPT, RPT)])


def _prop(u_ref, src_v, dst_v, rows_v, acc_sh, gsem):
    for b in range(NBUF):
        pltpu.async_copy(u_ref.at[src_v.at[b]], rows_v.at[b], gsem.at[b])

    def body(i, _):
        for b in range(NBUF):
            idx = i * NBUF + b
            pltpu.make_async_copy(u_ref.at[src_v.at[idx]], rows_v.at[b],
                                  gsem.at[b]).wait()
            pltpu.sync_copy(rows_v.at[b], acc_sh.at[dst_v.at[idx]], add=True)
            nxt = idx + NBUF

            @pl.when(nxt < CHT)
            def _():
                pltpu.async_copy(u_ref.at[src_v.at[nxt]], rows_v.at[b],
                                 gsem.at[b])
        return ()

    lax.fori_loop(0, CHT // NBUF, body, ())


def _row_scale(n, dinv_v):
    return plsc.load_gather(dinv_v, [jnp.full((16,), n, jnp.int32)])


@functools.partial(
    pl.kernel,
    out_type=[
        jax.ShapeDtypeStruct((N, C_OUT), jnp.float32),
        jax.ShapeDtypeStruct((NC, NP, CH_W), jnp.float32),
        jax.ShapeDtypeStruct((NC, NP, CH_W), jnp.float32),
    ],
    mesh=_mesh,
    scratch_types=[
        pltpu.VMEM((CHT, K), jnp.int32),
        pltpu.VMEM((CHT, K), jnp.int32),
        pltpu.VMEM((NBUF, K, CH_W), jnp.float32),
        pltpu.VMEM((RPT, CH_W), jnp.float32),
        pltpu.VMEM((NC, RPT), jnp.float32),
        pltpu.VMEM((RPT,), jnp.float32),
        pltpu.VMEM((CH_W,), jnp.float32),
        pltpu.VMEM_SHARED((NP, CH_W), jnp.float32),
        pltpu.SemaphoreType.DMA((NBUF,)),
    ],
    compiler_params=pltpu.CompilerParams(use_tc_tiling_on_sc=False,
                                         needs_layout_passes=False),
)
def _sc_mega(y_hbm, degp_hbm, src_hbm, dst_hbm, zeros_hbm, b2_hbm,
             out_hbm, u1_hbm, u2_hbm,
             src_v, dst_v, rows_v, ubuf, degv, dinv_v, b2v,
             acc_sh, gsem):
    c = lax.axis_index("c")
    s = lax.axis_index("s")
    row0 = s * RPT
    cols = pl.ds(c * CH_W, CH_W)
    rows = pl.ds(row0, RPT)

    pltpu.sync_copy(degp_hbm.at[0, rows], degv.at[0])
    pltpu.sync_copy(degp_hbm.at[1, rows], degv.at[1])

    def dbody(j, _):
        sl = pl.ds(j * 16, 16)
        d = degv[0, sl] + degv[1, sl] + 1.0
        i = plsc.bitcast(d, jnp.int32)
        i = jnp.int32(0x5F3759DF) - lax.shift_right_logical(i, 1)
        r = plsc.bitcast(i, jnp.float32)
        r = r * (1.5 - 0.5 * d * r * r)
        r = r * (1.5 - 0.5 * d * r * r)
        r = r * (1.5 - 0.5 * d * r * r)
        dinv_v[sl] = r
        return ()

    lax.fori_loop(0, RPT // 16, dbody, ())

    NL = N - (NS - 1) * RPT

    @pl.when(s < NS - 1)
    def _():
        pltpu.sync_copy(y_hbm.at[rows, cols], ubuf)

    @pl.when(s == NS - 1)
    def _():
        pltpu.sync_copy(y_hbm.at[pl.ds(row0, NL), cols],
                        ubuf.at[pl.ds(0, NL)])

    pltpu.sync_copy(zeros_hbm.at[rows], acc_sh.at[rows])
    pltpu.sync_copy(src_hbm.at[s], src_v.at[pl.ds(0, CH)])
    pltpu.sync_copy(src_hbm.at[s + NS], src_v.at[pl.ds(CH, CH)])
    pltpu.sync_copy(dst_hbm.at[s], dst_v.at[pl.ds(0, CH)])
    pltpu.sync_copy(dst_hbm.at[s + NS], dst_v.at[pl.ds(CH, CH)])

    def n0(n, _):
        dvb = _row_scale(n, dinv_v)
        for h in range(CH_W // 16):
            sl = pl.ds(h * 16, 16)
            ubuf[n, sl] = ubuf[n, sl] * dvb
        return ()

    lax.fori_loop(0, RPT, n0, ())
    pltpu.sync_copy(ubuf, u1_hbm.at[c, rows])
    plsc.subcore_barrier()

    _prop(u1_hbm.at[c], src_v, dst_v, rows_v, acc_sh, gsem)
    plsc.subcore_barrier()

    for q in range(RPT // K):
        pltpu.sync_copy(acc_sh.at[pl.ds(row0 + q * K, K)], rows_v.at[q])

        def n2(n, _):
            m = q * K + n
            dvb = _row_scale(m, dinv_v)
            d2 = dvb * dvb
            for h in range(CH_W // 16):
                sl = pl.ds(h * 16, 16)
                ubuf[m, sl] = d2 * (rows_v[q, n, sl] + ubuf[m, sl])
            return ()

        lax.fori_loop(0, K, n2, ())
    pltpu.sync_copy(zeros_hbm.at[rows], acc_sh.at[rows])
    pltpu.sync_copy(ubuf, u2_hbm.at[c, rows])
    plsc.subcore_barrier()

    _prop(u2_hbm.at[c], src_v, dst_v, rows_v, acc_sh, gsem)
    plsc.subcore_barrier()

    pltpu.sync_copy(b2_hbm.at[pl.ds(c * CH_W, CH_W)], b2v)
    for q in range(RPT // K):
        pltpu.sync_copy(acc_sh.at[pl.ds(row0 + q * K, K)], rows_v.at[q])

        def n4(n, _):
            m = q * K + n
            dvb = _row_scale(m, dinv_v)
            for h in range(CH_W // 16):
                sl = pl.ds(h * 16, 16)
                ubuf[m, sl] = dvb * (rows_v[q, n, sl] + ubuf[m, sl]) + b2v[sl]
            return ()

        lax.fori_loop(0, K, n4, ())

    @pl.when(s < NS - 1)
    def _():
        pltpu.sync_copy(ubuf, out_hbm.at[rows, cols])

    @pl.when(s == NS - 1)
    def _():
        pltpu.sync_copy(ubuf.at[pl.ds(0, NL)],
                        out_hbm.at[pl.ds(row0, NL), cols])


def _mm_body(x_ref, w1t_ref, w2t_ref, y_ref):
    y_ref[...] = jnp.dot(
        jnp.dot(x_ref[...], w1t_ref[...], preferred_element_type=jnp.float32),
        w2t_ref[...], preferred_element_type=jnp.float32)


_tc_mm = pl.pallas_call(
    _mm_body,
    grid=(N // BRN,),
    in_specs=[
        pl.BlockSpec((BRN, F_IN), lambda i: (i, 0)),
        pl.BlockSpec((F_IN, F_IN), lambda i: (0, 0)),
        pl.BlockSpec((F_IN, C_OUT), lambda i: (0, 0)),
    ],
    out_specs=pl.BlockSpec((BRN, C_OUT), lambda i: (i, 0)),
    out_shape=jax.ShapeDtypeStruct((N, C_OUT), jnp.float32),
)


def kernel(x, edge_index, W1, b1, W2, b2):
    del b1
    src_r = edge_index[0].reshape(NW, CH, K)
    dst_r = edge_index[1].reshape(NW, CH, K)

    degp = _sc_degree(dst_r, jnp.zeros((NP,), jnp.float32))
    y = _tc_mm(x, W1.T, W2.T)
    out, _, _ = _sc_mega(y, degp, src_r, dst_r,
                         jnp.zeros((NP, CH_W), jnp.float32), b2)
    return out

# --- scband reference (transcript-rebuilt; emitter-appended) ---
"""Pipeline reference for scband-sgc-49134425867022 (READ-ONLY COPY).

The authoritative reference and input builder live on the scoring server;
editing this copy changes nothing except your own understanding.
"""

import jax, jax.numpy as jnp
import numpy as np

N = 10000
E = 320000
F_IN = 128
H = 128
C = 64


def setup_inputs(seed: int = 0) -> dict:
    key = jax.random.key(seed)
    k1, k2, k3, k4 = jax.random.split(key, 4)
    x = jax.random.normal(k1, (N, F_IN), dtype=jnp.float32)
    edge_index = jax.random.randint(k2, (2, E), 0, N)
    W1 = jax.random.normal(k3, (H, F_IN), dtype=jnp.float32) * 0.05
    b1 = jnp.zeros((H,), dtype=jnp.float32)
    W2 = jax.random.normal(k4, (C, H), dtype=jnp.float32) * 0.05
    b2 = jnp.zeros((C,), dtype=jnp.float32)
    return {"x": x, "edge_index": edge_index, "W1": W1, "b1": b1, "W2": W2, "b2": b2}


def _gcn_prop(x, edge_index):
    # GCN normalization with self-loops (PyG gcn_norm, improved=False), K=1 propagation
    n = x.shape[0]
    loop = jnp.arange(n, dtype=edge_index.dtype)
    src = jnp.concatenate([edge_index[0], loop])
    dst = jnp.concatenate([edge_index[1], loop])
    w = jnp.ones(src.shape[0], dtype=x.dtype)
    deg = jnp.zeros((n,), dtype=x.dtype).at[dst].add(w)
    deg_inv_sqrt = jnp.where(deg > 0, 1.0 / jnp.sqrt(deg), 0.0)
    norm = deg_inv_sqrt[src] * w * deg_inv_sqrt[dst]
    msg = x[src] * norm[:, None]
    return jnp.zeros_like(x).at[dst].add(msg)


def reference(x, edge_index, W1, b1, W2, b2):
    # conv1: propagate then linear (SGConv, K=1, cached=False)
    h = _gcn_prop(x, edge_index) @ W1.T + b1
    # conv2: propagate then linear
    out = _gcn_prop(h, edge_index) @ W2.T + b2
    return out

if __name__ == "__main__":
    import jax
    _d = setup_inputs()
    print(jax.jit(kernel)(*tuple(_d.values())))

</pallas_src>

<mosaic_0001>
#map = affine_map<(d0, d1) -> (0, 0)>
#map1 = affine_map<(d0, d1) -> (0, 0, 0)>
#map2 = affine_map<(d0, d1) -> (0)>
module attributes {stable_mosaic.version = 14 : i64} {
  func.func @_sc_mega(%arg0: i32, %arg1: i32, %arg2: memref<10000x64xf32, #tpu.memory_space<hbm>>, %arg3: memref<2x10240xf32, #tpu.memory_space<hbm>>, %arg4: memref<32x125x80xi32, #tpu.memory_space<hbm>>, %arg5: memref<32x125x80xi32, #tpu.memory_space<hbm>>, %arg6: memref<10240x32xf32, #tpu.memory_space<hbm>>, %arg7: memref<64xf32, #tpu.memory_space<hbm>>, %arg8: memref<10000x64xf32, #tpu.memory_space<hbm>>, %arg9: memref<2x10240x32xf32, #tpu.memory_space<hbm>>, %arg10: memref<2x10240x32xf32, #tpu.memory_space<hbm>>, %arg11: memref<250x80xi32, #tpu.memory_space<vmem>>, %arg12: memref<250x80xi32, #tpu.memory_space<vmem>>, %arg13: memref<10x80x32xf32, #tpu.memory_space<vmem>>, %arg14: memref<640x32xf32, #tpu.memory_space<vmem>>, %arg15: memref<2x640xf32, #tpu.memory_space<vmem>>, %arg16: memref<640xf32, #tpu.memory_space<vmem>>, %arg17: memref<32xf32, #tpu.memory_space<vmem>>, %arg18: memref<10240x32xf32, #tpu.memory_space<vmem_shared>>, %arg19: memref<10x!tpu.dma_semaphore, #tpu.memory_space<semaphore_mem>>) attributes {dimension_semantics = [#tpu.dimension_semantics<core_parallel>, #tpu.dimension_semantics<subcore_parallel>], iteration_bounds = array<i64: 2, 16>, scalar_prefetch = 0 : i64, scratch_operands = 9 : i64, tpu.core_type = #tpu.core_type<sc_vector_subcore>, window_params = [{transform_indices = #map}, {transform_indices = #map}, {transform_indices = #map1}, {transform_indices = #map1}, {transform_indices = #map}, {transform_indices = #map2}, {transform_indices = #map}, {transform_indices = #map1}, {transform_indices = #map1}]} {
    %mul3A = arith.constant 640 : i32
    %mul3A_0 = arith.muli %arg1, %mul3A : i32
    %mul3A_1 = arith.constant 32 : i32
    %mul3A_2 = arith.muli %arg0, %mul3A_1 : i32
    %run_scoped3A = arith.constant 0 : i32
    %run_scoped3A_3 = arith.constant 0 : i32
    "tpu.region"() ({
      %run_scoped3A_556 = tpu.sem_alloc : memref<!tpu.dma_semaphore, #tpu.memory_space<semaphore_mem>>
      %dma_start3A_557 = arith.constant 0 : i32
      %dma_start3A_558 = tpu.memref_slice %arg15[%run_scoped3A_3, %dma_start3A_557] : memref<2x640xf32, #tpu.memory_space<vmem>> -> memref<1x640xf32, #tpu.memory_space<vmem>>
      %dma_start3A_559 = tpu.memref_squeeze %dma_start3A_558 : memref<1x640xf32, #tpu.memory_space<vmem>> -> memref<640xf32, #tpu.memory_space<vmem>>
      %dma_start3A_560 = tpu.memref_slice %arg3[%run_scoped3A, %mul3A_0] : memref<2x10240xf32, #tpu.memory_space<hbm>> -> memref<1x640xf32, #tpu.memory_space<hbm>>
      %dma_start3A_561 = tpu.memref_squeeze %dma_start3A_560 : memref<1x640xf32, #tpu.memory_space<hbm>> -> memref<640xf32, #tpu.memory_space<hbm>>
      %dma_start3A_562 = arith.constant 0 : i32
      %dma_start3A_563 = tpu.memref_slice %arg15[%run_scoped3A_3, %dma_start3A_562] : memref<2x640xf32, #tpu.memory_space<vmem>> -> memref<1x640xf32, #tpu.memory_space<vmem>>
      %dma_start3A_564 = tpu.memref_squeeze %dma_start3A_563 : memref<1x640xf32, #tpu.memory_space<vmem>> -> memref<640xf32, #tpu.memory_space<vmem>>
      %dma_start3A_565 = tpu.memref_slice %arg3[%run_scoped3A, %mul3A_0] : memref<2x10240xf32, #tpu.memory_space<hbm>> -> memref<1x640xf32, #tpu.memory_space<hbm>>
      %dma_start3A_566 = tpu.memref_squeeze %dma_start3A_565 : memref<1x640xf32, #tpu.memory_space<hbm>> -> memref<640xf32, #tpu.memory_space<hbm>>
      tpu.enqueue_dma source(%dma_start3A_566 : memref<640xf32, #tpu.memory_space<hbm>>) target(%dma_start3A_564 : memref<640xf32, #tpu.memory_space<vmem>>) target_semaphore(%run_scoped3A_556 : memref<!tpu.dma_semaphore, #tpu.memory_space<semaphore_mem>>)
      %dma_wait3A = arith.constant 0 : i32
      %dma_wait3A_567 = tpu.memref_slice %arg15[%run_scoped3A_3, %dma_wait3A] : memref<2x640xf32, #tpu.memory_space<vmem>> -> memref<1x640xf32, #tpu.memory_space<vmem>>
      %dma_wait3A_568 = tpu.memref_squeeze %dma_wait3A_567 : memref<1x640xf32, #tpu.memory_space<vmem>> -> memref<640xf32, #tpu.memory_space<vmem>>
      %dma_wait3A_569 = tpu.memref_slice %arg3[%run_scoped3A, %mul3A_0] : memref<2x10240xf32, #tpu.memory_space<hbm>> -> memref<1x640xf32, #tpu.memory_space<hbm>>
      %dma_wait3A_570 = tpu.memref_squeeze %dma_wait3A_569 : memref<1x640xf32, #tpu.memory_space<hbm>> -> memref<640xf32, #tpu.memory_space<hbm>>
      %dma_wait3A_571 = arith.constant 0 : i32
      %dma_wait3A_572 = tpu.memref_slice %arg15[%run_scoped3A_3, %dma_wait3A_571] : memref<2x640xf32, #tpu.memory_space<vmem>> -> memref<1x640xf32, #tpu.memory_space<vmem>>
      %dma_wait3A_573 = tpu.memref_squeeze %dma_wait3A_572 : memref<1x640xf32, #tpu.memory_space<vmem>> -> memref<640xf32, #tpu.memory_space<vmem>>
      %dma_wait3A_574 = tpu.memref_slice %arg3[%run_scoped3A, %mul3A_0] : memref<2x10240xf32, #tpu.memory_space<hbm>> -> memref<1x640xf32, #tpu.memory_space<hbm>>
      %dma_wait3A_575 = tpu.memref_squeeze %dma_wait3A_574 : memref<1x640xf32, #tpu.memory_space<hbm>> -> memref<640xf32, #tpu.memory_space<hbm>>
      tpu.wait_dma2 semaphore(%run_scoped3A_556 : memref<!tpu.dma_semaphore, #tpu.memory_space<semaphore_mem>>) src(%dma_wait3A_575 : memref<640xf32, #tpu.memory_space<hbm>>) dst(%dma_wait3A_573 : memref<640xf32, #tpu.memory_space<vmem>>)
      tpu.yield
    }) : () -> ()
    %run_scoped3A_4 = arith.constant 1 : i32
    %run_scoped3A_5 = arith.constant 1 : i32
    "tpu.region"() ({
      %run_scoped3A_556 = tpu.sem_alloc : memref<!tpu.dma_semaphore, #tpu.memory_space<semaphore_mem>>
      %dma_start3A_557 = arith.constant 0 : i32
      %dma_start3A_558 = tpu.memref_slice %arg15[%run_scoped3A_5, %dma_start3A_557] : memref<2x640xf32, #tpu.memory_space<vmem>> -> memref<1x640xf32, #tpu.memory_space<vmem>>
      %dma_start3A_559 = tpu.memref_squeeze %dma_start3A_558 : memref<1x640xf32, #tpu.memory_space<vmem>> -> memref<640xf32, #tpu.memory_space<vmem>>
      %dma_start3A_560 = tpu.memref_slice %arg3[%run_scoped3A_4, %mul3A_0] : memref<2x10240xf32, #tpu.memory_space<hbm>> -> memref<1x640xf32, #tpu.memory_space<hbm>>
      %dma_start3A_561 = tpu.memref_squeeze %dma_start3A_560 : memref<1x640xf32, #tpu.memory_space<hbm>> -> memref<640xf32, #tpu.memory_space<hbm>>
      %dma_start3A_562 = arith.constant 0 : i32
      %dma_start3A_563 = tpu.memref_slice %arg15[%run_scoped3A_5, %dma_start3A_562] : memref<2x640xf32, #tpu.memory_space<vmem>> -> memref<1x640xf32, #tpu.memory_space<vmem>>
      %dma_start3A_564 = tpu.memref_squeeze %dma_start3A_563 : memref<1x640xf32, #tpu.memory_space<vmem>> -> memref<640xf32, #tpu.memory_space<vmem>>
      %dma_start3A_565 = tpu.memref_slice %arg3[%run_scoped3A_4, %mul3A_0] : memref<2x10240xf32, #tpu.memory_space<hbm>> -> memref<1x640xf32, #tpu.memory_space<hbm>>
      %dma_start3A_566 = tpu.memref_squeeze %dma_start3A_565 : memref<1x640xf32, #tpu.memory_space<hbm>> -> memref<640xf32, #tpu.memory_space<hbm>>
      tpu.enqueue_dma source(%dma_start3A_566 : memref<640xf32, #tpu.memory_space<hbm>>) target(%dma_start3A_564 : memref<640xf32, #tpu.memory_space<vmem>>) target_semaphore(%run_scoped3A_556 : memref<!tpu.dma_semaphore, #tpu.memory_space<semaphore_mem>>)
      %dma_wait3A = arith.constant 0 : i32
      %dma_wait3A_567 = tpu.memref_slice %arg15[%run_scoped3A_5, %dma_wait3A] : memref<2x640xf32, #tpu.memory_space<vmem>> -> memref<1x640xf32, #tpu.memory_space<vmem>>
      %dma_wait3A_568 = tpu.memref_squeeze %dma_wait3A_567 : memref<1x640xf32, #tpu.memory_space<vmem>> -> memref<640xf32, #tpu.memory_space<vmem>>
      %dma_wait3A_569 = tpu.memref_slice %arg3[%run_scoped3A_4, %mul3A_0] : memref<2x10240xf32, #tpu.memory_space<hbm>> -> memref<1x640xf32, #tpu.memory_space<hbm>>
      %dma_wait3A_570 = tpu.memref_squeeze %dma_wait3A_569 : memref<1x640xf32, #tpu.memory_space<hbm>> -> memref<640xf32, #tpu.memory_space<hbm>>
      %dma_wait3A_571 = arith.constant 0 : i32
      %dma_wait3A_572 = tpu.memref_slice %arg15[%run_scoped3A_5, %dma_wait3A_571] : memref<2x640xf32, #tpu.memory_space<vmem>> -> memref<1x640xf32, #tpu.memory_space<vmem>>
      %dma_wait3A_573 = tpu.memref_squeeze %dma_wait3A_572 : memref<1x640xf32, #tpu.memory_space<vmem>> -> memref<640xf32, #tpu.memory_space<vmem>>
      %dma_wait3A_574 = tpu.memref_slice %arg3[%run_scoped3A_4, %mul3A_0] : memref<2x10240xf32, #tpu.memory_space<hbm>> -> memref<1x640xf32, #tpu.memory_space<hbm>>
      %dma_wait3A_575 = tpu.memref_squeeze %dma_wait3A_574 : memref<1x640xf32, #tpu.memory_space<hbm>> -> memref<640xf32, #tpu.memory_space<hbm>>
      tpu.wait_dma2 semaphore(%run_scoped3A_556 : memref<!tpu.dma_semaphore, #tpu.memory_space<semaphore_mem>>) src(%dma_wait3A_575 : memref<640xf32, #tpu.memory_space<hbm>>) dst(%dma_wait3A_573 : memref<640xf32, #tpu.memory_space<vmem>>)
      tpu.yield
    }) : () -> ()
    %scan3A = arith.constant 0 : i32
    %scan3A_6 = arith.constant 40 : i32
    %scan3A_7 = arith.addi %scan3A, %scan3A_6 : i32
    %scan3A_8 = arith.constant 1 : i32
    scf.for %scan3A_556 = %scan3A to %scan3A_7 step %scan3A_8  : i32 {
      %mul3A_557 = arith.constant 16 : i32
      %mul3A_558 = arith.muli %scan3A_556, %mul3A_557 : i32
      %get3A = arith.constant 0 : i32
      %get3A_559 = arith.index_cast %get3A : i32 to index
      %get3A_560 = arith.index_cast %mul3A_558 : i32 to index
      %get3A_561 = tpu.vector_load %arg15[%get3A_559, %get3A_560] {strides = array<i32>} : memref<2x640xf32, #tpu.memory_space<vmem>>, vector<16xf32>,
      %get3A_562 = arith.constant 1 : i32
      %get3A_563 = arith.index_cast %get3A_562 : i32 to index
      %get3A_564 = arith.index_cast %mul3A_558 : i32 to index
      %get3A_565 = tpu.vector_load %arg15[%get3A_563, %get3A_564] {strides = array<i32>} : memref<2x640xf32, #tpu.memory_space<vmem>>, vector<16xf32>,
      %add3A_566 = arith.addf %get3A_561, %get3A_565 : vector<16xf32>
      %add3A_567 = arith.constant 1.000000e+00 : f32
      %add3A_568 = vector.broadcast %add3A_567 : f32 to vector<16xf32>
      %add3A_569 = arith.addf %add3A_566, %add3A_568 : vector<16xf32>
      %bitcast3A = vector.bitcast %add3A_569 : vector<16xf32> to vector<16xi32>
      %shift_right_logical3A = arith.constant 1 : i32
      %shift_right_logical3A_570 = vector.broadcast %shift_right_logical3A : i32 to vector<16xi32>
      %shift_right_logical3A_571 = arith.shrui %bitcast3A, %shift_right_logical3A_570 : vector<16xi32>
      %sub3A = arith.constant 1597463007 : i32
      %sub3A_572 = vector.broadcast %sub3A : i32 to vector<16xi32>
      %sub3A_573 = arith.subi %sub3A_572, %shift_right_logical3A_571 : vector<16xi32>
      %bitcast3A_574 = vector.bitcast %sub3A_573 : vector<16xi32> to vector<16xf32>
      %mul3A_575 = arith.constant 5.000000e-01 : f32
      %mul3A_576 = vector.broadcast %mul3A_575 : f32 to vector<16xf32>
      %mul3A_577 = arith.mulf %mul3A_576, %add3A_569 : vector<16xf32>
      %mul3A_578 = arith.mulf %mul3A_577, %bitcast3A_574 : vector<16xf32>
      %mul3A_579 = arith.mulf %mul3A_578, %bitcast3A_574 : vector<16xf32>
      %sub3A_580 = arith.constant 1.500000e+00 : f32
      %sub3A_581 = vector.broadcast %sub3A_580 : f32 to vector<16xf32>
      %sub3A_582 = arith.subf %sub3A_581, %mul3A_579 : vector<16xf32>
      %mul3A_583 = arith.mulf %bitcast3A_574, %sub3A_582 : vector<16xf32>
      %mul3A_584 = arith.constant 5.000000e-01 : f32
      %mul3A_585 = vector.broadcast %mul3A_584 : f32 to vector<16xf32>
      %mul3A_586 = arith.mulf %mul3A_585, %add3A_569 : vector<16xf32>
      %mul3A_587 = arith.mulf %mul3A_586, %mul3A_583 : vector<16xf32>
      %mul3A_588 = arith.mulf %mul3A_587, %mul3A_583 : vector<16xf32>
      %sub3A_589 = arith.constant 1.500000e+00 : f32
      %sub3A_590 = vector.broadcast %sub3A_589 : f32 to vector<16xf32>
      %sub3A_591 = arith.subf %sub3A_590, %mul3A_588 : vector<16xf32>
      %mul3A_592 = arith.mulf %mul3A_583, %sub3A_591 : vector<16xf32>
      %mul3A_593 = arith.constant 5.000000e-01 : f32
      %mul3A_594 = vector.broadcast %mul3A_593 : f32 to vector<16xf32>
      %mul3A_595 = arith.mulf %mul3A_594, %add3A_569 : vector<16xf32>
      %mul3A_596 = arith.mulf %mul3A_595, %mul3A_592 : vector<16xf32>
      %mul3A_597 = arith.mulf %mul3A_596, %mul3A_592 : vector<16xf32>
      %sub3A_598 = arith.constant 1.500000e+00 : f32
      %sub3A_599 = vector.broadcast %sub3A_598 : f32 to vector<16xf32>
      %sub3A_600 = arith.subf %sub3A_599, %mul3A_597 : vector<16xf32>
      %mul3A_601 = arith.mulf %mul3A_592, %sub3A_600 : vector<16xf32>
      %swap3A = arith.index_cast %mul3A_558 : i32 to index
      %swap3A_602 = tpu.vector_load %arg16[%swap3A] {strides = array<i32>} : memref<640xf32, #tpu.memory_space<vmem>>, vector<16xf32>,
      tpu.vector_store %arg16[%swap3A], %mul3A_601 {strides = array<i32>} : memref<640xf32, #tpu.memory_space<vmem>>, vector<16xf32>,
    }
    %scan3A_9 = arith.constant 40 : i32
    %lt3A = arith.constant 15 : i32
    %lt3A_10 = arith.cmpi slt, %arg1, %lt3A : i32
    %convert_element_type3A = arith.extui %lt3A_10 : i1 to i32
    %cond3A = arith.constant 0 : i32
    %cond3A_11 = arith.cmpi ne, %convert_element_type3A, %cond3A : i32
    scf.if %cond3A_11 {
      "tpu.region"() ({
        %run_scoped3A_556 = tpu.sem_alloc : memref<!tpu.dma_semaphore, #tpu.memory_space<semaphore_mem>>
        %dma_start3A_557 = tpu.memref_slice %arg2[%mul3A_0, %mul3A_2] : memref<10000x64xf32, #tpu.memory_space<hbm>> -> memref<640x32xf32, #tpu.memory_space<hbm>>
        %dma_start3A_558 = tpu.memref_slice %arg2[%mul3A_0, %mul3A_2] : memref<10000x64xf32, #tpu.memory_space<hbm>> -> memref<640x32xf32, #tpu.memory_space<hbm>>
        tpu.enqueue_dma source(%dma_start3A_558 : memref<640x32xf32, #tpu.memory_space<hbm>>) target(%arg14 : memref<640x32xf32, #tpu.memory_space<vmem>>) target_semaphore(%run_scoped3A_556 : memref<!tpu.dma_semaphore, #tpu.memory_space<semaphore_mem>>)
        %dma_wait3A = tpu.memref_slice %arg2[%mul3A_0, %mul3A_2] : memref<10000x64xf32, #tpu.memory_space<hbm>> -> memref<640x32xf32, #tpu.memory_space<hbm>>
        %dma_wait3A_559 = tpu.memref_slice %arg2[%mul3A_0, %mul3A_2] : memref<10000x64xf32, #tpu.memory_space<hbm>> -> memref<640x32xf32, #tpu.memory_space<hbm>>
        tpu.wait_dma2 semaphore(%run_scoped3A_556 : memref<!tpu.dma_semaphore, #tpu.memory_space<semaphore_mem>>) src(%dma_wait3A_559 : memref<640x32xf32, #tpu.memory_space<hbm>>) dst(%arg14 : memref<640x32xf32, #tpu.memory_space<vmem>>)
        tpu.yield
      }) : () -> ()
    } else {
    }
    %eq3A = arith.constant 15 : i32
    %eq3A_12 = arith.cmpi eq, %arg1, %eq3A : i32
    %convert_element_type3A_13 = arith.extui %eq3A_12 : i1 to i32
    %cond3A_14 = arith.constant 0 : i32
    %cond3A_15 = arith.cmpi ne, %convert_element_type3A_13, %cond3A_14 : i32
    scf.if %cond3A_15 {
      "tpu.region"() ({
        %run_scoped3A_556 = tpu.sem_alloc : memref<!tpu.dma_semaphore, #tpu.memory_space<semaphore_mem>>
        %dma_start3A_557 = arith.constant 0 : i32
        %dma_start3A_558 = arith.constant 0 : i32
        %dma_start3A_559 = tpu.memref_slice %arg14[%dma_start3A_557, %dma_start3A_558] : memref<640x32xf32, #tpu.memory_space<vmem>> -> memref<400x32xf32, #tpu.memory_space<vmem>>
        %dma_start3A_560 = tpu.memref_slice %arg2[%mul3A_0, %mul3A_2] : memref<10000x64xf32, #tpu.memory_space<hbm>> -> memref<400x32xf32, #tpu.memory_space<hbm>>
        %dma_start3A_561 = arith.constant 0 : i32
        %dma_start3A_562 = arith.constant 0 : i32
        %dma_start3A_563 = tpu.memref_slice %arg14[%dma_start3A_561, %dma_start3A_562] : memref<640x32xf32, #tpu.memory_space<vmem>> -> memref<400x32xf32, #tpu.memory_space<vmem>>
        %dma_start3A_564 = tpu.memref_slice %arg2[%mul3A_0, %mul3A_2] : memref<10000x64xf32, #tpu.memory_space<hbm>> -> memref<400x32xf32, #tpu.memory_space<hbm>>
        tpu.enqueue_dma source(%dma_start3A_564 : memref<400x32xf32, #tpu.memory_space<hbm>>) target(%dma_start3A_563 : memref<400x32xf32, #tpu.memory_space<vmem>>) target_semaphore(%run_scoped3A_556 : memref<!tpu.dma_semaphore, #tpu.memory_space<semaphore_mem>>)
        %dma_wait3A = arith.constant 0 : i32
        %dma_wait3A_565 = arith.constant 0 : i32
        %dma_wait3A_566 = tpu.memref_slice %arg14[%dma_wait3A, %dma_wait3A_565] : memref<640x32xf32, #tpu.memory_space<vmem>> -> memref<400x32xf32, #tpu.memory_space<vmem>>
        %dma_wait3A_567 = tpu.memref_slice %arg2[%mul3A_0, %mul3A_2] : memref<10000x64xf32, #tpu.memory_space<hbm>> -> memref<400x32xf32, #tpu.memory_space<hbm>>
        %dma_wait3A_568 = arith.constant 0 : i32
        %dma_wait3A_569 = arith.constant 0 : i32
        %dma_wait3A_570 = tpu.memref_slice %arg14[%dma_wait3A_568, %dma_wait3A_569] : memref<640x32xf32, #tpu.memory_space<vmem>> -> memref<400x32xf32, #tpu.memory_space<vmem>>
        %dma_wait3A_571 = tpu.memref_slice %arg2[%mul3A_0, %mul3A_2] : memref<10000x64xf32, #tpu.memory_space<hbm>> -> memref<400x32xf32, #tpu.memory_space<hbm>>
        tpu.wait_dma2 semaphore(%run_scoped3A_556 : memref<!tpu.dma_semaphore, #tpu.memory_space<semaphore_mem>>) src(%dma_wait3A_571 : memref<400x32xf32, #tpu.memory_space<hbm>>) dst(%dma_wait3A_570 : memref<400x32xf32, #tpu.memory_space<vmem>>)
        tpu.yield
      }) : () -> ()
    } else {
    }
    "tpu.region"() ({
      %run_scoped3A_556 = tpu.sem_alloc : memref<!tpu.dma_semaphore, #tpu.memory_space<semaphore_mem>>
      %dma_start3A_557 = arith.constant 0 : i32
      %dma_start3A_558 = tpu.memref_slice %arg18[%mul3A_0, %dma_start3A_557] : memref<10240x32xf32, #tpu.memory_space<vmem_shared>> -> memref<640x32xf32, #tpu.memory_space<vmem_shared>>
      %dma_start3A_559 = arith.constant 0 : i32
      %dma_start3A_560 = tpu.memref_slice %arg6[%mul3A_0, %dma_start3A_559] : memref<10240x32xf32, #tpu.memory_space<hbm>> -> memref<640x32xf32, #tpu.memory_space<hbm>>
      tpu.enqueue_dma source(%dma_start3A_560 : memref<640x32xf32, #tpu.memory_space<hbm>>) target(%dma_start3A_558 : memref<640x32xf32, #tpu.memory_space<vmem_shared>>) target_semaphore(%run_scoped3A_556 : memref<!tpu.dma_semaphore, #tpu.memory_space<semaphore_mem>>)
      %dma_wait3A = arith.constant 0 : i32
      %dma_wait3A_561 = tpu.memref_slice %arg18[%mul3A_0, %dma_wait3A] : memref<10240x32xf32, #tpu.memory_space<vmem_shared>> -> memref<640x32xf32, #tpu.memory_space<vmem_shared>>
      %dma_wait3A_562 = arith.constant 0 : i32
      %dma_wait3A_563 = tpu.memref_slice %arg6[%mul3A_0, %dma_wait3A_562] : memref<10240x32xf32, #tpu.memory_space<hbm>> -> memref<640x32xf32, #tpu.memory_space<hbm>>
      tpu.wait_dma2 semaphore(%run_scoped3A_556 : memref<!tpu.dma_semaphore, #tpu.memory_space<semaphore_mem>>) src(%dma_wait3A_563 : memref<640x32xf32, #tpu.memory_space<hbm>>) dst(%dma_wait3A_561 : memref<640x32xf32, #tpu.memory_space<vmem_shared>>)
      tpu.yield
    }) : () -> ()
    "tpu.region"() ({
      %run_scoped3A_556 = tpu.sem_alloc : memref<!tpu.dma_semaphore, #tpu.memory_space<semaphore_mem>>
      %dma_start3A_557 = arith.constant 0 : i32
      %dma_start3A_558 = arith.constant 0 : i32
      %dma_start3A_559 = tpu.memref_slice %arg11[%dma_start3A_557, %dma_start3A_558] : memref<250x80xi32, #tpu.memory_space<vmem>> -> memref<125x80xi32, #tpu.memory_space<vmem>>
      %dma_start3A_560 = arith.constant 0 : i32
      %dma_start3A_561 = arith.constant 0 : i32
      %dma_start3A_562 = tpu.memref_slice %arg4[%arg1, %dma_start3A_560, %dma_start3A_561] : memref<32x125x80xi32, #tpu.memory_space<hbm>> -> memref<1x125x80xi32, #tpu.memory_space<hbm>>
      %dma_start3A_563 = tpu.memref_squeeze %dma_start3A_562 : memref<1x125x80xi32, #tpu.memory_space<hbm>> -> memref<125x80xi32, #tpu.memory_space<hbm>>
      %dma_start3A_564 = arith.constant 0 : i32
      %dma_start3A_565 = arith.constant 0 : i32
      %dma_start3A_566 = tpu.memref_slice %arg11[%dma_start3A_564, %dma_start3A_565] : memref<250x80xi32, #tpu.memory_space<vmem>> -> memref<125x80xi32, #tpu.memory_space<vmem>>
      %dma_start3A_567 = arith.constant 0 : i32
      %dma_start3A_568 = arith.constant 0 : i32
      %dma_start3A_569 = tpu.memref_slice %arg4[%arg1, %dma_start3A_567, %dma_start3A_568] : memref<32x125x80xi32, #tpu.memory_space<hbm>> -> memref<1x125x80xi32, #tpu.memory_space<hbm>>
      %dma_start3A_570 = tpu.memref_squeeze %dma_start3A_569 : memref<1x125x80xi32, #tpu.memory_space<hbm>> -> memref<125x80xi32, #tpu.memory_space<hbm>>
      tpu.enqueue_dma source(%dma_start3A_570 : memref<125x80xi32, #tpu.memory_space<hbm>>) target(%dma_start3A_566 : memref<125x80xi32, #tpu.memory_space<vmem>>) target_semaphore(%run_scoped3A_556 : memref<!tpu.dma_semaphore, #tpu.memory_space<semaphore_mem>>)
      %dma_wait3A = arith.constant 0 : i32
      %dma_wait3A_571 = arith.constant 0 : i32
      %dma_wait3A_572 = tpu.memref_slice %arg11[%dma_wait3A, %dma_wait3A_571] : memref<250x80xi32, #tpu.memory_space<vmem>> -> memref<125x80xi32, #tpu.memory_space<vmem>>
      %dma_wait3A_573 = arith.constant 0 : i32
      %dma_wait3A_574 = arith.constant 0 : i32
      %dma_wait3A_575 = tpu.memref_slice %arg4[%arg1, %dma_wait3A_573, %dma_wait3A_574] : memref<32x125x80xi32, #tpu.memory_space<hbm>> -> memref<1x125x80xi32, #tpu.memory_space<hbm>>
      %dma_wait3A_576 = tpu.memref_squeeze %dma_wait3A_575 : memref<1x125x80xi32, #tpu.memory_space<hbm>> -> memref<125x80xi32, #tpu.memory_space<hbm>>
      %dma_wait3A_577 = arith.constant 0 : i32
      %dma_wait3A_578 = arith.constant 0 : i32
      %dma_wait3A_579 = tpu.memref_slice %arg11[%dma_wait3A_577, %dma_wait3A_578] : memref<250x80xi32, #tpu.memory_space<vmem>> -> memref<125x80xi32, #tpu.memory_space<vmem>>
      %dma_wait3A_580 = arith.constant 0 : i32
      %dma_wait3A_581 = arith.constant 0 : i32
      %dma_wait3A_582 = tpu.memref_slice %arg4[%arg1, %dma_wait3A_580, %dma_wait3A_581] : memref<32x125x80xi32, #tpu.memory_space<hbm>> -> memref<1x125x80xi32, #tpu.memory_space<hbm>>
      %dma_wait3A_583 = tpu.memref_squeeze %dma_wait3A_582 : memref<1x125x80xi32, #tpu.memory_space<hbm>> -> memref<125x80xi32, #tpu.memory_space<hbm>>
      tpu.wait_dma2 semaphore(%run_scoped3A_556 : memref<!tpu.dma_semaphore, #tpu.memory_space<semaphore_mem>>) src(%dma_wait3A_583 : memref<125x80xi32, #tpu.memory_space<hbm>>) dst(%dma_wait3A_579 : memref<125x80xi32, #tpu.memory_space<vmem>>)
      tpu.yield
    }) : () -> ()
    %add3A = arith.constant 16 : i32
    %add3A_16 = arith.addi %arg1, %add3A : i32
    "tpu.region"() ({
      %run_scoped3A_556 = tpu.sem_alloc : memref<!tpu.dma_semaphore, #tpu.memory_space<semaphore_mem>>
      %dma_start3A_557 = arith.constant 125 : i32
      %dma_start3A_558 = arith.constant 0 : i32
      %dma_start3A_559 = tpu.memref_slice %arg11[%dma_start3A_557, %dma_start3A_558] : memref<250x80xi32, #tpu.memory_space<vmem>> -> memref<125x80xi32, #tpu.memory_space<vmem>>
      %dma_start3A_560 = arith.constant 0 : i32
      %dma_start3A_561 = arith.constant 0 : i32
      %dma_start3A_562 = tpu.memref_slice %arg4[%add3A_16, %dma_start3A_560, %dma_start3A_561] : memref<32x125x80xi32, #tpu.memory_space<hbm>> -> memref<1x125x80xi32, #tpu.memory_space<hbm>>
      %dma_start3A_563 = tpu.memref_squeeze %dma_start3A_562 : memref<1x125x80xi32, #tpu.memory_space<hbm>> -> memref<125x80xi32, #tpu.memory_space<hbm>>
      %dma_start3A_564 = arith.constant 125 : i32
      %dma_start3A_565 = arith.constant 0 : i32
      %dma_start3A_566 = tpu.memref_slice %arg11[%dma_start3A_564, %dma_start3A_565] : memref<250x80xi32, #tpu.memory_space<vmem>> -> memref<125x80xi32, #tpu.memory_space<vmem>>
      %dma_start3A_567 = arith.constant 0 : i32
      %dma_start3A_568 = arith.constant 0 : i32
      %dma_start3A_569 = tpu.memref_slice %arg4[%add3A_16, %dma_start3A_567, %dma_start3A_568] : memref<32x125x80xi32, #tpu.memory_space<hbm>> -> memref<1x125x80xi32, #tpu.memory_space<hbm>>
      %dma_start3A_570 = tpu.memref_squeeze %dma_start3A_569 : memref<1x125x80xi32, #tpu.memory_space<hbm>> -> memref<125x80xi32, #tpu.memory_space<hbm>>
      tpu.enqueue_dma source(%dma_start3A_570 : memref<125x80xi32, #tpu.memory_space<hbm>>) target(%dma_start3A_566 : memref<125x80xi32, #tpu.memory_space<vmem>>) target_semaphore(%run_scoped3A_556 : memref<!tpu.dma_semaphore, #tpu.memory_space<semaphore_mem>>)
      %dma_wait3A = arith.constant 125 : i32
      %dma_wait3A_571 = arith.constant 0 : i32
      %dma_wait3A_572 = tpu.memref_slice %arg11[%dma_wait3A, %dma_wait3A_571] : memref<250x80xi32, #tpu.memory_space<vmem>> -> memref<125x80xi32, #tpu.memory_space<vmem>>
      %dma_wait3A_573 = arith.constant 0 : i32
      %dma_wait3A_574 = arith.constant 0 : i32
      %dma_wait3A_575 = tpu.memref_slice %arg4[%add3A_16, %dma_wait3A_573, %dma_wait3A_574] : memref<32x125x80xi32, #tpu.memory_space<hbm>> -> memref<1x125x80xi32, #tpu.memory_space<hbm>>
      %dma_wait3A_576 = tpu.memref_squeeze %dma_wait3A_575 : memref<1x125x80xi32, #tpu.memory_space<hbm>> -> memref<125x80xi32, #tpu.memory_space<hbm>>
      %dma_wait3A_577 = arith.constant 125 : i32
      %dma_wait3A_578 = arith.constant 0 : i32
      %dma_wait3A_579 = tpu.memref_slice %arg11[%dma_wait3A_577, %dma_wait3A_578] : memref<250x80xi32, #tpu.memory_space<vmem>> -> memref<125x80xi32, #tpu.memory_space<vmem>>
      %dma_wait3A_580 = arith.constant 0 : i32
      %dma_wait3A_581 = arith.constant 0 : i32
      %dma_wait3A_582 = tpu.memref_slice %arg4[%add3A_16, %dma_wait3A_580, %dma_wait3A_581] : memref<32x125x80xi32, #tpu.memory_space<hbm>> -> memref<1x125x80xi32, #tpu.memory_space<hbm>>
      %dma_wait3A_583 = tpu.memref_squeeze %dma_wait3A_582 : memref<1x125x80xi32, #tpu.memory_space<hbm>> -> memref<125x80xi32, #tpu.memory_space<hbm>>
      tpu.wait_dma2 semaphore(%run_scoped3A_556 : memref<!tpu.dma_semaphore, #tpu.memory_space<semaphore_mem>>) src(%dma_wait3A_583 : memref<125x80xi32, #tpu.memory_space<hbm>>) dst(%dma_wait3A_579 : memref<125x80xi32, #tpu.memory_space<vmem>>)
      tpu.yield
    }) : () -> ()
    "tpu.region"() ({
      %run_scoped3A_556 = tpu.sem_alloc : memref<!tpu.dma_semaphore, #tpu.memory_space<semaphore_mem>>
      %dma_start3A_557 = arith.constant 0 : i32
      %dma_start3A_558 = arith.constant 0 : i32
      %dma_start3A_559 = tpu.memref_slice %arg12[%dma_start3A_557, %dma_start3A_558] : memref<250x80xi32, #tpu.memory_space<vmem>> -> memref<125x80xi32, #tpu.memory_space<vmem>>
      %dma_start3A_560 = arith.constant 0 : i32
      %dma_start3A_561 = arith.constant 0 : i32
      %dma_start3A_562 = tpu.memref_slice %arg5[%arg1, %dma_start3A_560, %dma_start3A_561] : memref<32x125x80xi32, #tpu.memory_space<hbm>> -> memref<1x125x80xi32, #tpu.memory_space<hbm>>
      %dma_start3A_563 = tpu.memref_squeeze %dma_start3A_562 : memref<1x125x80xi32, #tpu.memory_space<hbm>> -> memref<125x80xi32, #tpu.memory_space<hbm>>
      %dma_start3A_564 = arith.constant 0 : i32
      %dma_start3A_565 = arith.constant 0 : i32
      %dma_start3A_566 = tpu.memref_slice %arg12[%dma_start3A_564, %dma_start3A_565] : memref<250x80xi32, #tpu.memory_space<vmem>> -> memref<125x80xi32, #tpu.memory_space<vmem>>
      %dma_start3A_567 = arith.constant 0 : i32
      %dma_start3A_568 = arith.constant 0 : i32
      %dma_start3A_569 = tpu.memref_slice %arg5[%arg1, %dma_start3A_567, %dma_start3A_568] : memref<32x125x80xi32, #tpu.memory_space<hbm>> -> memref<1x125x80xi32, #tpu.memory_space<hbm>>
      %dma_start3A_570 = tpu.memref_squeeze %dma_start3A_569 : memref<1x125x80xi32, #tpu.memory_space<hbm>> -> memref<125x80xi32, #tpu.memory_space<hbm>>
      tpu.enqueue_dma source(%dma_start3A_570 : memref<125x80xi32, #tpu.memory_space<hbm>>) target(%dma_start3A_566 : memref<125x80xi32, #tpu.memory_space<vmem>>) target_semaphore(%run_scoped3A_556 : memref<!tpu.dma_semaphore, #tpu.memory_space<semaphore_mem>>)
      %dma_wait3A = arith.constant 0 : i32
      %dma_wait3A_571 = arith.constant 0 : i32
      %dma_wait3A_572 = tpu.memref_slice %arg12[%dma_wait3A, %dma_wait3A_571] : memref<250x80xi32, #tpu.memory_space<vmem>> -> memref<125x80xi32, #tpu.memory_space<vmem>>
      %dma_wait3A_573 = arith.constant 0 : i32
      %dma_wait3A_574 = arith.constant 0 : i32
      %dma_wait3A_575 = tpu.memref_slice %arg5[%arg1, %dma_wait3A_573, %dma_wait3A_574] : memref<32x125x80xi32, #tpu.memory_space<hbm>> -> memref<1x125x80xi32, #tpu.memory_space<hbm>>
      %dma_wait3A_576 = tpu.memref_squeeze %dma_wait3A_575 : memref<1x125x80xi32, #tpu.memory_space<hbm>> -> memref<125x80xi32, #tpu.memory_space<hbm>>
      %dma_wait3A_577 = arith.constant 0 : i32
      %dma_wait3A_578 = arith.constant 0 : i32
      %dma_wait3A_579 = tpu.memref_slice %arg12[%dma_wait3A_577, %dma_wait3A_578] : memref<250x80xi32, #tpu.memory_space<vmem>> -> memref<125x80xi32, #tpu.memory_space<vmem>>
      %dma_wait3A_580 = arith.constant 0 : i32
      %dma_wait3A_581 = arith.constant 0 : i32
      %dma_wait3A_582 = tpu.memref_slice %arg5[%arg1, %dma_wait3A_580, %dma_wait3A_581] : memref<32x125x80xi32, #tpu.memory_space<hbm>> -> memref<1x125x80xi32, #tpu.memory_space<hbm>>
      %dma_wait3A_583 = tpu.memref_squeeze %dma_wait3A_582 : memref<1x125x80xi32, #tpu.memory_space<hbm>> -> memref<125x80xi32, #tpu.memory_space<hbm>>
      tpu.wait_dma2 semaphore(%run_scoped3A_556 : memref<!tpu.dma_semaphore, #tpu.memory_space<semaphore_mem>>) src(%dma_wait3A_583 : memref<125x80xi32, #tpu.memory_space<hbm>>) dst(%dma_wait3A_579 : memref<125x80xi32, #tpu.memory_space<vmem>>)
      tpu.yield
    }) : () -> ()
    %add3A_17 = arith.constant 16 : i32
    %add3A_18 = arith.addi %arg1, %add3A_17 : i32
    "tpu.region"() ({
      %run_scoped3A_556 = tpu.sem_alloc : memref<!tpu.dma_semaphore, #tpu.memory_space<semaphore_mem>>
      %dma_start3A_557 = arith.constant 125 : i32
      %dma_start3A_558 = arith.constant 0 : i32
      %dma_start3A_559 = tpu.memref_slice %arg12[%dma_start3A_557, %dma_start3A_558] : memref<250x80xi32, #tpu.memory_space<vmem>> -> memref<125x80xi32, #tpu.memory_space<vmem>>
      %dma_start3A_560 = arith.constant 0 : i32
      %dma_start3A_561 = arith.constant 0 : i32
      %dma_start3A_562 = tpu.memref_slice %arg5[%add3A_18, %dma_start3A_560, %dma_start3A_561] : memref<32x125x80xi32, #tpu.memory_space<hbm>> -> memref<1x125x80xi32, #tpu.memory_space<hbm>>
      %dma_start3A_563 = tpu.memref_squeeze %dma_start3A_562 : memref<1x125x80xi32, #tpu.memory_space<hbm>> -> memref<125x80xi32, #tpu.memory_space<hbm>>
      %dma_start3A_564 = arith.constant 125 : i32
      %dma_start3A_565 = arith.constant 0 : i32
      %dma_start3A_566 = tpu.memref_slice %arg12[%dma_start3A_564, %dma_start3A_565] : memref<250x80xi32, #tpu.memory_space<vmem>> -> memref<125x80xi32, #tpu.memory_space<vmem>>
      %dma_start3A_567 = arith.constant 0 : i32
      %dma_start3A_568 = arith.constant 0 : i32
      %dma_start3A_569 = tpu.memref_slice %arg5[%add3A_18, %dma_start3A_567, %dma_start3A_568] : memref<32x125x80xi32, #tpu.memory_space<hbm>> -> memref<1x125x80xi32, #tpu.memory_space<hbm>>
      %dma_start3A_570 = tpu.memref_squeeze %dma_start3A_569 : memref<1x125x80xi32, #tpu.memory_space<hbm>> -> memref<125x80xi32, #tpu.memory_space<hbm>>
      tpu.enqueue_dma source(%dma_start3A_570 : memref<125x80xi32, #tpu.memory_space<hbm>>) target(%dma_start3A_566 : memref<125x80xi32, #tpu.memory_space<vmem>>) target_semaphore(%run_scoped3A_556 : memref<!tpu.dma_semaphore, #tpu.memory_space<semaphore_mem>>)
      %dma_wait3A = arith.constant 125 : i32
      %dma_wait3A_571 = arith.constant 0 : i32
      %dma_wait3A_572 = tpu.memref_slice %arg12[%dma_wait3A, %dma_wait3A_571] : memref<250x80xi32, #tpu.memory_space<vmem>> -> memref<125x80xi32, #tpu.memory_space<vmem>>
      %dma_wait3A_573 = arith.constant 0 : i32
      %dma_wait3A_574 = arith.constant 0 : i32
      %dma_wait3A_575 = tpu.memref_slice %arg5[%add3A_18, %dma_wait3A_573, %dma_wait3A_574] : memref<32x125x80xi32, #tpu.memory_space<hbm>> -> memref<1x125x80xi32, #tpu.memory_space<hbm>>
      %dma_wait3A_576 = tpu.memref_squeeze %dma_wait3A_575 : memref<1x125x80xi32, #tpu.memory_space<hbm>> -> memref<125x80xi32, #tpu.memory_space<hbm>>
      %dma_wait3A_577 = arith.constant 125 : i32
      %dma_wait3A_578 = arith.constant 0 : i32
      %dma_wait3A_579 = tpu.memref_slice %arg12[%dma_wait3A_577, %dma_wait3A_578] : memref<250x80xi32, #tpu.memory_space<vmem>> -> memref<125x80xi32, #tpu.memory_space<vmem>>
      %dma_wait3A_580 = arith.constant 0 : i32
      %dma_wait3A_581 = arith.constant 0 : i32
      %dma_wait3A_582 = tpu.memref_slice %arg5[%add3A_18, %dma_wait3A_580, %dma_wait3A_581] : memref<32x125x80xi32, #tpu.memory_space<hbm>> -> memref<1x125x80xi32, #tpu.memory_space<hbm>>
      %dma_wait3A_583 = tpu.memref_squeeze %dma_wait3A_582 : memref<1x125x80xi32, #tpu.memory_space<hbm>> -> memref<125x80xi32, #tpu.memory_space<hbm>>
      tpu.wait_dma2 semaphore(%run_scoped3A_556 : memref<!tpu.dma_semaphore, #tpu.memory_space<semaphore_mem>>) src(%dma_wait3A_583 : memref<125x80xi32, #tpu.memory_space<hbm>>) dst(%dma_wait3A_579 : memref<125x80xi32, #tpu.memory_space<vmem>>)
      tpu.yield
    }) : () -> ()
    %scan3A_19 = arith.constant 0 : i32
    %scan3A_20 = arith.constant 640 : i32
    %scan3A_21 = arith.addi %scan3A_19, %scan3A_20 : i32
    %scan3A_22 = arith.constant 1 : i32
    scf.for %scan3A_556 = %scan3A_19 to %scan3A_21 step %scan3A_22  : i32 {
      %broadcast_in_dim3A = vector.broadcast %scan3A_556 : i32 to vector<16xi32>
      %gather3A = tpu.vector_load_idx %arg16[%broadcast_in_dim3A] : memref<640xf32, #tpu.memory_space<vmem>>[vector<16xi32>], vector<16xf32>,
      %get3A = arith.index_cast %scan3A_556 : i32 to index
      %get3A_557 = arith.constant 0 : index
      %get3A_558 = tpu.vector_load %arg14[%get3A, %get3A_557] {strides = array<i32>} : memref<640x32xf32, #tpu.memory_space<vmem>>, vector<16xf32>,
      %mul3A_559 = arith.mulf %get3A_558, %gather3A : vector<16xf32>
      %swap3A = arith.index_cast %scan3A_556 : i32 to index
      %swap3A_560 = arith.constant 0 : index
      %swap3A_561 = tpu.vector_load %arg14[%swap3A, %swap3A_560] {strides = array<i32>} : memref<640x32xf32, #tpu.memory_space<vmem>>, vector<16xf32>,
      tpu.vector_store %arg14[%swap3A, %swap3A_560], %mul3A_559 {strides = array<i32>} : memref<640x32xf32, #tpu.memory_space<vmem>>, vector<16xf32>,
      %get3A_562 = arith.index_cast %scan3A_556 : i32 to index
      %get3A_563 = arith.constant 16 : index
      %get3A_564 = tpu.vector_load %arg14[%get3A_562, %get3A_563] {strides = array<i32>} : memref<640x32xf32, #tpu.memory_space<vmem>>, vector<16xf32>,
      %mul3A_565 = arith.mulf %get3A_564, %gather3A : vector<16xf32>
      %swap3A_566 = arith.index_cast %scan3A_556 : i32 to index
      %swap3A_567 = arith.constant 16 : index
      %swap3A_568 = tpu.vector_load %arg14[%swap3A_566, %swap3A_567] {strides = array<i32>} : memref<640x32xf32, #tpu.memory_space<vmem>>, vector<16xf32>,
      tpu.vector_store %arg14[%swap3A_566, %swap3A_567], %mul3A_565 {strides = array<i32>} : memref<640x32xf32, #tpu.memory_space<vmem>>, vector<16xf32>,
    }
    %scan3A_23 = arith.constant 640 : i32
    "tpu.region"() ({
      %run_scoped3A_556 = tpu.sem_alloc : memref<!tpu.dma_semaphore, #tpu.memory_space<semaphore_mem>>
      %dma_start3A_557 = arith.constant 0 : i32
      %dma_start3A_558 = tpu.memref_slice %arg9[%arg0, %mul3A_0, %dma_start3A_557] : memref<2x10240x32xf32, #tpu.memory_space<hbm>> -> memref<1x640x32xf32, #tpu.memory_space<hbm>>
      %dma_start3A_559 = tpu.memref_squeeze %dma_start3A_558 : memref<1x640x32xf32, #tpu.memory_space<hbm>> -> memref<640x32xf32, #tpu.memory_space<hbm>>
      %dma_start3A_560 = arith.constant 0 : i32
      %dma_start3A_561 = tpu.memref_slice %arg9[%arg0, %mul3A_0, %dma_start3A_560] : memref<2x10240x32xf32, #tpu.memory_space<hbm>> -> memref<1x640x32xf32, #tpu.memory_space<hbm>>
      %dma_start3A_562 = tpu.memref_squeeze %dma_start3A_561 : memref<1x640x32xf32, #tpu.memory_space<hbm>> -> memref<640x32xf32, #tpu.memory_space<hbm>>
      tpu.enqueue_dma source(%arg14 : memref<640x32xf32, #tpu.memory_space<vmem>>) target(%dma_start3A_562 : memref<640x32xf32, #tpu.memory_space<hbm>>) target_semaphore(%run_scoped3A_556 : memref<!tpu.dma_semaphore, #tpu.memory_space<semaphore_mem>>)
      %dma_wait3A = arith.constant 0 : i32
      %dma_wait3A_563 = tpu.memref_slice %arg9[%arg0, %mul3A_0, %dma_wait3A] : memref<2x10240x32xf32, #tpu.memory_space<hbm>> -> memref<1x640x32xf32, #tpu.memory_space<hbm>>
      %dma_wait3A_564 = tpu.memref_squeeze %dma_wait3A_563 : memref<1x640x32xf32, #tpu.memory_space<hbm>> -> memref<640x32xf32, #tpu.memory_space<hbm>>
      %dma_wait3A_565 = arith.constant 0 : i32
      %dma_wait3A_566 = tpu.memref_slice %arg9[%arg0, %mul3A_0, %dma_wait3A_565] : memref<2x10240x32xf32, #tpu.memory_space<hbm>> -> memref<1x640x32xf32, #tpu.memory_space<hbm>>
      %dma_wait3A_567 = tpu.memref_squeeze %dma_wait3A_566 : memref<1x640x32xf32, #tpu.memory_space<hbm>> -> memref<640x32xf32, #tpu.memory_space<hbm>>
      tpu.wait_dma2 semaphore(%run_scoped3A_556 : memref<!tpu.dma_semaphore, #tpu.memory_space<semaphore_mem>>) src(%arg14 : memref<640x32xf32, #tpu.memory_space<vmem>>) dst(%dma_wait3A_567 : memref<640x32xf32, #tpu.memory_space<hbm>>)
      tpu.yield
    }) : () -> ()
    %barrier3A = arith.constant 0 : index
    tpu.barrier barrier_id(%barrier3A)
    %dma_start3A = arith.constant 0 : i32
    %dma_start3A_24 = arith.constant 0 : i32
    %dma_start3A_25 = arith.constant 0 : i32
    %dma_start3A_26 = arith.constant 0 : i32
    %dma_start3A_27 = arith.constant 0 : i32
    %dma_start3A_28 = tpu.memref_slice %arg13[%dma_start3A_24, %dma_start3A_26, %dma_start3A_27] : memref<10x80x32xf32, #tpu.memory_space<vmem>> -> memref<1x80x32xf32, #tpu.memory_space<vmem>>
    %dma_start3A_29 = tpu.memref_squeeze %dma_start3A_28 : memref<1x80x32xf32, #tpu.memory_space<vmem>> -> memref<80x32xf32, #tpu.memory_space<vmem>>
    %dma_start3A_30 = arith.constant 0 : i32
    %dma_start3A_31 = tpu.memref_slice %arg11[%dma_start3A, %dma_start3A_30] : memref<250x80xi32, #tpu.memory_space<vmem>> -> memref<1x80xi32, #tpu.memory_space<vmem>>
    %dma_start3A_32 = tpu.memref_squeeze %dma_start3A_31 : memref<1x80xi32, #tpu.memory_space<vmem>> -> memref<80xi32, #tpu.memory_space<vmem>>
    %dma_start3A_33 = arith.constant 0 : i32
    %dma_start3A_34 = arith.constant 0 : i32
    %dma_start3A_35 = tpu.memref_slice %arg9[%arg0, %dma_start3A_33, %dma_start3A_34] : memref<2x10240x32xf32, #tpu.memory_space<hbm>> -> memref<1x10240x32xf32, #tpu.memory_space<hbm>>
    %dma_start3A_36 = tpu.memref_squeeze %dma_start3A_35 : memref<1x10240x32xf32, #tpu.memory_space<hbm>> -> memref<10240x32xf32, #tpu.memory_space<hbm>>
    %dma_start3A_37 = arith.constant 0 : i32
    %dma_start3A_38 = arith.constant 0 : i32
    %dma_start3A_39 = tpu.memref_slice %dma_start3A_36[%dma_start3A_37, %dma_start3A_38] : memref<10240x32xf32, #tpu.memory_space<hbm>> -> memref<10240x32xf32, #tpu.memory_space<hbm>>
    %dma_start3A_40 = tpu.memref_slice %arg19[%dma_start3A_25] : memref<10x!tpu.dma_semaphore, #tpu.memory_space<semaphore_mem>> -> memref<1x!tpu.dma_semaphore, #tpu.memory_space<semaphore_mem>>
    %dma_start3A_41 = tpu.memref_squeeze %dma_start3A_40 : memref<1x!tpu.dma_semaphore, #tpu.memory_space<semaphore_mem>> -> memref<!tpu.dma_semaphore, #tpu.memory_space<semaphore_mem>>
    tpu.enqueue_indirect_dma source(%dma_start3A_39 : memref<10240x32xf32, #tpu.memory_space<hbm>>) target(%dma_start3A_29 : memref<80x32xf32, #tpu.memory_space<vmem>>) offsets(%dma_start3A_32 : memref<80xi32, #tpu.memory_space<vmem>>) semaphore(%dma_start3A_41 : memref<!tpu.dma_semaphore, #tpu.memory_space<semaphore_mem>>)
    %dma_start3A_42 = arith.constant 1 : i32
    %dma_start3A_43 = arith.constant 1 : i32
    %dma_start3A_44 = arith.constant 1 : i32
    %dma_start3A_45 = arith.constant 0 : i32
    %dma_start3A_46 = arith.constant 0 : i32
    %dma_start3A_47 = tpu.memref_slice %arg13[%dma_start3A_43, %dma_start3A_45, %dma_start3A_46] : memref<10x80x32xf32, #tpu.memory_space<vmem>> -> memref<1x80x32xf32, #tpu.memory_space<vmem>>
    %dma_start3A_48 = tpu.memref_squeeze %dma_start3A_47 : memref<1x80x32xf32, #tpu.memory_space<vmem>> -> memref<80x32xf32, #tpu.memory_space<vmem>>
    %dma_start3A_49 = arith.constant 0 : i32
    %dma_start3A_50 = tpu.memref_slice %arg11[%dma_start3A_42, %dma_start3A_49] : memref<250x80xi32, #tpu.memory_space<vmem>> -> memref<1x80xi32, #tpu.memory_space<vmem>>
    %dma_start3A_51 = tpu.memref_squeeze %dma_start3A_50 : memref<1x80xi32, #tpu.memory_space<vmem>> -> memref<80xi32, #tpu.memory_space<vmem>>
    %dma_start3A_52 = arith.constant 0 : i32
    %dma_start3A_53 = arith.constant 0 : i32
    %dma_start3A_54 = tpu.memref_slice %arg9[%arg0, %dma_start3A_52, %dma_start3A_53] : memref<2x10240x32xf32, #tpu.memory_space<hbm>> -> memref<1x10240x32xf32, #tpu.memory_space<hbm>>
    %dma_start3A_55 = tpu.memref_squeeze %dma_start3A_54 : memref<1x10240x32xf32, #tpu.memory_space<hbm>> -> memref<10240x32xf32, #tpu.memory_space<hbm>>
    %dma_start3A_56 = arith.constant 0 : i32
    %dma_start3A_57 = arith.constant 0 : i32
    %dma_start3A_58 = tpu.memref_slice %dma_start3A_55[%dma_start3A_56, %dma_start3A_57] : memref<10240x32xf32, #tpu.memory_space<hbm>> -> memref<10240x32xf32, #tpu.memory_space<hbm>>
    %dma_start3A_59 = tpu.memref_slice %arg19[%dma_start3A_44] : memref<10x!tpu.dma_semaphore, #tpu.memory_space<semaphore_mem>> -> memref<1x!tpu.dma_semaphore, #tpu.memory_space<semaphore_mem>>
    %dma_start3A_60 = tpu.memref_squeeze %dma_start3A_59 : memref<1x!tpu.dma_semaphore, #tpu.memory_space<semaphore_mem>> -> memref<!tpu.dma_semaphore, #tpu.memory_space<semaphore_mem>>
    tpu.enqueue_indirect_dma source(%dma_start3A_58 : memref<10240x32xf32, #tpu.memory_space<hbm>>) target(%dma_start3A_48 : memref<80x32xf32, #tpu.memory_space<vmem>>) offsets(%dma_start3A_51 : memref<80xi32, #tpu.memory_space<vmem>>) semaphore(%dma_start3A_60 : memref<!tpu.dma_semaphore, #tpu.memory_space<semaphore_mem>>)
    %dma_start3A_61 = arith.constant 2 : i32
    %dma_start3A_62 = arith.constant 2 : i32
    %dma_start3A_63 = arith.constant 2 : i32
    %dma_start3A_64 = arith.constant 0 : i32
    %dma_start3A_65 = arith.constant 0 : i32
    %dma_start3A_66 = tpu.memref_slice %arg13[%dma_start3A_62, %dma_start3A_64, %dma_start3A_65] : memref<10x80x32xf32, #tpu.memory_space<vmem>> -> memref<1x80x32xf32, #tpu.memory_space<vmem>>
    %dma_start3A_67 = tpu.memref_squeeze %dma_start3A_66 : memref<1x80x32xf32, #tpu.memory_space<vmem>> -> memref<80x32xf32, #tpu.memory_space<vmem>>
    %dma_start3A_68 = arith.constant 0 : i32
    %dma_start3A_69 = tpu.memref_slice %arg11[%dma_start3A_61, %dma_start3A_68] : memref<250x80xi32, #tpu.memory_space<vmem>> -> memref<1x80xi32, #tpu.memory_space<vmem>>
    %dma_start3A_70 = tpu.memref_squeeze %dma_start3A_69 : memref<1x80xi32, #tpu.memory_space<vmem>> -> memref<80xi32, #tpu.memory_space<vmem>>
    %dma_start3A_71 = arith.constant 0 : i32
    %dma_start3A_72 = arith.constant 0 : i32
    %dma_start3A_73 = tpu.memref_slice %arg9[%arg0, %dma_start3A_71, %dma_start3A_72] : memref<2x10240x32xf32, #tpu.memory_space<hbm>> -> memref<1x10240x32xf32, #tpu.memory_space<hbm>>
    %dma_start3A_74 = tpu.memref_squeeze %dma_start3A_73 : memref<1x10240x32xf32, #tpu.memory_space<hbm>> -> memref<10240x32xf32, #tpu.memory_space<hbm>>
    %dma_start3A_75 = arith.constant 0 : i32
    %dma_start3A_76 = arith.constant 0 : i32
    %dma_start3A_77 = tpu.memref_slice %dma_start3A_74[%dma_start3A_75, %dma_start3A_76] : memref<10240x32xf32, #tpu.memory_space<hbm>> -> memref<10240x32xf32, #tpu.memory_space<hbm>>
    %dma_start3A_78 = tpu.memref_slice %arg19[%dma_start3A_63] : memref<10x!tpu.dma_semaphore, #tpu.memory_space<semaphore_mem>> -> memref<1x!tpu.dma_semaphore, #tpu.memory_space<semaphore_mem>>
    %dma_start3A_79 = tpu.memref_squeeze %dma_start3A_78 : memref<1x!tpu.dma_semaphore, #tpu.memory_space<semaphore_mem>> -> memref<!tpu.dma_semaphore, #tpu.memory_space<semaphore_mem>>
    tpu.enqueue_indirect_dma source(%dma_start3A_77 : memref<10240x32xf32, #tpu.memory_space<hbm>>) target(%dma_start3A_67 : memref<80x32xf32, #tpu.memory_space<vmem>>) offsets(%dma_start3A_70 : memref<80xi32, #tpu.memory_space<vmem>>) semaphore(%dma_start3A_79 : memref<!tpu.dma_semaphore, #tpu.memory_space<semaphore_mem>>)
    %dma_start3A_80 = arith.constant 3 : i32
    %dma_start3A_81 = arith.constant 3 : i32
    %dma_start3A_82 = arith.constant 3 : i32
    %dma_start3A_83 = arith.constant 0 : i32
    %dma_start3A_84 = arith.constant 0 : i32
    %dma_start3A_85 = tpu.memref_slice %arg13[%dma_start3A_81, %dma_start3A_83, %dma_start3A_84] : memref<10x80x32xf32, #tpu.memory_space<vmem>> -> memref<1x80x32xf32, #tpu.memory_space<vmem>>
    %dma_start3A_86 = tpu.memref_squeeze %dma_start3A_85 : memref<1x80x32xf32, #tpu.memory_space<vmem>> -> memref<80x32xf32, #tpu.memory_space<vmem>>
    %dma_start3A_87 = arith.constant 0 : i32
    %dma_start3A_88 = tpu.memref_slice %arg11[%dma_start3A_80, %dma_start3A_87] : memref<250x80xi32, #tpu.memory_space<vmem>> -> memref<1x80xi32, #tpu.memory_space<vmem>>
    %dma_start3A_89 = tpu.memref_squeeze %dma_start3A_88 : memref<1x80xi32, #tpu.memory_space<vmem>> -> memref<80xi32, #tpu.memory_space<vmem>>
    %dma_start3A_90 = arith.constant 0 : i32
    %dma_start3A_91 = arith.constant 0 : i32
    %dma_start3A_92 = tpu.memref_slice %arg9[%arg0, %dma_start3A_90, %dma_start3A_91] : memref<2x10240x32xf32, #tpu.memory_space<hbm>> -> memref<1x10240x32xf32, #tpu.memory_space<hbm>>
    %dma_start3A_93 = tpu.memref_squeeze %dma_start3A_92 : memref<1x10240x32xf32, #tpu.memory_space<hbm>> -> memref<10240x32xf32, #tpu.memory_space<hbm>>
    %dma_start3A_94 = arith.constant 0 : i32
    %dma_start3A_95 = arith.constant 0 : i32
    %dma_start3A_96 = tpu.memref_slice %dma_start3A_93[%dma_start3A_94, %dma_start3A_95] : memref<10240x32xf32, #tpu.memory_space<hbm>> -> memref<10240x32xf32, #tpu.memory_space<hbm>>
    %dma_start3A_97 = tpu.memref_slice %arg19[%dma_start3A_82] : memref<10x!tpu.dma_semaphore, #tpu.memory_space<semaphore_mem>> -> memref<1x!tpu.dma_semaphore, #tpu.memory_space<semaphore_mem>>
    %dma_start3A_98 = tpu.memref_squeeze %dma_start3A_97 : memref<1x!tpu.dma_semaphore, #tpu.memory_space<semaphore_mem>> -> memref<!tpu.dma_semaphore, #tpu.memory_space<semaphore_mem>>
    tpu.enqueue_indirect_dma source(%dma_start3A_96 : memref<10240x32xf32, #tpu.memory_space<hbm>>) target(%dma_start3A_86 : memref<80x32xf32, #tpu.memory_space<vmem>>) offsets(%dma_start3A_89 : memref<80xi32, #tpu.memory_space<vmem>>) semaphore(%dma_start3A_98 : memref<!tpu.dma_semaphore, #tpu.memory_space<semaphore_mem>>)
    %dma_start3A_99 = arith.constant 4 : i32
    %dma_start3A_100 = arith.constant 4 : i32
    %dma_start3A_101 = arith.constant 4 : i32
    %dma_start3A_102 = arith.constant 0 : i32
    %dma_start3A_103 = arith.constant 0 : i32
    %dma_start3A_104 = tpu.memref_slice %arg13[%dma_start3A_100, %dma_start3A_102, %dma_start3A_103] : memref<10x80x32xf32, #tpu.memory_space<vmem>> -> memref<1x80x32xf32, #tpu.memory_space<vmem>>
    %dma_start3A_105 = tpu.memref_squeeze %dma_start3A_104 : memref<1x80x32xf32, #tpu.memory_space<vmem>> -> memref<80x32xf32, #tpu.memory_space<vmem>>
    %dma_start3A_106 = arith.constant 0 : i32
    %dma_start3A_107 = tpu.memref_slice %arg11[%dma_start3A_99, %dma_start3A_106] : memref<250x80xi32, #tpu.memory_space<vmem>> -> memref<1x80xi32, #tpu.memory_space<vmem>>
    %dma_start3A_108 = tpu.memref_squeeze %dma_start3A_107 : memref<1x80xi32, #tpu.memory_space<vmem>> -> memref<80xi32, #tpu.memory_space<vmem>>
    %dma_start3A_109 = arith.constant 0 : i32
    %dma_start3A_110 = arith.constant 0 : i32
    %dma_start3A_111 = tpu.memref_slice %arg9[%arg0, %dma_start3A_109, %dma_start3A_110] : memref<2x10240x32xf32, #tpu.memory_space<hbm>> -> memref<1x10240x32xf32, #tpu.memory_space<hbm>>
    %dma_start3A_112 = tpu.memref_squeeze %dma_start3A_111 : memref<1x10240x32xf32, #tpu.memory_space<hbm>> -> memref<10240x32xf32, #tpu.memory_space<hbm>>
    %dma_start3A_113 = arith.constant 0 : i32
    %dma_start3A_114 = arith.constant 0 : i32
    %dma_start3A_115 = tpu.memref_slice %dma_start3A_112[%dma_start3A_113, %dma_start3A_114] : memref<10240x32xf32, #tpu.memory_space<hbm>> -> memref<10240x32xf32, #tpu.memory_space<hbm>>
    %dma_start3A_116 = tpu.memref_slice %arg19[%dma_start3A_101] : memref<10x!tpu.dma_semaphore, #tpu.memory_space<semaphore_mem>> -> memref<1x!tpu.dma_semaphore, #tpu.memory_space<semaphore_mem>>
    %dma_start3A_117 = tpu.memref_squeeze %dma_start3A_116 : memref<1x!tpu.dma_semaphore, #tpu.memory_space<semaphore_mem>> -> memref<!tpu.dma_semaphore, #tpu.memory_space<semaphore_mem>>
    tpu.enqueue_indirect_dma source(%dma_start3A_115 : memref<10240x32xf32, #tpu.memory_space<hbm>>) target(%dma_start3A_105 : memref<80x32xf32, #tpu.memory_space<vmem>>) offsets(%dma_start3A_108 : memref<80xi32, #tpu.memory_space<vmem>>) semaphore(%dma_start3A_117 : memref<!tpu.dma_semaphore, #tpu.memory_space<semaphore_mem>>)
    %dma_start3A_118 = arith.constant 5 : i32
    %dma_start3A_119 = arith.constant 5 : i32
    %dma_start3A_120 = arith.constant 5 : i32
    %dma_start3A_121 = arith.constant 0 : i32
    %dma_start3A_122 = arith.constant 0 : i32
    %dma_start3A_123 = tpu.memref_slice %arg13[%dma_start3A_119, %dma_start3A_121, %dma_start3A_122] : memref<10x80x32xf32, #tpu.memory_space<vmem>> -> memref<1x80x32xf32, #tpu.memory_space<vmem>>
    %dma_start3A_124 = tpu.memref_squeeze %dma_start3A_123 : memref<1x80x32xf32, #tpu.memory_space<vmem>> -> memref<80x32xf32, #tpu.memory_space<vmem>>
    %dma_start3A_125 = arith.constant 0 : i32
    %dma_start3A_126 = tpu.memref_slice %arg11[%dma_start3A_118, %dma_start3A_125] : memref<250x80xi32, #tpu.memory_space<vmem>> -> memref<1x80xi32, #tpu.memory_space<vmem>>
    %dma_start3A_127 = tpu.memref_squeeze %dma_start3A_126 : memref<1x80xi32, #tpu.memory_space<vmem>> -> memref<80xi32, #tpu.memory_space<vmem>>
    %dma_start3A_128 = arith.constant 0 : i32
    %dma_start3A_129 = arith.constant 0 : i32
    %dma_start3A_130 = tpu.memref_slice %arg9[%arg0, %dma_start3A_128, %dma_start3A_129] : memref<2x10240x32xf32, #tpu.memory_space<hbm>> -> memref<1x10240x32xf32, #tpu.memory_space<hbm>>
    %dma_start3A_131 = tpu.memref_squeeze %dma_start3A_130 : memref<1x10240x32xf32, #tpu.memory_space<hbm>> -> memref<10240x32xf32, #tpu.memory_space<hbm>>
    %dma_start3A_132 = arith.constant 0 : i32
    %dma_start3A_133 = arith.constant 0 : i32
    %dma_start3A_134 = tpu.memref_slice %dma_start3A_131[%dma_start3A_132, %dma_start3A_133] : memref<10240x32xf32, #tpu.memory_space<hbm>> -> memref<10240x32xf32, #tpu.memory_space<hbm>>
    %dma_start3A_135 = tpu.memref_slice %arg19[%dma_start3A_120] : memref<10x!tpu.dma_semaphore, #tpu.memory_space<semaphore_mem>> -> memref<1x!tpu.dma_semaphore, #tpu.memory_space<semaphore_mem>>
    %dma_start3A_136 = tpu.memref_squeeze %dma_start3A_135 : memref<1x!tpu.dma_semaphore, #tpu.memory_space<semaphore_mem>> -> memref<!tpu.dma_semaphore, #tpu.memory_space<semaphore_mem>>
    tpu.enqueue_indirect_dma source(%dma_start3A_134 : memref<10240x32xf32, #tpu.memory_space<hbm>>) target(%dma_start3A_124 : memref<80x32xf32, #tpu.memory_space<vmem>>) offsets(%dma_start3A_127 : memref<80xi32, #tpu.memory_space<vmem>>) semaphore(%dma_start3A_136 : memref<!tpu.dma_semaphore, #tpu.memory_space<semaphore_mem>>)
    %dma_start3A_137 = arith.constant 6 : i32
    %dma_start3A_138 = arith.constant 6 : i32
    %dma_start3A_139 = arith.constant 6 : i32
    %dma_start3A_140 = arith.constant 0 : i32
    %dma_start3A_141 = arith.constant 0 : i32
    %dma_start3A_142 = tpu.memref_slice %arg13[%dma_start3A_138, %dma_start3A_140, %dma_start3A_141] : memref<10x80x32xf32, #tpu.memory_space<vmem>> -> memref<1x80x32xf32, #tpu.memory_space<vmem>>
    %dma_start3A_143 = tpu.memref_squeeze %dma_start3A_142 : memref<1x80x32xf32, #tpu.memory_space<vmem>> -> memref<80x32xf32, #tpu.memory_space<vmem>>
    %dma_start3A_144 = arith.constant 0 : i32
    %dma_start3A_145 = tpu.memref_slice %arg11[%dma_start3A_137, %dma_start3A_144] : memref<250x80xi32, #tpu.memory_space<vmem>> -> memref<1x80xi32, #tpu.memory_space<vmem>>
    %dma_start3A_146 = tpu.memref_squeeze %dma_start3A_145 : memref<1x80xi32, #tpu.memory_space<vmem>> -> memref<80xi32, #tpu.memory_space<vmem>>
    %dma_start3A_147 = arith.constant 0 : i32
    %dma_start3A_148 = arith.constant 0 : i32
    %dma_start3A_149 = tpu.memref_slice %arg9[%arg0, %dma_start3A_147, %dma_start3A_148] : memref<2x10240x32xf32, #tpu.memory_space<hbm>> -> memref<1x10240x32xf32, #tpu.memory_space<hbm>>
    %dma_start3A_150 = tpu.memref_squeeze %dma_start3A_149 : memref<1x10240x32xf32, #tpu.memory_space<hbm>> -> memref<10240x32xf32, #tpu.memory_space<hbm>>
    %dma_start3A_151 = arith.constant 0 : i32
    %dma_start3A_152 = arith.constant 0 : i32
    %dma_start3A_153 = tpu.memref_slice %dma_start3A_150[%dma_start3A_151, %dma_start3A_152] : memref<10240x32xf32, #tpu.memory_space<hbm>> -> memref<10240x32xf32, #tpu.memory_space<hbm>>
    %dma_start3A_154 = tpu.memref_slice %arg19[%dma_start3A_139] : memref<10x!tpu.dma_semaphore, #tpu.memory_space<semaphore_mem>> -> memref<1x!tpu.dma_semaphore, #tpu.memory_space<semaphore_mem>>
    %dma_start3A_155 = tpu.memref_squeeze %dma_start3A_154 : memref<1x!tpu.dma_semaphore, #tpu.memory_space<semaphore_mem>> -> memref<!tpu.dma_semaphore, #tpu.memory_space<semaphore_mem>>
    tpu.enqueue_indirect_dma source(%dma_start3A_153 : memref<10240x32xf32, #tpu.memory_space<hbm>>) target(%dma_start3A_143 : memref<80x32xf32, #tpu.memory_space<vmem>>) offsets(%dma_start3A_146 : memref<80xi32, #tpu.memory_space<vmem>>) semaphore(%dma_start3A_155 : memref<!tpu.dma_semaphore, #tpu.memory_space<semaphore_mem>>)
    %dma_start3A_156 = arith.constant 7 : i32
    %dma_start3A_157 = arith.constant 7 : i32
    %dma_start3A_158 = arith.constant 7 : i32
    %dma_start3A_159 = arith.constant 0 : i32
    %dma_start3A_160 = arith.constant 0 : i32
    %dma_start3A_161 = tpu.memref_slice %arg13[%dma_start3A_157, %dma_start3A_159, %dma_start3A_160] : memref<10x80x32xf32, #tpu.memory_space<vmem>> -> memref<1x80x32xf32, #tpu.memory_space<vmem>>
    %dma_start3A_162 = tpu.memref_squeeze %dma_start3A_161 : memref<1x80x32xf32, #tpu.memory_space<vmem>> -> memref<80x32xf32, #tpu.memory_space<vmem>>
    %dma_start3A_163 = arith.constant 0 : i32
    %dma_start3A_164 = tpu.memref_slice %arg11[%dma_start3A_156, %dma_start3A_163] : memref<250x80xi32, #tpu.memory_space<vmem>> -> memref<1x80xi32, #tpu.memory_space<vmem>>
    %dma_start3A_165 = tpu.memref_squeeze %dma_start3A_164 : memref<1x80xi32, #tpu.memory_space<vmem>> -> memref<80xi32, #tpu.memory_space<vmem>>
    %dma_start3A_166 = arith.constant 0 : i32
    %dma_start3A_167 = arith.constant 0 : i32
    %dma_start3A_168 = tpu.memref_slice %arg9[%arg0, %dma_start3A_166, %dma_start3A_167] : memref<2x10240x32xf32, #tpu.memory_space<hbm>> -> memref<1x10240x32xf32, #tpu.memory_space<hbm>>
    %dma_start3A_169 = tpu.memref_squeeze %dma_start3A_168 : memref<1x10240x32xf32, #tpu.memory_space<hbm>> -> memref<10240x32xf32, #tpu.memory_space<hbm>>
    %dma_start3A_170 = arith.constant 0 : i32
    %dma_start3A_171 = arith.constant 0 : i32
    %dma_start3A_172 = tpu.memref_slice %dma_start3A_169[%dma_start3A_170, %dma_start3A_171] : memref<10240x32xf32, #tpu.memory_space<hbm>> -> memref<10240x32xf32, #tpu.memory_space<hbm>>
    %dma_start3A_173 = tpu.memref_slice %arg19[%dma_start3A_158] : memref<10x!tpu.dma_semaphore, #tpu.memory_space<semaphore_mem>> -> memref<1x!tpu.dma_semaphore, #tpu.memory_space<semaphore_mem>>
    %dma_start3A_174 = tpu.memref_squeeze %dma_start3A_173 : memref<1x!tpu.dma_semaphore, #tpu.memory_space<semaphore_mem>> -> memref<!tpu.dma_semaphore, #tpu.memory_space<semaphore_mem>>
    tpu.enqueue_indirect_dma source(%dma_start3A_172 : memref<10240x32xf32, #tpu.memory_space<hbm>>) target(%dma_start3A_162 : memref<80x32xf32, #tpu.memory_space<vmem>>) offsets(%dma_start3A_165 : memref<80xi32, #tpu.memory_space<vmem>>) semaphore(%dma_start3A_174 : memref<!tpu.dma_semaphore, #tpu.memory_space<semaphore_mem>>)
    %dma_start3A_175 = arith.constant 8 : i32
    %dma_start3A_176 = arith.constant 8 : i32
    %dma_start3A_177 = arith.constant 8 : i32
    %dma_start3A_178 = arith.constant 0 : i32
    %dma_start3A_179 = arith.constant 0 : i32
    %dma_start3A_180 = tpu.memref_slice %arg13[%dma_start3A_176, %dma_start3A_178, %dma_start3A_179] : memref<10x80x32xf32, #tpu.memory_space<vmem>> -> memref<1x80x32xf32, #tpu.memory_space<vmem>>
    %dma_start3A_181 = tpu.memref_squeeze %dma_start3A_180 : memref<1x80x32xf32, #tpu.memory_space<vmem>> -> memref<80x32xf32, #tpu.memory_space<vmem>>
    %dma_start3A_182 = arith.constant 0 : i32
    %dma_start3A_183 = tpu.memref_slice %arg11[%dma_start3A_175, %dma_start3A_182] : memref<250x80xi32, #tpu.memory_space<vmem>> -> memref<1x80xi32, #tpu.memory_space<vmem>>
    %dma_start3A_184 = tpu.memref_squeeze %dma_start3A_183 : memref<1x80xi32, #tpu.memory_space<vmem>> -> memref<80xi32, #tpu.memory_space<vmem>>
    %dma_start3A_185 = arith.constant 0 : i32
    %dma_start3A_186 = arith.constant 0 : i32
    %dma_start3A_187 = tpu.memref_slice %arg9[%arg0, %dma_start3A_185, %dma_start3A_186] : memref<2x10240x32xf32, #tpu.memory_space<hbm>> -> memref<1x10240x32xf32, #tpu.memory_space<hbm>>
    %dma_start3A_188 = tpu.memref_squeeze %dma_start3A_187 : memref<1x10240x32xf32, #tpu.memory_space<hbm>> -> memref<10240x32xf32, #tpu.memory_space<hbm>>
    %dma_start3A_189 = arith.constant 0 : i32
    %dma_start3A_190 = arith.constant 0 : i32
    %dma_start3A_191 = tpu.memref_slice %dma_start3A_188[%dma_start3A_189, %dma_start3A_190] : memref<10240x32xf32, #tpu.memory_space<hbm>> -> memref<10240x32xf32, #tpu.memory_space<hbm>>
    %dma_start3A_192 = tpu.memref_slice %arg19[%dma_start3A_177] : memref<10x!tpu.dma_semaphore, #tpu.memory_space<semaphore_mem>> -> memref<1x!tpu.dma_semaphore, #tpu.memory_space<semaphore_mem>>
    %dma_start3A_193 = tpu.memref_squeeze %dma_start3A_192 : memref<1x!tpu.dma_semaphore, #tpu.memory_space<semaphore_mem>> -> memref<!tpu.dma_semaphore, #tpu.memory_space<semaphore_mem>>
    tpu.enqueue_indirect_dma source(%dma_start3A_191 : memref<10240x32xf32, #tpu.memory_space<hbm>>) target(%dma_start3A_181 : memref<80x32xf32, #tpu.memory_space<vmem>>) offsets(%dma_start3A_184 : memref<80xi32, #tpu.memory_space<vmem>>) semaphore(%dma_start3A_193 : memref<!tpu.dma_semaphore, #tpu.memory_space<semaphore_mem>>)
    %dma_start3A_194 = arith.constant 9 : i32
    %dma_start3A_195 = arith.constant 9 : i32
    %dma_start3A_196 = arith.constant 9 : i32
    %dma_start3A_197 = arith.constant 0 : i32
    %dma_start3A_198 = arith.constant 0 : i32
    %dma_start3A_199 = tpu.memref_slice %arg13[%dma_start3A_195, %dma_start3A_197, %dma_start3A_198] : memref<10x80x32xf32, #tpu.memory_space<vmem>> -> memref<1x80x32xf32, #tpu.memory_space<vmem>>
    %dma_start3A_200 = tpu.memref_squeeze %dma_start3A_199 : memref<1x80x32xf32, #tpu.memory_space<vmem>> -> memref<80x32xf32, #tpu.memory_space<vmem>>
    %dma_start3A_201 = arith.constant 0 : i32
    %dma_start3A_202 = tpu.memref_slice %arg11[%dma_start3A_194, %dma_start3A_201] : memref<250x80xi32, #tpu.memory_space<vmem>> -> memref<1x80xi32, #tpu.memory_space<vmem>>
    %dma_start3A_203 = tpu.memref_squeeze %dma_start3A_202 : memref<1x80xi32, #tpu.memory_space<vmem>> -> memref<80xi32, #tpu.memory_space<vmem>>
    %dma_start3A_204 = arith.constant 0 : i32
    %dma_start3A_205 = arith.constant 0 : i32
    %dma_start3A_206 = tpu.memref_slice %arg9[%arg0, %dma_start3A_204, %dma_start3A_205] : memref<2x10240x32xf32, #tpu.memory_space<hbm>> -> memref<1x10240x32xf32, #tpu.memory_space<hbm>>
    %dma_start3A_207 = tpu.memref_squeeze %dma_start3A_206 : memref<1x10240x32xf32, #tpu.memory_space<hbm>> -> memref<10240x32xf32, #tpu.memory_space<hbm>>
    %dma_start3A_208 = arith.constant 0 : i32
    %dma_start3A_209 = arith.constant 0 : i32
    %dma_start3A_210 = tpu.memref_slice %dma_start3A_207[%dma_start3A_208, %dma_start3A_209] : memref<10240x32xf32, #tpu.memory_space<hbm>> -> memref<10240x32xf32, #tpu.memory_space<hbm>>
    %dma_start3A_211 = tpu.memref_slice %arg19[%dma_start3A_196] : memref<10x!tpu.dma_semaphore, #tpu.memory_space<semaphore_mem>> -> memref<1x!tpu.dma_semaphore, #tpu.memory_space<semaphore_mem>>
    %dma_start3A_212 = tpu.memref_squeeze %dma_start3A_211 : memref<1x!tpu.dma_semaphore, #tpu.memory_space<semaphore_mem>> -> memref<!tpu.dma_semaphore, #tpu.memory_space<semaphore_mem>>
    tpu.enqueue_indirect_dma source(%dma_start3A_210 : memref<10240x32xf32, #tpu.memory_space<hbm>>) target(%dma_start3A_200 : memref<80x32xf32, #tpu.memory_space<vmem>>) offsets(%dma_start3A_203 : memref<80xi32, #tpu.memory_space<vmem>>) semaphore(%dma_start3A_212 : memref<!tpu.dma_semaphore, #tpu.memory_space<semaphore_mem>>)
    %scan3A_213 = arith.constant 0 : i32
    %scan3A_214 = arith.constant 25 : i32
    %scan3A_215 = arith.addi %scan3A_213, %scan3A_214 : i32
    %scan3A_216 = arith.constant 1 : i32
    scf.for %scan3A_556 = %scan3A_213 to %scan3A_215 step %scan3A_216  : i32 {
      %mul3A_557 = arith.constant 10 : i32
      %mul3A_558 = arith.muli %scan3A_556, %mul3A_557 : i32
      %add3A_559 = arith.constant 0 : i32
      %add3A_560 = arith.addi %mul3A_558, %add3A_559 : i32
      %dma_wait3A = arith.constant 0 : i32
      %dma_wait3A_561 = arith.constant 0 : i32
      %dma_wait3A_562 = arith.constant 0 : i32
      %dma_wait3A_563 = arith.constant 0 : i32
      %dma_wait3A_564 = tpu.memref_slice %arg13[%dma_wait3A, %dma_wait3A_562, %dma_wait3A_563] : memref<10x80x32xf32, #tpu.memory_space<vmem>> -> memref<1x80x32xf32, #tpu.memory_space<vmem>>
      %dma_wait3A_565 = tpu.memref_squeeze %dma_wait3A_564 : memref<1x80x32xf32, #tpu.memory_space<vmem>> -> memref<80x32xf32, #tpu.memory_space<vmem>>
      %dma_wait3A_566 = arith.constant 0 : i32
      %dma_wait3A_567 = tpu.memref_slice %arg11[%add3A_560, %dma_wait3A_566] : memref<250x80xi32, #tpu.memory_space<vmem>> -> memref<1x80xi32, #tpu.memory_space<vmem>>
      %dma_wait3A_568 = tpu.memref_squeeze %dma_wait3A_567 : memref<1x80xi32, #tpu.memory_space<vmem>> -> memref<80xi32, #tpu.memory_space<vmem>>
      %dma_wait3A_569 = arith.constant 0 : i32
      %dma_wait3A_570 = arith.constant 0 : i32
      %dma_wait3A_571 = tpu.memref_slice %arg9[%arg0, %dma_wait3A_569, %dma_wait3A_570] : memref<2x10240x32xf32, #tpu.memory_space<hbm>> -> memref<1x10240x32xf32, #tpu.memory_space<hbm>>
      %dma_wait3A_572 = tpu.memref_squeeze %dma_wait3A_571 : memref<1x10240x32xf32, #tpu.memory_space<hbm>> -> memref<10240x32xf32, #tpu.memory_space<hbm>>
      %dma_wait3A_573 = arith.constant 0 : i32
      %dma_wait3A_574 = arith.constant 0 : i32
      %dma_wait3A_575 = tpu.memref_slice %dma_wait3A_572[%dma_wait3A_573, %dma_wait3A_574] : memref<10240x32xf32, #tpu.memory_space<hbm>> -> memref<10240x32xf32, #tpu.memory_space<hbm>>
      %dma_wait3A_576 = tpu.memref_slice %arg19[%dma_wait3A_561] : memref<10x!tpu.dma_semaphore, #tpu.memory_space<semaphore_mem>> -> memref<1x!tpu.dma_semaphore, #tpu.memory_space<semaphore_mem>>
      %dma_wait3A_577 = tpu.memref_squeeze %dma_wait3A_576 : memref<1x!tpu.dma_semaphore, #tpu.memory_space<semaphore_mem>> -> memref<!tpu.dma_semaphore, #tpu.memory_space<semaphore_mem>>
      tpu.wait_indirect_dma semaphore(%dma_wait3A_577 : memref<!tpu.dma_semaphore, #tpu.memory_space<semaphore_mem>>) src(%dma_wait3A_575 : memref<10240x32xf32, #tpu.memory_space<hbm>>) dst(%dma_wait3A_565 : memref<80x32xf32, #tpu.memory_space<vmem>>)
      %run_scoped3A_578 = arith.constant 0 : i32
      "tpu.region"() ({
        %run_scoped3A_856 = tpu.sem_alloc : memref<!tpu.dma_semaphore, #tpu.memory_space<semaphore_mem>>
        %dma_start3A_857 = arith.constant 0 : i32
        %dma_start3A_858 = arith.constant 0 : i32
        %dma_start3A_859 = tpu.memref_slice %arg13[%run_scoped3A_578, %dma_start3A_857, %dma_start3A_858] : memref<10x80x32xf32, #tpu.memory_space<vmem>> -> memref<1x80x32xf32, #tpu.memory_space<vmem>>
        %dma_start3A_860 = tpu.memref_squeeze %dma_start3A_859 : memref<1x80x32xf32, #tpu.memory_space<vmem>> -> memref<80x32xf32, #tpu.memory_space<vmem>>
        %dma_start3A_861 = arith.constant 0 : i32
        %dma_start3A_862 = tpu.memref_slice %arg12[%add3A_560, %dma_start3A_861] : memref<250x80xi32, #tpu.memory_space<vmem>> -> memref<1x80xi32, #tpu.memory_space<vmem>>
        %dma_start3A_863 = tpu.memref_squeeze %dma_start3A_862 : memref<1x80xi32, #tpu.memory_space<vmem>> -> memref<80xi32, #tpu.memory_space<vmem>>
        %dma_start3A_864 = arith.constant 0 : i32
        %dma_start3A_865 = arith.constant 0 : i32
        %dma_start3A_866 = tpu.memref_slice %arg18[%dma_start3A_864, %dma_start3A_865] : memref<10240x32xf32, #tpu.memory_space<vmem_shared>> -> memref<10240x32xf32, #tpu.memory_space<vmem_shared>>
        tpu.enqueue_indirect_dma source(%dma_start3A_860 : memref<80x32xf32, #tpu.memory_space<vmem>>) target(%dma_start3A_866 : memref<10240x32xf32, #tpu.memory_space<vmem_shared>>) offsets(%dma_start3A_863 : memref<80xi32, #tpu.memory_space<vmem>>) semaphore(%run_scoped3A_856 : memref<!tpu.dma_semaphore, #tpu.memory_space<semaphore_mem>>) {add = true}
        %dma_wait3A_867 = arith.constant 0 : i32
        %dma_wait3A_868 = arith.constant 0 : i32
        %dma_wait3A_869 = tpu.memref_slice %arg13[%run_scoped3A_578, %dma_wait3A_867, %dma_wait3A_868] : memref<10x80x32xf32, #tpu.memory_space<vmem>> -> memref<1x80x32xf32, #tpu.memory_space<vmem>>
        %dma_wait3A_870 = tpu.memref_squeeze %dma_wait3A_869 : memref<1x80x32xf32, #tpu.memory_space<vmem>> -> memref<80x32xf32, #tpu.memory_space<vmem>>
        %dma_wait3A_871 = arith.constant 0 : i32
        %dma_wait3A_872 = tpu.memref_slice %arg12[%add3A_560, %dma_wait3A_871] : memref<250x80xi32, #tpu.memory_space<vmem>> -> memref<1x80xi32, #tpu.memory_space<vmem>>
        %dma_wait3A_873 = tpu.memref_squeeze %dma_wait3A_872 : memref<1x80xi32, #tpu.memory_space<vmem>> -> memref<80xi32, #tpu.memory_space<vmem>>
        %dma_wait3A_874 = arith.constant 0 : i32
        %dma_wait3A_875 = arith.constant 0 : i32
        %dma_wait3A_876 = tpu.memref_slice %arg18[%dma_wait3A_874, %dma_wait3A_875] : memref<10240x32xf32, #tpu.memory_space<vmem_shared>> -> memref<10240x32xf32, #tpu.memory_space<vmem_shared>>
        tpu.wait_indirect_dma semaphore(%run_scoped3A_856 : memref<!tpu.dma_semaphore, #tpu.memory_space<semaphore_mem>>) src(%dma_wait3A_870 : memref<80x32xf32, #tpu.memory_space<vmem>>) dst(%dma_wait3A_876 : memref<10240x32xf32, #tpu.memory_space<vmem_shared>>)
        tpu.yield
      }) : () -> ()
      %add3A_579 = arith.constant 10 : i32
      %add3A_580 = arith.addi %add3A_560, %add3A_579 : i32
      %lt3A_581 = arith.constant 250 : i32
      %lt3A_582 = arith.cmpi slt, %add3A_580, %lt3A_581 : i32
      %convert_element_type3A_583 = arith.extui %lt3A_582 : i1 to i32
      %cond3A_584 = arith.constant 0 : i32
      %cond3A_585 = arith.cmpi ne, %convert_element_type3A_583, %cond3A_584 : i32
      scf.if %cond3A_585 {
        %dma_start3A_856 = arith.constant 0 : i32
        %dma_start3A_857 = arith.constant 0 : i32
        %dma_start3A_858 = arith.constant 0 : i32
        %dma_start3A_859 = arith.constant 0 : i32
        %dma_start3A_860 = tpu.memref_slice %arg13[%dma_start3A_856, %dma_start3A_858, %dma_start3A_859] : memref<10x80x32xf32, #tpu.memory_space<vmem>> -> memref<1x80x32xf32, #tpu.memory_space<vmem>>
        %dma_start3A_861 = tpu.memref_squeeze %dma_start3A_860 : memref<1x80x32xf32, #tpu.memory_space<vmem>> -> memref<80x32xf32, #tpu.memory_space<vmem>>
        %dma_start3A_862 = arith.constant 0 : i32
        %dma_start3A_863 = tpu.memref_slice %arg11[%add3A_580, %dma_start3A_862] : memref<250x80xi32, #tpu.memory_space<vmem>> -> memref<1x80xi32, #tpu.memory_space<vmem>>
        %dma_start3A_864 = tpu.memref_squeeze %dma_start3A_863 : memref<1x80xi32, #tpu.memory_space<vmem>> -> memref<80xi32, #tpu.memory_space<vmem>>
        %dma_start3A_865 = arith.constant 0 : i32
        %dma_start3A_866 = arith.constant 0 : i32
        %dma_start3A_867 = tpu.memref_slice %arg9[%arg0, %dma_start3A_865, %dma_start3A_866] : memref<2x10240x32xf32, #tpu.memory_space<hbm>> -> memref<1x10240x32xf32, #tpu.memory_space<hbm>>
        %dma_start3A_868 = tpu.memref_squeeze %dma_start3A_867 : memref<1x10240x32xf32, #tpu.memory_space<hbm>> -> memref<10240x32xf32, #tpu.memory_space<hbm>>
        %dma_start3A_869 = arith.constant 0 : i32
        %dma_start3A_870 = arith.constant 0 : i32
        %dma_start3A_871 = tpu.memref_slice %dma_start3A_868[%dma_start3A_869, %dma_start3A_870] : memref<10240x32xf32, #tpu.memory_space<hbm>> -> memref<10240x32xf32, #tpu.memory_space<hbm>>
        %dma_start3A_872 = tpu.memref_slice %arg19[%dma_start3A_857] : memref<10x!tpu.dma_semaphore, #tpu.memory_space<semaphore_mem>> -> memref<1x!tpu.dma_semaphore, #tpu.memory_space<semaphore_mem>>
        %dma_start3A_873 = tpu.memref_squeeze %dma_start3A_872 : memref<1x!tpu.dma_semaphore, #tpu.memory_space<semaphore_mem>> -> memref<!tpu.dma_semaphore, #tpu.memory_space<semaphore_mem>>
        tpu.enqueue_indirect_dma source(%dma_start3A_871 : memref<10240x32xf32, #tpu.memory_space<hbm>>) target(%dma_start3A_861 : memref<80x32xf32, #tpu.memory_space<vmem>>) offsets(%dma_start3A_864 : memref<80xi32, #tpu.memory_space<vmem>>) semaphore(%dma_start3A_873 : memref<!tpu.dma_semaphore, #tpu.memory_space<semaphore_mem>>)
      } else {
      }
      %mul3A_586 = arith.constant 10 : i32
      %mul3A_587 = arith.muli %scan3A_556, %mul3A_586 : i32
      %add3A_588 = arith.constant 1 : i32
      %add3A_589 = arith.addi %mul3A_587, %add3A_588 : i32
      %dma_wait3A_590 = arith.constant 1 : i32
      %dma_wait3A_591 = arith.constant 1 : i32
      %dma_wait3A_592 = arith.constant 0 : i32
      %dma_wait3A_593 = arith.constant 0 : i32
      %dma_wait3A_594 = tpu.memref_slice %arg13[%dma_wait3A_590, %dma_wait3A_592, %dma_wait3A_593] : memref<10x80x32xf32, #tpu.memory_space<vmem>> -> memref<1x80x32xf32, #tpu.memory_space<vmem>>
      %dma_wait3A_595 = tpu.memref_squeeze %dma_wait3A_594 : memref<1x80x32xf32, #tpu.memory_space<vmem>> -> memref<80x32xf32, #tpu.memory_space<vmem>>
      %dma_wait3A_596 = arith.constant 0 : i32
      %dma_wait3A_597 = tpu.memref_slice %arg11[%add3A_589, %dma_wait3A_596] : memref<250x80xi32, #tpu.memory_space<vmem>> -> memref<1x80xi32, #tpu.memory_space<vmem>>
      %dma_wait3A_598 = tpu.memref_squeeze %dma_wait3A_597 : memref<1x80xi32, #tpu.memory_space<vmem>> -> memref<80xi32, #tpu.memory_space<vmem>>
      %dma_wait3A_599 = arith.constant 0 : i32
      %dma_wait3A_600 = arith.constant 0 : i32
      %dma_wait3A_601 = tpu.memref_slice %arg9[%arg0, %dma_wait3A_599, %dma_wait3A_600] : memref<2x10240x32xf32, #tpu.memory_space<hbm>> -> memref<1x10240x32xf32, #tpu.memory_space<hbm>>
      %dma_wait3A_602 = tpu.memref_squeeze %dma_wait3A_601 : memref<1x10240x32xf32, #tpu.memory_space<hbm>> -> memref<10240x32xf32, #tpu.memory_space<hbm>>
      %dma_wait3A_603 = arith.constant 0 : i32
      %dma_wait3A_604 = arith.constant 0 : i32
      %dma_wait3A_605 = tpu.memref_slice %dma_wait3A_602[%dma_wait3A_603, %dma_wait3A_604] : memref<10240x32xf32, #tpu.memory_space<hbm>> -> memref<10240x32xf32, #tpu.memory_space<hbm>>
      %dma_wait3A_606 = tpu.memref_slice %arg19[%dma_wait3A_591] : memref<10x!tpu.dma_semaphore, #tpu.memory_space<semaphore_mem>> -> memref<1x!tpu.dma_semaphore, #tpu.memory_space<semaphore_mem>>
      %dma_wait3A_607 = tpu.memref_squeeze %dma_wait3A_606 : memref<1x!tpu.dma_semaphore, #tpu.memory_space<semaphore_mem>> -> memref<!tpu.dma_semaphore, #tpu.memory_space<semaphore_mem>>
      tpu.wait_indirect_dma semaphore(%dma_wait3A_607 : memref<!tpu.dma_semaphore, #tpu.memory_space<semaphore_mem>>) src(%dma_wait3A_605 : memref<10240x32xf32, #tpu.memory_space<hbm>>) dst(%dma_wait3A_595 : memref<80x32xf32, #tpu.memory_space<vmem>>)
      %run_scoped3A_608 = arith.constant 1 : i32
      "tpu.region"() ({
        %run_scoped3A_856 = tpu.sem_alloc : memref<!tpu.dma_semaphore, #tpu.memory_space<semaphore_mem>>
        %dma_start3A_857 = arith.constant 0 : i32
        %dma_start3A_858 = arith.constant 0 : i32
        %dma_start3A_859 = tpu.memref_slice %arg13[%run_scoped3A_608, %dma_start3A_857, %dma_start3A_858] : memref<10x80x32xf32, #tpu.memory_space<vmem>> -> memref<1x80x32xf32, #tpu.memory_space<vmem>>
        %dma_start3A_860 = tpu.memref_squeeze %dma_start3A_859 : memref<1x80x32xf32, #tpu.memory_space<vmem>> -> memref<80x32xf32, #tpu.memory_space<vmem>>
        %dma_start3A_861 = arith.constant 0 : i32
        %dma_start3A_862 = tpu.memref_slice %arg12[%add3A_589, %dma_start3A_861] : memref<250x80xi32, #tpu.memory_space<vmem>> -> memref<1x80xi32, #tpu.memory_space<vmem>>
        %dma_start3A_863 = tpu.memref_squeeze %dma_start3A_862 : memref<1x80xi32, #tpu.memory_space<vmem>> -> memref<80xi32, #tpu.memory_space<vmem>>
        %dma_start3A_864 = arith.constant 0 : i32
        %dma_start3A_865 = arith.constant 0 : i32
        %dma_start3A_866 = tpu.memref_slice %arg18[%dma_start3A_864, %dma_start3A_865] : memref<10240x32xf32, #tpu.memory_space<vmem_shared>> -> memref<10240x32xf32, #tpu.memory_space<vmem_shared>>
        tpu.enqueue_indirect_dma source(%dma_start3A_860 : memref<80x32xf32, #tpu.memory_space<vmem>>) target(%dma_start3A_866 : memref<10240x32xf32, #tpu.memory_space<vmem_shared>>) offsets(%dma_start3A_863 : memref<80xi32, #tpu.memory_space<vmem>>) semaphore(%run_scoped3A_856 : memref<!tpu.dma_semaphore, #tpu.memory_space<semaphore_mem>>) {add = true}
        %dma_wait3A_867 = arith.constant 0 : i32
        %dma_wait3A_868 = arith.constant 0 : i32
        %dma_wait3A_869 = tpu.memref_slice %arg13[%run_scoped3A_608, %dma_wait3A_867, %dma_wait3A_868] : memref<10x80x32xf32, #tpu.memory_space<vmem>> -> memref<1x80x32xf32, #tpu.memory_space<vmem>>
        %dma_wait3A_870 = tpu.memref_squeeze %dma_wait3A_869 : memref<1x80x32xf32, #tpu.memory_space<vmem>> -> memref<80x32xf32, #tpu.memory_space<vmem>>
        %dma_wait3A_871 = arith.constant 0 : i32
        %dma_wait3A_872 = tpu.memref_slice %arg12[%add3A_589, %dma_wait3A_871] : memref<250x80xi32, #tpu.memory_space<vmem>> -> memref<1x80xi32, #tpu.memory_space<vmem>>
        %dma_wait3A_873 = tpu.memref_squeeze %dma_wait3A_872 : memref<1x80xi32, #tpu.memory_space<vmem>> -> memref<80xi32, #tpu.memory_space<vmem>>
        %dma_wait3A_874 = arith.constant 0 : i32
        %dma_wait3A_875 = arith.constant 0 : i32
        %dma_wait3A_876 = tpu.memref_slice %arg18[%dma_wait3A_874, %dma_wait3A_875] : memref<10240x32xf32, #tpu.memory_space<vmem_shared>> -> memref<10240x32xf32, #tpu.memory_space<vmem_shared>>
        tpu.wait_indirect_dma semaphore(%run_scoped3A_856 : memref<!tpu.dma_semaphore, #tpu.memory_space<semaphore_mem>>) src(%dma_wait3A_870 : memref<80x32xf32, #tpu.memory_space<vmem>>) dst(%dma_wait3A_876 : memref<10240x32xf32, #tpu.memory_space<vmem_shared>>)
        tpu.yield
      }) : () -> ()
      %add3A_609 = arith.constant 10 : i32
      %add3A_610 = arith.addi %add3A_589, %add3A_609 : i32
      %lt3A_611 = arith.constant 250 : i32
      %lt3A_612 = arith.cmpi slt, %add3A_610, %lt3A_611 : i32
      %convert_element_type3A_613 = arith.extui %lt3A_612 : i1 to i32
      %cond3A_614 = arith.constant 0 : i32
      %cond3A_615 = arith.cmpi ne, %convert_element_type3A_613, %cond3A_614 : i32
      scf.if %cond3A_615 {
        %dma_start3A_856 = arith.constant 1 : i32
        %dma_start3A_857 = arith.constant 1 : i32
        %dma_start3A_858 = arith.constant 0 : i32
        %dma_start3A_859 = arith.constant 0 : i32
        %dma_start3A_860 = tpu.memref_slice %arg13[%dma_start3A_856, %dma_start3A_858, %dma_start3A_859] : memref<10x80x32xf32, #tpu.memory_space<vmem>> -> memref<1x80x32xf32, #tpu.memory_space<vmem>>
        %dma_start3A_861 = tpu.memref_squeeze %dma_start3A_860 : memref<1x80x32xf32, #tpu.memory_space<vmem>> -> memref<80x32xf32, #tpu.memory_space<vmem>>
        %dma_start3A_862 = arith.constant 0 : i32
        %dma_start3A_863 = tpu.memref_slice %arg11[%add3A_610, %dma_start3A_862] : memref<250x80xi32, #tpu.memory_space<vmem>> -> memref<1x80xi32, #tpu.memory_space<vmem>>
        %dma_start3A_864 = tpu.memref_squeeze %dma_start3A_863 : memref<1x80xi32, #tpu.memory_space<vmem>> -> memref<80xi32, #tpu.memory_space<vmem>>
        %dma_start3A_865 = arith.constant 0 : i32
        %dma_start3A_866 = arith.constant 0 : i32
        %dma_start3A_867 = tpu.memref_slice %arg9[%arg0, %dma_start3A_865, %dma_start3A_866] : memref<2x10240x32xf32, #tpu.memory_space<hbm>> -> memref<1x10240x32xf32, #tpu.memory_space<hbm>>
        %dma_start3A_868 = tpu.memref_squeeze %dma_start3A_867 : memref<1x10240x32xf32, #tpu.memory_space<hbm>> -> memref<10240x32xf32, #tpu.memory_space<hbm>>
        %dma_start3A_869 = arith.constant 0 : i32
        %dma_start3A_870 = arith.constant 0 : i32
        %dma_start3A_871 = tpu.memref_slice %dma_start3A_868[%dma_start3A_869, %dma_start3A_870] : memref<10240x32xf32, #tpu.memory_space<hbm>> -> memref<10240x32xf32, #tpu.memory_space<hbm>>
        %dma_start3A_872 = tpu.memref_slice %arg19[%dma_start3A_857] : memref<10x!tpu.dma_semaphore, #tpu.memory_space<semaphore_mem>> -> memref<1x!tpu.dma_semaphore, #tpu.memory_space<semaphore_mem>>
        %dma_start3A_873 = tpu.memref_squeeze %dma_start3A_872 : memref<1x!tpu.dma_semaphore, #tpu.memory_space<semaphore_mem>> -> memref<!tpu.dma_semaphore, #tpu.memory_space<semaphore_mem>>
        tpu.enqueue_indirect_dma source(%dma_start3A_871 : memref<10240x32xf32, #tpu.memory_space<hbm>>) target(%dma_start3A_861 : memref<80x32xf32, #tpu.memory_space<vmem>>) offsets(%dma_start3A_864 : memref<80xi32, #tpu.memory_space<vmem>>) semaphore(%dma_start3A_873 : memref<!tpu.dma_semaphore, #tpu.memory_space<semaphore_mem>>)
      } else {
      }
      %mul3A_616 = arith.constant 10 : i32
      %mul3A_617 = arith.muli %scan3A_556, %mul3A_616 : i32
      %add3A_618 = arith.constant 2 : i32
      %add3A_619 = arith.addi %mul3A_617, %add3A_618 : i32
      %dma_wait3A_620 = arith.constant 2 : i32
      %dma_wait3A_621 = arith.constant 2 : i32
      %dma_wait3A_622 = arith.constant 0 : i32
      %dma_wait3A_623 = arith.constant 0 : i32
      %dma_wait3A_624 = tpu.memref_slice %arg13[%dma_wait3A_620, %dma_wait3A_622, %dma_wait3A_623] : memref<10x80x32xf32, #tpu.memory_space<vmem>> -> memref<1x80x32xf32, #tpu.memory_space<vmem>>
      %dma_wait3A_625 = tpu.memref_squeeze %dma_wait3A_624 : memref<1x80x32xf32, #tpu.memory_space<vmem>> -> memref<80x32xf32, #tpu.memory_space<vmem>>
      %dma_wait3A_626 = arith.constant 0 : i32
      %dma_wait3A_627 = tpu.memref_slice %arg11[%add3A_619, %dma_wait3A_626] : memref<250x80xi32, #tpu.memory_space<vmem>> -> memref<1x80xi32, #tpu.memory_space<vmem>>
      %dma_wait3A_628 = tpu.memref_squeeze %dma_wait3A_627 : memref<1x80xi32, #tpu.memory_space<vmem>> -> memref<80xi32, #tpu.memory_space<vmem>>
      %dma_wait3A_629 = arith.constant 0 : i32
      %dma_wait3A_630 = arith.constant 0 : i32
      %dma_wait3A_631 = tpu.memref_slice %arg9[%arg0, %dma_wait3A_629, %dma_wait3A_630] : memref<2x10240x32xf32, #tpu.memory_space<hbm>> -> memref<1x10240x32xf32, #tpu.memory_space<hbm>>
      %dma_wait3A_632 = tpu.memref_squeeze %dma_wait3A_631 : memref<1x10240x32xf32, #tpu.memory_space<hbm>> -> memref<10240x32xf32, #tpu.memory_space<hbm>>
      %dma_wait3A_633 = arith.constant 0 : i32
      %dma_wait3A_634 = arith.constant 0 : i32
      %dma_wait3A_635 = tpu.memref_slice %dma_wait3A_632[%dma_wait3A_633, %dma_wait3A_634] : memref<10240x32xf32, #tpu.memory_space<hbm>> -> memref<10240x32xf32, #tpu.memory_space<hbm>>
      %dma_wait3A_636 = tpu.memref_slice %arg19[%dma_wait3A_621] : memref<10x!tpu.dma_semaphore, #tpu.memory_space<semaphore_mem>> -> memref<1x!tpu.dma_semaphore, #tpu.memory_space<semaphore_mem>>
      %dma_wait3A_637 = tpu.memref_squeeze %dma_wait3A_636 : memref<1x!tpu.dma_semaphore, #tpu.memory_space<semaphore_mem>> -> memref<!tpu.dma_semaphore, #tpu.memory_space<semaphore_mem>>
      tpu.wait_indirect_dma semaphore(%dma_wait3A_637 : memref<!tpu.dma_semaphore, #tpu.memory_space<semaphore_mem>>) src(%dma_wait3A_635 : memref<10240x32xf32, #tpu.memory_space<hbm>>) dst(%dma_wait3A_625 : memref<80x32xf32, #tpu.memory_space<vmem>>)
      %run_scoped3A_638 = arith.constant 2 : i32
      "tpu.region"() ({
        %run_scoped3A_856 = tpu.sem_alloc : memref<!tpu.dma_semaphore, #tpu.memory_space<semaphore_mem>>
        %dma_start3A_857 = arith.constant 0 : i32
        %dma_start3A_858 = arith.constant 0 : i32
        %dma_start3A_859 = tpu.memref_slice %arg13[%run_scoped3A_638, %dma_start3A_857, %dma_start3A_858] : memref<10x80x32xf32, #tpu.memory_space<vmem>> -> memref<1x80x32xf32, #tpu.memory_space<vmem>>
        %dma_start3A_860 = tpu.memref_squeeze %dma_start3A_859 : memref<1x80x32xf32, #tpu.memory_space<vmem>> -> memref<80x32xf32, #tpu.memory_space<vmem>>
        %dma_start3A_861 = arith.constant 0 : i32
        %dma_start3A_862 = tpu.memref_slice %arg12[%add3A_619, %dma_start3A_861] : memref<250x80xi32, #tpu.memory_space<vmem>> -> memref<1x80xi32, #tpu.memory_space<vmem>>
        %dma_start3A_863 = tpu.memref_squeeze %dma_start3A_862 : memref<1x80xi32, #tpu.memory_space<vmem>> -> memref<80xi32, #tpu.memory_space<vmem>>
        %dma_start3A_864 = arith.constant 0 : i32
        %dma_start3A_865 = arith.constant 0 : i32
        %dma_start3A_866 = tpu.memref_slice %arg18[%dma_start3A_864, %dma_start3A_865] : memref<10240x32xf32, #tpu.memory_space<vmem_shared>> -> memref<10240x32xf32, #tpu.memory_space<vmem_shared>>
        tpu.enqueue_indirect_dma source(%dma_start3A_860 : memref<80x32xf32, #tpu.memory_space<vmem>>) target(%dma_start3A_866 : memref<10240x32xf32, #tpu.memory_space<vmem_shared>>) offsets(%dma_start3A_863 : memref<80xi32, #tpu.memory_space<vmem>>) semaphore(%run_scoped3A_856 : memref<!tpu.dma_semaphore, #tpu.memory_space<semaphore_mem>>) {add = true}
        %dma_wait3A_867 = arith.constant 0 : i32
        %dma_wait3A_868 = arith.constant 0 : i32
        %dma_wait3A_869 = tpu.memref_slice %arg13[%run_scoped3A_638, %dma_wait3A_867, %dma_wait3A_868] : memref<10x80x32xf32, #tpu.memory_space<vmem>> -> memref<1x80x32xf32, #tpu.memory_space<vmem>>
        %dma_wait3A_870 = tpu.memref_squeeze %dma_wait3A_869 : memref<1x80x32xf32, #tpu.memory_space<vmem>> -> memref<80x32xf32, #tpu.memory_space<vmem>>
        %dma_wait3A_871 = arith.constant 0 : i32
        %dma_wait3A_872 = tpu.memref_slice %arg12[%add3A_619, %dma_wait3A_871] : memref<250x80xi32, #tpu.memory_space<vmem>> -> memref<1x80xi32, #tpu.memory_space<vmem>>
        %dma_wait3A_873 = tpu.memref_squeeze %dma_wait3A_872 : memref<1x80xi32, #tpu.memory_space<vmem>> -> memref<80xi32, #tpu.memory_space<vmem>>
        %dma_wait3A_874 = arith.constant 0 : i32
        %dma_wait3A_875 = arith.constant 0 : i32
        %dma_wait3A_876 = tpu.memref_slice %arg18[%dma_wait3A_874, %dma_wait3A_875] : memref<10240x32xf32, #tpu.memory_space<vmem_shared>> -> memref<10240x32xf32, #tpu.memory_space<vmem_shared>>
        tpu.wait_indirect_dma semaphore(%run_scoped3A_856 : memref<!tpu.dma_semaphore, #tpu.memory_space<semaphore_mem>>) src(%dma_wait3A_870 : memref<80x32xf32, #tpu.memory_space<vmem>>) dst(%dma_wait3A_876 : memref<10240x32xf32, #tpu.memory_space<vmem_shared>>)
        tpu.yield
      }) : () -> ()
      %add3A_639 = arith.constant 10 : i32
      %add3A_640 = arith.addi %add3A_619, %add3A_639 : i32
      %lt3A_641 = arith.constant 250 : i32
      %lt3A_642 = arith.cmpi slt, %add3A_640, %lt3A_641 : i32
      %convert_element_type3A_643 = arith.extui %lt3A_642 : i1 to i32
      %cond3A_644 = arith.constant 0 : i32
      %cond3A_645 = arith.cmpi ne, %convert_element_type3A_643, %cond3A_644 : i32
      scf.if %cond3A_645 {
        %dma_start3A_856 = arith.constant 2 : i32
        %dma_start3A_857 = arith.constant 2 : i32
        %dma_start3A_858 = arith.constant 0 : i32
        %dma_start3A_859 = arith.constant 0 : i32
        %dma_start3A_860 = tpu.memref_slice %arg13[%dma_start3A_856, %dma_start3A_858, %dma_start3A_859] : memref<10x80x32xf32, #tpu.memory_space<vmem>> -> memref<1x80x32xf32, #tpu.memory_space<vmem>>
        %dma_start3A_861 = tpu.memref_squeeze %dma_start3A_860 : memref<1x80x32xf32, #tpu.memory_space<vmem>> -> memref<80x32xf32, #tpu.memory_space<vmem>>
        %dma_start3A_862 = arith.constant 0 : i32
        %dma_start3A_863 = tpu.memref_slice %arg11[%add3A_640, %dma_start3A_862] : memref<250x80xi32, #tpu.memory_space<vmem>> -> memref<1x80xi32, #tpu.memory_space<vmem>>
        %dma_start3A_864 = tpu.memref_squeeze %dma_start3A_863 : memref<1x80xi32, #tpu.memory_space<vmem>> -> memref<80xi32, #tpu.memory_space<vmem>>
        %dma_start3A_865 = arith.constant 0 : i32
        %dma_start3A_866 = arith.constant 0 : i32
        %dma_start3A_867 = tpu.memref_slice %arg9[%arg0, %dma_start3A_865, %dma_start3A_866] : memref<2x10240x32xf32, #tpu.memory_space<hbm>> -> memref<1x10240x32xf32, #tpu.memory_space<hbm>>
        %dma_start3A_868 = tpu.memref_squeeze %dma_start3A_867 : memref<1x10240x32xf32, #tpu.memory_space<hbm>> -> memref<10240x32xf32, #tpu.memory_space<hbm>>
        %dma_start3A_869 = arith.constant 0 : i32
        %dma_start3A_870 = arith.constant 0 : i32
        %dma_start3A_871 = tpu.memref_slice %dma_start3A_868[%dma_start3A_869, %dma_start3A_870] : memref<10240x32xf32, #tpu.memory_space<hbm>> -> memref<10240x32xf32, #tpu.memory_space<hbm>>
        %dma_start3A_872 = tpu.memref_slice %arg19[%dma_start3A_857] : memref<10x!tpu.dma_semaphore, #tpu.memory_space<semaphore_mem>> -> memref<1x!tpu.dma_semaphore, #tpu.memory_space<semaphore_mem>>
        %dma_start3A_873 = tpu.memref_squeeze %dma_start3A_872 : memref<1x!tpu.dma_semaphore, #tpu.memory_space<semaphore_mem>> -> memref<!tpu.dma_semaphore, #tpu.memory_space<semaphore_mem>>
        tpu.enqueue_indirect_dma source(%dma_start3A_871 : memref<10240x32xf32, #tpu.memory_space<hbm>>) target(%dma_start3A_861 : memref<80x32xf32, #tpu.memory_space<vmem>>) offsets(%dma_start3A_864 : memref<80xi32, #tpu.memory_space<vmem>>) semaphore(%dma_start3A_873 : memref<!tpu.dma_semaphore, #tpu.memory_space<semaphore_mem>>)
      } else {
      }
      %mul3A_646 = arith.constant 10 : i32
      %mul3A_647 = arith.muli %scan3A_556, %mul3A_646 : i32
      %add3A_648 = arith.constant 3 : i32
      %add3A_649 = arith.addi %mul3A_647, %add3A_648 : i32
      %dma_wait3A_650 = arith.constant 3 : i32
      %dma_wait3A_651 = arith.constant 3 : i32
      %dma_wait3A_652 = arith.constant 0 : i32
      %dma_wait3A_653 = arith.constant 0 : i32
      %dma_wait3A_654 = tpu.memref_slice %arg13[%dma_wait3A_650, %dma_wait3A_652, %dma_wait3A_653] : memref<10x80x32xf32, #tpu.memory_space<vmem>> -> memref<1x80x32xf32, #tpu.memory_space<vmem>>
      %dma_wait3A_655 = tpu.memref_squeeze %dma_wait3A_654 : memref<1x80x32xf32, #tpu.memory_space<vmem>> -> memref<80x32xf32, #tpu.memory_space<vmem>>
      %dma_wait3A_656 = arith.constant 0 : i32
      %dma_wait3A_657 = tpu.memref_slice %arg11[%add3A_649, %dma_wait3A_656] : memref<250x80xi32, #tpu.memory_space<vmem>> -> memref<1x80xi32, #tpu.memory_space<vmem>>
      %dma_wait3A_658 = tpu.memref_squeeze %dma_wait3A_657 : memref<1x80xi32, #tpu.memory_space<vmem>> -> memref<80xi32, #tpu.memory_space<vmem>>
      %dma_wait3A_659 = arith.constant 0 : i32
      %dma_wait3A_660 = arith.constant 0 : i32
      %dma_wait3A_661 = tpu.memref_slice %arg9[%arg0, %dma_wait3A_659, %dma_wait3A_660] : memref<2x10240x32xf32, #tpu.memory_space<hbm>> -> memref<1x10240x32xf32, #tpu.memory_space<hbm>>
      %dma_wait3A_662 = tpu.memref_squeeze %dma_wait3A_661 : memref<1x10240x32xf32, #tpu.memory_space<hbm>> -> memref<10240x32xf32, #tpu.memory_space<hbm>>
      %dma_wait3A_663 = arith.constant 0 : i32
      %dma_wait3A_664 = arith.constant 0 : i32
      %dma_wait3A_665 = tpu.memref_slice %dma_wait3A_662[%dma_wait3A_663, %dma_wait3A_664] : memref<10240x32xf32, #tpu.memory_space<hbm>> -> memref<10240x32xf32, #tpu.memory_space<hbm>>
      %dma_wait3A_666 = tpu.memref_slice %arg19[%dma_wait3A_651] : memref<10x!tpu.dma_semaphore, #tpu.memory_space<semaphore_mem>> -> memref<1x!tpu.dma_semaphore, #tpu.memory_space<semaphore_mem>>
      %dma_wait3A_667 = tpu.memref_squeeze %dma_wait3A_666 : memref<1x!tpu.dma_semaphore, #tpu.memory_space<semaphore_mem>> -> memref<!tpu.dma_semaphore, #tpu.memory_space<semaphore_mem>>
      tpu.wait_indirect_dma semaphore(%dma_wait3A_667 : memref<!tpu.dma_semaphore, #tpu.memory_space<semaphore_mem>>) src(%dma_wait3A_665 : memref<10240x32xf32, #tpu.memory_space<hbm>>) dst(%dma_wait3A_655 : memref<80x32xf32, #tpu.memory_space<vmem>>)
      %run_scoped3A_668 = arith.constant 3 : i32
      "tpu.region"() ({
        %run_scoped3A_856 = tpu.sem_alloc : memref<!tpu.dma_semaphore, #tpu.memory_space<semaphore_mem>>
        %dma_start3A_857 = arith.constant 0 : i32
        %dma_start3A_858 = arith.constant 0 : i32
        %dma_start3A_859 = tpu.memref_slice %arg13[%run_scoped3A_668, %dma_start3A_857, %dma_start3A_858] : memref<10x80x32xf32, #tpu.memory_space<vmem>> -> memref<1x80x32xf32, #tpu.memory_space<vmem>>
        %dma_start3A_860 = tpu.memref_squeeze %dma_start3A_859 : memref<1x80x32xf32, #tpu.memory_space<vmem>> -> memref<80x32xf32, #tpu.memory_space<vmem>>
        %dma_start3A_861 = arith.constant 0 : i32
        %dma_start3A_862 = tpu.memref_slice %arg12[%add3A_649, %dma_start3A_861] : memref<250x80xi32, #tpu.memory_space<vmem>> -> memref<1x80xi32, #tpu.memory_space<vmem>>
        %dma_start3A_863 = tpu.memref_squeeze %dma_start3A_862 : memref<1x80xi32, #tpu.memory_space<vmem>> -> memref<80xi32, #tpu.memory_space<vmem>>
        %dma_start3A_864 = arith.constant 0 : i32
        %dma_start3A_865 = arith.constant 0 : i32
        %dma_start3A_866 = tpu.memref_slice %arg18[%dma_start3A_864, %dma_start3A_865] : memref<10240x32xf32, #tpu.memory_space<vmem_shared>> -> memref<10240x32xf32, #tpu.memory_space<vmem_shared>>
        tpu.enqueue_indirect_dma source(%dma_start3A_860 : memref<80x32xf32, #tpu.memory_space<vmem>>) target(%dma_start3A_866 : memref<10240x32xf32, #tpu.memory_space<vmem_shared>>) offsets(%dma_start3A_863 : memref<80xi32, #tpu.memory_space<vmem>>) semaphore(%run_scoped3A_856 : memref<!tpu.dma_semaphore, #tpu.memory_space<semaphore_mem>>) {add = true}
        %dma_wait3A_867 = arith.constant 0 : i32
        %dma_wait3A_868 = arith.constant 0 : i32
        %dma_wait3A_869 = tpu.memref_slice %arg13[%run_scoped3A_668, %dma_wait3A_867, %dma_wait3A_868] : memref<10x80x32xf32, #tpu.memory_space<vmem>> -> memref<1x80x32xf32, #tpu.memory_space<vmem>>
        %dma_wait3A_870 = tpu.memref_squeeze %dma_wait3A_869 : memref<1x80x32xf32, #tpu.memory_space<vmem>> -> memref<80x32xf32, #tpu.memory_space<vmem>>
        %dma_wait3A_871 = arith.constant 0 : i32
        %dma_wait3A_872 = tpu.memref_slice %arg12[%add3A_649, %dma_wait3A_871] : memref<250x80xi32, #tpu.memory_space<vmem>> -> memref<1x80xi32, #tpu.memory_space<vmem>>
        %dma_wait3A_873 = tpu.memref_squeeze %dma_wait3A_872 : memref<1x80xi32, #tpu.memory_space<vmem>> -> memref<80xi32, #tpu.memory_space<vmem>>
        %dma_wait3A_874 = arith.constant 0 : i32
        %dma_wait3A_875 = arith.constant 0 : i32
        %dma_wait3A_876 = tpu.memref_slice %arg18[%dma_wait3A_874, %dma_wait3A_875] : memref<10240x32xf32, #tpu.memory_space<vmem_shared>> -> memref<10240x32xf32, #tpu.memory_space<vmem_shared>>
        tpu.wait_indirect_dma semaphore(%run_scoped3A_856 : memref<!tpu.dma_semaphore, #tpu.memory_space<semaphore_mem>>) src(%dma_wait3A_870 : memref<80x32xf32, #tpu.memory_space<vmem>>) dst(%dma_wait3A_876 : memref<10240x32xf32, #tpu.memory_space<vmem_shared>>)
        tpu.yield
      }) : () -> ()
      %add3A_669 = arith.constant 10 : i32
      %add3A_670 = arith.addi %add3A_649, %add3A_669 : i32
      %lt3A_671 = arith.constant 250 : i32
      %lt3A_672 = arith.cmpi slt, %add3A_670, %lt3A_671 : i32
      %convert_element_type3A_673 = arith.extui %lt3A_672 : i1 to i32
      %cond3A_674 = arith.constant 0 : i32
      %cond3A_675 = arith.cmpi ne, %convert_element_type3A_673, %cond3A_674 : i32
      scf.if %cond3A_675 {
        %dma_start3A_856 = arith.constant 3 : i32
        %dma_start3A_857 = arith.constant 3 : i32
        %dma_start3A_858 = arith.constant 0 : i32
        %dma_start3A_859 = arith.constant 0 : i32
        %dma_start3A_860 = tpu.memref_slice %arg13[%dma_start3A_856, %dma_start3A_858, %dma_start3A_859] : memref<10x80x32xf32, #tpu.memory_space<vmem>> -> memref<1x80x32xf32, #tpu.memory_space<vmem>>
        %dma_start3A_861 = tpu.memref_squeeze %dma_start3A_860 : memref<1x80x32xf32, #tpu.memory_space<vmem>> -> memref<80x32xf32, #tpu.memory_space<vmem>>
        %dma_start3A_862 = arith.constant 0 : i32
        %dma_start3A_863 = tpu.memref_slice %arg11[%add3A_670, %dma_start3A_862] : memref<250x80xi32, #tpu.memory_space<vmem>> -> memref<1x80xi32, #tpu.memory_space<vmem>>
        %dma_start3A_864 = tpu.memref_squeeze %dma_start3A_863 : memref<1x80xi32, #tpu.memory_space<vmem>> -> memref<80xi32, #tpu.memory_space<vmem>>
        %dma_start3A_865 = arith.constant 0 : i32
        %dma_start3A_866 = arith.constant 0 : i32
        %dma_start3A_867 = tpu.memref_slice %arg9[%arg0, %dma_start3A_865, %dma_start3A_866] : memref<2x10240x32xf32, #tpu.memory_space<hbm>> -> memref<1x10240x32xf32, #tpu.memory_space<hbm>>
        %dma_start3A_868 = tpu.memref_squeeze %dma_start3A_867 : memref<1x10240x32xf32, #tpu.memory_space<hbm>> -> memref<10240x32xf32, #tpu.memory_space<hbm>>
        %dma_start3A_869 = arith.constant 0 : i32
        %dma_start3A_870 = arith.constant 0 : i32
        %dma_start3A_871 = tpu.memref_slice %dma_start3A_868[%dma_start3A_869, %dma_start3A_870] : memref<10240x32xf32, #tpu.memory_space<hbm>> -> memref<10240x32xf32, #tpu.memory_space<hbm>>
        %dma_start3A_872 = tpu.memref_slice %arg19[%dma_start3A_857] : memref<10x!tpu.dma_semaphore, #tpu.memory_space<semaphore_mem>> -> memref<1x!tpu.dma_semaphore, #tpu.memory_space<semaphore_mem>>
        %dma_start3A_873 = tpu.memref_squeeze %dma_start3A_872 : memref<1x!tpu.dma_semaphore, #tpu.memory_space<semaphore_mem>> -> memref<!tpu.dma_semaphore, #tpu.memory_space<semaphore_mem>>
        tpu.enqueue_indirect_dma source(%dma_start3A_871 : memref<10240x32xf32, #tpu.memory_space<hbm>>) target(%dma_start3A_861 : memref<80x32xf32, #tpu.memory_space<vmem>>) offsets(%dma_start3A_864 : memref<80xi32, #tpu.memory_space<vmem>>) semaphore(%dma_start3A_873 : memref<!tpu.dma_semaphore, #tpu.memory_space<semaphore_mem>>)
      } else {
      }
      %mul3A_676 = arith.constant 10 : i32
      %mul3A_677 = arith.muli %scan3A_556, %mul3A_676 : i32
      %add3A_678 = arith.constant 4 : i32
      %add3A_679 = arith.addi %mul3A_677, %add3A_678 : i32
      %dma_wait3A_680 = arith.constant 4 : i32
      %dma_wait3A_681 = arith.constant 4 : i32
      %dma_wait3A_682 = arith.constant 0 : i32
      %dma_wait3A_683 = arith.constant 0 : i32
      %dma_wait3A_684 = tpu.memref_slice %arg13[%dma_wait3A_680, %dma_wait3A_682, %dma_wait3A_683] : memref<10x80x32xf32, #tpu.memory_space<vmem>> -> memref<1x80x32xf32, #tpu.memory_space<vmem>>
      %dma_wait3A_685 = tpu.memref_squeeze %dma_wait3A_684 : memref<1x80x32xf32, #tpu.memory_space<vmem>> -> memref<80x32xf32, #tpu.memory_space<vmem>>
      %dma_wait3A_686 = arith.constant 0 : i32
      %dma_wait3A_687 = tpu.memref_slice %arg11[%add3A_679, %dma_wait3A_686] : memref<250x80xi32, #tpu.memory_space<vmem>> -> memref<1x80xi32, #tpu.memory_space<vmem>>
      %dma_wait3A_688 = tpu.memref_squeeze %dma_wait3A_687 : memref<1x80xi32, #tpu.memory_space<vmem>> -> memref<80xi32, #tpu.memory_space<vmem>>
      %dma_wait3A_689 = arith.constant 0 : i32
      %dma_wait3A_690 = arith.constant 0 : i32
      %dma_wait3A_691 = tpu.memref_slice %arg9[%arg0, %dma_wait3A_689, %dma_wait3A_690] : memref<2x10240x32xf32, #tpu.memory_space<hbm>> -> memref<1x10240x32xf32, #tpu.memory_space<hbm>>
      %dma_wait3A_692 = tpu.memref_squeeze %dma_wait3A_691 : memref<1x10240x32xf32, #tpu.memory_space<hbm>> -> memref<10240x32xf32, #tpu.memory_space<hbm>>
      %dma_wait3A_693 = arith.constant 0 : i32
      %dma_wait3A_694 = arith.constant 0 : i32
      %dma_wait3A_695 = tpu.memref_slice %dma_wait3A_692[%dma_wait3A_693, %dma_wait3A_694] : memref<10240x32xf32, #tpu.memory_space<hbm>> -> memref<10240x32xf32, #tpu.memory_space<hbm>>
      %dma_wait3A_696 = tpu.memref_slice %arg19[%dma_wait3A_681] : memref<10x!tpu.dma_semaphore, #tpu.memory_space<semaphore_mem>> -> memref<1x!tpu.dma_semaphore, #tpu.memory_space<semaphore_mem>>
      %dma_wait3A_697 = tpu.memref_squeeze %dma_wait3A_696 : memref<1x!tpu.dma_semaphore, #tpu.memory_space<semaphore_mem>> -> memref<!tpu.dma_semaphore, #tpu.memory_space<semaphore_mem>>
      tpu.wait_indirect_dma semaphore(%dma_wait3A_697 : memref<!tpu.dma_semaphore, #tpu.memory_space<semaphore_mem>>) src(%dma_wait3A_695 : memref<10240x32xf32, #tpu.memory_space<hbm>>) dst(%dma_wait3A_685 : memref<80x32xf32, #tpu.memory_space<vmem>>)
      %run_scoped3A_698 = arith.constant 4 : i32
      "tpu.region"() ({
        %run_scoped3A_856 = tpu.sem_alloc : memref<!tpu.dma_semaphore, #tpu.memory_space<semaphore_mem>>
        %dma_start3A_857 = arith.constant 0 : i32
        %dma_start3A_858 = arith.constant 0 : i32
        %dma_start3A_859 = tpu.memref_slice %arg13[%run_scoped3A_698, %dma_start3A_857, %dma_start3A_858] : memref<10x80x32xf32, #tpu.memory_space<vmem>> -> memref<1x80x32xf32, #tpu.memory_space<vmem>>
        %dma_start3A_860 = tpu.memref_squeeze %dma_start3A_859 : memref<1x80x32xf32, #tpu.memory_space<vmem>> -> memref<80x32xf32, #tpu.memory_space<vmem>>
        %dma_start3A_861 = arith.constant 0 : i32
        %dma_start3A_862 = tpu.memref_slice %arg12[%add3A_679, %dma_start3A_861] : memref<250x80xi32, #tpu.memory_space<vmem>> -> memref<1x80xi32, #tpu.memory_space<vmem>>
        %dma_start3A_863 = tpu.memref_squeeze %dma_start3A_862 : memref<1x80xi32, #tpu.memory_space<vmem>> -> memref<80xi32, #tpu.memory_space<vmem>>
        %dma_start3A_864 = arith.constant 0 : i32
        %dma_start3A_865 = arith.constant 0 : i32
        %dma_start3A_866 = tpu.memref_slice %arg18[%dma_start3A_864, %dma_start3A_865] : memref<10240x32xf32, #tpu.memory_space<vmem_shared>> -> memref<10240x32xf32, #tpu.memory_space<vmem_shared>>
        tpu.enqueue_indirect_dma source(%dma_start3A_860 : memref<80x32xf32, #tpu.memory_space<vmem>>) target(%dma_start3A_866 : memref<10240x32xf32, #tpu.memory_space<vmem_shared>>) offsets(%dma_start3A_863 : memref<80xi32, #tpu.memory_space<vmem>>) semaphore(%run_scoped3A_856 : memref<!tpu.dma_semaphore, #tpu.memory_space<semaphore_mem>>) {add = true}
        %dma_wait3A_867 = arith.constant 0 : i32
        %dma_wait3A_868 = arith.constant 0 : i32
        %dma_wait3A_869 = tpu.memref_slice %arg13[%run_scoped3A_698, %dma_wait3A_867, %dma_wait3A_868] : memref<10x80x32xf32, #tpu.memory_space<vmem>> -> memref<1x80x32xf32, #tpu.memory_space<vmem>>
        %dma_wait3A_870 = tpu.memref_squeeze %dma_wait3A_869 : memref<1x80x32xf32, #tpu.memory_space<vmem>> -> memref<80x32xf32, #tpu.memory_space<vmem>>
        %dma_wait3A_871 = arith.constant 0 : i32
        %dma_wait3A_872 = tpu.memref_slice %arg12[%add3A_679, %dma_wait3A_871] : memref<250x80xi32, #tpu.memory_space<vmem>> -> memref<1x80xi32, #tpu.memory_space<vmem>>
        %dma_wait3A_873 = tpu.memref_squeeze %dma_wait3A_872 : memref<1x80xi32, #tpu.memory_space<vmem>> -> memref<80xi32, #tpu.memory_space<vmem>>
        %dma_wait3A_874 = arith.constant 0 : i32
        %dma_wait3A_875 = arith.constant 0 : i32
        %dma_wait3A_876 = tpu.memref_slice %arg18[%dma_wait3A_874, %dma_wait3A_875] : memref<10240x32xf32, #tpu.memory_space<vmem_shared>> -> memref<10240x32xf32, #tpu.memory_space<vmem_shared>>
        tpu.wait_indirect_dma semaphore(%run_scoped3A_856 : memref<!tpu.dma_semaphore, #tpu.memory_space<semaphore_mem>>) src(%dma_wait3A_870 : memref<80x32xf32, #tpu.memory_space<vmem>>) dst(%dma_wait3A_876 : memref<10240x32xf32, #tpu.memory_space<vmem_shared>>)
        tpu.yield
      }) : () -> ()
      %add3A_699 = arith.constant 10 : i32
      %add3A_700 = arith.addi %add3A_679, %add3A_699 : i32
      %lt3A_701 = arith.constant 250 : i32
      %lt3A_702 = arith.cmpi slt, %add3A_700, %lt3A_701 : i32
      %convert_element_type3A_703 = arith.extui %lt3A_702 : i1 to i32
      %cond3A_704 = arith.constant 0 : i32
      %cond3A_705 = arith.cmpi ne, %convert_element_type3A_703, %cond3A_704 : i32
      scf.if %cond3A_705 {
        %dma_start3A_856 = arith.constant 4 : i32
        %dma_start3A_857 = arith.constant 4 : i32
        %dma_start3A_858 = arith.constant 0 : i32
        %dma_start3A_859 = arith.constant 0 : i32
        %dma_start3A_860 = tpu.memref_slice %arg13[%dma_start3A_856, %dma_start3A_858, %dma_start3A_859] : memref<10x80x32xf32, #tpu.memory_space<vmem>> -> memref<1x80x32xf32, #tpu.memory_space<vmem>>
        %dma_start3A_861 = tpu.memref_squeeze %dma_start3A_860 : memref<1x80x32xf32, #tpu.memory_space<vmem>> -> memref<80x32xf32, #tpu.memory_space<vmem>>
        %dma_start3A_862 = arith.constant 0 : i32
        %dma_start3A_863 = tpu.memref_slice %arg11[%add3A_700, %dma_start3A_862] : memref<250x80xi32, #tpu.memory_space<vmem>> -> memref<1x80xi32, #tpu.memory_space<vmem>>
        %dma_start3A_864 = tpu.memref_squeeze %dma_start3A_863 : memref<1x80xi32, #tpu.memory_space<vmem>> -> memref<80xi32, #tpu.memory_space<vmem>>
        %dma_start3A_865 = arith.constant 0 : i32
        %dma_start3A_866 = arith.constant 0 : i32
        %dma_start3A_867 = tpu.memref_slice %arg9[%arg0, %dma_start3A_865, %dma_start3A_866] : memref<2x10240x32xf32, #tpu.memory_space<hbm>> -> memref<1x10240x32xf32, #tpu.memory_space<hbm>>
        %dma_start3A_868 = tpu.memref_squeeze %dma_start3A_867 : memref<1x10240x32xf32, #tpu.memory_space<hbm>> -> memref<10240x32xf32, #tpu.memory_space<hbm>>
        %dma_start3A_869 = arith.constant 0 : i32
        %dma_start3A_870 = arith.constant 0 : i32
        %dma_start3A_871 = tpu.memref_slice %dma_start3A_868[%dma_start3A_869, %dma_start3A_870] : memref<10240x32xf32, #tpu.memory_space<hbm>> -> memref<10240x32xf32, #tpu.memory_space<hbm>>
        %dma_start3A_872 = tpu.memref_slice %arg19[%dma_start3A_857] : memref<10x!tpu.dma_semaphore, #tpu.memory_space<semaphore_mem>> -> memref<1x!tpu.dma_semaphore, #tpu.memory_space<semaphore_mem>>
        %dma_start3A_873 = tpu.memref_squeeze %dma_start3A_872 : memref<1x!tpu.dma_semaphore, #tpu.memory_space<semaphore_mem>> -> memref<!tpu.dma_semaphore, #tpu.memory_space<semaphore_mem>>
        tpu.enqueue_indirect_dma source(%dma_start3A_871 : memref<10240x32xf32, #tpu.memory_space<hbm>>) target(%dma_start3A_861 : memref<80x32xf32, #tpu.memory_space<vmem>>) offsets(%dma_start3A_864 : memref<80xi32, #tpu.memory_space<vmem>>) semaphore(%dma_start3A_873 : memref<!tpu.dma_semaphore, #tpu.memory_space<semaphore_mem>>)
      } else {
      }
      %mul3A_706 = arith.constant 10 : i32
      %mul3A_707 = arith.muli %scan3A_556, %mul3A_706 : i32
      %add3A_708 = arith.constant 5 : i32
      %add3A_709 = arith.addi %mul3A_707, %add3A_708 : i32
      %dma_wait3A_710 = arith.constant 5 : i32
      %dma_wait3A_711 = arith.constant 5 : i32
      %dma_wait3A_712 = arith.constant 0 : i32
      %dma_wait3A_713 = arith.constant 0 : i32
      %dma_wait3A_714 = tpu.memref_slice %arg13[%dma_wait3A_710, %dma_wait3A_712, %dma_wait3A_713] : memref<10x80x32xf32, #tpu.memory_space<vmem>> -> memref<1x80x32xf32, #tpu.memory_space<vmem>>
      %dma_wait3A_715 = tpu.memref_squeeze %dma_wait3A_714 : memref<1x80x32xf32, #tpu.memory_space<vmem>> -> memref<80x32xf32, #tpu.memory_space<vmem>>
      %dma_wait3A_716 = arith.constant 0 : i32
      %dma_wait3A_717 = tpu.memref_slice %arg11[%add3A_709, %dma_wait3A_716] : memref<250x80xi32, #tpu.memory_space<vmem>> -> memref<1x80xi32, #tpu.memory_space<vmem>>
      %dma_wait3A_718 = tpu.memref_squeeze %dma_wait3A_717 : memref<1x80xi32, #tpu.memory_space<vmem>> -> memref<80xi32, #tpu.memory_space<vmem>>
      %dma_wait3A_719 = arith.constant 0 : i32
      %dma_wait3A_720 = arith.constant 0 : i32
      %dma_wait3A_721 = tpu.memref_slice %arg9[%arg0, %dma_wait3A_719, %dma_wait3A_720] : memref<2x10240x32xf32, #tpu.memory_space<hbm>> -> memref<1x10240x32xf32, #tpu.memory_space<hbm>>
      %dma_wait3A_722 = tpu.memref_squeeze %dma_wait3A_721 : memref<1x10240x32xf32, #tpu.memory_space<hbm>> -> memref<10240x32xf32, #tpu.memory_space<hbm>>
      %dma_wait3A_723 = arith.constant 0 : i32
      %dma_wait3A_724 = arith.constant 0 : i32
      %dma_wait3A_725 = tpu.memref_slice %dma_wait3A_722[%dma_wait3A_723, %dma_wait3A_724] : memref<10240x32xf32, #tpu.memory_space<hbm>> -> memref<10240x32xf32, #tpu.memory_space<hbm>>
      %dma_wait3A_726 = tpu.memref_slice %arg19[%dma_wait3A_711] : memref<10x!tpu.dma_semaphore, #tpu.memory_space<semaphore_mem>> -> memref<1x!tpu.dma_semaphore, #tpu.memory_space<semaphore_mem>>
      %dma_wait3A_727 = tpu.memref_squeeze %dma_wait3A_726 : memref<1x!tpu.dma_semaphore, #tpu.memory_space<semaphore_mem>> -> memref<!tpu.dma_semaphore, #tpu.memory_space<semaphore_mem>>
      tpu.wait_indirect_dma semaphore(%dma_wait3A_727 : memref<!tpu.dma_semaphore, #tpu.memory_space<semaphore_mem>>) src(%dma_wait3A_725 : memref<10240x32xf32, #tpu.memory_space<hbm>>) dst(%dma_wait3A_715 : memref<80x32xf32, #tpu.memory_space<vmem>>)
      %run_scoped3A_728 = arith.constant 5 : i32
      "tpu.region"() ({
        %run_scoped3A_856 = tpu.sem_alloc : memref<!tpu.dma_semaphore, #tpu.memory_space<semaphore_mem>>
        %dma_start3A_857 = arith.constant 0 : i32
        %dma_start3A_858 = arith.constant 0 : i32
        %dma_start3A_859 = tpu.memref_slice %arg13[%run_scoped3A_728, %dma_start3A_857, %dma_start3A_858] : memref<10x80x32xf32, #tpu.memory_space<vmem>> -> memref<1x80x32xf32, #tpu.memory_space<vmem>>
        %dma_start3A_860 = tpu.memref_squeeze %dma_start3A_859 : memref<1x80x32xf32, #tpu.memory_space<vmem>> -> memref<80x32xf32, #tpu.memory_space<vmem>>
        %dma_start3A_861 = arith.constant 0 : i32
        %dma_start3A_862 = tpu.memref_slice %arg12[%add3A_709, %dma_start3A_861] : memref<250x80xi32, #tpu.memory_space<vmem>> -> memref<1x80xi32, #tpu.memory_space<vmem>>
        %dma_start3A_863 = tpu.memref_squeeze %dma_start3A_862 : memref<1x80xi32, #tpu.memory_space<vmem>> -> memref<80xi32, #tpu.memory_space<vmem>>
        %dma_start3A_864 = arith.constant 0 : i32
        %dma_start3A_865 = arith.constant 0 : i32
        %dma_start3A_866 = tpu.memref_slice %arg18[%dma_start3A_864, %dma_start3A_865] : memref<10240x32xf32, #tpu.memory_space<vmem_shared>> -> memref<10240x32xf32, #tpu.memory_space<vmem_shared>>
        tpu.enqueue_indirect_dma source(%dma_start3A_860 : memref<80x32xf32, #tpu.memory_space<vmem>>) target(%dma_start3A_866 : memref<10240x32xf32, #tpu.memory_space<vmem_shared>>) offsets(%dma_start3A_863 : memref<80xi32, #tpu.memory_space<vmem>>) semaphore(%run_scoped3A_856 : memref<!tpu.dma_semaphore, #tpu.memory_space<semaphore_mem>>) {add = true}
        %dma_wait3A_867 = arith.constant 0 : i32
        %dma_wait3A_868 = arith.constant 0 : i32
        %dma_wait3A_869 = tpu.memref_slice %arg13[%run_scoped3A_728, %dma_wait3A_867, %dma_wait3A_868] : memref<10x80x32xf32, #tpu.memory_space<vmem>> -> memref<1x80x32xf32, #tpu.memory_space<vmem>>
        %dma_wait3A_870 = tpu.memref_squeeze %dma_wait3A_869 : memref<1x80x32xf32, #tpu.memory_space<vmem>> -> memref<80x32xf32, #tpu.memory_space<vmem>>
        %dma_wait3A_871 = arith.constant 0 : i32
        %dma_wait3A_872 = tpu.memref_slice %arg12[%add3A_709, %dma_wait3A_871] : memref<250x80xi32, #tpu.memory_space<vmem>> -> memref<1x80xi32, #tpu.memory_space<vmem>>
        %dma_wait3A_873 = tpu.memref_squeeze %dma_wait3A_872 : memref<1x80xi32, #tpu.memory_space<vmem>> -> memref<80xi32, #tpu.memory_space<vmem>>
        %dma_wait3A_874 = arith.constant 0 : i32
        %dma_wait3A_875 = arith.constant 0 : i32
        %dma_wait3A_876 = tpu.memref_slice %arg18[%dma_wait3A_874, %dma_wait3A_875] : memref<10240x32xf32, #tpu.memory_space<vmem_shared>> -> memref<10240x32xf32, #tpu.memory_space<vmem_shared>>
        tpu.wait_indirect_dma semaphore(%run_scoped3A_856 : memref<!tpu.dma_semaphore, #tpu.memory_space<semaphore_mem>>) src(%dma_wait3A_870 : memref<80x32xf32, #tpu.memory_space<vmem>>) dst(%dma_wait3A_876 : memref<10240x32xf32, #tpu.memory_space<vmem_shared>>)
        tpu.yield
      }) : () -> ()
      %add3A_729 = arith.constant 10 : i32
      %add3A_730 = arith.addi %add3A_709, %add3A_729 : i32
      %lt3A_731 = arith.constant 250 : i32
      %lt3A_732 = arith.cmpi slt, %add3A_730, %lt3A_731 : i32
      %convert_element_type3A_733 = arith.extui %lt3A_732 : i1 to i32
      %cond3A_734 = arith.constant 0 : i32
      %cond3A_735 = arith.cmpi ne, %convert_element_type3A_733, %cond3A_734 : i32
      scf.if %cond3A_735 {
        %dma_start3A_856 = arith.constant 5 : i32
        %dma_start3A_857 = arith.constant 5 : i32
        %dma_start3A_858 = arith.constant 0 : i32
        %dma_start3A_859 = arith.constant 0 : i32
        %dma_start3A_860 = tpu.memref_slice %arg13[%dma_start3A_856, %dma_start3A_858, %dma_start3A_859] : memref<10x80x32xf32, #tpu.memory_space<vmem>> -> memref<1x80x32xf32, #tpu.memory_space<vmem>>
        %dma_start3A_861 = tpu.memref_squeeze %dma_start3A_860 : memref<1x80x32xf32, #tpu.memory_space<vmem>> -> memref<80x32xf32, #tpu.memory_space<vmem>>
        %dma_start3A_862 = arith.constant 0 : i32
        %dma_start3A_863 = tpu.memref_slice %arg11[%add3A_730, %dma_start3A_862] : memref<250x80xi32, #tpu.memory_space<vmem>> -> memref<1x80xi32, #tpu.memory_space<vmem>>
        %dma_start3A_864 = tpu.memref_squeeze %dma_start3A_863 : memref<1x80xi32, #tpu.memory_space<vmem>> -> memref<80xi32, #tpu.memory_space<vmem>>
        %dma_start3A_865 = arith.constant 0 : i32
        %dma_start3A_866 = arith.constant 0 : i32
        %dma_start3A_867 = tpu.memref_slice %arg9[%arg0, %dma_start3A_865, %dma_start3A_866] : memref<2x10240x32xf32, #tpu.memory_space<hbm>> -> memref<1x10240x32xf32, #tpu.memory_space<hbm>>
        %dma_start3A_868 = tpu.memref_squeeze %dma_start3A_867 : memref<1x10240x32xf32, #tpu.memory_space<hbm>> -> memref<10240x32xf32, #tpu.memory_space<hbm>>
        %dma_start3A_869 = arith.constant 0 : i32
        %dma_start3A_870 = arith.constant 0 : i32
        %dma_start3A_871 = tpu.memref_slice %dma_start3A_868[%dma_start3A_869, %dma_start3A_870] : memref<10240x32xf32, #tpu.memory_space<hbm>> -> memref<10240x32xf32, #tpu.memory_space<hbm>>
        %dma_start3A_872 = tpu.memref_slice %arg19[%dma_start3A_857] : memref<10x!tpu.dma_semaphore, #tpu.memory_space<semaphore_mem>> -> memref<1x!tpu.dma_semaphore, #tpu.memory_space<semaphore_mem>>
        %dma_start3A_873 = tpu.memref_squeeze %dma_start3A_872 : memref<1x!tpu.dma_semaphore, #tpu.memory_space<semaphore_mem>> -> memref<!tpu.dma_semaphore, #tpu.memory_space<semaphore_mem>>
        tpu.enqueue_indirect_dma source(%dma_start3A_871 : memref<10240x32xf32, #tpu.memory_space<hbm>>) target(%dma_start3A_861 : memref<80x32xf32, #tpu.memory_space<vmem>>) offsets(%dma_start3A_864 : memref<80xi32, #tpu.memory_space<vmem>>) semaphore(%dma_start3A_873 : memref<!tpu.dma_semaphore, #tpu.memory_space<semaphore_mem>>)
      } else {
      }
      %mul3A_736 = arith.constant 10 : i32
      %mul3A_737 = arith.muli %scan3A_556, %mul3A_736 : i32
      %add3A_738 = arith.constant 6 : i32
      %add3A_739 = arith.addi %mul3A_737, %add3A_738 : i32
      %dma_wait3A_740 = arith.constant 6 : i32
      %dma_wait3A_741 = arith.constant 6 : i32
      %dma_wait3A_742 = arith.constant 0 : i32
      %dma_wait3A_743 = arith.constant 0 : i32
      %dma_wait3A_744 = tpu.memref_slice %arg13[%dma_wait3A_740, %dma_wait3A_742, %dma_wait3A_743] : memref<10x80x32xf32, #tpu.memory_space<vmem>> -> memref<1x80x32xf32, #tpu.memory_space<vmem>>
      %dma_wait3A_745 = tpu.memref_squeeze %dma_wait3A_744 : memref<1x80x32xf32, #tpu.memory_space<vmem>> -> memref<80x32xf32, #tpu.memory_space<vmem>>
      %dma_wait3A_746 = arith.constant 0 : i32
      %dma_wait3A_747 = tpu.memref_slice %arg11[%add3A_739, %dma_wait3A_746] : memref<250x80xi32, #tpu.memory_space<vmem>> -> memref<1x80xi32, #tpu.memory_space<vmem>>
      %dma_wait3A_748 = tpu.memref_squeeze %dma_wait3A_747 : memref<1x80xi32, #tpu.memory_space<vmem>> -> memref<80xi32, #tpu.memory_space<vmem>>
      %dma_wait3A_749 = arith.constant 0 : i32
      %dma_wait3A_750 = arith.constant 0 : i32
      %dma_wait3A_751 = tpu.memref_slice %arg9[%arg0, %dma_wait3A_749, %dma_wait3A_750] : memref<2x10240x32xf32, #tpu.memory_space<hbm>> -> memref<1x10240x32xf32, #tpu.memory_space<hbm>>
      %dma_wait3A_752 = tpu.memref_squeeze %dma_wait3A_751 : memref<1x10240x32xf32, #tpu.memory_space<hbm>> -> memref<10240x32xf32, #tpu.memory_space<hbm>>
      %dma_wait3A_753 = arith.constant 0 : i32
      %dma_wait3A_754 = arith.constant 0 : i32
      %dma_wait3A_755 = tpu.memref_slice %dma_wait3A_752[%dma_wait3A_753, %dma_wait3A_754] : memref<10240x32xf32, #tpu.memory_space<hbm>> -> memref<10240x32xf32, #tpu.memory_space<hbm>>
      %dma_wait3A_756 = tpu.memref_slice %arg19[%dma_wait3A_741] : memref<10x!tpu.dma_semaphore, #tpu.memory_space<semaphore_mem>> -> memref<1x!tpu.dma_semaphore, #tpu.memory_space<semaphore_mem>>
      %dma_wait3A_757 = tpu.memref_squeeze %dma_wait3A_756 : memref<1x!tpu.dma_semaphore, #tpu.memory_space<semaphore_mem>> -> memref<!tpu.dma_semaphore, #tpu.memory_space<semaphore_mem>>
      tpu.wait_indirect_dma semaphore(%dma_wait3A_757 : memref<!tpu.dma_semaphore, #tpu.memory_space<semaphore_mem>>) src(%dma_wait3A_755 : memref<10240x32xf32, #tpu.memory_space<hbm>>) dst(%dma_wait3A_745 : memref<80x32xf32, #tpu.memory_space<vmem>>)
      %run_scoped3A_758 = arith.constant 6 : i32
      "tpu.region"() ({
        %run_scoped3A_856 = tpu.sem_alloc : memref<!tpu.dma_semaphore, #tpu.memory_space<semaphore_mem>>
        %dma_start3A_857 = arith.constant 0 : i32
        %dma_start3A_858 = arith.constant 0 : i32
        %dma_start3A_859 = tpu.memref_slice %arg13[%run_scoped3A_758, %dma_start3A_857, %dma_start3A_858] : memref<10x80x32xf32, #tpu.memory_space<vmem>> -> memref<1x80x32xf32, #tpu.memory_space<vmem>>
        %dma_start3A_860 = tpu.memref_squeeze %dma_start3A_859 : memref<1x80x32xf32, #tpu.memory_space<vmem>> -> memref<80x32xf32, #tpu.memory_space<vmem>>
        %dma_start3A_861 = arith.constant 0 : i32
        %dma_start3A_862 = tpu.memref_slice %arg12[%add3A_739, %dma_start3A_861] : memref<250x80xi32, #tpu.memory_space<vmem>> -> memref<1x80xi32, #tpu.memory_space<vmem>>
        %dma_start3A_863 = tpu.memref_squeeze %dma_start3A_862 : memref<1x80xi32, #tpu.memory_space<vmem>> -> memref<80xi32, #tpu.memory_space<vmem>>
        %dma_start3A_864 = arith.constant 0 : i32
        %dma_start3A_865 = arith.constant 0 : i32
        %dma_start3A_866 = tpu.memref_slice %arg18[%dma_start3A_864, %dma_start3A_865] : memref<10240x32xf32, #tpu.memory_space<vmem_shared>> -> memref<10240x32xf32, #tpu.memory_space<vmem_shared>>
        tpu.enqueue_indirect_dma source(%dma_start3A_860 : memref<80x32xf32, #tpu.memory_space<vmem>>) target(%dma_start3A_866 : memref<10240x32xf32, #tpu.memory_space<vmem_shared>>) offsets(%dma_start3A_863 : memref<80xi32, #tpu.memory_space<vmem>>) semaphore(%run_scoped3A_856 : memref<!tpu.dma_semaphore, #tpu.memory_space<semaphore_mem>>) {add = true}
        %dma_wait3A_867 = arith.constant 0 : i32
        %dma_wait3A_868 = arith.constant 0 : i32
        %dma_wait3A_869 = tpu.memref_slice %arg13[%run_scoped3A_758, %dma_wait3A_867, %dma_wait3A_868] : memref<10x80x32xf32, #tpu.memory_space<vmem>> -> memref<1x80x32xf32, #tpu.memory_space<vmem>>
        %dma_wait3A_870 = tpu.memref_squeeze %dma_wait3A_869 : memref<1x80x32xf32, #tpu.memory_space<vmem>> -> memref<80x32xf32, #tpu.memory_space<vmem>>
        %dma_wait3A_871 = arith.constant 0 : i32
        %dma_wait3A_872 = tpu.memref_slice %arg12[%add3A_739, %dma_wait3A_871] : memref<250x80xi32, #tpu.memory_space<vmem>> -> memref<1x80xi32, #tpu.memory_space<vmem>>
        %dma_wait3A_873 = tpu.memref_squeeze %dma_wait3A_872 : memref<1x80xi32, #tpu.memory_space<vmem>> -> memref<80xi32, #tpu.memory_space<vmem>>
        %dma_wait3A_874 = arith.constant 0 : i32
        %dma_wait3A_875 = arith.constant 0 : i32
        %dma_wait3A_876 = tpu.memref_slice %arg18[%dma_wait3A_874, %dma_wait3A_875] : memref<10240x32xf32, #tpu.memory_space<vmem_shared>> -> memref<10240x32xf32, #tpu.memory_space<vmem_shared>>
        tpu.wait_indirect_dma semaphore(%run_scoped3A_856 : memref<!tpu.dma_semaphore, #tpu.memory_space<semaphore_mem>>) src(%dma_wait3A_870 : memref<80x32xf32, #tpu.memory_space<vmem>>) dst(%dma_wait3A_876 : memref<10240x32xf32, #tpu.memory_space<vmem_shared>>)
        tpu.yield
      }) : () -> ()
      %add3A_759 = arith.constant 10 : i32
      %add3A_760 = arith.addi %add3A_739, %add3A_759 : i32
      %lt3A_761 = arith.constant 250 : i32
      %lt3A_762 = arith.cmpi slt, %add3A_760, %lt3A_761 : i32
      %convert_element_type3A_763 = arith.extui %lt3A_762 : i1 to i32
      %cond3A_764 = arith.constant 0 : i32
      %cond3A_765 = arith.cmpi ne, %convert_element_type3A_763, %cond3A_764 : i32
      scf.if %cond3A_765 {
        %dma_start3A_856 = arith.constant 6 : i32
        %dma_start3A_857 = arith.constant 6 : i32
        %dma_start3A_858 = arith.constant 0 : i32
        %dma_start3A_859 = arith.constant 0 : i32
        %dma_start3A_860 = tpu.memref_slice %arg13[%dma_start3A_856, %dma_start3A_858, %dma_start3A_859] : memref<10x80x32xf32, #tpu.memory_space<vmem>> -> memref<1x80x32xf32, #tpu.memory_space<vmem>>
        %dma_start3A_861 = tpu.memref_squeeze %dma_start3A_860 : memref<1x80x32xf32, #tpu.memory_space<vmem>> -> memref<80x32xf32, #tpu.memory_space<vmem>>
        %dma_start3A_862 = arith.constant 0 : i32
        %dma_start3A_863 = tpu.memref_slice %arg11[%add3A_760, %dma_start3A_862] : memref<250x80xi32, #tpu.memory_space<vmem>> -> memref<1x80xi32, #tpu.memory_space<vmem>>
        %dma_start3A_864 = tpu.memref_squeeze %dma_start3A_863 : memref<1x80xi32, #tpu.memory_space<vmem>> -> memref<80xi32, #tpu.memory_space<vmem>>
        %dma_start3A_865 = arith.constant 0 : i32
        %dma_start3A_866 = arith.constant 0 : i32
        %dma_start3A_867 = tpu.memref_slice %arg9[%arg0, %dma_start3A_865, %dma_start3A_866] : memref<2x10240x32xf32, #tpu.memory_space<hbm>> -> memref<1x10240x32xf32, #tpu.memory_space<hbm>>
        %dma_start3A_868 = tpu.memref_squeeze %dma_start3A_867 : memref<1x10240x32xf32, #tpu.memory_space<hbm>> -> memref<10240x32xf32, #tpu.memory_space<hbm>>
        %dma_start3A_869 = arith.constant 0 : i32
        %dma_start3A_870 = arith.constant 0 : i32
        %dma_start3A_871 = tpu.memref_slice %dma_start3A_868[%dma_start3A_869, %dma_start3A_870] : memref<10240x32xf32, #tpu.memory_space<hbm>> -> memref<10240x32xf32, #tpu.memory_space<hbm>>
        %dma_start3A_872 = tpu.memref_slice %arg19[%dma_start3A_857] : memref<10x!tpu.dma_semaphore, #tpu.memory_space<semaphore_mem>> -> memref<1x!tpu.dma_semaphore, #tpu.memory_space<semaphore_mem>>
        %dma_start3A_873 = tpu.memref_squeeze %dma_start3A_872 : memref<1x!tpu.dma_semaphore, #tpu.memory_space<semaphore_mem>> -> memref<!tpu.dma_semaphore, #tpu.memory_space<semaphore_mem>>
        tpu.enqueue_indirect_dma source(%dma_start3A_871 : memref<10240x32xf32, #tpu.memory_space<hbm>>) target(%dma_start3A_861 : memref<80x32xf32, #tpu.memory_space<vmem>>) offsets(%dma_start3A_864 : memref<80xi32, #tpu.memory_space<vmem>>) semaphore(%dma_start3A_873 : memref<!tpu.dma_semaphore, #tpu.memory_space<semaphore_mem>>)
      } else {
      }
      %mul3A_766 = arith.constant 10 : i32
      %mul3A_767 = arith.muli %scan3A_556, %mul3A_766 : i32
      %add3A_768 = arith.constant 7 : i32
      %add3A_769 = arith.addi %mul3A_767, %add3A_768 : i32
      %dma_wait3A_770 = arith.constant 7 : i32
      %dma_wait3A_771 = arith.constant 7 : i32
      %dma_wait3A_772 = arith.constant 0 : i32
      %dma_wait3A_773 = arith.constant 0 : i32
      %dma_wait3A_774 = tpu.memref_slice %arg13[%dma_wait3A_770, %dma_wait3A_772, %dma_wait3A_773] : memref<10x80x32xf32, #tpu.memory_space<vmem>> -> memref<1x80x32xf32, #tpu.memory_space<vmem>>
      %dma_wait3A_775 = tpu.memref_squeeze %dma_wait3A_774 : memref<1x80x32xf32, #tpu.memory_space<vmem>> -> memref<80x32xf32, #tpu.memory_space<vmem>>
      %dma_wait3A_776 = arith.constant 0 : i32
      %dma_wait3A_777 = tpu.memref_slice %arg11[%add3A_769, %dma_wait3A_776] : memref<250x80xi32, #tpu.memory_space<vmem>> -> memref<1x80xi32, #tpu.memory_space<vmem>>
      %dma_wait3A_778 = tpu.memref_squeeze %dma_wait3A_777 : memref<1x80xi32, #tpu.memory_space<vmem>> -> memref<80xi32, #tpu.memory_space<vmem>>
      %dma_wait3A_779 = arith.constant 0 : i32
      %dma_wait3A_780 = arith.constant 0 : i32
      %dma_wait3A_781 = tpu.memref_slice %arg9[%arg0, %dma_wait3A_779, %dma_wait3A_780] : memref<2x10240x32xf32, #tpu.memory_space<hbm>> -> memref<1x10240x32xf32, #tpu.memory_space<hbm>>
      %dma_wait3A_782 = tpu.memref_squeeze %dma_wait3A_781 : memref<1x10240x32xf32, #tpu.memory_space<hbm>> -> memref<10240x32xf32, #tpu.memory_space<hbm>>
      %dma_wait3A_783 = arith.constant 0 : i32
      %dma_wait3A_784 = arith.constant 0 : i32
      %dma_wait3A_785 = tpu.memref_slice %dma_wait3A_782[%dma_wait3A_783, %dma_wait3A_784] : memref<10240x32xf32, #tpu.memory_space<hbm>> -> memref<10240x32xf32, #tpu.memory_space<hbm>>
      %dma_wait3A_786 = tpu.memref_slice %arg19[%dma_wait3A_771] : memref<10x!tpu.dma_semaphore, #tpu.memory_space<semaphore_mem>> -> memref<1x!tpu.dma_semaphore, #tpu.memory_space<semaphore_mem>>
      %dma_wait3A_787 = tpu.memref_squeeze %dma_wait3A_786 : memref<1x!tpu.dma_semaphore, #tpu.memory_space<semaphore_mem>> -> memref<!tpu.dma_semaphore, #tpu.memory_space<semaphore_mem>>
      tpu.wait_indirect_dma semaphore(%dma_wait3A_787 : memref<!tpu.dma_semaphore, #tpu.memory_space<semaphore_mem>>) src(%dma_wait3A_785 : memref<10240x32xf32, #tpu.memory_space<hbm>>) dst(%dma_wait3A_775 : memref<80x32xf32, #tpu.memory_space<vmem>>)
      %run_scoped3A_788 = arith.constant 7 : i32
      "tpu.region"() ({
        %run_scoped3A_856 = tpu.sem_alloc : memref<!tpu.dma_semaphore, #tpu.memory_space<semaphore_mem>>
        %dma_start3A_857 = arith.constant 0 : i32
        %dma_start3A_858 = arith.constant 0 : i32
        %dma_start3A_859 = tpu.memref_slice %arg13[%run_scoped3A_788, %dma_start3A_857, %dma_start3A_858] : memref<10x80x32xf32, #tpu.memory_space<vmem>> -> memref<1x80x32xf32, #tpu.memory_space<vmem>>
        %dma_start3A_860 = tpu.memref_squeeze %dma_start3A_859 : memref<1x80x32xf32, #tpu.memory_space<vmem>> -> memref<80x32xf32, #tpu.memory_space<vmem>>
        %dma_start3A_861 = arith.constant 0 : i32
        %dma_start3A_862 = tpu.memref_slice %arg12[%add3A_769, %dma_start3A_861] : memref<250x80xi32, #tpu.memory_space<vmem>> -> memref<1x80xi32, #tpu.memory_space<vmem>>
        %dma_start3A_863 = tpu.memref_squeeze %dma_start3A_862 : memref<1x80xi32, #tpu.memory_space<vmem>> -> memref<80xi32, #tpu.memory_space<vmem>>
        %dma_start3A_864 = arith.constant 0 : i32
        %dma_start3A_865 = arith.constant 0 : i32
        %dma_start3A_866 = tpu.memref_slice %arg18[%dma_start3A_864, %dma_start3A_865] : memref<10240x32xf32, #tpu.memory_space<vmem_shared>> -> memref<10240x32xf32, #tpu.memory_space<vmem_shared>>
        tpu.enqueue_indirect_dma source(%dma_start3A_860 : memref<80x32xf32, #tpu.memory_space<vmem>>) target(%dma_start3A_866 : memref<10240x32xf32, #tpu.memory_space<vmem_shared>>) offsets(%dma_start3A_863 : memref<80xi32, #tpu.memory_space<vmem>>) semaphore(%run_scoped3A_856 : memref<!tpu.dma_semaphore, #tpu.memory_space<semaphore_mem>>) {add = true}
        %dma_wait3A_867 = arith.constant 0 : i32
        %dma_wait3A_868 = arith.constant 0 : i32
        %dma_wait3A_869 = tpu.memref_slice %arg13[%run_scoped3A_788, %dma_wait3A_867, %dma_wait3A_868] : memref<10x80x32xf32, #tpu.memory_space<vmem>> -> memref<1x80x32xf32, #tpu.memory_space<vmem>>
        %dma_wait3A_870 = tpu.memref_squeeze %dma_wait3A_869 : memref<1x80x32xf32, #tpu.memory_space<vmem>> -> memref<80x32xf32, #tpu.memory_space<vmem>>
        %dma_wait3A_871 = arith.constant 0 : i32
        %dma_wait3A_872 = tpu.memref_slice %arg12[%add3A_769, %dma_wait3A_871] : memref<250x80xi32, #tpu.memory_space<vmem>> -> memref<1x80xi32, #tpu.memory_space<vmem>>
        %dma_wait3A_873 = tpu.memref_squeeze %dma_wait3A_872 : memref<1x80xi32, #tpu.memory_space<vmem>> -> memref<80xi32, #tpu.memory_space<vmem>>
        %dma_wait3A_874 = arith.constant 0 : i32
        %dma_wait3A_875 = arith.constant 0 : i32
        %dma_wait3A_876 = tpu.memref_slice %arg18[%dma_wait3A_874, %dma_wait3A_875] : memref<10240x32xf32, #tpu.memory_space<vmem_shared>> -> memref<10240x32xf32, #tpu.memory_space<vmem_shared>>
        tpu.wait_indirect_dma semaphore(%run_scoped3A_856 : memref<!tpu.dma_semaphore, #tpu.memory_space<semaphore_mem>>) src(%dma_wait3A_870 : memref<80x32xf32, #tpu.memory_space<vmem>>) dst(%dma_wait3A_876 : memref<10240x32xf32, #tpu.memory_space<vmem_shared>>)
        tpu.yield
      }) : () -> ()
      %add3A_789 = arith.constant 10 : i32
      %add3A_790 = arith.addi %add3A_769, %add3A_789 : i32
      %lt3A_791 = arith.constant 250 : i32
      %lt3A_792 = arith.cmpi slt, %add3A_790, %lt3A_791 : i32
      %convert_element_type3A_793 = arith.extui %lt3A_792 : i1 to i32
      %cond3A_794 = arith.constant 0 : i32
      %cond3A_795 = arith.cmpi ne, %convert_element_type3A_793, %cond3A_794 : i32
      scf.if %cond3A_795 {
        %dma_start3A_856 = arith.constant 7 : i32
        %dma_start3A_857 = arith.constant 7 : i32
        %dma_start3A_858 = arith.constant 0 : i32
        %dma_start3A_859 = arith.constant 0 : i32
        %dma_start3A_860 = tpu.memref_slice %arg13[%dma_start3A_856, %dma_start3A_858, %dma_start3A_859] : memref<10x80x32xf32, #tpu.memory_space<vmem>> -> memref<1x80x32xf32, #tpu.memory_space<vmem>>
        %dma_start3A_861 = tpu.memref_squeeze %dma_start3A_860 : memref<1x80x32xf32, #tpu.memory_space<vmem>> -> memref<80x32xf32, #tpu.memory_space<vmem>>
        %dma_start3A_862 = arith.constant 0 : i32
        %dma_start3A_863 = tpu.memref_slice %arg11[%add3A_790, %dma_start3A_862] : memref<250x80xi32, #tpu.memory_space<vmem>> -> memref<1x80xi32, #tpu.memory_space<vmem>>
        %dma_start3A_864 = tpu.memref_squeeze %dma_start3A_863 : memref<1x80xi32, #tpu.memory_space<vmem>> -> memref<80xi32, #tpu.memory_space<vmem>>
        %dma_start3A_865 = arith.constant 0 : i32
        %dma_start3A_866 = arith.constant 0 : i32
        %dma_start3A_867 = tpu.memref_slice %arg9[%arg0, %dma_start3A_865, %dma_start3A_866] : memref<2x10240x32xf32, #tpu.memory_space<hbm>> -> memref<1x10240x32xf32, #tpu.memory_space<hbm>>
        %dma_start3A_868 = tpu.memref_squeeze %dma_start3A_867 : memref<1x10240x32xf32, #tpu.memory_space<hbm>> -> memref<10240x32xf32, #tpu.memory_space<hbm>>
        %dma_start3A_869 = arith.constant 0 : i32
        %dma_start3A_870 = arith.constant 0 : i32
        %dma_start3A_871 = tpu.memref_slice %dma_start3A_868[%dma_start3A_869, %dma_start3A_870] : memref<10240x32xf32, #tpu.memory_space<hbm>> -> memref<10240x32xf32, #tpu.memory_space<hbm>>
        %dma_start3A_872 = tpu.memref_slice %arg19[%dma_start3A_857] : memref<10x!tpu.dma_semaphore, #tpu.memory_space<semaphore_mem>> -> memref<1x!tpu.dma_semaphore, #tpu.memory_space<semaphore_mem>>
        %dma_start3A_873 = tpu.memref_squeeze %dma_start3A_872 : memref<1x!tpu.dma_semaphore, #tpu.memory_space<semaphore_mem>> -> memref<!tpu.dma_semaphore, #tpu.memory_space<semaphore_mem>>
        tpu.enqueue_indirect_dma source(%dma_start3A_871 : memref<10240x32xf32, #tpu.memory_space<hbm>>) target(%dma_start3A_861 : memref<80x32xf32, #tpu.memory_space<vmem>>) offsets(%dma_start3A_864 : memref<80xi32, #tpu.memory_space<vmem>>) semaphore(%dma_start3A_873 : memref<!tpu.dma_semaphore, #tpu.memory_space<semaphore_mem>>)
      } else {
      }
      %mul3A_796 = arith.constant 10 : i32
      %mul3A_797 = arith.muli %scan3A_556, %mul3A_796 : i32
      %add3A_798 = arith.constant 8 : i32
      %add3A_799 = arith.addi %mul3A_797, %add3A_798 : i32
      %dma_wait3A_800 = arith.constant 8 : i32
      %dma_wait3A_801 = arith.constant 8 : i32
      %dma_wait3A_802 = arith.constant 0 : i32
      %dma_wait3A_803 = arith.constant 0 : i32
      %dma_wait3A_804 = tpu.memref_slice %arg13[%dma_wait3A_800, %dma_wait3A_802, %dma_wait3A_803] : memref<10x80x32xf32, #tpu.memory_space<vmem>> -> memref<1x80x32xf32, #tpu.memory_space<vmem>>
      %dma_wait3A_805 = tpu.memref_squeeze %dma_wait3A_804 : memref<1x80x32xf32, #tpu.memory_space<vmem>> -> memref<80x32xf32, #tpu.memory_space<vmem>>
      %dma_wait3A_806 = arith.constant 0 : i32
      %dma_wait3A_807 = tpu.memref_slice %arg11[%add3A_799, %dma_wait3A_806] : memref<250x80xi32, #tpu.memory_space<vmem>> -> memref<1x80xi32, #tpu.memory_space<vmem>>
      %dma_wait3A_808 = tpu.memref_squeeze %dma_wait3A_807 : memref<1x80xi32, #tpu.memory_space<vmem>> -> memref<80xi32, #tpu.memory_space<vmem>>
      %dma_wait3A_809 = arith.constant 0 : i32
      %dma_wait3A_810 = arith.constant 0 : i32
      %dma_wait3A_811 = tpu.memref_slice %arg9[%arg0, %dma_wait3A_809, %dma_wait3A_810] : memref<2x10240x32xf32, #tpu.memory_space<hbm>> -> memref<1x10240x32xf32, #tpu.memory_space<hbm>>
      %dma_wait3A_812 = tpu.memref_squeeze %dma_wait3A_811 : memref<1x10240x32xf32, #tpu.memory_space<hbm>> -> memref<10240x32xf32, #tpu.memory_space<hbm>>
      %dma_wait3A_813 = arith.constant 0 : i32
      %dma_wait3A_814 = arith.constant 0 : i32
      %dma_wait3A_815 = tpu.memref_slice %dma_wait3A_812[%dma_wait3A_813, %dma_wait3A_814] : memref<10240x32xf32, #tpu.memory_space<hbm>> -> memref<10240x32xf32, #tpu.memory_space<hbm>>
      %dma_wait3A_816 = tpu.memref_slice %arg19[%dma_wait3A_801] : memref<10x!tpu.dma_semaphore, #tpu.memory_space<semaphore_mem>> -> memref<1x!tpu.dma_semaphore, #tpu.memory_space<semaphore_mem>>
      %dma_wait3A_817 = tpu.memref_squeeze %dma_wait3A_816 : memref<1x!tpu.dma_semaphore, #tpu.memory_space<semaphore_mem>> -> memref<!tpu.dma_semaphore, #tpu.memory_space<semaphore_mem>>
      tpu.wait_indirect_dma semaphore(%dma_wait3A_817 : memref<!tpu.dma_semaphore, #tpu.memory_space<semaphore_mem>>) src(%dma_wait3A_815 : memref<10240x32xf32, #tpu.memory_space<hbm>>) dst(%dma_wait3A_805 : memref<80x32xf32, #tpu.memory_space<vmem>>)
      %run_scoped3A_818 = arith.constant 8 : i32
      "tpu.region"() ({
        %run_scoped3A_856 = tpu.sem_alloc : memref<!tpu.dma_semaphore, #tpu.memory_space<semaphore_mem>>
        %dma_start3A_857 = arith.constant 0 : i32
        %dma_start3A_858 = arith.constant 0 : i32
        %dma_start3A_859 = tpu.memref_slice %arg13[%run_scoped3A_818, %dma_start3A_857, %dma_start3A_858] : memref<10x80x32xf32, #tpu.memory_space<vmem>> -> memref<1x80x32xf32, #tpu.memory_space<vmem>>
        %dma_start3A_860 = tpu.memref_squeeze %dma_start3A_859 : memref<1x80x32xf32, #tpu.memory_space<vmem>> -> memref<80x32xf32, #tpu.memory_space<vmem>>
        %dma_start3A_861 = arith.constant 0 : i32
        %dma_start3A_862 = tpu.memref_slice %arg12[%add3A_799, %dma_start3A_861] : memref<250x80xi32, #tpu.memory_space<vmem>> -> memref<1x80xi32, #tpu.memory_space<vmem>>
        %dma_start3A_863 = tpu.memref_squeeze %dma_start3A_862 : memref<1x80xi32, #tpu.memory_space<vmem>> -> memref<80xi32, #tpu.memory_space<vmem>>
        %dma_start3A_864 = arith.constant 0 : i32
        %dma_start3A_865 = arith.constant 0 : i32
        %dma_start3A_866 = tpu.memref_slice %arg18[%dma_start3A_864, %dma_start3A_865] : memref<10240x32xf32, #tpu.memory_space<vmem_shared>> -> memref<10240x32xf32, #tpu.memory_space<vmem_shared>>
        tpu.enqueue_indirect_dma source(%dma_start3A_860 : memref<80x32xf32, #tpu.memory_space<vmem>>) target(%dma_start3A_866 : memref<10240x32xf32, #tpu.memory_space<vmem_shared>>) offsets(%dma_start3A_863 : memref<80xi32, #tpu.memory_space<vmem>>) semaphore(%run_scoped3A_856 : memref<!tpu.dma_semaphore, #tpu.memory_space<semaphore_mem>>) {add = true}
        %dma_wait3A_867 = arith.constant 0 : i32
        %dma_wait3A_868 = arith.constant 0 : i32
        %dma_wait3A_869 = tpu.memref_slice %arg13[%run_scoped3A_818, %dma_wait3A_867, %dma_wait3A_868] : memref<10x80x32xf32, #tpu.memory_space<vmem>> -> memref<1x80x32xf32, #tpu.memory_space<vmem>>
        %dma_wait3A_870 = tpu.memref_squeeze %dma_wait3A_869 : memref<1x80x32xf32, #tpu.memory_space<vmem>> -> memref<80x32xf32, #tpu.memory_space<vmem>>
        %dma_wait3A_871 = arith.constant 0 : i32
        %dma_wait3A_872 = tpu.memref_slice %arg12[%add3A_799, %dma_wait3A_871] : memref<250x80xi32, #tpu.memory_space<vmem>> -> memref<1x80xi32, #tpu.memory_space<vmem>>
        %dma_wait3A_873 = tpu.memref_squeeze %dma_wait3A_872 : memref<1x80xi32, #tpu.memory_space<vmem>> -> memref<80xi32, #tpu.memory_space<vmem>>
        %dma_wait3A_874 = arith.constant 0 : i32
        %dma_wait3A_875 = arith.constant 0 : i32
        %dma_wait3A_876 = tpu.memref_slice %arg18[%dma_wait3A_874, %dma_wait3A_875] : memref<10240x32xf32, #tpu.memory_space<vmem_shared>> -> memref<10240x32xf32, #tpu.memory_space<vmem_shared>>
        tpu.wait_indirect_dma semaphore(%run_scoped3A_856 : memref<!tpu.dma_semaphore, #tpu.memory_space<semaphore_mem>>) src(%dma_wait3A_870 : memref<80x32xf32, #tpu.memory_space<vmem>>) dst(%dma_wait3A_876 : memref<10240x32xf32, #tpu.memory_space<vmem_shared>>)
        tpu.yield
      }) : () -> ()
      %add3A_819 = arith.constant 10 : i32
      %add3A_820 = arith.addi %add3A_799, %add3A_819 : i32
      %lt3A_821 = arith.constant 250 : i32
      %lt3A_822 = arith.cmpi slt, %add3A_820, %lt3A_821 : i32
      %convert_element_type3A_823 = arith.extui %lt3A_822 : i1 to i32
      %cond3A_824 = arith.constant 0 : i32
      %cond3A_825 = arith.cmpi ne, %convert_element_type3A_823, %cond3A_824 : i32
      scf.if %cond3A_825 {
        %dma_start3A_856 = arith.constant 8 : i32
        %dma_start3A_857 = arith.constant 8 : i32
        %dma_start3A_858 = arith.constant 0 : i32
        %dma_start3A_859 = arith.constant 0 : i32
        %dma_start3A_860 = tpu.memref_slice %arg13[%dma_start3A_856, %dma_start3A_858, %dma_start3A_859] : memref<10x80x32xf32, #tpu.memory_space<vmem>> -> memref<1x80x32xf32, #tpu.memory_space<vmem>>
        %dma_start3A_861 = tpu.memref_squeeze %dma_start3A_860 : memref<1x80x32xf32, #tpu.memory_space<vmem>> -> memref<80x32xf32, #tpu.memory_space<vmem>>
        %dma_start3A_862 = arith.constant 0 : i32
        %dma_start3A_863 = tpu.memref_slice %arg11[%add3A_820, %dma_start3A_862] : memref<250x80xi32, #tpu.memory_space<vmem>> -> memref<1x80xi32, #tpu.memory_space<vmem>>
        %dma_start3A_864 = tpu.memref_squeeze %dma_start3A_863 : memref<1x80xi32, #tpu.memory_space<vmem>> -> memref<80xi32, #tpu.memory_space<vmem>>
        %dma_start3A_865 = arith.constant 0 : i32
        %dma_start3A_866 = arith.constant 0 : i32
        %dma_start3A_867 = tpu.memref_slice %arg9[%arg0, %dma_start3A_865, %dma_start3A_866] : memref<2x10240x32xf32, #tpu.memory_space<hbm>> -> memref<1x10240x32xf32, #tpu.memory_space<hbm>>
        %dma_start3A_868 = tpu.memref_squeeze %dma_start3A_867 : memref<1x10240x32xf32, #tpu.memory_space<hbm>> -> memref<10240x32xf32, #tpu.memory_space<hbm>>
        %dma_start3A_869 = arith.constant 0 : i32
        %dma_start3A_870 = arith.constant 0 : i32
        %dma_start3A_871 = tpu.memref_slice %dma_start3A_868[%dma_start3A_869, %dma_start3A_870] : memref<10240x32xf32, #tpu.memory_space<hbm>> -> memref<10240x32xf32, #tpu.memory_space<hbm>>
        %dma_start3A_872 = tpu.memref_slice %arg19[%dma_start3A_857] : memref<10x!tpu.dma_semaphore, #tpu.memory_space<semaphore_mem>> -> memref<1x!tpu.dma_semaphore, #tpu.memory_space<semaphore_mem>>
        %dma_start3A_873 = tpu.memref_squeeze %dma_start3A_872 : memref<1x!tpu.dma_semaphore, #tpu.memory_space<semaphore_mem>> -> memref<!tpu.dma_semaphore, #tpu.memory_space<semaphore_mem>>
        tpu.enqueue_indirect_dma source(%dma_start3A_871 : memref<10240x32xf32, #tpu.memory_space<hbm>>) target(%dma_start3A_861 : memref<80x32xf32, #tpu.memory_space<vmem>>) offsets(%dma_start3A_864 : memref<80xi32, #tpu.memory_space<vmem>>) semaphore(%dma_start3A_873 : memref<!tpu.dma_semaphore, #tpu.memory_space<semaphore_mem>>)
      } else {
      }
      %mul3A_826 = arith.constant 10 : i32
      %mul3A_827 = arith.muli %scan3A_556, %mul3A_826 : i32
      %add3A_828 = arith.constant 9 : i32
      %add3A_829 = arith.addi %mul3A_827, %add3A_828 : i32
      %dma_wait3A_830 = arith.constant 9 : i32
      %dma_wait3A_831 = arith.constant 9 : i32
      %dma_wait3A_832 = arith.constant 0 : i32
      %dma_wait3A_833 = arith.constant 0 : i32
      %dma_wait3A_834 = tpu.memref_slice %arg13[%dma_wait3A_830, %dma_wait3A_832, %dma_wait3A_833] : memref<10x80x32xf32, #tpu.memory_space<vmem>> -> memref<1x80x32xf32, #tpu.memory_space<vmem>>
      %dma_wait3A_835 = tpu.memref_squeeze %dma_wait3A_834 : memref<1x80x32xf32, #tpu.memory_space<vmem>> -> memref<80x32xf32, #tpu.memory_space<vmem>>
      %dma_wait3A_836 = arith.constant 0 : i32
      %dma_wait3A_837 = tpu.memref_slice %arg11[%add3A_829, %dma_wait3A_836] : memref<250x80xi32, #tpu.memory_space<vmem>> -> memref<1x80xi32, #tpu.memory_space<vmem>>
      %dma_wait3A_838 = tpu.memref_squeeze %dma_wait3A_837 : memref<1x80xi32, #tpu.memory_space<vmem>> -> memref<80xi32, #tpu.memory_space<vmem>>
      %dma_wait3A_839 = arith.constant 0 : i32
      %dma_wait3A_840 = arith.constant 0 : i32
      %dma_wait3A_841 = tpu.memref_slice %arg9[%arg0, %dma_wait3A_839, %dma_wait3A_840] : memref<2x10240x32xf32, #tpu.memory_space<hbm>> -> memref<1x10240x32xf32, #tpu.memory_space<hbm>>
      %dma_wait3A_842 = tpu.memref_squeeze %dma_wait3A_841 : memref<1x10240x32xf32, #tpu.memory_space<hbm>> -> memref<10240x32xf32, #tpu.memory_space<hbm>>
      %dma_wait3A_843 = arith.constant 0 : i32
      %dma_wait3A_844 = arith.constant 0 : i32
      %dma_wait3A_845 = tpu.memref_slice %dma_wait3A_842[%dma_wait3A_843, %dma_wait3A_844] : memref<10240x32xf32, #tpu.memory_space<hbm>> -> memref<10240x32xf32, #tpu.memory_space<hbm>>
      %dma_wait3A_846 = tpu.memref_slice %arg19[%dma_wait3A_831] : memref<10x!tpu.dma_semaphore, #tpu.memory_space<semaphore_mem>> -> memref<1x!tpu.dma_semaphore, #tpu.memory_space<semaphore_mem>>
      %dma_wait3A_847 = tpu.memref_squeeze %dma_wait3A_846 : memref<1x!tpu.dma_semaphore, #tpu.memory_space<semaphore_mem>> -> memref<!tpu.dma_semaphore, #tpu.memory_space<semaphore_mem>>
      tpu.wait_indirect_dma semaphore(%dma_wait3A_847 : memref<!tpu.dma_semaphore, #tpu.memory_space<semaphore_mem>>) src(%dma_wait3A_845 : memref<10240x32xf32, #tpu.memory_space<hbm>>) dst(%dma_wait3A_835 : memref<80x32xf32, #tpu.memory_space<vmem>>)
      %run_scoped3A_848 = arith.constant 9 : i32
      "tpu.region"() ({
        %run_scoped3A_856 = tpu.sem_alloc : memref<!tpu.dma_semaphore, #tpu.memory_space<semaphore_mem>>
        %dma_start3A_857 = arith.constant 0 : i32
        %dma_start3A_858 = arith.constant 0 : i32
        %dma_start3A_859 = tpu.memref_slice %arg13[%run_scoped3A_848, %dma_start3A_857, %dma_start3A_858] : memref<10x80x32xf32, #tpu.memory_space<vmem>> -> memref<1x80x32xf32, #tpu.memory_space<vmem>>
        %dma_start3A_860 = tpu.memref_squeeze %dma_start3A_859 : memref<1x80x32xf32, #tpu.memory_space<vmem>> -> memref<80x32xf32, #tpu.memory_space<vmem>>
        %dma_start3A_861 = arith.constant 0 : i32
        %dma_start3A_862 = tpu.memref_slice %arg12[%add3A_829, %dma_start3A_861] : memref<250x80xi32, #tpu.memory_space<vmem>> -> memref<1x80xi32, #tpu.memory_space<vmem>>
        %dma_start3A_863 = tpu.memref_squeeze %dma_start3A_862 : memref<1x80xi32, #tpu.memory_space<vmem>> -> memref<80xi32, #tpu.memory_space<vmem>>
        %dma_start3A_864 = arith.constant 0 : i32
        %dma_start3A_865 = arith.constant 0 : i32
        %dma_start3A_866 = tpu.memref_slice %arg18[%dma_start3A_864, %dma_start3A_865] : memref<10240x32xf32, #tpu.memory_space<vmem_shared>> -> memref<10240x32xf32, #tpu.memory_space<vmem_shared>>
        tpu.enqueue_indirect_dma source(%dma_start3A_860 : memref<80x32xf32, #tpu.memory_space<vmem>>) target(%dma_start3A_866 : memref<10240x32xf32, #tpu.memory_space<vmem_shared>>) offsets(%dma_start3A_863 : memref<80xi32, #tpu.memory_space<vmem>>) semaphore(%run_scoped3A_856 : memref<!tpu.dma_semaphore, #tpu.memory_space<semaphore_mem>>) {add = true}
        %dma_wait3A_867 = arith.constant 0 : i32
        %dma_wait3A_868 = arith.constant 0 : i32
        %dma_wait3A_869 = tpu.memref_slice %arg13[%run_scoped3A_848, %dma_wait3A_867, %dma_wait3A_868] : memref<10x80x32xf32, #tpu.memory_space<vmem>> -> memref<1x80x32xf32, #tpu.memory_space<vmem>>
        %dma_wait3A_870 = tpu.memref_squeeze %dma_wait3A_869 : memref<1x80x32xf32, #tpu.memory_space<vmem>> -> memref<80x32xf32, #tpu.memory_space<vmem>>
        %dma_wait3A_871 = arith.constant 0 : i32
        %dma_wait3A_872 = tpu.memref_slice %arg12[%add3A_829, %dma_wait3A_871] : memref<250x80xi32, #tpu.memory_space<vmem>> -> memref<1x80xi32, #tpu.memory_space<vmem>>
        %dma_wait3A_873 = tpu.memref_squeeze %dma_wait3A_872 : memref<1x80xi32, #tpu.memory_space<vmem>> -> memref<80xi32, #tpu.memory_space<vmem>>
        %dma_wait3A_874 = arith.constant 0 : i32
        %dma_wait3A_875 = arith.constant 0 : i32
        %dma_wait3A_876 = tpu.memref_slice %arg18[%dma_wait3A_874, %dma_wait3A_875] : memref<10240x32xf32, #tpu.memory_space<vmem_shared>> -> memref<10240x32xf32, #tpu.memory_space<vmem_shared>>
        tpu.wait_indirect_dma semaphore(%run_scoped3A_856 : memref<!tpu.dma_semaphore, #tpu.memory_space<semaphore_mem>>) src(%dma_wait3A_870 : memref<80x32xf32, #tpu.memory_space<vmem>>) dst(%dma_wait3A_876 : memref<10240x32xf32, #tpu.memory_space<vmem_shared>>)
        tpu.yield
      }) : () -> ()
      %add3A_849 = arith.constant 10 : i32
      %add3A_850 = arith.addi %add3A_829, %add3A_849 : i32
      %lt3A_851 = arith.constant 250 : i32
      %lt3A_852 = arith.cmpi slt, %add3A_850, %lt3A_851 : i32
      %convert_element_type3A_853 = arith.extui %lt3A_852 : i1 to i32
      %cond3A_854 = arith.constant 0 : i32
      %cond3A_855 = arith.cmpi ne, %convert_element_type3A_853, %cond3A_854 : i32
      scf.if %cond3A_855 {
        %dma_start3A_856 = arith.constant 9 : i32
        %dma_start3A_857 = arith.constant 9 : i32
        %dma_start3A_858 = arith.constant 0 : i32
        %dma_start3A_859 = arith.constant 0 : i32
        %dma_start3A_860 = tpu.memref_slice %arg13[%dma_start3A_856, %dma_start3A_858, %dma_start3A_859] : memref<10x80x32xf32, #tpu.memory_space<vmem>> -> memref<1x80x32xf32, #tpu.memory_space<vmem>>
        %dma_start3A_861 = tpu.memref_squeeze %dma_start3A_860 : memref<1x80x32xf32, #tpu.memory_space<vmem>> -> memref<80x32xf32, #tpu.memory_space<vmem>>
        %dma_start3A_862 = arith.constant 0 : i32
        %dma_start3A_863 = tpu.memref_slice %arg11[%add3A_850, %dma_start3A_862] : memref<250x80xi32, #tpu.memory_space<vmem>> -> memref<1x80xi32, #tpu.memory_space<vmem>>
        %dma_start3A_864 = tpu.memref_squeeze %dma_start3A_863 : memref<1x80xi32, #tpu.memory_space<vmem>> -> memref<80xi32, #tpu.memory_space<vmem>>
        %dma_start3A_865 = arith.constant 0 : i32
        %dma_start3A_866 = arith.constant 0 : i32
        %dma_start3A_867 = tpu.memref_slice %arg9[%arg0, %dma_start3A_865, %dma_start3A_866] : memref<2x10240x32xf32, #tpu.memory_space<hbm>> -> memref<1x10240x32xf32, #tpu.memory_space<hbm>>
        %dma_start3A_868 = tpu.memref_squeeze %dma_start3A_867 : memref<1x10240x32xf32, #tpu.memory_space<hbm>> -> memref<10240x32xf32, #tpu.memory_space<hbm>>
        %dma_start3A_869 = arith.constant 0 : i32
        %dma_start3A_870 = arith.constant 0 : i32
        %dma_start3A_871 = tpu.memref_slice %dma_start3A_868[%dma_start3A_869, %dma_start3A_870] : memref<10240x32xf32, #tpu.memory_space<hbm>> -> memref<10240x32xf32, #tpu.memory_space<hbm>>
        %dma_start3A_872 = tpu.memref_slice %arg19[%dma_start3A_857] : memref<10x!tpu.dma_semaphore, #tpu.memory_space<semaphore_mem>> -> memref<1x!tpu.dma_semaphore, #tpu.memory_space<semaphore_mem>>
        %dma_start3A_873 = tpu.memref_squeeze %dma_start3A_872 : memref<1x!tpu.dma_semaphore, #tpu.memory_space<semaphore_mem>> -> memref<!tpu.dma_semaphore, #tpu.memory_space<semaphore_mem>>
        tpu.enqueue_indirect_dma source(%dma_start3A_871 : memref<10240x32xf32, #tpu.memory_space<hbm>>) target(%dma_start3A_861 : memref<80x32xf32, #tpu.memory_space<vmem>>) offsets(%dma_start3A_864 : memref<80xi32, #tpu.memory_space<vmem>>) semaphore(%dma_start3A_873 : memref<!tpu.dma_semaphore, #tpu.memory_space<semaphore_mem>>)
      } else {
      }
    }
    %scan3A_217 = arith.constant 25 : i32
    %barrier3A_218 = arith.constant 0 : index
    tpu.barrier barrier_id(%barrier3A_218)
    %add3A_219 = arith.constant 0 : i32
    %add3A_220 = arith.addi %mul3A_0, %add3A_219 : i32
    %run_scoped3A_221 = arith.constant 0 : i32
    "tpu.region"() ({
      %run_scoped3A_556 = tpu.sem_alloc : memref<!tpu.dma_semaphore, #tpu.memory_space<semaphore_mem>>
      %dma_start3A_557 = arith.constant 0 : i32
      %dma_start3A_558 = arith.constant 0 : i32
      %dma_start3A_559 = tpu.memref_slice %arg13[%run_scoped3A_221, %dma_start3A_557, %dma_start3A_558] : memref<10x80x32xf32, #tpu.memory_space<vmem>> -> memref<1x80x32xf32, #tpu.memory_space<vmem>>
      %dma_start3A_560 = tpu.memref_squeeze %dma_start3A_559 : memref<1x80x32xf32, #tpu.memory_space<vmem>> -> memref<80x32xf32, #tpu.memory_space<vmem>>
      %dma_start3A_561 = arith.constant 0 : i32
      %dma_start3A_562 = tpu.memref_slice %arg18[%add3A_220, %dma_start3A_561] : memref<10240x32xf32, #tpu.memory_space<vmem_shared>> -> memref<80x32xf32, #tpu.memory_space<vmem_shared>>
      %dma_start3A_563 = arith.constant 0 : i32
      %dma_start3A_564 = arith.constant 0 : i32
      %dma_start3A_565 = tpu.memref_slice %arg13[%run_scoped3A_221, %dma_start3A_563, %dma_start3A_564] : memref<10x80x32xf32, #tpu.memory_space<vmem>> -> memref<1x80x32xf32, #tpu.memory_space<vmem>>
      %dma_start3A_566 = tpu.memref_squeeze %dma_start3A_565 : memref<1x80x32xf32, #tpu.memory_space<vmem>> -> memref<80x32xf32, #tpu.memory_space<vmem>>
      %dma_start3A_567 = arith.constant 0 : i32
      %dma_start3A_568 = tpu.memref_slice %arg18[%add3A_220, %dma_start3A_567] : memref<10240x32xf32, #tpu.memory_space<vmem_shared>> -> memref<80x32xf32, #tpu.memory_space<vmem_shared>>
      tpu.enqueue_dma source(%dma_start3A_568 : memref<80x32xf32, #tpu.memory_space<vmem_shared>>) target(%dma_start3A_566 : memref<80x32xf32, #tpu.memory_space<vmem>>) target_semaphore(%run_scoped3A_556 : memref<!tpu.dma_semaphore, #tpu.memory_space<semaphore_mem>>)
      %dma_wait3A = arith.constant 0 : i32
      %dma_wait3A_569 = arith.constant 0 : i32
      %dma_wait3A_570 = tpu.memref_slice %arg13[%run_scoped3A_221, %dma_wait3A, %dma_wait3A_569] : memref<10x80x32xf32, #tpu.memory_space<vmem>> -> memref<1x80x32xf32, #tpu.memory_space<vmem>>
      %dma_wait3A_571 = tpu.memref_squeeze %dma_wait3A_570 : memref<1x80x32xf32, #tpu.memory_space<vmem>> -> memref<80x32xf32, #tpu.memory_space<vmem>>
      %dma_wait3A_572 = arith.constant 0 : i32
      %dma_wait3A_573 = tpu.memref_slice %arg18[%add3A_220, %dma_wait3A_572] : memref<10240x32xf32, #tpu.memory_space<vmem_shared>> -> memref<80x32xf32, #tpu.memory_space<vmem_shared>>
      %dma_wait3A_574 = arith.constant 0 : i32
      %dma_wait3A_575 = arith.constant 0 : i32
      %dma_wait3A_576 = tpu.memref_slice %arg13[%run_scoped3A_221, %dma_wait3A_574, %dma_wait3A_575] : memref<10x80x32xf32, #tpu.memory_space<vmem>> -> memref<1x80x32xf32, #tpu.memory_space<vmem>>
      %dma_wait3A_577 = tpu.memref_squeeze %dma_wait3A_576 : memref<1x80x32xf32, #tpu.memory_space<vmem>> -> memref<80x32xf32, #tpu.memory_space<vmem>>
      %dma_wait3A_578 = arith.constant 0 : i32
      %dma_wait3A_579 = tpu.memref_slice %arg18[%add3A_220, %dma_wait3A_578] : memref<10240x32xf32, #tpu.memory_space<vmem_shared>> -> memref<80x32xf32, #tpu.memory_space<vmem_shared>>
      tpu.wait_dma2 semaphore(%run_scoped3A_556 : memref<!tpu.dma_semaphore, #tpu.memory_space<semaphore_mem>>) src(%dma_wait3A_579 : memref<80x32xf32, #tpu.memory_space<vmem_shared>>) dst(%dma_wait3A_577 : memref<80x32xf32, #tpu.memory_space<vmem>>)
      tpu.yield
    }) : () -> ()
    %scan3A_222 = arith.constant 0 : i32
    %scan3A_223 = arith.constant 80 : i32
    %scan3A_224 = arith.addi %scan3A_222, %scan3A_223 : i32
    %scan3A_225 = arith.constant 1 : i32
    scf.for %scan3A_556 = %scan3A_222 to %scan3A_224 step %scan3A_225  : i32 {
      %add3A_557 = arith.constant 0 : i32
      %add3A_558 = arith.addi %add3A_557, %scan3A_556 : i32
      %broadcast_in_dim3A = vector.broadcast %add3A_558 : i32 to vector<16xi32>
      %gather3A = tpu.vector_load_idx %arg16[%broadcast_in_dim3A] : memref<640xf32, #tpu.memory_space<vmem>>[vector<16xi32>], vector<16xf32>,
      %mul3A_559 = arith.mulf %gather3A, %gather3A : vector<16xf32>
      %get3A = arith.constant 0 : i32
      %get3A_560 = arith.index_cast %get3A : i32 to index
      %get3A_561 = arith.index_cast %scan3A_556 : i32 to index
      %get3A_562 = arith.constant 0 : index
      %get3A_563 = tpu.vector_load %arg13[%get3A_560, %get3A_561, %get3A_562] {strides = array<i32>} : memref<10x80x32xf32, #tpu.memory_space<vmem>>, vector<16xf32>,
      %get3A_564 = arith.index_cast %add3A_558 : i32 to index
      %get3A_565 = arith.constant 0 : index
      %get3A_566 = tpu.vector_load %arg14[%get3A_564, %get3A_565] {strides = array<i32>} : memref<640x32xf32, #tpu.memory_space<vmem>>, vector<16xf32>,
      %add3A_567 = arith.addf %get3A_563, %get3A_566 : vector<16xf32>
      %mul3A_568 = arith.mulf %mul3A_559, %add3A_567 : vector<16xf32>
      %swap3A = arith.index_cast %add3A_558 : i32 to index
      %swap3A_569 = arith.constant 0 : index
      %swap3A_570 = tpu.vector_load %arg14[%swap3A, %swap3A_569] {strides = array<i32>} : memref<640x32xf32, #tpu.memory_space<vmem>>, vector<16xf32>,
      tpu.vector_store %arg14[%swap3A, %swap3A_569], %mul3A_568 {strides = array<i32>} : memref<640x32xf32, #tpu.memory_space<vmem>>, vector<16xf32>,
      %get3A_571 = arith.constant 0 : i32
      %get3A_572 = arith.index_cast %get3A_571 : i32 to index
      %get3A_573 = arith.index_cast %scan3A_556 : i32 to index
      %get3A_574 = arith.constant 16 : index
      %get3A_575 = tpu.vector_load %arg13[%get3A_572, %get3A_573, %get3A_574] {strides = array<i32>} : memref<10x80x32xf32, #tpu.memory_space<vmem>>, vector<16xf32>,
      %get3A_576 = arith.index_cast %add3A_558 : i32 to index
      %get3A_577 = arith.constant 16 : index
      %get3A_578 = tpu.vector_load %arg14[%get3A_576, %get3A_577] {strides = array<i32>} : memref<640x32xf32, #tpu.memory_space<vmem>>, vector<16xf32>,
      %add3A_579 = arith.addf %get3A_575, %get3A_578 : vector<16xf32>
      %mul3A_580 = arith.mulf %mul3A_559, %add3A_579 : vector<16xf32>
      %swap3A_581 = arith.index_cast %add3A_558 : i32 to index
      %swap3A_582 = arith.constant 16 : index
      %swap3A_583 = tpu.vector_load %arg14[%swap3A_581, %swap3A_582] {strides = array<i32>} : memref<640x32xf32, #tpu.memory_space<vmem>>, vector<16xf32>,
      tpu.vector_store %arg14[%swap3A_581, %swap3A_582], %mul3A_580 {strides = array<i32>} : memref<640x32xf32, #tpu.memory_space<vmem>>, vector<16xf32>,
    }
    %scan3A_226 = arith.constant 80 : i32
    %add3A_227 = arith.constant 80 : i32
    %add3A_228 = arith.addi %mul3A_0, %add3A_227 : i32
    %run_scoped3A_229 = arith.constant 1 : i32
    "tpu.region"() ({
      %run_scoped3A_556 = tpu.sem_alloc : memref<!tpu.dma_semaphore, #tpu.memory_space<semaphore_mem>>
      %dma_start3A_557 = arith.constant 0 : i32
      %dma_start3A_558 = arith.constant 0 : i32
      %dma_start3A_559 = tpu.memref_slice %arg13[%run_scoped3A_229, %dma_start3A_557, %dma_start3A_558] : memref<10x80x32xf32, #tpu.memory_space<vmem>> -> memref<1x80x32xf32, #tpu.memory_space<vmem>>
      %dma_start3A_560 = tpu.memref_squeeze %dma_start3A_559 : memref<1x80x32xf32, #tpu.memory_space<vmem>> -> memref<80x32xf32, #tpu.memory_space<vmem>>
      %dma_start3A_561 = arith.constant 0 : i32
      %dma_start3A_562 = tpu.memref_slice %arg18[%add3A_228, %dma_start3A_561] : memref<10240x32xf32, #tpu.memory_space<vmem_shared>> -> memref<80x32xf32, #tpu.memory_space<vmem_shared>>
      %dma_start3A_563 = arith.constant 0 : i32
      %dma_start3A_564 = arith.constant 0 : i32
      %dma_start3A_565 = tpu.memref_slice %arg13[%run_scoped3A_229, %dma_start3A_563, %dma_start3A_564] : memref<10x80x32xf32, #tpu.memory_space<vmem>> -> memref<1x80x32xf32, #tpu.memory_space<vmem>>
      %dma_start3A_566 = tpu.memref_squeeze %dma_start3A_565 : memref<1x80x32xf32, #tpu.memory_space<vmem>> -> memref<80x32xf32, #tpu.memory_space<vmem>>
      %dma_start3A_567 = arith.constant 0 : i32
      %dma_start3A_568 = tpu.memref_slice %arg18[%add3A_228, %dma_start3A_567] : memref<10240x32xf32, #tpu.memory_space<vmem_shared>> -> memref<80x32xf32, #tpu.memory_space<vmem_shared>>
      tpu.enqueue_dma source(%dma_start3A_568 : memref<80x32xf32, #tpu.memory_space<vmem_shared>>) target(%dma_start3A_566 : memref<80x32xf32, #tpu.memory_space<vmem>>) target_semaphore(%run_scoped3A_556 : memref<!tpu.dma_semaphore, #tpu.memory_space<semaphore_mem>>)
      %dma_wait3A = arith.constant 0 : i32
      %dma_wait3A_569 = arith.constant 0 : i32
      %dma_wait3A_570 = tpu.memref_slice %arg13[%run_scoped3A_229, %dma_wait3A, %dma_wait3A_569] : memref<10x80x32xf32, #tpu.memory_space<vmem>> -> memref<1x80x32xf32, #tpu.memory_space<vmem>>
      %dma_wait3A_571 = tpu.memref_squeeze %dma_wait3A_570 : memref<1x80x32xf32, #tpu.memory_space<vmem>> -> memref<80x32xf32, #tpu.memory_space<vmem>>
      %dma_wait3A_572 = arith.constant 0 : i32
      %dma_wait3A_573 = tpu.memref_slice %arg18[%add3A_228, %dma_wait3A_572] : memref<10240x32xf32, #tpu.memory_space<vmem_shared>> -> memref<80x32xf32, #tpu.memory_space<vmem_shared>>
      %dma_wait3A_574 = arith.constant 0 : i32
      %dma_wait3A_575 = arith.constant 0 : i32
      %dma_wait3A_576 = tpu.memref_slice %arg13[%run_scoped3A_229, %dma_wait3A_574, %dma_wait3A_575] : memref<10x80x32xf32, #tpu.memory_space<vmem>> -> memref<1x80x32xf32, #tpu.memory_space<vmem>>
      %dma_wait3A_577 = tpu.memref_squeeze %dma_wait3A_576 : memref<1x80x32xf32, #tpu.memory_space<vmem>> -> memref<80x32xf32, #tpu.memory_space<vmem>>
      %dma_wait3A_578 = arith.constant 0 : i32
      %dma_wait3A_579 = tpu.memref_slice %arg18[%add3A_228, %dma_wait3A_578] : memref<10240x32xf32, #tpu.memory_space<vmem_shared>> -> memref<80x32xf32, #tpu.memory_space<vmem_shared>>
      tpu.wait_dma2 semaphore(%run_scoped3A_556 : memref<!tpu.dma_semaphore, #tpu.memory_space<semaphore_mem>>) src(%dma_wait3A_579 : memref<80x32xf32, #tpu.memory_space<vmem_shared>>) dst(%dma_wait3A_577 : memref<80x32xf32, #tpu.memory_space<vmem>>)
      tpu.yield
    }) : () -> ()
    %scan3A_230 = arith.constant 0 : i32
    %scan3A_231 = arith.constant 80 : i32
    %scan3A_232 = arith.addi %scan3A_230, %scan3A_231 : i32
    %scan3A_233 = arith.constant 1 : i32
    scf.for %scan3A_556 = %scan3A_230 to %scan3A_232 step %scan3A_233  : i32 {
      %add3A_557 = arith.constant 80 : i32
      %add3A_558 = arith.addi %add3A_557, %scan3A_556 : i32
      %broadcast_in_dim3A = vector.broadcast %add3A_558 : i32 to vector<16xi32>
      %gather3A = tpu.vector_load_idx %arg16[%broadcast_in_dim3A] : memref<640xf32, #tpu.memory_space<vmem>>[vector<16xi32>], vector<16xf32>,
      %mul3A_559 = arith.mulf %gather3A, %gather3A : vector<16xf32>
      %get3A = arith.constant 1 : i32
      %get3A_560 = arith.index_cast %get3A : i32 to index
      %get3A_561 = arith.index_cast %scan3A_556 : i32 to index
      %get3A_562 = arith.constant 0 : index
      %get3A_563 = tpu.vector_load %arg13[%get3A_560, %get3A_561, %get3A_562] {strides = array<i32>} : memref<10x80x32xf32, #tpu.memory_space<vmem>>, vector<16xf32>,
      %get3A_564 = arith.index_cast %add3A_558 : i32 to index
      %get3A_565 = arith.constant 0 : index
      %get3A_566 = tpu.vector_load %arg14[%get3A_564, %get3A_565] {strides = array<i32>} : memref<640x32xf32, #tpu.memory_space<vmem>>, vector<16xf32>,
      %add3A_567 = arith.addf %get3A_563, %get3A_566 : vector<16xf32>
      %mul3A_568 = arith.mulf %mul3A_559, %add3A_567 : vector<16xf32>
      %swap3A = arith.index_cast %add3A_558 : i32 to index
      %swap3A_569 = arith.constant 0 : index
      %swap3A_570 = tpu.vector_load %arg14[%swap3A, %swap3A_569] {strides = array<i32>} : memref<640x32xf32, #tpu.memory_space<vmem>>, vector<16xf32>,
      tpu.vector_store %arg14[%swap3A, %swap3A_569], %mul3A_568 {strides = array<i32>} : memref<640x32xf32, #tpu.memory_space<vmem>>, vector<16xf32>,
      %get3A_571 = arith.constant 1 : i32
      %get3A_572 = arith.index_cast %get3A_571 : i32 to index
      %get3A_573 = arith.index_cast %scan3A_556 : i32 to index
      %get3A_574 = arith.constant 16 : index
      %get3A_575 = tpu.vector_load %arg13[%get3A_572, %get3A_573, %get3A_574] {strides = array<i32>} : memref<10x80x32xf32, #tpu.memory_space<vmem>>, vector<16xf32>,
      %get3A_576 = arith.index_cast %add3A_558 : i32 to index
      %get3A_577 = arith.constant 16 : index
      %get3A_578 = tpu.vector_load %arg14[%get3A_576, %get3A_577] {strides = array<i32>} : memref<640x32xf32, #tpu.memory_space<vmem>>, vector<16xf32>,
      %add3A_579 = arith.addf %get3A_575, %get3A_578 : vector<16xf32>
      %mul3A_580 = arith.mulf %mul3A_559, %add3A_579 : vector<16xf32>
      %swap3A_581 = arith.index_cast %add3A_558 : i32 to index
      %swap3A_582 = arith.constant 16 : index
      %swap3A_583 = tpu.vector_load %arg14[%swap3A_581, %swap3A_582] {strides = array<i32>} : memref<640x32xf32, #tpu.memory_space<vmem>>, vector<16xf32>,
      tpu.vector_store %arg14[%swap3A_581, %swap3A_582], %mul3A_580 {strides = array<i32>} : memref<640x32xf32, #tpu.memory_space<vmem>>, vector<16xf32>,
    }
    %scan3A_234 = arith.constant 80 : i32
    %add3A_235 = arith.constant 160 : i32
    %add3A_236 = arith.addi %mul3A_0, %add3A_235 : i32
    %run_scoped3A_237 = arith.constant 2 : i32
    "tpu.region"() ({
      %run_scoped3A_556 = tpu.sem_alloc : memref<!tpu.dma_semaphore, #tpu.memory_space<semaphore_mem>>
      %dma_start3A_557 = arith.constant 0 : i32
      %dma_start3A_558 = arith.constant 0 : i32
      %dma_start3A_559 = tpu.memref_slice %arg13[%run_scoped3A_237, %dma_start3A_557, %dma_start3A_558] : memref<10x80x32xf32, #tpu.memory_space<vmem>> -> memref<1x80x32xf32, #tpu.memory_space<vmem>>
      %dma_start3A_560 = tpu.memref_squeeze %dma_start3A_559 : memref<1x80x32xf32, #tpu.memory_space<vmem>> -> memref<80x32xf32, #tpu.memory_space<vmem>>
      %dma_start3A_561 = arith.constant 0 : i32
      %dma_start3A_562 = tpu.memref_slice %arg18[%add3A_236, %dma_start3A_561] : memref<10240x32xf32, #tpu.memory_space<vmem_shared>> -> memref<80x32xf32, #tpu.memory_space<vmem_shared>>
      %dma_start3A_563 = arith.constant 0 : i32
      %dma_start3A_564 = arith.constant 0 : i32
      %dma_start3A_565 = tpu.memref_slice %arg13[%run_scoped3A_237, %dma_start3A_563, %dma_start3A_564] : memref<10x80x32xf32, #tpu.memory_space<vmem>> -> memref<1x80x32xf32, #tpu.memory_space<vmem>>
      %dma_start3A_566 = tpu.memref_squeeze %dma_start3A_565 : memref<1x80x32xf32, #tpu.memory_space<vmem>> -> memref<80x32xf32, #tpu.memory_space<vmem>>
      %dma_start3A_567 = arith.constant 0 : i32
      %dma_start3A_568 = tpu.memref_slice %arg18[%add3A_236, %dma_start3A_567] : memref<10240x32xf32, #tpu.memory_space<vmem_shared>> -> memref<80x32xf32, #tpu.memory_space<vmem_shared>>
      tpu.enqueue_dma source(%dma_start3A_568 : memref<80x32xf32, #tpu.memory_space<vmem_shared>>) target(%dma_start3A_566 : memref<80x32xf32, #tpu.memory_space<vmem>>) target_semaphore(%run_scoped3A_556 : memref<!tpu.dma_semaphore, #tpu.memory_space<semaphore_mem>>)
      %dma_wait3A = arith.constant 0 : i32
      %dma_wait3A_569 = arith.constant 0 : i32
      %dma_wait3A_570 = tpu.memref_slice %arg13[%run_scoped3A_237, %dma_wait3A, %dma_wait3A_569] : memref<10x80x32xf32, #tpu.memory_space<vmem>> -> memref<1x80x32xf32, #tpu.memory_space<vmem>>
      %dma_wait3A_571 = tpu.memref_squeeze %dma_wait3A_570 : memref<1x80x32xf32, #tpu.memory_space<vmem>> -> memref<80x32xf32, #tpu.memory_space<vmem>>
      %dma_wait3A_572 = arith.constant 0 : i32
      %dma_wait3A_573 = tpu.memref_slice %arg18[%add3A_236, %dma_wait3A_572] : memref<10240x32xf32, #tpu.memory_space<vmem_shared>> -> memref<80x32xf32, #tpu.memory_space<vmem_shared>>
      %dma_wait3A_574 = arith.constant 0 : i32
      %dma_wait3A_575 = arith.constant 0 : i32
      %dma_wait3A_576 = tpu.memref_slice %arg13[%run_scoped3A_237, %dma_wait3A_574, %dma_wait3A_575] : memref<10x80x32xf32, #tpu.memory_space<vmem>> -> memref<1x80x32xf32, #tpu.memory_space<vmem>>
      %dma_wait3A_577 = tpu.memref_squeeze %dma_wait3A_576 : memref<1x80x32xf32, #tpu.memory_space<vmem>> -> memref<80x32xf32, #tpu.memory_space<vmem>>
      %dma_wait3A_578 = arith.constant 0 : i32
      %dma_wait3A_579 = tpu.memref_slice %arg18[%add3A_236, %dma_wait3A_578] : memref<10240x32xf32, #tpu.memory_space<vmem_shared>> -> memref<80x32xf32, #tpu.memory_space<vmem_shared>>
      tpu.wait_dma2 semaphore(%run_scoped3A_556 : memref<!tpu.dma_semaphore, #tpu.memory_space<semaphore_mem>>) src(%dma_wait3A_579 : memref<80x32xf32, #tpu.memory_space<vmem_shared>>) dst(%dma_wait3A_577 : memref<80x32xf32, #tpu.memory_space<vmem>>)
      tpu.yield
    }) : () -> ()
    %scan3A_238 = arith.constant 0 : i32
    %scan3A_239 = arith.constant 80 : i32
    %scan3A_240 = arith.addi %scan3A_238, %scan3A_239 : i32
    %scan3A_241 = arith.constant 1 : i32
    scf.for %scan3A_556 = %scan3A_238 to %scan3A_240 step %scan3A_241  : i32 {
      %add3A_557 = arith.constant 160 : i32
      %add3A_558 = arith.addi %add3A_557, %scan3A_556 : i32
      %broadcast_in_dim3A = vector.broadcast %add3A_558 : i32 to vector<16xi32>
      %gather3A = tpu.vector_load_idx %arg16[%broadcast_in_dim3A] : memref<640xf32, #tpu.memory_space<vmem>>[vector<16xi32>], vector<16xf32>,
      %mul3A_559 = arith.mulf %gather3A, %gather3A : vector<16xf32>
      %get3A = arith.constant 2 : i32
      %get3A_560 = arith.index_cast %get3A : i32 to index
      %get3A_561 = arith.index_cast %scan3A_556 : i32 to index
      %get3A_562 = arith.constant 0 : index
      %get3A_563 = tpu.vector_load %arg13[%get3A_560, %get3A_561, %get3A_562] {strides = array<i32>} : memref<10x80x32xf32, #tpu.memory_space<vmem>>, vector<16xf32>,
      %get3A_564 = arith.index_cast %add3A_558 : i32 to index
      %get3A_565 = arith.constant 0 : index
      %get3A_566 = tpu.vector_load %arg14[%get3A_564, %get3A_565] {strides = array<i32>} : memref<640x32xf32, #tpu.memory_space<vmem>>, vector<16xf32>,
      %add3A_567 = arith.addf %get3A_563, %get3A_566 : vector<16xf32>
      %mul3A_568 = arith.mulf %mul3A_559, %add3A_567 : vector<16xf32>
      %swap3A = arith.index_cast %add3A_558 : i32 to index
      %swap3A_569 = arith.constant 0 : index
      %swap3A_570 = tpu.vector_load %arg14[%swap3A, %swap3A_569] {strides = array<i32>} : memref<640x32xf32, #tpu.memory_space<vmem>>, vector<16xf32>,
      tpu.vector_store %arg14[%swap3A, %swap3A_569], %mul3A_568 {strides = array<i32>} : memref<640x32xf32, #tpu.memory_space<vmem>>, vector<16xf32>,
      %get3A_571 = arith.constant 2 : i32
      %get3A_572 = arith.index_cast %get3A_571 : i32 to index
      %get3A_573 = arith.index_cast %scan3A_556 : i32 to index
      %get3A_574 = arith.constant 16 : index
      %get3A_575 = tpu.vector_load %arg13[%get3A_572, %get3A_573, %get3A_574] {strides = array<i32>} : memref<10x80x32xf32, #tpu.memory_space<vmem>>, vector<16xf32>,
      %get3A_576 = arith.index_cast %add3A_558 : i32 to index
      %get3A_577 = arith.constant 16 : index
      %get3A_578 = tpu.vector_load %arg14[%get3A_576, %get3A_577] {strides = array<i32>} : memref<640x32xf32, #tpu.memory_space<vmem>>, vector<16xf32>,
      %add3A_579 = arith.addf %get3A_575, %get3A_578 : vector<16xf32>
      %mul3A_580 = arith.mulf %mul3A_559, %add3A_579 : vector<16xf32>
      %swap3A_581 = arith.index_cast %add3A_558 : i32 to index
      %swap3A_582 = arith.constant 16 : index
      %swap3A_583 = tpu.vector_load %arg14[%swap3A_581, %swap3A_582] {strides = array<i32>} : memref<640x32xf32, #tpu.memory_space<vmem>>, vector<16xf32>,
      tpu.vector_store %arg14[%swap3A_581, %swap3A_582], %mul3A_580 {strides = array<i32>} : memref<640x32xf32, #tpu.memory_space<vmem>>, vector<16xf32>,
    }
    %scan3A_242 = arith.constant 80 : i32
    %add3A_243 = arith.constant 240 : i32
    %add3A_244 = arith.addi %mul3A_0, %add3A_243 : i32
    %run_scoped3A_245 = arith.constant 3 : i32
    "tpu.region"() ({
      %run_scoped3A_556 = tpu.sem_alloc : memref<!tpu.dma_semaphore, #tpu.memory_space<semaphore_mem>>
      %dma_start3A_557 = arith.constant 0 : i32
      %dma_start3A_558 = arith.constant 0 : i32
      %dma_start3A_559 = tpu.memref_slice %arg13[%run_scoped3A_245, %dma_start3A_557, %dma_start3A_558] : memref<10x80x32xf32, #tpu.memory_space<vmem>> -> memref<1x80x32xf32, #tpu.memory_space<vmem>>
      %dma_start3A_560 = tpu.memref_squeeze %dma_start3A_559 : memref<1x80x32xf32, #tpu.memory_space<vmem>> -> memref<80x32xf32, #tpu.memory_space<vmem>>
      %dma_start3A_561 = arith.constant 0 : i32
      %dma_start3A_562 = tpu.memref_slice %arg18[%add3A_244, %dma_start3A_561] : memref<10240x32xf32, #tpu.memory_space<vmem_shared>> -> memref<80x32xf32, #tpu.memory_space<vmem_shared>>
      %dma_start3A_563 = arith.constant 0 : i32
      %dma_start3A_564 = arith.constant 0 : i32
      %dma_start3A_565 = tpu.memref_slice %arg13[%run_scoped3A_245, %dma_start3A_563, %dma_start3A_564] : memref<10x80x32xf32, #tpu.memory_space<vmem>> -> memref<1x80x32xf32, #tpu.memory_space<vmem>>
      %dma_start3A_566 = tpu.memref_squeeze %dma_start3A_565 : memref<1x80x32xf32, #tpu.memory_space<vmem>> -> memref<80x32xf32, #tpu.memory_space<vmem>>
      %dma_start3A_567 = arith.constant 0 : i32
      %dma_start3A_568 = tpu.memref_slice %arg18[%add3A_244, %dma_start3A_567] : memref<10240x32xf32, #tpu.memory_space<vmem_shared>> -> memref<80x32xf32, #tpu.memory_space<vmem_shared>>
      tpu.enqueue_dma source(%dma_start3A_568 : memref<80x32xf32, #tpu.memory_space<vmem_shared>>) target(%dma_start3A_566 : memref<80x32xf32, #tpu.memory_space<vmem>>) target_semaphore(%run_scoped3A_556 : memref<!tpu.dma_semaphore, #tpu.memory_space<semaphore_mem>>)
      %dma_wait3A = arith.constant 0 : i32
      %dma_wait3A_569 = arith.constant 0 : i32
      %dma_wait3A_570 = tpu.memref_slice %arg13[%run_scoped3A_245, %dma_wait3A, %dma_wait3A_569] : memref<10x80x32xf32, #tpu.memory_space<vmem>> -> memref<1x80x32xf32, #tpu.memory_space<vmem>>
      %dma_wait3A_571 = tpu.memref_squeeze %dma_wait3A_570 : memref<1x80x32xf32, #tpu.memory_space<vmem>> -> memref<80x32xf32, #tpu.memory_space<vmem>>
      %dma_wait3A_572 = arith.constant 0 : i32
      %dma_wait3A_573 = tpu.memref_slice %arg18[%add3A_244, %dma_wait3A_572] : memref<10240x32xf32, #tpu.memory_space<vmem_shared>> -> memref<80x32xf32, #tpu.memory_space<vmem_shared>>
      %dma_wait3A_574 = arith.constant 0 : i32
      %dma_wait3A_575 = arith.constant 0 : i32
      %dma_wait3A_576 = tpu.memref_slice %arg13[%run_scoped3A_245, %dma_wait3A_574, %dma_wait3A_575] : memref<10x80x32xf32, #tpu.memory_space<vmem>> -> memref<1x80x32xf32, #tpu.memory_space<vmem>>
      %dma_wait3A_577 = tpu.memref_squeeze %dma_wait3A_576 : memref<1x80x32xf32, #tpu.memory_space<vmem>> -> memref<80x32xf32, #tpu.memory_space<vmem>>
      %dma_wait3A_578 = arith.constant 0 : i32
      %dma_wait3A_579 = tpu.memref_slice %arg18[%add3A_244, %dma_wait3A_578] : memref<10240x32xf32, #tpu.memory_space<vmem_shared>> -> memref<80x32xf32, #tpu.memory_space<vmem_shared>>
      tpu.wait_dma2 semaphore(%run_scoped3A_556 : memref<!tpu.dma_semaphore, #tpu.memory_space<semaphore_mem>>) src(%dma_wait3A_579 : memref<80x32xf32, #tpu.memory_space<vmem_shared>>) dst(%dma_wait3A_577 : memref<80x32xf32, #tpu.memory_space<vmem>>)
      tpu.yield
    }) : () -> ()
    %scan3A_246 = arith.constant 0 : i32
    %scan3A_247 = arith.constant 80 : i32
    %scan3A_248 = arith.addi %scan3A_246, %scan3A_247 : i32
    %scan3A_249 = arith.constant 1 : i32
    scf.for %scan3A_556 = %scan3A_246 to %scan3A_248 step %scan3A_249  : i32 {
      %add3A_557 = arith.constant 240 : i32
      %add3A_558 = arith.addi %add3A_557, %scan3A_556 : i32
      %broadcast_in_dim3A = vector.broadcast %add3A_558 : i32 to vector<16xi32>
      %gather3A = tpu.vector_load_idx %arg16[%broadcast_in_dim3A] : memref<640xf32, #tpu.memory_space<vmem>>[vector<16xi32>], vector<16xf32>,
      %mul3A_559 = arith.mulf %gather3A, %gather3A : vector<16xf32>
      %get3A = arith.constant 3 : i32
      %get3A_560 = arith.index_cast %get3A : i32 to index
      %get3A_561 = arith.index_cast %scan3A_556 : i32 to index
      %get3A_562 = arith.constant 0 : index
      %get3A_563 = tpu.vector_load %arg13[%get3A_560, %get3A_561, %get3A_562] {strides = array<i32>} : memref<10x80x32xf32, #tpu.memory_space<vmem>>, vector<16xf32>,
      %get3A_564 = arith.index_cast %add3A_558 : i32 to index
      %get3A_565 = arith.constant 0 : index
      %get3A_566 = tpu.vector_load %arg14[%get3A_564, %get3A_565] {strides = array<i32>} : memref<640x32xf32, #tpu.memory_space<vmem>>, vector<16xf32>,
      %add3A_567 = arith.addf %get3A_563, %get3A_566 : vector<16xf32>
      %mul3A_568 = arith.mulf %mul3A_559, %add3A_567 : vector<16xf32>
      %swap3A = arith.index_cast %add3A_558 : i32 to index
      %swap3A_569 = arith.constant 0 : index
      %swap3A_570 = tpu.vector_load %arg14[%swap3A, %swap3A_569] {strides = array<i32>} : memref<640x32xf32, #tpu.memory_space<vmem>>, vector<16xf32>,
      tpu.vector_store %arg14[%swap3A, %swap3A_569], %mul3A_568 {strides = array<i32>} : memref<640x32xf32, #tpu.memory_space<vmem>>, vector<16xf32>,
      %get3A_571 = arith.constant 3 : i32
      %get3A_572 = arith.index_cast %get3A_571 : i32 to index
      %get3A_573 = arith.index_cast %scan3A_556 : i32 to index
      %get3A_574 = arith.constant 16 : index
      %get3A_575 = tpu.vector_load %arg13[%get3A_572, %get3A_573, %get3A_574] {strides = array<i32>} : memref<10x80x32xf32, #tpu.memory_space<vmem>>, vector<16xf32>,
      %get3A_576 = arith.index_cast %add3A_558 : i32 to index
      %get3A_577 = arith.constant 16 : index
      %get3A_578 = tpu.vector_load %arg14[%get3A_576, %get3A_577] {strides = array<i32>} : memref<640x32xf32, #tpu.memory_space<vmem>>, vector<16xf32>,
      %add3A_579 = arith.addf %get3A_575, %get3A_578 : vector<16xf32>
      %mul3A_580 = arith.mulf %mul3A_559, %add3A_579 : vector<16xf32>
      %swap3A_581 = arith.index_cast %add3A_558 : i32 to index
      %swap3A_582 = arith.constant 16 : index
      %swap3A_583 = tpu.vector_load %arg14[%swap3A_581, %swap3A_582] {strides = array<i32>} : memref<640x32xf32, #tpu.memory_space<vmem>>, vector<16xf32>,
      tpu.vector_store %arg14[%swap3A_581, %swap3A_582], %mul3A_580 {strides = array<i32>} : memref<640x32xf32, #tpu.memory_space<vmem>>, vector<16xf32>,
    }
    %scan3A_250 = arith.constant 80 : i32
    %add3A_251 = arith.constant 320 : i32
    %add3A_252 = arith.addi %mul3A_0, %add3A_251 : i32
    %run_scoped3A_253 = arith.constant 4 : i32
    "tpu.region"() ({
      %run_scoped3A_556 = tpu.sem_alloc : memref<!tpu.dma_semaphore, #tpu.memory_space<semaphore_mem>>
      %dma_start3A_557 = arith.constant 0 : i32
      %dma_start3A_558 = arith.constant 0 : i32
      %dma_start3A_559 = tpu.memref_slice %arg13[%run_scoped3A_253, %dma_start3A_557, %dma_start3A_558] : memref<10x80x32xf32, #tpu.memory_space<vmem>> -> memref<1x80x32xf32, #tpu.memory_space<vmem>>
      %dma_start3A_560 = tpu.memref_squeeze %dma_start3A_559 : memref<1x80x32xf32, #tpu.memory_space<vmem>> -> memref<80x32xf32, #tpu.memory_space<vmem>>
      %dma_start3A_561 = arith.constant 0 : i32
      %dma_start3A_562 = tpu.memref_slice %arg18[%add3A_252, %dma_start3A_561] : memref<10240x32xf32, #tpu.memory_space<vmem_shared>> -> memref<80x32xf32, #tpu.memory_space<vmem_shared>>
      %dma_start3A_563 = arith.constant 0 : i32
      %dma_start3A_564 = arith.constant 0 : i32
      %dma_start3A_565 = tpu.memref_slice %arg13[%run_scoped3A_253, %dma_start3A_563, %dma_start3A_564] : memref<10x80x32xf32, #tpu.memory_space<vmem>> -> memref<1x80x32xf32, #tpu.memory_space<vmem>>
      %dma_start3A_566 = tpu.memref_squeeze %dma_start3A_565 : memref<1x80x32xf32, #tpu.memory_space<vmem>> -> memref<80x32xf32, #tpu.memory_space<vmem>>
      %dma_start3A_567 = arith.constant 0 : i32
      %dma_start3A_568 = tpu.memref_slice %arg18[%add3A_252, %dma_start3A_567] : memref<10240x32xf32, #tpu.memory_space<vmem_shared>> -> memref<80x32xf32, #tpu.memory_space<vmem_shared>>
      tpu.enqueue_dma source(%dma_start3A_568 : memref<80x32xf32, #tpu.memory_space<vmem_shared>>) target(%dma_start3A_566 : memref<80x32xf32, #tpu.memory_space<vmem>>) target_semaphore(%run_scoped3A_556 : memref<!tpu.dma_semaphore, #tpu.memory_space<semaphore_mem>>)
      %dma_wait3A = arith.constant 0 : i32
      %dma_wait3A_569 = arith.constant 0 : i32
      %dma_wait3A_570 = tpu.memref_slice %arg13[%run_scoped3A_253, %dma_wait3A, %dma_wait3A_569] : memref<10x80x32xf32, #tpu.memory_space<vmem>> -> memref<1x80x32xf32, #tpu.memory_space<vmem>>
      %dma_wait3A_571 = tpu.memref_squeeze %dma_wait3A_570 : memref<1x80x32xf32, #tpu.memory_space<vmem>> -> memref<80x32xf32, #tpu.memory_space<vmem>>
      %dma_wait3A_572 = arith.constant 0 : i32
      %dma_wait3A_573 = tpu.memref_slice %arg18[%add3A_252, %dma_wait3A_572] : memref<10240x32xf32, #tpu.memory_space<vmem_shared>> -> memref<80x32xf32, #tpu.memory_space<vmem_shared>>
      %dma_wait3A_574 = arith.constant 0 : i32
      %dma_wait3A_575 = arith.constant 0 : i32
      %dma_wait3A_576 = tpu.memref_slice %arg13[%run_scoped3A_253, %dma_wait3A_574, %dma_wait3A_575] : memref<10x80x32xf32, #tpu.memory_space<vmem>> -> memref<1x80x32xf32, #tpu.memory_space<vmem>>
      %dma_wait3A_577 = tpu.memref_squeeze %dma_wait3A_576 : memref<1x80x32xf32, #tpu.memory_space<vmem>> -> memref<80x32xf32, #tpu.memory_space<vmem>>
      %dma_wait3A_578 = arith.constant 0 : i32
      %dma_wait3A_579 = tpu.memref_slice %arg18[%add3A_252, %dma_wait3A_578] : memref<10240x32xf32, #tpu.memory_space<vmem_shared>> -> memref<80x32xf32, #tpu.memory_space<vmem_shared>>
      tpu.wait_dma2 semaphore(%run_scoped3A_556 : memref<!tpu.dma_semaphore, #tpu.memory_space<semaphore_mem>>) src(%dma_wait3A_579 : memref<80x32xf32, #tpu.memory_space<vmem_shared>>) dst(%dma_wait3A_577 : memref<80x32xf32, #tpu.memory_space<vmem>>)
      tpu.yield
    }) : () -> ()
    %scan3A_254 = arith.constant 0 : i32
    %scan3A_255 = arith.constant 80 : i32
    %scan3A_256 = arith.addi %scan3A_254, %scan3A_255 : i32
    %scan3A_257 = arith.constant 1 : i32
    scf.for %scan3A_556 = %scan3A_254 to %scan3A_256 step %scan3A_257  : i32 {
      %add3A_557 = arith.constant 320 : i32
      %add3A_558 = arith.addi %add3A_557, %scan3A_556 : i32
      %broadcast_in_dim3A = vector.broadcast %add3A_558 : i32 to vector<16xi32>
      %gather3A = tpu.vector_load_idx %arg16[%broadcast_in_dim3A] : memref<640xf32, #tpu.memory_space<vmem>>[vector<16xi32>], vector<16xf32>,
      %mul3A_559 = arith.mulf %gather3A, %gather3A : vector<16xf32>
      %get3A = arith.constant 4 : i32
      %get3A_560 = arith.index_cast %get3A : i32 to index
      %get3A_561 = arith.index_cast %scan3A_556 : i32 to index
      %get3A_562 = arith.constant 0 : index
      %get3A_563 = tpu.vector_load %arg13[%get3A_560, %get3A_561, %get3A_562] {strides = array<i32>} : memref<10x80x32xf32, #tpu.memory_space<vmem>>, vector<16xf32>,
      %get3A_564 = arith.index_cast %add3A_558 : i32 to index
      %get3A_565 = arith.constant 0 : index
      %get3A_566 = tpu.vector_load %arg14[%get3A_564, %get3A_565] {strides = array<i32>} : memref<640x32xf32, #tpu.memory_space<vmem>>, vector<16xf32>,
      %add3A_567 = arith.addf %get3A_563, %get3A_566 : vector<16xf32>
      %mul3A_568 = arith.mulf %mul3A_559, %add3A_567 : vector<16xf32>
      %swap3A = arith.index_cast %add3A_558 : i32 to index
      %swap3A_569 = arith.constant 0 : index
      %swap3A_570 = tpu.vector_load %arg14[%swap3A, %swap3A_569] {strides = array<i32>} : memref<640x32xf32, #tpu.memory_space<vmem>>, vector<16xf32>,
      tpu.vector_store %arg14[%swap3A, %swap3A_569], %mul3A_568 {strides = array<i32>} : memref<640x32xf32, #tpu.memory_space<vmem>>, vector<16xf32>,
      %get3A_571 = arith.constant 4 : i32
      %get3A_572 = arith.index_cast %get3A_571 : i32 to index
      %get3A_573 = arith.index_cast %scan3A_556 : i32 to index
      %get3A_574 = arith.constant 16 : index
      %get3A_575 = tpu.vector_load %arg13[%get3A_572, %get3A_573, %get3A_574] {strides = array<i32>} : memref<10x80x32xf32, #tpu.memory_space<vmem>>, vector<16xf32>,
      %get3A_576 = arith.index_cast %add3A_558 : i32 to index
      %get3A_577 = arith.constant 16 : index
      %get3A_578 = tpu.vector_load %arg14[%get3A_576, %get3A_577] {strides = array<i32>} : memref<640x32xf32, #tpu.memory_space<vmem>>, vector<16xf32>,
      %add3A_579 = arith.addf %get3A_575, %get3A_578 : vector<16xf32>
      %mul3A_580 = arith.mulf %mul3A_559, %add3A_579 : vector<16xf32>
      %swap3A_581 = arith.index_cast %add3A_558 : i32 to index
      %swap3A_582 = arith.constant 16 : index
      %swap3A_583 = tpu.vector_load %arg14[%swap3A_581, %swap3A_582] {strides = array<i32>} : memref<640x32xf32, #tpu.memory_space<vmem>>, vector<16xf32>,
      tpu.vector_store %arg14[%swap3A_581, %swap3A_582], %mul3A_580 {strides = array<i32>} : memref<640x32xf32, #tpu.memory_space<vmem>>, vector<16xf32>,
    }
    %scan3A_258 = arith.constant 80 : i32
    %add3A_259 = arith.constant 400 : i32
    %add3A_260 = arith.addi %mul3A_0, %add3A_259 : i32
    %run_scoped3A_261 = arith.constant 5 : i32
    "tpu.region"() ({
      %run_scoped3A_556 = tpu.sem_alloc : memref<!tpu.dma_semaphore, #tpu.memory_space<semaphore_mem>>
      %dma_start3A_557 = arith.constant 0 : i32
      %dma_start3A_558 = arith.constant 0 : i32
      %dma_start3A_559 = tpu.memref_slice %arg13[%run_scoped3A_261, %dma_start3A_557, %dma_start3A_558] : memref<10x80x32xf32, #tpu.memory_space<vmem>> -> memref<1x80x32xf32, #tpu.memory_space<vmem>>
      %dma_start3A_560 = tpu.memref_squeeze %dma_start3A_559 : memref<1x80x32xf32, #tpu.memory_space<vmem>> -> memref<80x32xf32, #tpu.memory_space<vmem>>
      %dma_start3A_561 = arith.constant 0 : i32
      %dma_start3A_562 = tpu.memref_slice %arg18[%add3A_260, %dma_start3A_561] : memref<10240x32xf32, #tpu.memory_space<vmem_shared>> -> memref<80x32xf32, #tpu.memory_space<vmem_shared>>
      %dma_start3A_563 = arith.constant 0 : i32
      %dma_start3A_564 = arith.constant 0 : i32
      %dma_start3A_565 = tpu.memref_slice %arg13[%run_scoped3A_261, %dma_start3A_563, %dma_start3A_564] : memref<10x80x32xf32, #tpu.memory_space<vmem>> -> memref<1x80x32xf32, #tpu.memory_space<vmem>>
      %dma_start3A_566 = tpu.memref_squeeze %dma_start3A_565 : memref<1x80x32xf32, #tpu.memory_space<vmem>> -> memref<80x32xf32, #tpu.memory_space<vmem>>
      %dma_start3A_567 = arith.constant 0 : i32
      %dma_start3A_568 = tpu.memref_slice %arg18[%add3A_260, %dma_start3A_567] : memref<10240x32xf32, #tpu.memory_space<vmem_shared>> -> memref<80x32xf32, #tpu.memory_space<vmem_shared>>
      tpu.enqueue_dma source(%dma_start3A_568 : memref<80x32xf32, #tpu.memory_space<vmem_shared>>) target(%dma_start3A_566 : memref<80x32xf32, #tpu.memory_space<vmem>>) target_semaphore(%run_scoped3A_556 : memref<!tpu.dma_semaphore, #tpu.memory_space<semaphore_mem>>)
      %dma_wait3A = arith.constant 0 : i32
      %dma_wait3A_569 = arith.constant 0 : i32
      %dma_wait3A_570 = tpu.memref_slice %arg13[%run_scoped3A_261, %dma_wait3A, %dma_wait3A_569] : memref<10x80x32xf32, #tpu.memory_space<vmem>> -> memref<1x80x32xf32, #tpu.memory_space<vmem>>
      %dma_wait3A_571 = tpu.memref_squeeze %dma_wait3A_570 : memref<1x80x32xf32, #tpu.memory_space<vmem>> -> memref<80x32xf32, #tpu.memory_space<vmem>>
      %dma_wait3A_572 = arith.constant 0 : i32
      %dma_wait3A_573 = tpu.memref_slice %arg18[%add3A_260, %dma_wait3A_572] : memref<10240x32xf32, #tpu.memory_space<vmem_shared>> -> memref<80x32xf32, #tpu.memory_space<vmem_shared>>
      %dma_wait3A_574 = arith.constant 0 : i32
      %dma_wait3A_575 = arith.constant 0 : i32
      %dma_wait3A_576 = tpu.memref_slice %arg13[%run_scoped3A_261, %dma_wait3A_574, %dma_wait3A_575] : memref<10x80x32xf32, #tpu.memory_space<vmem>> -> memref<1x80x32xf32, #tpu.memory_space<vmem>>
      %dma_wait3A_577 = tpu.memref_squeeze %dma_wait3A_576 : memref<1x80x32xf32, #tpu.memory_space<vmem>> -> memref<80x32xf32, #tpu.memory_space<vmem>>
      %dma_wait3A_578 = arith.constant 0 : i32
      %dma_wait3A_579 = tpu.memref_slice %arg18[%add3A_260, %dma_wait3A_578] : memref<10240x32xf32, #tpu.memory_space<vmem_shared>> -> memref<80x32xf32, #tpu.memory_space<vmem_shared>>
      tpu.wait_dma2 semaphore(%run_scoped3A_556 : memref<!tpu.dma_semaphore, #tpu.memory_space<semaphore_mem>>) src(%dma_wait3A_579 : memref<80x32xf32, #tpu.memory_space<vmem_shared>>) dst(%dma_wait3A_577 : memref<80x32xf32, #tpu.memory_space<vmem>>)
      tpu.yield
    }) : () -> ()
    %scan3A_262 = arith.constant 0 : i32
    %scan3A_263 = arith.constant 80 : i32
    %scan3A_264 = arith.addi %scan3A_262, %scan3A_263 : i32
    %scan3A_265 = arith.constant 1 : i32
    scf.for %scan3A_556 = %scan3A_262 to %scan3A_264 step %scan3A_265  : i32 {
      %add3A_557 = arith.constant 400 : i32
      %add3A_558 = arith.addi %add3A_557, %scan3A_556 : i32
      %broadcast_in_dim3A = vector.broadcast %add3A_558 : i32 to vector<16xi32>
      %gather3A = tpu.vector_load_idx %arg16[%broadcast_in_dim3A] : memref<640xf32, #tpu.memory_space<vmem>>[vector<16xi32>], vector<16xf32>,
      %mul3A_559 = arith.mulf %gather3A, %gather3A : vector<16xf32>
      %get3A = arith.constant 5 : i32
      %get3A_560 = arith.index_cast %get3A : i32 to index
      %get3A_561 = arith.index_cast %scan3A_556 : i32 to index
      %get3A_562 = arith.constant 0 : index
      %get3A_563 = tpu.vector_load %arg13[%get3A_560, %get3A_561, %get3A_562] {strides = array<i32>} : memref<10x80x32xf32, #tpu.memory_space<vmem>>, vector<16xf32>,
      %get3A_564 = arith.index_cast %add3A_558 : i32 to index
      %get3A_565 = arith.constant 0 : index
      %get3A_566 = tpu.vector_load %arg14[%get3A_564, %get3A_565] {strides = array<i32>} : memref<640x32xf32, #tpu.memory_space<vmem>>, vector<16xf32>,
      %add3A_567 = arith.addf %get3A_563, %get3A_566 : vector<16xf32>
      %mul3A_568 = arith.mulf %mul3A_559, %add3A_567 : vector<16xf32>
      %swap3A = arith.index_cast %add3A_558 : i32 to index
      %swap3A_569 = arith.constant 0 : index
      %swap3A_570 = tpu.vector_load %arg14[%swap3A, %swap3A_569] {strides = array<i32>} : memref<640x32xf32, #tpu.memory_space<vmem>>, vector<16xf32>,
      tpu.vector_store %arg14[%swap3A, %swap3A_569], %mul3A_568 {strides = array<i32>} : memref<640x32xf32, #tpu.memory_space<vmem>>, vector<16xf32>,
      %get3A_571 = arith.constant 5 : i32
      %get3A_572 = arith.index_cast %get3A_571 : i32 to index
      %get3A_573 = arith.index_cast %scan3A_556 : i32 to index
      %get3A_574 = arith.constant 16 : index
      %get3A_575 = tpu.vector_load %arg13[%get3A_572, %get3A_573, %get3A_574] {strides = array<i32>} : memref<10x80x32xf32, #tpu.memory_space<vmem>>, vector<16xf32>,
      %get3A_576 = arith.index_cast %add3A_558 : i32 to index
      %get3A_577 = arith.constant 16 : index
      %get3A_578 = tpu.vector_load %arg14[%get3A_576, %get3A_577] {strides = array<i32>} : memref<640x32xf32, #tpu.memory_space<vmem>>, vector<16xf32>,
      %add3A_579 = arith.addf %get3A_575, %get3A_578 : vector<16xf32>
      %mul3A_580 = arith.mulf %mul3A_559, %add3A_579 : vector<16xf32>
      %swap3A_581 = arith.index_cast %add3A_558 : i32 to index
      %swap3A_582 = arith.constant 16 : index
      %swap3A_583 = tpu.vector_load %arg14[%swap3A_581, %swap3A_582] {strides = array<i32>} : memref<640x32xf32, #tpu.memory_space<vmem>>, vector<16xf32>,
      tpu.vector_store %arg14[%swap3A_581, %swap3A_582], %mul3A_580 {strides = array<i32>} : memref<640x32xf32, #tpu.memory_space<vmem>>, vector<16xf32>,
    }
    %scan3A_266 = arith.constant 80 : i32
    %add3A_267 = arith.constant 480 : i32
    %add3A_268 = arith.addi %mul3A_0, %add3A_267 : i32
    %run_scoped3A_269 = arith.constant 6 : i32
    "tpu.region"() ({
      %run_scoped3A_556 = tpu.sem_alloc : memref<!tpu.dma_semaphore, #tpu.memory_space<semaphore_mem>>
      %dma_start3A_557 = arith.constant 0 : i32
      %dma_start3A_558 = arith.constant 0 : i32
      %dma_start3A_559 = tpu.memref_slice %arg13[%run_scoped3A_269, %dma_start3A_557, %dma_start3A_558] : memref<10x80x32xf32, #tpu.memory_space<vmem>> -> memref<1x80x32xf32, #tpu.memory_space<vmem>>
      %dma_start3A_560 = tpu.memref_squeeze %dma_start3A_559 : memref<1x80x32xf32, #tpu.memory_space<vmem>> -> memref<80x32xf32, #tpu.memory_space<vmem>>
      %dma_start3A_561 = arith.constant 0 : i32
      %dma_start3A_562 = tpu.memref_slice %arg18[%add3A_268, %dma_start3A_561] : memref<10240x32xf32, #tpu.memory_space<vmem_shared>> -> memref<80x32xf32, #tpu.memory_space<vmem_shared>>
      %dma_start3A_563 = arith.constant 0 : i32
      %dma_start3A_564 = arith.constant 0 : i32
      %dma_start3A_565 = tpu.memref_slice %arg13[%run_scoped3A_269, %dma_start3A_563, %dma_start3A_564] : memref<10x80x32xf32, #tpu.memory_space<vmem>> -> memref<1x80x32xf32, #tpu.memory_space<vmem>>
      %dma_start3A_566 = tpu.memref_squeeze %dma_start3A_565 : memref<1x80x32xf32, #tpu.memory_space<vmem>> -> memref<80x32xf32, #tpu.memory_space<vmem>>
      %dma_start3A_567 = arith.constant 0 : i32
      %dma_start3A_568 = tpu.memref_slice %arg18[%add3A_268, %dma_start3A_567] : memref<10240x32xf32, #tpu.memory_space<vmem_shared>> -> memref<80x32xf32, #tpu.memory_space<vmem_shared>>
      tpu.enqueue_dma source(%dma_start3A_568 : memref<80x32xf32, #tpu.memory_space<vmem_shared>>) target(%dma_start3A_566 : memref<80x32xf32, #tpu.memory_space<vmem>>) target_semaphore(%run_scoped3A_556 : memref<!tpu.dma_semaphore, #tpu.memory_space<semaphore_mem>>)
      %dma_wait3A = arith.constant 0 : i32
      %dma_wait3A_569 = arith.constant 0 : i32
      %dma_wait3A_570 = tpu.memref_slice %arg13[%run_scoped3A_269, %dma_wait3A, %dma_wait3A_569] : memref<10x80x32xf32, #tpu.memory_space<vmem>> -> memref<1x80x32xf32, #tpu.memory_space<vmem>>
      %dma_wait3A_571 = tpu.memref_squeeze %dma_wait3A_570 : memref<1x80x32xf32, #tpu.memory_space<vmem>> -> memref<80x32xf32, #tpu.memory_space<vmem>>
      %dma_wait3A_572 = arith.constant 0 : i32
      %dma_wait3A_573 = tpu.memref_slice %arg18[%add3A_268, %dma_wait3A_572] : memref<10240x32xf32, #tpu.memory_space<vmem_shared>> -> memref<80x32xf32, #tpu.memory_space<vmem_shared>>
      %dma_wait3A_574 = arith.constant 0 : i32
      %dma_wait3A_575 = arith.constant 0 : i32
      %dma_wait3A_576 = tpu.memref_slice %arg13[%run_scoped3A_269, %dma_wait3A_574, %dma_wait3A_575] : memref<10x80x32xf32, #tpu.memory_space<vmem>> -> memref<1x80x32xf32, #tpu.memory_space<vmem>>
      %dma_wait3A_577 = tpu.memref_squeeze %dma_wait3A_576 : memref<1x80x32xf32, #tpu.memory_space<vmem>> -> memref<80x32xf32, #tpu.memory_space<vmem>>
      %dma_wait3A_578 = arith.constant 0 : i32
      %dma_wait3A_579 = tpu.memref_slice %arg18[%add3A_268, %dma_wait3A_578] : memref<10240x32xf32, #tpu.memory_space<vmem_shared>> -> memref<80x32xf32, #tpu.memory_space<vmem_shared>>
      tpu.wait_dma2 semaphore(%run_scoped3A_556 : memref<!tpu.dma_semaphore, #tpu.memory_space<semaphore_mem>>) src(%dma_wait3A_579 : memref<80x32xf32, #tpu.memory_space<vmem_shared>>) dst(%dma_wait3A_577 : memref<80x32xf32, #tpu.memory_space<vmem>>)
      tpu.yield
    }) : () -> ()
    %scan3A_270 = arith.constant 0 : i32
    %scan3A_271 = arith.constant 80 : i32
    %scan3A_272 = arith.addi %scan3A_270, %scan3A_271 : i32
    %scan3A_273 = arith.constant 1 : i32
    scf.for %scan3A_556 = %scan3A_270 to %scan3A_272 step %scan3A_273  : i32 {
      %add3A_557 = arith.constant 480 : i32
      %add3A_558 = arith.addi %add3A_557, %scan3A_556 : i32
      %broadcast_in_dim3A = vector.broadcast %add3A_558 : i32 to vector<16xi32>
      %gather3A = tpu.vector_load_idx %arg16[%broadcast_in_dim3A] : memref<640xf32, #tpu.memory_space<vmem>>[vector<16xi32>], vector<16xf32>,
      %mul3A_559 = arith.mulf %gather3A, %gather3A : vector<16xf32>
      %get3A = arith.constant 6 : i32
      %get3A_560 = arith.index_cast %get3A : i32 to index
      %get3A_561 = arith.index_cast %scan3A_556 : i32 to index
      %get3A_562 = arith.constant 0 : index
      %get3A_563 = tpu.vector_load %arg13[%get3A_560, %get3A_561, %get3A_562] {strides = array<i32>} : memref<10x80x32xf32, #tpu.memory_space<vmem>>, vector<16xf32>,
      %get3A_564 = arith.index_cast %add3A_558 : i32 to index
      %get3A_565 = arith.constant 0 : index
      %get3A_566 = tpu.vector_load %arg14[%get3A_564, %get3A_565] {strides = array<i32>} : memref<640x32xf32, #tpu.memory_space<vmem>>, vector<16xf32>,
      %add3A_567 = arith.addf %get3A_563, %get3A_566 : vector<16xf32>
      %mul3A_568 = arith.mulf %mul3A_559, %add3A_567 : vector<16xf32>
      %swap3A = arith.index_cast %add3A_558 : i32 to index
      %swap3A_569 = arith.constant 0 : index
      %swap3A_570 = tpu.vector_load %arg14[%swap3A, %swap3A_569] {strides = array<i32>} : memref<640x32xf32, #tpu.memory_space<vmem>>, vector<16xf32>,
      tpu.vector_store %arg14[%swap3A, %swap3A_569], %mul3A_568 {strides = array<i32>} : memref<640x32xf32, #tpu.memory_space<vmem>>, vector<16xf32>,
      %get3A_571 = arith.constant 6 : i32
      %get3A_572 = arith.index_cast %get3A_571 : i32 to index
      %get3A_573 = arith.index_cast %scan3A_556 : i32 to index
      %get3A_574 = arith.constant 16 : index
      %get3A_575 = tpu.vector_load %arg13[%get3A_572, %get3A_573, %get3A_574] {strides = array<i32>} : memref<10x80x32xf32, #tpu.memory_space<vmem>>, vector<16xf32>,
      %get3A_576 = arith.index_cast %add3A_558 : i32 to index
      %get3A_577 = arith.constant 16 : index
      %get3A_578 = tpu.vector_load %arg14[%get3A_576, %get3A_577] {strides = array<i32>} : memref<640x32xf32, #tpu.memory_space<vmem>>, vector<16xf32>,
      %add3A_579 = arith.addf %get3A_575, %get3A_578 : vector<16xf32>
      %mul3A_580 = arith.mulf %mul3A_559, %add3A_579 : vector<16xf32>
      %swap3A_581 = arith.index_cast %add3A_558 : i32 to index
      %swap3A_582 = arith.constant 16 : index
      %swap3A_583 = tpu.vector_load %arg14[%swap3A_581, %swap3A_582] {strides = array<i32>} : memref<640x32xf32, #tpu.memory_space<vmem>>, vector<16xf32>,
      tpu.vector_store %arg14[%swap3A_581, %swap3A_582], %mul3A_580 {strides = array<i32>} : memref<640x32xf32, #tpu.memory_space<vmem>>, vector<16xf32>,
    }
    %scan3A_274 = arith.constant 80 : i32
    %add3A_275 = arith.constant 560 : i32
    %add3A_276 = arith.addi %mul3A_0, %add3A_275 : i32
    %run_scoped3A_277 = arith.constant 7 : i32
    "tpu.region"() ({
      %run_scoped3A_556 = tpu.sem_alloc : memref<!tpu.dma_semaphore, #tpu.memory_space<semaphore_mem>>
      %dma_start3A_557 = arith.constant 0 : i32
      %dma_start3A_558 = arith.constant 0 : i32
      %dma_start3A_559 = tpu.memref_slice %arg13[%run_scoped3A_277, %dma_start3A_557, %dma_start3A_558] : memref<10x80x32xf32, #tpu.memory_space<vmem>> -> memref<1x80x32xf32, #tpu.memory_space<vmem>>
      %dma_start3A_560 = tpu.memref_squeeze %dma_start3A_559 : memref<1x80x32xf32, #tpu.memory_space<vmem>> -> memref<80x32xf32, #tpu.memory_space<vmem>>
      %dma_start3A_561 = arith.constant 0 : i32
      %dma_start3A_562 = tpu.memref_slice %arg18[%add3A_276, %dma_start3A_561] : memref<10240x32xf32, #tpu.memory_space<vmem_shared>> -> memref<80x32xf32, #tpu.memory_space<vmem_shared>>
      %dma_start3A_563 = arith.constant 0 : i32
      %dma_start3A_564 = arith.constant 0 : i32
      %dma_start3A_565 = tpu.memref_slice %arg13[%run_scoped3A_277, %dma_start3A_563, %dma_start3A_564] : memref<10x80x32xf32, #tpu.memory_space<vmem>> -> memref<1x80x32xf32, #tpu.memory_space<vmem>>
      %dma_start3A_566 = tpu.memref_squeeze %dma_start3A_565 : memref<1x80x32xf32, #tpu.memory_space<vmem>> -> memref<80x32xf32, #tpu.memory_space<vmem>>
      %dma_start3A_567 = arith.constant 0 : i32
      %dma_start3A_568 = tpu.memref_slice %arg18[%add3A_276, %dma_start3A_567] : memref<10240x32xf32, #tpu.memory_space<vmem_shared>> -> memref<80x32xf32, #tpu.memory_space<vmem_shared>>
      tpu.enqueue_dma source(%dma_start3A_568 : memref<80x32xf32, #tpu.memory_space<vmem_shared>>) target(%dma_start3A_566 : memref<80x32xf32, #tpu.memory_space<vmem>>) target_semaphore(%run_scoped3A_556 : memref<!tpu.dma_semaphore, #tpu.memory_space<semaphore_mem>>)
      %dma_wait3A = arith.constant 0 : i32
      %dma_wait3A_569 = arith.constant 0 : i32
      %dma_wait3A_570 = tpu.memref_slice %arg13[%run_scoped3A_277, %dma_wait3A, %dma_wait3A_569] : memref<10x80x32xf32, #tpu.memory_space<vmem>> -> memref<1x80x32xf32, #tpu.memory_space<vmem>>
      %dma_wait3A_571 = tpu.memref_squeeze %dma_wait3A_570 : memref<1x80x32xf32, #tpu.memory_space<vmem>> -> memref<80x32xf32, #tpu.memory_space<vmem>>
      %dma_wait3A_572 = arith.constant 0 : i32
      %dma_wait3A_573 = tpu.memref_slice %arg18[%add3A_276, %dma_wait3A_572] : memref<10240x32xf32, #tpu.memory_space<vmem_shared>> -> memref<80x32xf32, #tpu.memory_space<vmem_shared>>
      %dma_wait3A_574 = arith.constant 0 : i32
      %dma_wait3A_575 = arith.constant 0 : i32
      %dma_wait3A_576 = tpu.memref_slice %arg13[%run_scoped3A_277, %dma_wait3A_574, %dma_wait3A_575] : memref<10x80x32xf32, #tpu.memory_space<vmem>> -> memref<1x80x32xf32, #tpu.memory_space<vmem>>
      %dma_wait3A_577 = tpu.memref_squeeze %dma_wait3A_576 : memref<1x80x32xf32, #tpu.memory_space<vmem>> -> memref<80x32xf32, #tpu.memory_space<vmem>>
      %dma_wait3A_578 = arith.constant 0 : i32
      %dma_wait3A_579 = tpu.memref_slice %arg18[%add3A_276, %dma_wait3A_578] : memref<10240x32xf32, #tpu.memory_space<vmem_shared>> -> memref<80x32xf32, #tpu.memory_space<vmem_shared>>
      tpu.wait_dma2 semaphore(%run_scoped3A_556 : memref<!tpu.dma_semaphore, #tpu.memory_space<semaphore_mem>>) src(%dma_wait3A_579 : memref<80x32xf32, #tpu.memory_space<vmem_shared>>) dst(%dma_wait3A_577 : memref<80x32xf32, #tpu.memory_space<vmem>>)
      tpu.yield
    }) : () -> ()
    %scan3A_278 = arith.constant 0 : i32
    %scan3A_279 = arith.constant 80 : i32
    %scan3A_280 = arith.addi %scan3A_278, %scan3A_279 : i32
    %scan3A_281 = arith.constant 1 : i32
    scf.for %scan3A_556 = %scan3A_278 to %scan3A_280 step %scan3A_281  : i32 {
      %add3A_557 = arith.constant 560 : i32
      %add3A_558 = arith.addi %add3A_557, %scan3A_556 : i32
      %broadcast_in_dim3A = vector.broadcast %add3A_558 : i32 to vector<16xi32>
      %gather3A = tpu.vector_load_idx %arg16[%broadcast_in_dim3A] : memref<640xf32, #tpu.memory_space<vmem>>[vector<16xi32>], vector<16xf32>,
      %mul3A_559 = arith.mulf %gather3A, %gather3A : vector<16xf32>
      %get3A = arith.constant 7 : i32
      %get3A_560 = arith.index_cast %get3A : i32 to index
      %get3A_561 = arith.index_cast %scan3A_556 : i32 to index
      %get3A_562 = arith.constant 0 : index
      %get3A_563 = tpu.vector_load %arg13[%get3A_560, %get3A_561, %get3A_562] {strides = array<i32>} : memref<10x80x32xf32, #tpu.memory_space<vmem>>, vector<16xf32>,
      %get3A_564 = arith.index_cast %add3A_558 : i32 to index
      %get3A_565 = arith.constant 0 : index
      %get3A_566 = tpu.vector_load %arg14[%get3A_564, %get3A_565] {strides = array<i32>} : memref<640x32xf32, #tpu.memory_space<vmem>>, vector<16xf32>,
      %add3A_567 = arith.addf %get3A_563, %get3A_566 : vector<16xf32>
      %mul3A_568 = arith.mulf %mul3A_559, %add3A_567 : vector<16xf32>
      %swap3A = arith.index_cast %add3A_558 : i32 to index
      %swap3A_569 = arith.constant 0 : index
      %swap3A_570 = tpu.vector_load %arg14[%swap3A, %swap3A_569] {strides = array<i32>} : memref<640x32xf32, #tpu.memory_space<vmem>>, vector<16xf32>,
      tpu.vector_store %arg14[%swap3A, %swap3A_569], %mul3A_568 {strides = array<i32>} : memref<640x32xf32, #tpu.memory_space<vmem>>, vector<16xf32>,
      %get3A_571 = arith.constant 7 : i32
      %get3A_572 = arith.index_cast %get3A_571 : i32 to index
      %get3A_573 = arith.index_cast %scan3A_556 : i32 to index
      %get3A_574 = arith.constant 16 : index
      %get3A_575 = tpu.vector_load %arg13[%get3A_572, %get3A_573, %get3A_574] {strides = array<i32>} : memref<10x80x32xf32, #tpu.memory_space<vmem>>, vector<16xf32>,
      %get3A_576 = arith.index_cast %add3A_558 : i32 to index
      %get3A_577 = arith.constant 16 : index
      %get3A_578 = tpu.vector_load %arg14[%get3A_576, %get3A_577] {strides = array<i32>} : memref<640x32xf32, #tpu.memory_space<vmem>>, vector<16xf32>,
      %add3A_579 = arith.addf %get3A_575, %get3A_578 : vector<16xf32>
      %mul3A_580 = arith.mulf %mul3A_559, %add3A_579 : vector<16xf32>
      %swap3A_581 = arith.index_cast %add3A_558 : i32 to index
      %swap3A_582 = arith.constant 16 : index
      %swap3A_583 = tpu.vector_load %arg14[%swap3A_581, %swap3A_582] {strides = array<i32>} : memref<640x32xf32, #tpu.memory_space<vmem>>, vector<16xf32>,
      tpu.vector_store %arg14[%swap3A_581, %swap3A_582], %mul3A_580 {strides = array<i32>} : memref<640x32xf32, #tpu.memory_space<vmem>>, vector<16xf32>,
    }
    %scan3A_282 = arith.constant 80 : i32
    "tpu.region"() ({
      %run_scoped3A_556 = tpu.sem_alloc : memref<!tpu.dma_semaphore, #tpu.memory_space<semaphore_mem>>
      %dma_start3A_557 = arith.constant 0 : i32
      %dma_start3A_558 = tpu.memref_slice %arg18[%mul3A_0, %dma_start3A_557] : memref<10240x32xf32, #tpu.memory_space<vmem_shared>> -> memref<640x32xf32, #tpu.memory_space<vmem_shared>>
      %dma_start3A_559 = arith.constant 0 : i32
      %dma_start3A_560 = tpu.memref_slice %arg6[%mul3A_0, %dma_start3A_559] : memref<10240x32xf32, #tpu.memory_space<hbm>> -> memref<640x32xf32, #tpu.memory_space<hbm>>
      tpu.enqueue_dma source(%dma_start3A_560 : memref<640x32xf32, #tpu.memory_space<hbm>>) target(%dma_start3A_558 : memref<640x32xf32, #tpu.memory_space<vmem_shared>>) target_semaphore(%run_scoped3A_556 : memref<!tpu.dma_semaphore, #tpu.memory_space<semaphore_mem>>)
      %dma_wait3A = arith.constant 0 : i32
      %dma_wait3A_561 = tpu.memref_slice %arg18[%mul3A_0, %dma_wait3A] : memref<10240x32xf32, #tpu.memory_space<vmem_shared>> -> memref<640x32xf32, #tpu.memory_space<vmem_shared>>
      %dma_wait3A_562 = arith.constant 0 : i32
      %dma_wait3A_563 = tpu.memref_slice %arg6[%mul3A_0, %dma_wait3A_562] : memref<10240x32xf32, #tpu.memory_space<hbm>> -> memref<640x32xf32, #tpu.memory_space<hbm>>
      tpu.wait_dma2 semaphore(%run_scoped3A_556 : memref<!tpu.dma_semaphore, #tpu.memory_space<semaphore_mem>>) src(%dma_wait3A_563 : memref<640x32xf32, #tpu.memory_space<hbm>>) dst(%dma_wait3A_561 : memref<640x32xf32, #tpu.memory_space<vmem_shared>>)
      tpu.yield
    }) : () -> ()
    "tpu.region"() ({
      %run_scoped3A_556 = tpu.sem_alloc : memref<!tpu.dma_semaphore, #tpu.memory_space<semaphore_mem>>
      %dma_start3A_557 = arith.constant 0 : i32
      %dma_start3A_558 = tpu.memref_slice %arg10[%arg0, %mul3A_0, %dma_start3A_557] : memref<2x10240x32xf32, #tpu.memory_space<hbm>> -> memref<1x640x32xf32, #tpu.memory_space<hbm>>
      %dma_start3A_559 = tpu.memref_squeeze %dma_start3A_558 : memref<1x640x32xf32, #tpu.memory_space<hbm>> -> memref<640x32xf32, #tpu.memory_space<hbm>>
      %dma_start3A_560 = arith.constant 0 : i32
      %dma_start3A_561 = tpu.memref_slice %arg10[%arg0, %mul3A_0, %dma_start3A_560] : memref<2x10240x32xf32, #tpu.memory_space<hbm>> -> memref<1x640x32xf32, #tpu.memory_space<hbm>>
      %dma_start3A_562 = tpu.memref_squeeze %dma_start3A_561 : memref<1x640x32xf32, #tpu.memory_space<hbm>> -> memref<640x32xf32, #tpu.memory_space<hbm>>
      tpu.enqueue_dma source(%arg14 : memref<640x32xf32, #tpu.memory_space<vmem>>) target(%dma_start3A_562 : memref<640x32xf32, #tpu.memory_space<hbm>>) target_semaphore(%run_scoped3A_556 : memref<!tpu.dma_semaphore, #tpu.memory_space<semaphore_mem>>)
      %dma_wait3A = arith.constant 0 : i32
      %dma_wait3A_563 = tpu.memref_slice %arg10[%arg0, %mul3A_0, %dma_wait3A] : memref<2x10240x32xf32, #tpu.memory_space<hbm>> -> memref<1x640x32xf32, #tpu.memory_space<hbm>>
      %dma_wait3A_564 = tpu.memref_squeeze %dma_wait3A_563 : memref<1x640x32xf32, #tpu.memory_space<hbm>> -> memref<640x32xf32, #tpu.memory_space<hbm>>
      %dma_wait3A_565 = arith.constant 0 : i32
      %dma_wait3A_566 = tpu.memref_slice %arg10[%arg0, %mul3A_0, %dma_wait3A_565] : memref<2x10240x32xf32, #tpu.memory_space<hbm>> -> memref<1x640x32xf32, #tpu.memory_space<hbm>>
      %dma_wait3A_567 = tpu.memref_squeeze %dma_wait3A_566 : memref<1x640x32xf32, #tpu.memory_space<hbm>> -> memref<640x32xf32, #tpu.memory_space<hbm>>
      tpu.wait_dma2 semaphore(%run_scoped3A_556 : memref<!tpu.dma_semaphore, #tpu.memory_space<semaphore_mem>>) src(%arg14 : memref<640x32xf32, #tpu.memory_space<vmem>>) dst(%dma_wait3A_567 : memref<640x32xf32, #tpu.memory_space<hbm>>)
      tpu.yield
    }) : () -> ()
    %barrier3A_283 = arith.constant 0 : index
    tpu.barrier barrier_id(%barrier3A_283)
    %dma_start3A_284 = arith.constant 0 : i32
    %dma_start3A_285 = arith.constant 0 : i32
    %dma_start3A_286 = arith.constant 0 : i32
    %dma_start3A_287 = arith.constant 0 : i32
    %dma_start3A_288 = arith.constant 0 : i32
    %dma_start3A_289 = tpu.memref_slice %arg13[%dma_start3A_285, %dma_start3A_287, %dma_start3A_288] : memref<10x80x32xf32, #tpu.memory_space<vmem>> -> memref<1x80x32xf32, #tpu.memory_space<vmem>>
    %dma_start3A_290 = tpu.memref_squeeze %dma_start3A_289 : memref<1x80x32xf32, #tpu.memory_space<vmem>> -> memref<80x32xf32, #tpu.memory_space<vmem>>
    %dma_start3A_291 = arith.constant 0 : i32
    %dma_start3A_292 = tpu.memref_slice %arg11[%dma_start3A_284, %dma_start3A_291] : memref<250x80xi32, #tpu.memory_space<vmem>> -> memref<1x80xi32, #tpu.memory_space<vmem>>
    %dma_start3A_293 = tpu.memref_squeeze %dma_start3A_292 : memref<1x80xi32, #tpu.memory_space<vmem>> -> memref<80xi32, #tpu.memory_space<vmem>>
    %dma_start3A_294 = arith.constant 0 : i32
    %dma_start3A_295 = arith.constant 0 : i32
    %dma_start3A_296 = tpu.memref_slice %arg10[%arg0, %dma_start3A_294, %dma_start3A_295] : memref<2x10240x32xf32, #tpu.memory_space<hbm>> -> memref<1x10240x32xf32, #tpu.memory_space<hbm>>
    %dma_start3A_297 = tpu.memref_squeeze %dma_start3A_296 : memref<1x10240x32xf32, #tpu.memory_space<hbm>> -> memref<10240x32xf32, #tpu.memory_space<hbm>>
    %dma_start3A_298 = arith.constant 0 : i32
    %dma_start3A_299 = arith.constant 0 : i32
    %dma_start3A_300 = tpu.memref_slice %dma_start3A_297[%dma_start3A_298, %dma_start3A_299] : memref<10240x32xf32, #tpu.memory_space<hbm>> -> memref<10240x32xf32, #tpu.memory_space<hbm>>
    %dma_start3A_301 = tpu.memref_slice %arg19[%dma_start3A_286] : memref<10x!tpu.dma_semaphore, #tpu.memory_space<semaphore_mem>> -> memref<1x!tpu.dma_semaphore, #tpu.memory_space<semaphore_mem>>
    %dma_start3A_302 = tpu.memref_squeeze %dma_start3A_301 : memref<1x!tpu.dma_semaphore, #tpu.memory_space<semaphore_mem>> -> memref<!tpu.dma_semaphore, #tpu.memory_space<semaphore_mem>>
    tpu.enqueue_indirect_dma source(%dma_start3A_300 : memref<10240x32xf32, #tpu.memory_space<hbm>>) target(%dma_start3A_290 : memref<80x32xf32, #tpu.memory_space<vmem>>) offsets(%dma_start3A_293 : memref<80xi32, #tpu.memory_space<vmem>>) semaphore(%dma_start3A_302 : memref<!tpu.dma_semaphore, #tpu.memory_space<semaphore_mem>>)
    %dma_start3A_303 = arith.constant 1 : i32
    %dma_start3A_304 = arith.constant 1 : i32
    %dma_start3A_305 = arith.constant 1 : i32
    %dma_start3A_306 = arith.constant 0 : i32
    %dma_start3A_307 = arith.constant 0 : i32
    %dma_start3A_308 = tpu.memref_slice %arg13[%dma_start3A_304, %dma_start3A_306, %dma_start3A_307] : memref<10x80x32xf32, #tpu.memory_space<vmem>> -> memref<1x80x32xf32, #tpu.memory_space<vmem>>
    %dma_start3A_309 = tpu.memref_squeeze %dma_start3A_308 : memref<1x80x32xf32, #tpu.memory_space<vmem>> -> memref<80x32xf32, #tpu.memory_space<vmem>>
    %dma_start3A_310 = arith.constant 0 : i32
    %dma_start3A_311 = tpu.memref_slice %arg11[%dma_start3A_303, %dma_start3A_310] : memref<250x80xi32, #tpu.memory_space<vmem>> -> memref<1x80xi32, #tpu.memory_space<vmem>>
    %dma_start3A_312 = tpu.memref_squeeze %dma_start3A_311 : memref<1x80xi32, #tpu.memory_space<vmem>> -> memref<80xi32, #tpu.memory_space<vmem>>
    %dma_start3A_313 = arith.constant 0 : i32
    %dma_start3A_314 = arith.constant 0 : i32
    %dma_start3A_315 = tpu.memref_slice %arg10[%arg0, %dma_start3A_313, %dma_start3A_314] : memref<2x10240x32xf32, #tpu.memory_space<hbm>> -> memref<1x10240x32xf32, #tpu.memory_space<hbm>>
    %dma_start3A_316 = tpu.memref_squeeze %dma_start3A_315 : memref<1x10240x32xf32, #tpu.memory_space<hbm>> -> memref<10240x32xf32, #tpu.memory_space<hbm>>
    %dma_start3A_317 = arith.constant 0 : i32
    %dma_start3A_318 = arith.constant 0 : i32
    %dma_start3A_319 = tpu.memref_slice %dma_start3A_316[%dma_start3A_317, %dma_start3A_318] : memref<10240x32xf32, #tpu.memory_space<hbm>> -> memref<10240x32xf32, #tpu.memory_space<hbm>>
    %dma_start3A_320 = tpu.memref_slice %arg19[%dma_start3A_305] : memref<10x!tpu.dma_semaphore, #tpu.memory_space<semaphore_mem>> -> memref<1x!tpu.dma_semaphore, #tpu.memory_space<semaphore_mem>>
    %dma_start3A_321 = tpu.memref_squeeze %dma_start3A_320 : memref<1x!tpu.dma_semaphore, #tpu.memory_space<semaphore_mem>> -> memref<!tpu.dma_semaphore, #tpu.memory_space<semaphore_mem>>
    tpu.enqueue_indirect_dma source(%dma_start3A_319 : memref<10240x32xf32, #tpu.memory_space<hbm>>) target(%dma_start3A_309 : memref<80x32xf32, #tpu.memory_space<vmem>>) offsets(%dma_start3A_312 : memref<80xi32, #tpu.memory_space<vmem>>) semaphore(%dma_start3A_321 : memref<!tpu.dma_semaphore, #tpu.memory_space<semaphore_mem>>)
    %dma_start3A_322 = arith.constant 2 : i32
    %dma_start3A_323 = arith.constant 2 : i32
    %dma_start3A_324 = arith.constant 2 : i32
    %dma_start3A_325 = arith.constant 0 : i32
    %dma_start3A_326 = arith.constant 0 : i32
    %dma_start3A_327 = tpu.memref_slice %arg13[%dma_start3A_323, %dma_start3A_325, %dma_start3A_326] : memref<10x80x32xf32, #tpu.memory_space<vmem>> -> memref<1x80x32xf32, #tpu.memory_space<vmem>>
    %dma_start3A_328 = tpu.memref_squeeze %dma_start3A_327 : memref<1x80x32xf32, #tpu.memory_space<vmem>> -> memref<80x32xf32, #tpu.memory_space<vmem>>
    %dma_start3A_329 = arith.constant 0 : i32
    %dma_start3A_330 = tpu.memref_slice %arg11[%dma_start3A_322, %dma_start3A_329] : memref<250x80xi32, #tpu.memory_space<vmem>> -> memref<1x80xi32, #tpu.memory_space<vmem>>
    %dma_start3A_331 = tpu.memref_squeeze %dma_start3A_330 : memref<1x80xi32, #tpu.memory_space<vmem>> -> memref<80xi32, #tpu.memory_space<vmem>>
    %dma_start3A_332 = arith.constant 0 : i32
    %dma_start3A_333 = arith.constant 0 : i32
    %dma_start3A_334 = tpu.memref_slice %arg10[%arg0, %dma_start3A_332, %dma_start3A_333] : memref<2x10240x32xf32, #tpu.memory_space<hbm>> -> memref<1x10240x32xf32, #tpu.memory_space<hbm>>
    %dma_start3A_335 = tpu.memref_squeeze %dma_start3A_334 : memref<1x10240x32xf32, #tpu.memory_space<hbm>> -> memref<10240x32xf32, #tpu.memory_space<hbm>>
    %dma_start3A_336 = arith.constant 0 : i32
    %dma_start3A_337 = arith.constant 0 : i32
    %dma_start3A_338 = tpu.memref_slice %dma_start3A_335[%dma_start3A_336, %dma_start3A_337] : memref<10240x32xf32, #tpu.memory_space<hbm>> -> memref<10240x32xf32, #tpu.memory_space<hbm>>
    %dma_start3A_339 = tpu.memref_slice %arg19[%dma_start3A_324] : memref<10x!tpu.dma_semaphore, #tpu.memory_space<semaphore_mem>> -> memref<1x!tpu.dma_semaphore, #tpu.memory_space<semaphore_mem>>
    %dma_start3A_340 = tpu.memref_squeeze %dma_start3A_339 : memref<1x!tpu.dma_semaphore, #tpu.memory_space<semaphore_mem>> -> memref<!tpu.dma_semaphore, #tpu.memory_space<semaphore_mem>>
    tpu.enqueue_indirect_dma source(%dma_start3A_338 : memref<10240x32xf32, #tpu.memory_space<hbm>>) target(%dma_start3A_328 : memref<80x32xf32, #tpu.memory_space<vmem>>) offsets(%dma_start3A_331 : memref<80xi32, #tpu.memory_space<vmem>>) semaphore(%dma_start3A_340 : memref<!tpu.dma_semaphore, #tpu.memory_space<semaphore_mem>>)
    %dma_start3A_341 = arith.constant 3 : i32
    %dma_start3A_342 = arith.constant 3 : i32
    %dma_start3A_343 = arith.constant 3 : i32
    %dma_start3A_344 = arith.constant 0 : i32
    %dma_start3A_345 = arith.constant 0 : i32
    %dma_start3A_346 = tpu.memref_slice %arg13[%dma_start3A_342, %dma_start3A_344, %dma_start3A_345] : memref<10x80x32xf32, #tpu.memory_space<vmem>> -> memref<1x80x32xf32, #tpu.memory_space<vmem>>
    %dma_start3A_347 = tpu.memref_squeeze %dma_start3A_346 : memref<1x80x32xf32, #tpu.memory_space<vmem>> -> memref<80x32xf32, #tpu.memory_space<vmem>>
    %dma_start3A_348 = arith.constant 0 : i32
    %dma_start3A_349 = tpu.memref_slice %arg11[%dma_start3A_341, %dma_start3A_348] : memref<250x80xi32, #tpu.memory_space<vmem>> -> memref<1x80xi32, #tpu.memory_space<vmem>>
    %dma_start3A_350 = tpu.memref_squeeze %dma_start3A_349 : memref<1x80xi32, #tpu.memory_space<vmem>> -> memref<80xi32, #tpu.memory_space<vmem>>
    %dma_start3A_351 = arith.constant 0 : i32
    %dma_start3A_352 = arith.constant 0 : i32
    %dma_start3A_353 = tpu.memref_slice %arg10[%arg0, %dma_start3A_351, %dma_start3A_352] : memref<2x10240x32xf32, #tpu.memory_space<hbm>> -> memref<1x10240x32xf32, #tpu.memory_space<hbm>>
    %dma_start3A_354 = tpu.memref_squeeze %dma_start3A_353 : memref<1x10240x32xf32, #tpu.memory_space<hbm>> -> memref<10240x32xf32, #tpu.memory_space<hbm>>
    %dma_start3A_355 = arith.constant 0 : i32
    %dma_start3A_356 = arith.constant 0 : i32
    %dma_start3A_357 = tpu.memref_slice %dma_start3A_354[%dma_start3A_355, %dma_start3A_356] : memref<10240x32xf32, #tpu.memory_space<hbm>> -> memref<10240x32xf32, #tpu.memory_space<hbm>>
    %dma_start3A_358 = tpu.memref_slice %arg19[%dma_start3A_343] : memref<10x!tpu.dma_semaphore, #tpu.memory_space<semaphore_mem>> -> memref<1x!tpu.dma_semaphore, #tpu.memory_space<semaphore_mem>>
    %dma_start3A_359 = tpu.memref_squeeze %dma_start3A_358 : memref<1x!tpu.dma_semaphore, #tpu.memory_space<semaphore_mem>> -> memref<!tpu.dma_semaphore, #tpu.memory_space<semaphore_mem>>
    tpu.enqueue_indirect_dma source(%dma_start3A_357 : memref<10240x32xf32, #tpu.memory_space<hbm>>) target(%dma_start3A_347 : memref<80x32xf32, #tpu.memory_space<vmem>>) offsets(%dma_start3A_350 : memref<80xi32, #tpu.memory_space<vmem>>) semaphore(%dma_start3A_359 : memref<!tpu.dma_semaphore, #tpu.memory_space<semaphore_mem>>)
    %dma_start3A_360 = arith.constant 4 : i32
    %dma_start3A_361 = arith.constant 4 : i32
    %dma_start3A_362 = arith.constant 4 : i32
    %dma_start3A_363 = arith.constant 0 : i32
    %dma_start3A_364 = arith.constant 0 : i32
    %dma_start3A_365 = tpu.memref_slice %arg13[%dma_start3A_361, %dma_start3A_363, %dma_start3A_364] : memref<10x80x32xf32, #tpu.memory_space<vmem>> -> memref<1x80x32xf32, #tpu.memory_space<vmem>>
    %dma_start3A_366 = tpu.memref_squeeze %dma_start3A_365 : memref<1x80x32xf32, #tpu.memory_space<vmem>> -> memref<80x32xf32, #tpu.memory_space<vmem>>
    %dma_start3A_367 = arith.constant 0 : i32
    %dma_start3A_368 = tpu.memref_slice %arg11[%dma_start3A_360, %dma_start3A_367] : memref<250x80xi32, #tpu.memory_space<vmem>> -> memref<1x80xi32, #tpu.memory_space<vmem>>
    %dma_start3A_369 = tpu.memref_squeeze %dma_start3A_368 : memref<1x80xi32, #tpu.memory_space<vmem>> -> memref<80xi32, #tpu.memory_space<vmem>>
    %dma_start3A_370 = arith.constant 0 : i32
    %dma_start3A_371 = arith.constant 0 : i32
    %dma_start3A_372 = tpu.memref_slice %arg10[%arg0, %dma_start3A_370, %dma_start3A_371] : memref<2x10240x32xf32, #tpu.memory_space<hbm>> -> memref<1x10240x32xf32, #tpu.memory_space<hbm>>
    %dma_start3A_373 = tpu.memref_squeeze %dma_start3A_372 : memref<1x10240x32xf32, #tpu.memory_space<hbm>> -> memref<10240x32xf32, #tpu.memory_space<hbm>>
    %dma_start3A_374 = arith.constant 0 : i32
    %dma_start3A_375 = arith.constant 0 : i32
    %dma_start3A_376 = tpu.memref_slice %dma_start3A_373[%dma_start3A_374, %dma_start3A_375] : memref<10240x32xf32, #tpu.memory_space<hbm>> -> memref<10240x32xf32, #tpu.memory_space<hbm>>
    %dma_start3A_377 = tpu.memref_slice %arg19[%dma_start3A_362] : memref<10x!tpu.dma_semaphore, #tpu.memory_space<semaphore_mem>> -> memref<1x!tpu.dma_semaphore, #tpu.memory_space<semaphore_mem>>
    %dma_start3A_378 = tpu.memref_squeeze %dma_start3A_377 : memref<1x!tpu.dma_semaphore, #tpu.memory_space<semaphore_mem>> -> memref<!tpu.dma_semaphore, #tpu.memory_space<semaphore_mem>>
    tpu.enqueue_indirect_dma source(%dma_start3A_376 : memref<10240x32xf32, #tpu.memory_space<hbm>>) target(%dma_start3A_366 : memref<80x32xf32, #tpu.memory_space<vmem>>) offsets(%dma_start3A_369 : memref<80xi32, #tpu.memory_space<vmem>>) semaphore(%dma_start3A_378 : memref<!tpu.dma_semaphore, #tpu.memory_space<semaphore_mem>>)
    %dma_start3A_379 = arith.constant 5 : i32
    %dma_start3A_380 = arith.constant 5 : i32
    %dma_start3A_381 = arith.constant 5 : i32
    %dma_start3A_382 = arith.constant 0 : i32
    %dma_start3A_383 = arith.constant 0 : i32
    %dma_start3A_384 = tpu.memref_slice %arg13[%dma_start3A_380, %dma_start3A_382, %dma_start3A_383] : memref<10x80x32xf32, #tpu.memory_space<vmem>> -> memref<1x80x32xf32, #tpu.memory_space<vmem>>
    %dma_start3A_385 = tpu.memref_squeeze %dma_start3A_384 : memref<1x80x32xf32, #tpu.memory_space<vmem>> -> memref<80x32xf32, #tpu.memory_space<vmem>>
    %dma_start3A_386 = arith.constant 0 : i32
    %dma_start3A_387 = tpu.memref_slice %arg11[%dma_start3A_379, %dma_start3A_386] : memref<250x80xi32, #tpu.memory_space<vmem>> -> memref<1x80xi32, #tpu.memory_space<vmem>>
    %dma_start3A_388 = tpu.memref_squeeze %dma_start3A_387 : memref<1x80xi32, #tpu.memory_space<vmem>> -> memref<80xi32, #tpu.memory_space<vmem>>
    %dma_start3A_389 = arith.constant 0 : i32
    %dma_start3A_390 = arith.constant 0 : i32
    %dma_start3A_391 = tpu.memref_slice %arg10[%arg0, %dma_start3A_389, %dma_start3A_390] : memref<2x10240x32xf32, #tpu.memory_space<hbm>> -> memref<1x10240x32xf32, #tpu.memory_space<hbm>>
    %dma_start3A_392 = tpu.memref_squeeze %dma_start3A_391 : memref<1x10240x32xf32, #tpu.memory_space<hbm>> -> memref<10240x32xf32, #tpu.memory_space<hbm>>
    %dma_start3A_393 = arith.constant 0 : i32
    %dma_start3A_394 = arith.constant 0 : i32
    %dma_start3A_395 = tpu.memref_slice %dma_start3A_392[%dma_start3A_393, %dma_start3A_394] : memref<10240x32xf32, #tpu.memory_space<hbm>> -> memref<10240x32xf32, #tpu.memory_space<hbm>>
    %dma_start3A_396 = tpu.memref_slice %arg19[%dma_start3A_381] : memref<10x!tpu.dma_semaphore, #tpu.memory_space<semaphore_mem>> -> memref<1x!tpu.dma_semaphore, #tpu.memory_space<semaphore_mem>>
    %dma_start3A_397 = tpu.memref_squeeze %dma_start3A_396 : memref<1x!tpu.dma_semaphore, #tpu.memory_space<semaphore_mem>> -> memref<!tpu.dma_semaphore, #tpu.memory_space<semaphore_mem>>
    tpu.enqueue_indirect_dma source(%dma_start3A_395 : memref<10240x32xf32, #tpu.memory_space<hbm>>) target(%dma_start3A_385 : memref<80x32xf32, #tpu.memory_space<vmem>>) offsets(%dma_start3A_388 : memref<80xi32, #tpu.memory_space<vmem>>) semaphore(%dma_start3A_397 : memref<!tpu.dma_semaphore, #tpu.memory_space<semaphore_mem>>)
    %dma_start3A_398 = arith.constant 6 : i32
    %dma_start3A_399 = arith.constant 6 : i32
    %dma_start3A_400 = arith.constant 6 : i32
    %dma_start3A_401 = arith.constant 0 : i32
    %dma_start3A_402 = arith.constant 0 : i32
    %dma_start3A_403 = tpu.memref_slice %arg13[%dma_start3A_399, %dma_start3A_401, %dma_start3A_402] : memref<10x80x32xf32, #tpu.memory_space<vmem>> -> memref<1x80x32xf32, #tpu.memory_space<vmem>>
    %dma_start3A_404 = tpu.memref_squeeze %dma_start3A_403 : memref<1x80x32xf32, #tpu.memory_space<vmem>> -> memref<80x32xf32, #tpu.memory_space<vmem>>
    %dma_start3A_405 = arith.constant 0 : i32
    %dma_start3A_406 = tpu.memref_slice %arg11[%dma_start3A_398, %dma_start3A_405] : memref<250x80xi32, #tpu.memory_space<vmem>> -> memref<1x80xi32, #tpu.memory_space<vmem>>
    %dma_start3A_407 = tpu.memref_squeeze %dma_start3A_406 : memref<1x80xi32, #tpu.memory_space<vmem>> -> memref<80xi32, #tpu.memory_space<vmem>>
    %dma_start3A_408 = arith.constant 0 : i32
    %dma_start3A_409 = arith.constant 0 : i32
    %dma_start3A_410 = tpu.memref_slice %arg10[%arg0, %dma_start3A_408, %dma_start3A_409] : memref<2x10240x32xf32, #tpu.memory_space<hbm>> -> memref<1x10240x32xf32, #tpu.memory_space<hbm>>
    %dma_start3A_411 = tpu.memref_squeeze %dma_start3A_410 : memref<1x10240x32xf32, #tpu.memory_space<hbm>> -> memref<10240x32xf32, #tpu.memory_space<hbm>>
    %dma_start3A_412 = arith.constant 0 : i32
    %dma_start3A_413 = arith.constant 0 : i32
    %dma_start3A_414 = tpu.memref_slice %dma_start3A_411[%dma_start3A_412, %dma_start3A_413] : memref<10240x32xf32, #tpu.memory_space<hbm>> -> memref<10240x32xf32, #tpu.memory_space<hbm>>
    %dma_start3A_415 = tpu.memref_slice %arg19[%dma_start3A_400] : memref<10x!tpu.dma_semaphore, #tpu.memory_space<semaphore_mem>> -> memref<1x!tpu.dma_semaphore, #tpu.memory_space<semaphore_mem>>
    %dma_start3A_416 = tpu.memref_squeeze %dma_start3A_415 : memref<1x!tpu.dma_semaphore, #tpu.memory_space<semaphore_mem>> -> memref<!tpu.dma_semaphore, #tpu.memory_space<semaphore_mem>>
    tpu.enqueue_indirect_dma source(%dma_start3A_414 : memref<10240x32xf32, #tpu.memory_space<hbm>>) target(%dma_start3A_404 : memref<80x32xf32, #tpu.memory_space<vmem>>) offsets(%dma_start3A_407 : memref<80xi32, #tpu.memory_space<vmem>>) semaphore(%dma_start3A_416 : memref<!tpu.dma_semaphore, #tpu.memory_space<semaphore_mem>>)
    %dma_start3A_417 = arith.constant 7 : i32
    %dma_start3A_418 = arith.constant 7 : i32
    %dma_start3A_419 = arith.constant 7 : i32
    %dma_start3A_420 = arith.constant 0 : i32
    %dma_start3A_421 = arith.constant 0 : i32
    %dma_start3A_422 = tpu.memref_slice %arg13[%dma_start3A_418, %dma_start3A_420, %dma_start3A_421] : memref<10x80x32xf32, #tpu.memory_space<vmem>> -> memref<1x80x32xf32, #tpu.memory_space<vmem>>
    %dma_start3A_423 = tpu.memref_squeeze %dma_start3A_422 : memref<1x80x32xf32, #tpu.memory_space<vmem>> -> memref<80x32xf32, #tpu.memory_space<vmem>>
    %dma_start3A_424 = arith.constant 0 : i32
    %dma_start3A_425 = tpu.memref_slice %arg11[%dma_start3A_417, %dma_start3A_424] : memref<250x80xi32, #tpu.memory_space<vmem>> -> memref<1x80xi32, #tpu.memory_space<vmem>>
    %dma_start3A_426 = tpu.memref_squeeze %dma_start3A_425 : memref<1x80xi32, #tpu.memory_space<vmem>> -> memref<80xi32, #tpu.memory_space<vmem>>
    %dma_start3A_427 = arith.constant 0 : i32
    %dma_start3A_428 = arith.constant 0 : i32
    %dma_start3A_429 = tpu.memref_slice %arg10[%arg0, %dma_start3A_427, %dma_start3A_428] : memref<2x10240x32xf32, #tpu.memory_space<hbm>> -> memref<1x10240x32xf32, #tpu.memory_space<hbm>>
    %dma_start3A_430 = tpu.memref_squeeze %dma_start3A_429 : memref<1x10240x32xf32, #tpu.memory_space<hbm>> -> memref<10240x32xf32, #tpu.memory_space<hbm>>
    %dma_start3A_431 = arith.constant 0 : i32
    %dma_start3A_432 = arith.constant 0 : i32
    %dma_start3A_433 = tpu.memref_slice %dma_start3A_430[%dma_start3A_431, %dma_start3A_432] : memref<10240x32xf32, #tpu.memory_space<hbm>> -> memref<10240x32xf32, #tpu.memory_space<hbm>>
    %dma_start3A_434 = tpu.memref_slice %arg19[%dma_start3A_419] : memref<10x!tpu.dma_semaphore, #tpu.memory_space<semaphore_mem>> -> memref<1x!tpu.dma_semaphore, #tpu.memory_space<semaphore_mem>>
    %dma_start3A_435 = tpu.memref_squeeze %dma_start3A_434 : memref<1x!tpu.dma_semaphore, #tpu.memory_space<semaphore_mem>> -> memref<!tpu.dma_semaphore, #tpu.memory_space<semaphore_mem>>
    tpu.enqueue_indirect_dma source(%dma_start3A_433 : memref<10240x32xf32, #tpu.memory_space<hbm>>) target(%dma_start3A_423 : memref<80x32xf32, #tpu.memory_space<vmem>>) offsets(%dma_start3A_426 : memref<80xi32, #tpu.memory_space<vmem>>) semaphore(%dma_start3A_435 : memref<!tpu.dma_semaphore, #tpu.memory_space<semaphore_mem>>)
    %dma_start3A_436 = arith.constant 8 : i32
    %dma_start3A_437 = arith.constant 8 : i32
    %dma_start3A_438 = arith.constant 8 : i32
    %dma_start3A_439 = arith.constant 0 : i32
    %dma_start3A_440 = arith.constant 0 : i32
    %dma_start3A_441 = tpu.memref_slice %arg13[%dma_start3A_437, %dma_start3A_439, %dma_start3A_440] : memref<10x80x32xf32, #tpu.memory_space<vmem>> -> memref<1x80x32xf32, #tpu.memory_space<vmem>>
    %dma_start3A_442 = tpu.memref_squeeze %dma_start3A_441 : memref<1x80x32xf32, #tpu.memory_space<vmem>> -> memref<80x32xf32, #tpu.memory_space<vmem>>
    %dma_start3A_443 = arith.constant 0 : i32
    %dma_start3A_444 = tpu.memref_slice %arg11[%dma_start3A_436, %dma_start3A_443] : memref<250x80xi32, #tpu.memory_space<vmem>> -> memref<1x80xi32, #tpu.memory_space<vmem>>
    %dma_start3A_445 = tpu.memref_squeeze %dma_start3A_444 : memref<1x80xi32, #tpu.memory_space<vmem>> -> memref<80xi32, #tpu.memory_space<vmem>>
    %dma_start3A_446 = arith.constant 0 : i32
    %dma_start3A_447 = arith.constant 0 : i32
    %dma_start3A_448 = tpu.memref_slice %arg10[%arg0, %dma_start3A_446, %dma_start3A_447] : memref<2x10240x32xf32, #tpu.memory_space<hbm>> -> memref<1x10240x32xf32, #tpu.memory_space<hbm>>
    %dma_start3A_449 = tpu.memref_squeeze %dma_start3A_448 : memref<1x10240x32xf32, #tpu.memory_space<hbm>> -> memref<10240x32xf32, #tpu.memory_space<hbm>>
    %dma_start3A_450 = arith.constant 0 : i32
    %dma_start3A_451 = arith.constant 0 : i32
    %dma_start3A_452 = tpu.memref_slice %dma_start3A_449[%dma_start3A_450, %dma_start3A_451] : memref<10240x32xf32, #tpu.memory_space<hbm>> -> memref<10240x32xf32, #tpu.memory_space<hbm>>
    %dma_start3A_453 = tpu.memref_slice %arg19[%dma_start3A_438] : memref<10x!tpu.dma_semaphore, #tpu.memory_space<semaphore_mem>> -> memref<1x!tpu.dma_semaphore, #tpu.memory_space<semaphore_mem>>
    %dma_start3A_454 = tpu.memref_squeeze %dma_start3A_453 : memref<1x!tpu.dma_semaphore, #tpu.memory_space<semaphore_mem>> -> memref<!tpu.dma_semaphore, #tpu.memory_space<semaphore_mem>>
    tpu.enqueue_indirect_dma source(%dma_start3A_452 : memref<10240x32xf32, #tpu.memory_space<hbm>>) target(%dma_start3A_442 : memref<80x32xf32, #tpu.memory_space<vmem>>) offsets(%dma_start3A_445 : memref<80xi32, #tpu.memory_space<vmem>>) semaphore(%dma_start3A_454 : memref<!tpu.dma_semaphore, #tpu.memory_space<semaphore_mem>>)
    %dma_start3A_455 = arith.constant 9 : i32
    %dma_start3A_456 = arith.constant 9 : i32
    %dma_start3A_457 = arith.constant 9 : i32
    %dma_start3A_458 = arith.constant 0 : i32
    %dma_start3A_459 = arith.constant 0 : i32
    %dma_start3A_460 = tpu.memref_slice %arg13[%dma_start3A_456, %dma_start3A_458, %dma_start3A_459] : memref<10x80x32xf32, #tpu.memory_space<vmem>> -> memref<1x80x32xf32, #tpu.memory_space<vmem>>
    %dma_start3A_461 = tpu.memref_squeeze %dma_start3A_460 : memref<1x80x32xf32, #tpu.memory_space<vmem>> -> memref<80x32xf32, #tpu.memory_space<vmem>>
    %dma_start3A_462 = arith.constant 0 : i32
    %dma_start3A_463 = tpu.memref_slice %arg11[%dma_start3A_455, %dma_start3A_462] : memref<250x80xi32, #tpu.memory_space<vmem>> -> memref<1x80xi32, #tpu.memory_space<vmem>>
    %dma_start3A_464 = tpu.memref_squeeze %dma_start3A_463 : memref<1x80xi32, #tpu.memory_space<vmem>> -> memref<80xi32, #tpu.memory_space<vmem>>
    %dma_start3A_465 = arith.constant 0 : i32
    %dma_start3A_466 = arith.constant 0 : i32
    %dma_start3A_467 = tpu.memref_slice %arg10[%arg0, %dma_start3A_465, %dma_start3A_466] : memref<2x10240x32xf32, #tpu.memory_space<hbm>> -> memref<1x10240x32xf32, #tpu.memory_space<hbm>>
    %dma_start3A_468 = tpu.memref_squeeze %dma_start3A_467 : memref<1x10240x32xf32, #tpu.memory_space<hbm>> -> memref<10240x32xf32, #tpu.memory_space<hbm>>
    %dma_start3A_469 = arith.constant 0 : i32
    %dma_start3A_470 = arith.constant 0 : i32
    %dma_start3A_471 = tpu.memref_slice %dma_start3A_468[%dma_start3A_469, %dma_start3A_470] : memref<10240x32xf32, #tpu.memory_space<hbm>> -> memref<10240x32xf32, #tpu.memory_space<hbm>>
    %dma_start3A_472 = tpu.memref_slice %arg19[%dma_start3A_457] : memref<10x!tpu.dma_semaphore, #tpu.memory_space<semaphore_mem>> -> memref<1x!tpu.dma_semaphore, #tpu.memory_space<semaphore_mem>>
    %dma_start3A_473 = tpu.memref_squeeze %dma_start3A_472 : memref<1x!tpu.dma_semaphore, #tpu.memory_space<semaphore_mem>> -> memref<!tpu.dma_semaphore, #tpu.memory_space<semaphore_mem>>
    tpu.enqueue_indirect_dma source(%dma_start3A_471 : memref<10240x32xf32, #tpu.memory_space<hbm>>) target(%dma_start3A_461 : memref<80x32xf32, #tpu.memory_space<vmem>>) offsets(%dma_start3A_464 : memref<80xi32, #tpu.memory_space<vmem>>) semaphore(%dma_start3A_473 : memref<!tpu.dma_semaphore, #tpu.memory_space<semaphore_mem>>)
    %scan3A_474 = arith.constant 0 : i32
    %scan3A_475 = arith.constant 25 : i32
    %scan3A_476 = arith.addi %scan3A_474, %scan3A_475 : i32
    %scan3A_477 = arith.constant 1 : i32
    scf.for %scan3A_556 = %scan3A_474 to %scan3A_476 step %scan3A_477  : i32 {
      %mul3A_557 = arith.constant 10 : i32
      %mul3A_558 = arith.muli %scan3A_556, %mul3A_557 : i32
      %add3A_559 = arith.constant 0 : i32
      %add3A_560 = arith.addi %mul3A_558, %add3A_559 : i32
      %dma_wait3A = arith.constant 0 : i32
      %dma_wait3A_561 = arith.constant 0 : i32
      %dma_wait3A_562 = arith.constant 0 : i32
      %dma_wait3A_563 = arith.constant 0 : i32
      %dma_wait3A_564 = tpu.memref_slice %arg13[%dma_wait3A, %dma_wait3A_562, %dma_wait3A_563] : memref<10x80x32xf32, #tpu.memory_space<vmem>> -> memref<1x80x32xf32, #tpu.memory_space<vmem>>
      %dma_wait3A_565 = tpu.memref_squeeze %dma_wait3A_564 : memref<1x80x32xf32, #tpu.memory_space<vmem>> -> memref<80x32xf32, #tpu.memory_space<vmem>>
      %dma_wait3A_566 = arith.constant 0 : i32
      %dma_wait3A_567 = tpu.memref_slice %arg11[%add3A_560, %dma_wait3A_566] : memref<250x80xi32, #tpu.memory_space<vmem>> -> memref<1x80xi32, #tpu.memory_space<vmem>>
      %dma_wait3A_568 = tpu.memref_squeeze %dma_wait3A_567 : memref<1x80xi32, #tpu.memory_space<vmem>> -> memref<80xi32, #tpu.memory_space<vmem>>
      %dma_wait3A_569 = arith.constant 0 : i32
      %dma_wait3A_570 = arith.constant 0 : i32
      %dma_wait3A_571 = tpu.memref_slice %arg10[%arg0, %dma_wait3A_569, %dma_wait3A_570] : memref<2x10240x32xf32, #tpu.memory_space<hbm>> -> memref<1x10240x32xf32, #tpu.memory_space<hbm>>
      %dma_wait3A_572 = tpu.memref_squeeze %dma_wait3A_571 : memref<1x10240x32xf32, #tpu.memory_space<hbm>> -> memref<10240x32xf32, #tpu.memory_space<hbm>>
      %dma_wait3A_573 = arith.constant 0 : i32
      %dma_wait3A_574 = arith.constant 0 : i32
      %dma_wait3A_575 = tpu.memref_slice %dma_wait3A_572[%dma_wait3A_573, %dma_wait3A_574] : memref<10240x32xf32, #tpu.memory_space<hbm>> -> memref<10240x32xf32, #tpu.memory_space<hbm>>
      %dma_wait3A_576 = tpu.memref_slice %arg19[%dma_wait3A_561] : memref<10x!tpu.dma_semaphore, #tpu.memory_space<semaphore_mem>> -> memref<1x!tpu.dma_semaphore, #tpu.memory_space<semaphore_mem>>
      %dma_wait3A_577 = tpu.memref_squeeze %dma_wait3A_576 : memref<1x!tpu.dma_semaphore, #tpu.memory_space<semaphore_mem>> -> memref<!tpu.dma_semaphore, #tpu.memory_space<semaphore_mem>>
      tpu.wait_indirect_dma semaphore(%dma_wait3A_577 : memref<!tpu.dma_semaphore, #tpu.memory_space<semaphore_mem>>) src(%dma_wait3A_575 : memref<10240x32xf32, #tpu.memory_space<hbm>>) dst(%dma_wait3A_565 : memref<80x32xf32, #tpu.memory_space<vmem>>)
      %run_scoped3A_578 = arith.constant 0 : i32
      "tpu.region"() ({
        %run_scoped3A_856 = tpu.sem_alloc : memref<!tpu.dma_semaphore, #tpu.memory_space<semaphore_mem>>
        %dma_start3A_857 = arith.constant 0 : i32
        %dma_start3A_858 = arith.constant 0 : i32
        %dma_start3A_859 = tpu.memref_slice %arg13[%run_scoped3A_578, %dma_start3A_857, %dma_start3A_858] : memref<10x80x32xf32, #tpu.memory_space<vmem>> -> memref<1x80x32xf32, #tpu.memory_space<vmem>>
        %dma_start3A_860 = tpu.memref_squeeze %dma_start3A_859 : memref<1x80x32xf32, #tpu.memory_space<vmem>> -> memref<80x32xf32, #tpu.memory_space<vmem>>
        %dma_start3A_861 = arith.constant 0 : i32
        %dma_start3A_862 = tpu.memref_slice %arg12[%add3A_560, %dma_start3A_861] : memref<250x80xi32, #tpu.memory_space<vmem>> -> memref<1x80xi32, #tpu.memory_space<vmem>>
        %dma_start3A_863 = tpu.memref_squeeze %dma_start3A_862 : memref<1x80xi32, #tpu.memory_space<vmem>> -> memref<80xi32, #tpu.memory_space<vmem>>
        %dma_start3A_864 = arith.constant 0 : i32
        %dma_start3A_865 = arith.constant 0 : i32
        %dma_start3A_866 = tpu.memref_slice %arg18[%dma_start3A_864, %dma_start3A_865] : memref<10240x32xf32, #tpu.memory_space<vmem_shared>> -> memref<10240x32xf32, #tpu.memory_space<vmem_shared>>
        tpu.enqueue_indirect_dma source(%dma_start3A_860 : memref<80x32xf32, #tpu.memory_space<vmem>>) target(%dma_start3A_866 : memref<10240x32xf32, #tpu.memory_space<vmem_shared>>) offsets(%dma_start3A_863 : memref<80xi32, #tpu.memory_space<vmem>>) semaphore(%run_scoped3A_856 : memref<!tpu.dma_semaphore, #tpu.memory_space<semaphore_mem>>) {add = true}
        %dma_wait3A_867 = arith.constant 0 : i32
        %dma_wait3A_868 = arith.constant 0 : i32
        %dma_wait3A_869 = tpu.memref_slice %arg13[%run_scoped3A_578, %dma_wait3A_867, %dma_wait3A_868] : memref<10x80x32xf32, #tpu.memory_space<vmem>> -> memref<1x80x32xf32, #tpu.memory_space<vmem>>
        %dma_wait3A_870 = tpu.memref_squeeze %dma_wait3A_869 : memref<1x80x32xf32, #tpu.memory_space<vmem>> -> memref<80x32xf32, #tpu.memory_space<vmem>>
        %dma_wait3A_871 = arith.constant 0 : i32
        %dma_wait3A_872 = tpu.memref_slice %arg12[%add3A_560, %dma_wait3A_871] : memref<250x80xi32, #tpu.memory_space<vmem>> -> memref<1x80xi32, #tpu.memory_space<vmem>>
        %dma_wait3A_873 = tpu.memref_squeeze %dma_wait3A_872 : memref<1x80xi32, #tpu.memory_space<vmem>> -> memref<80xi32, #tpu.memory_space<vmem>>
        %dma_wait3A_874 = arith.constant 0 : i32
        %dma_wait3A_875 = arith.constant 0 : i32
        %dma_wait3A_876 = tpu.memref_slice %arg18[%dma_wait3A_874, %dma_wait3A_875] : memref<10240x32xf32, #tpu.memory_space<vmem_shared>> -> memref<10240x32xf32, #tpu.memory_space<vmem_shared>>
        tpu.wait_indirect_dma semaphore(%run_scoped3A_856 : memref<!tpu.dma_semaphore, #tpu.memory_space<semaphore_mem>>) src(%dma_wait3A_870 : memref<80x32xf32, #tpu.memory_space<vmem>>) dst(%dma_wait3A_876 : memref<10240x32xf32, #tpu.memory_space<vmem_shared>>)
        tpu.yield
      }) : () -> ()
      %add3A_579 = arith.constant 10 : i32
      %add3A_580 = arith.addi %add3A_560, %add3A_579 : i32
      %lt3A_581 = arith.constant 250 : i32
      %lt3A_582 = arith.cmpi slt, %add3A_580, %lt3A_581 : i32
      %convert_element_type3A_583 = arith.extui %lt3A_582 : i1 to i32
      %cond3A_584 = arith.constant 0 : i32
      %cond3A_585 = arith.cmpi ne, %convert_element_type3A_583, %cond3A_584 : i32
      scf.if %cond3A_585 {
        %dma_start3A_856 = arith.constant 0 : i32
        %dma_start3A_857 = arith.constant 0 : i32
        %dma_start3A_858 = arith.constant 0 : i32
        %dma_start3A_859 = arith.constant 0 : i32
        %dma_start3A_860 = tpu.memref_slice %arg13[%dma_start3A_856, %dma_start3A_858, %dma_start3A_859] : memref<10x80x32xf32, #tpu.memory_space<vmem>> -> memref<1x80x32xf32, #tpu.memory_space<vmem>>
        %dma_start3A_861 = tpu.memref_squeeze %dma_start3A_860 : memref<1x80x32xf32, #tpu.memory_space<vmem>> -> memref<80x32xf32, #tpu.memory_space<vmem>>
        %dma_start3A_862 = arith.constant 0 : i32
        %dma_start3A_863 = tpu.memref_slice %arg11[%add3A_580, %dma_start3A_862] : memref<250x80xi32, #tpu.memory_space<vmem>> -> memref<1x80xi32, #tpu.memory_space<vmem>>
        %dma_start3A_864 = tpu.memref_squeeze %dma_start3A_863 : memref<1x80xi32, #tpu.memory_space<vmem>> -> memref<80xi32, #tpu.memory_space<vmem>>
        %dma_start3A_865 = arith.constant 0 : i32
        %dma_start3A_866 = arith.constant 0 : i32
        %dma_start3A_867 = tpu.memref_slice %arg10[%arg0, %dma_start3A_865, %dma_start3A_866] : memref<2x10240x32xf32, #tpu.memory_space<hbm>> -> memref<1x10240x32xf32, #tpu.memory_space<hbm>>
        %dma_start3A_868 = tpu.memref_squeeze %dma_start3A_867 : memref<1x10240x32xf32, #tpu.memory_space<hbm>> -> memref<10240x32xf32, #tpu.memory_space<hbm>>
        %dma_start3A_869 = arith.constant 0 : i32
        %dma_start3A_870 = arith.constant 0 : i32
        %dma_start3A_871 = tpu.memref_slice %dma_start3A_868[%dma_start3A_869, %dma_start3A_870] : memref<10240x32xf32, #tpu.memory_space<hbm>> -> memref<10240x32xf32, #tpu.memory_space<hbm>>
        %dma_start3A_872 = tpu.memref_slice %arg19[%dma_start3A_857] : memref<10x!tpu.dma_semaphore, #tpu.memory_space<semaphore_mem>> -> memref<1x!tpu.dma_semaphore, #tpu.memory_space<semaphore_mem>>
        %dma_start3A_873 = tpu.memref_squeeze %dma_start3A_872 : memref<1x!tpu.dma_semaphore, #tpu.memory_space<semaphore_mem>> -> memref<!tpu.dma_semaphore, #tpu.memory_space<semaphore_mem>>
        tpu.enqueue_indirect_dma source(%dma_start3A_871 : memref<10240x32xf32, #tpu.memory_space<hbm>>) target(%dma_start3A_861 : memref<80x32xf32, #tpu.memory_space<vmem>>) offsets(%dma_start3A_864 : memref<80xi32, #tpu.memory_space<vmem>>) semaphore(%dma_start3A_873 : memref<!tpu.dma_semaphore, #tpu.memory_space<semaphore_mem>>)
      } else {
      }
      %mul3A_586 = arith.constant 10 : i32
      %mul3A_587 = arith.muli %scan3A_556, %mul3A_586 : i32
      %add3A_588 = arith.constant 1 : i32
      %add3A_589 = arith.addi %mul3A_587, %add3A_588 : i32
      %dma_wait3A_590 = arith.constant 1 : i32
      %dma_wait3A_591 = arith.constant 1 : i32
      %dma_wait3A_592 = arith.constant 0 : i32
      %dma_wait3A_593 = arith.constant 0 : i32
      %dma_wait3A_594 = tpu.memref_slice %arg13[%dma_wait3A_590, %dma_wait3A_592, %dma_wait3A_593] : memref<10x80x32xf32, #tpu.memory_space<vmem>> -> memref<1x80x32xf32, #tpu.memory_space<vmem>>
      %dma_wait3A_595 = tpu.memref_squeeze %dma_wait3A_594 : memref<1x80x32xf32, #tpu.memory_space<vmem>> -> memref<80x32xf32, #tpu.memory_space<vmem>>
      %dma_wait3A_596 = arith.constant 0 : i32
      %dma_wait3A_597 = tpu.memref_slice %arg11[%add3A_589, %dma_wait3A_596] : memref<250x80xi32, #tpu.memory_space<vmem>> -> memref<1x80xi32, #tpu.memory_space<vmem>>
      %dma_wait3A_598 = tpu.memref_squeeze %dma_wait3A_597 : memref<1x80xi32, #tpu.memory_space<vmem>> -> memref<80xi32, #tpu.memory_space<vmem>>
      %dma_wait3A_599 = arith.constant 0 : i32
      %dma_wait3A_600 = arith.constant 0 : i32
      %dma_wait3A_601 = tpu.memref_slice %arg10[%arg0, %dma_wait3A_599, %dma_wait3A_600] : memref<2x10240x32xf32, #tpu.memory_space<hbm>> -> memref<1x10240x32xf32, #tpu.memory_space<hbm>>
      %dma_wait3A_602 = tpu.memref_squeeze %dma_wait3A_601 : memref<1x10240x32xf32, #tpu.memory_space<hbm>> -> memref<10240x32xf32, #tpu.memory_space<hbm>>
      %dma_wait3A_603 = arith.constant 0 : i32
      %dma_wait3A_604 = arith.constant 0 : i32
      %dma_wait3A_605 = tpu.memref_slice %dma_wait3A_602[%dma_wait3A_603, %dma_wait3A_604] : memref<10240x32xf32, #tpu.memory_space<hbm>> -> memref<10240x32xf32, #tpu.memory_space<hbm>>
      %dma_wait3A_606 = tpu.memref_slice %arg19[%dma_wait3A_591] : memref<10x!tpu.dma_semaphore, #tpu.memory_space<semaphore_mem>> -> memref<1x!tpu.dma_semaphore, #tpu.memory_space<semaphore_mem>>
      %dma_wait3A_607 = tpu.memref_squeeze %dma_wait3A_606 : memref<1x!tpu.dma_semaphore, #tpu.memory_space<semaphore_mem>> -> memref<!tpu.dma_semaphore, #tpu.memory_space<semaphore_mem>>
      tpu.wait_indirect_dma semaphore(%dma_wait3A_607 : memref<!tpu.dma_semaphore, #tpu.memory_space<semaphore_mem>>) src(%dma_wait3A_605 : memref<10240x32xf32, #tpu.memory_space<hbm>>) dst(%dma_wait3A_595 : memref<80x32xf32, #tpu.memory_space<vmem>>)
      %run_scoped3A_608 = arith.constant 1 : i32
      "tpu.region"() ({
        %run_scoped3A_856 = tpu.sem_alloc : memref<!tpu.dma_semaphore, #tpu.memory_space<semaphore_mem>>
        %dma_start3A_857 = arith.constant 0 : i32
        %dma_start3A_858 = arith.constant 0 : i32
        %dma_start3A_859 = tpu.memref_slice %arg13[%run_scoped3A_608, %dma_start3A_857, %dma_start3A_858] : memref<10x80x32xf32, #tpu.memory_space<vmem>> -> memref<1x80x32xf32, #tpu.memory_space<vmem>>
        %dma_start3A_860 = tpu.memref_squeeze %dma_start3A_859 : memref<1x80x32xf32, #tpu.memory_space<vmem>> -> memref<80x32xf32, #tpu.memory_space<vmem>>
        %dma_start3A_861 = arith.constant 0 : i32
        %dma_start3A_862 = tpu.memref_slice %arg12[%add3A_589, %dma_start3A_861] : memref<250x80xi32, #tpu.memory_space<vmem>> -> memref<1x80xi32, #tpu.memory_space<vmem>>
        %dma_start3A_863 = tpu.memref_squeeze %dma_start3A_862 : memref<1x80xi32, #tpu.memory_space<vmem>> -> memref<80xi32, #tpu.memory_space<vmem>>
        %dma_start3A_864 = arith.constant 0 : i32
        %dma_start3A_865 = arith.constant 0 : i32
        %dma_start3A_866 = tpu.memref_slice %arg18[%dma_start3A_864, %dma_start3A_865] : memref<10240x32xf32, #tpu.memory_space<vmem_shared>> -> memref<10240x32xf32, #tpu.memory_space<vmem_shared>>
        tpu.enqueue_indirect_dma source(%dma_start3A_860 : memref<80x32xf32, #tpu.memory_space<vmem>>) target(%dma_start3A_866 : memref<10240x32xf32, #tpu.memory_space<vmem_shared>>) offsets(%dma_start3A_863 : memref<80xi32, #tpu.memory_space<vmem>>) semaphore(%run_scoped3A_856 : memref<!tpu.dma_semaphore, #tpu.memory_space<semaphore_mem>>) {add = true}
        %dma_wait3A_867 = arith.constant 0 : i32
        %dma_wait3A_868 = arith.constant 0 : i32
        %dma_wait3A_869 = tpu.memref_slice %arg13[%run_scoped3A_608, %dma_wait3A_867, %dma_wait3A_868] : memref<10x80x32xf32, #tpu.memory_space<vmem>> -> memref<1x80x32xf32, #tpu.memory_space<vmem>>
        %dma_wait3A_870 = tpu.memref_squeeze %dma_wait3A_869 : memref<1x80x32xf32, #tpu.memory_space<vmem>> -> memref<80x32xf32, #tpu.memory_space<vmem>>
        %dma_wait3A_871 = arith.constant 0 : i32
        %dma_wait3A_872 = tpu.memref_slice %arg12[%add3A_589, %dma_wait3A_871] : memref<250x80xi32, #tpu.memory_space<vmem>> -> memref<1x80xi32, #tpu.memory_space<vmem>>
        %dma_wait3A_873 = tpu.memref_squeeze %dma_wait3A_872 : memref<1x80xi32, #tpu.memory_space<vmem>> -> memref<80xi32, #tpu.memory_space<vmem>>
        %dma_wait3A_874 = arith.constant 0 : i32
        %dma_wait3A_875 = arith.constant 0 : i32
        %dma_wait3A_876 = tpu.memref_slice %arg18[%dma_wait3A_874, %dma_wait3A_875] : memref<10240x32xf32, #tpu.memory_space<vmem_shared>> -> memref<10240x32xf32, #tpu.memory_space<vmem_shared>>
        tpu.wait_indirect_dma semaphore(%run_scoped3A_856 : memref<!tpu.dma_semaphore, #tpu.memory_space<semaphore_mem>>) src(%dma_wait3A_870 : memref<80x32xf32, #tpu.memory_space<vmem>>) dst(%dma_wait3A_876 : memref<10240x32xf32, #tpu.memory_space<vmem_shared>>)
        tpu.yield
      }) : () -> ()
      %add3A_609 = arith.constant 10 : i32
      %add3A_610 = arith.addi %add3A_589, %add3A_609 : i32
      %lt3A_611 = arith.constant 250 : i32
      %lt3A_612 = arith.cmpi slt, %add3A_610, %lt3A_611 : i32
      %convert_element_type3A_613 = arith.extui %lt3A_612 : i1 to i32
      %cond3A_614 = arith.constant 0 : i32
      %cond3A_615 = arith.cmpi ne, %convert_element_type3A_613, %cond3A_614 : i32
      scf.if %cond3A_615 {
        %dma_start3A_856 = arith.constant 1 : i32
        %dma_start3A_857 = arith.constant 1 : i32
        %dma_start3A_858 = arith.constant 0 : i32
        %dma_start3A_859 = arith.constant 0 : i32
        %dma_start3A_860 = tpu.memref_slice %arg13[%dma_start3A_856, %dma_start3A_858, %dma_start3A_859] : memref<10x80x32xf32, #tpu.memory_space<vmem>> -> memref<1x80x32xf32, #tpu.memory_space<vmem>>
        %dma_start3A_861 = tpu.memref_squeeze %dma_start3A_860 : memref<1x80x32xf32, #tpu.memory_space<vmem>> -> memref<80x32xf32, #tpu.memory_space<vmem>>
        %dma_start3A_862 = arith.constant 0 : i32
        %dma_start3A_863 = tpu.memref_slice %arg11[%add3A_610, %dma_start3A_862] : memref<250x80xi32, #tpu.memory_space<vmem>> -> memref<1x80xi32, #tpu.memory_space<vmem>>
        %dma_start3A_864 = tpu.memref_squeeze %dma_start3A_863 : memref<1x80xi32, #tpu.memory_space<vmem>> -> memref<80xi32, #tpu.memory_space<vmem>>
        %dma_start3A_865 = arith.constant 0 : i32
        %dma_start3A_866 = arith.constant 0 : i32
        %dma_start3A_867 = tpu.memref_slice %arg10[%arg0, %dma_start3A_865, %dma_start3A_866] : memref<2x10240x32xf32, #tpu.memory_space<hbm>> -> memref<1x10240x32xf32, #tpu.memory_space<hbm>>
        %dma_start3A_868 = tpu.memref_squeeze %dma_start3A_867 : memref<1x10240x32xf32, #tpu.memory_space<hbm>> -> memref<10240x32xf32, #tpu.memory_space<hbm>>
        %dma_start3A_869 = arith.constant 0 : i32
        %dma_start3A_870 = arith.constant 0 : i32
        %dma_start3A_871 = tpu.memref_slice %dma_start3A_868[%dma_start3A_869, %dma_start3A_870] : memref<10240x32xf32, #tpu.memory_space<hbm>> -> memref<10240x32xf32, #tpu.memory_space<hbm>>
        %dma_start3A_872 = tpu.memref_slice %arg19[%dma_start3A_857] : memref<10x!tpu.dma_semaphore, #tpu.memory_space<semaphore_mem>> -> memref<1x!tpu.dma_semaphore, #tpu.memory_space<semaphore_mem>>
        %dma_start3A_873 = tpu.memref_squeeze %dma_start3A_872 : memref<1x!tpu.dma_semaphore, #tpu.memory_space<semaphore_mem>> -> memref<!tpu.dma_semaphore, #tpu.memory_space<semaphore_mem>>
        tpu.enqueue_indirect_dma source(%dma_start3A_871 : memref<10240x32xf32, #tpu.memory_space<hbm>>) target(%dma_start3A_861 : memref<80x32xf32, #tpu.memory_space<vmem>>) offsets(%dma_start3A_864 : memref<80xi32, #tpu.memory_space<vmem>>) semaphore(%dma_start3A_873 : memref<!tpu.dma_semaphore, #tpu.memory_space<semaphore_mem>>)
      } else {
      }
      %mul3A_616 = arith.constant 10 : i32
      %mul3A_617 = arith.muli %scan3A_556, %mul3A_616 : i32
      %add3A_618 = arith.constant 2 : i32
      %add3A_619 = arith.addi %mul3A_617, %add3A_618 : i32
      %dma_wait3A_620 = arith.constant 2 : i32
      %dma_wait3A_621 = arith.constant 2 : i32
      %dma_wait3A_622 = arith.constant 0 : i32
      %dma_wait3A_623 = arith.constant 0 : i32
      %dma_wait3A_624 = tpu.memref_slice %arg13[%dma_wait3A_620, %dma_wait3A_622, %dma_wait3A_623] : memref<10x80x32xf32, #tpu.memory_space<vmem>> -> memref<1x80x32xf32, #tpu.memory_space<vmem>>
      %dma_wait3A_625 = tpu.memref_squeeze %dma_wait3A_624 : memref<1x80x32xf32, #tpu.memory_space<vmem>> -> memref<80x32xf32, #tpu.memory_space<vmem>>
      %dma_wait3A_626 = arith.constant 0 : i32
      %dma_wait3A_627 = tpu.memref_slice %arg11[%add3A_619, %dma_wait3A_626] : memref<250x80xi32, #tpu.memory_space<vmem>> -> memref<1x80xi32, #tpu.memory_space<vmem>>
      %dma_wait3A_628 = tpu.memref_squeeze %dma_wait3A_627 : memref<1x80xi32, #tpu.memory_space<vmem>> -> memref<80xi32, #tpu.memory_space<vmem>>
      %dma_wait3A_629 = arith.constant 0 : i32
      %dma_wait3A_630 = arith.constant 0 : i32
      %dma_wait3A_631 = tpu.memref_slice %arg10[%arg0, %dma_wait3A_629, %dma_wait3A_630] : memref<2x10240x32xf32, #tpu.memory_space<hbm>> -> memref<1x10240x32xf32, #tpu.memory_space<hbm>>
      %dma_wait3A_632 = tpu.memref_squeeze %dma_wait3A_631 : memref<1x10240x32xf32, #tpu.memory_space<hbm>> -> memref<10240x32xf32, #tpu.memory_space<hbm>>
      %dma_wait3A_633 = arith.constant 0 : i32
      %dma_wait3A_634 = arith.constant 0 : i32
      %dma_wait3A_635 = tpu.memref_slice %dma_wait3A_632[%dma_wait3A_633, %dma_wait3A_634] : memref<10240x32xf32, #tpu.memory_space<hbm>> -> memref<10240x32xf32, #tpu.memory_space<hbm>>
      %dma_wait3A_636 = tpu.memref_slice %arg19[%dma_wait3A_621] : memref<10x!tpu.dma_semaphore, #tpu.memory_space<semaphore_mem>> -> memref<1x!tpu.dma_semaphore, #tpu.memory_space<semaphore_mem>>
      %dma_wait3A_637 = tpu.memref_squeeze %dma_wait3A_636 : memref<1x!tpu.dma_semaphore, #tpu.memory_space<semaphore_mem>> -> memref<!tpu.dma_semaphore, #tpu.memory_space<semaphore_mem>>
      tpu.wait_indirect_dma semaphore(%dma_wait3A_637 : memref<!tpu.dma_semaphore, #tpu.memory_space<semaphore_mem>>) src(%dma_wait3A_635 : memref<10240x32xf32, #tpu.memory_space<hbm>>) dst(%dma_wait3A_625 : memref<80x32xf32, #tpu.memory_space<vmem>>)
      %run_scoped3A_638 = arith.constant 2 : i32
      "tpu.region"() ({
        %run_scoped3A_856 = tpu.sem_alloc : memref<!tpu.dma_semaphore, #tpu.memory_space<semaphore_mem>>
        %dma_start3A_857 = arith.constant 0 : i32
        %dma_start3A_858 = arith.constant 0 : i32
        %dma_start3A_859 = tpu.memref_slice %arg13[%run_scoped3A_638, %dma_start3A_857, %dma_start3A_858] : memref<10x80x32xf32, #tpu.memory_space<vmem>> -> memref<1x80x32xf32, #tpu.memory_space<vmem>>
        %dma_start3A_860 = tpu.memref_squeeze %dma_start3A_859 : memref<1x80x32xf32, #tpu.memory_space<vmem>> -> memref<80x32xf32, #tpu.memory_space<vmem>>
        %dma_start3A_861 = arith.constant 0 : i32
        %dma_start3A_862 = tpu.memref_slice %arg12[%add3A_619, %dma_start3A_861] : memref<250x80xi32, #tpu.memory_space<vmem>> -> memref<1x80xi32, #tpu.memory_space<vmem>>
        %dma_start3A_863 = tpu.memref_squeeze %dma_start3A_862 : memref<1x80xi32, #tpu.memory_space<vmem>> -> memref<80xi32, #tpu.memory_space<vmem>>
        %dma_start3A_864 = arith.constant 0 : i32
        %dma_start3A_865 = arith.constant 0 : i32
        %dma_start3A_866 = tpu.memref_slice %arg18[%dma_start3A_864, %dma_start3A_865] : memref<10240x32xf32, #tpu.memory_space<vmem_shared>> -> memref<10240x32xf32, #tpu.memory_space<vmem_shared>>
        tpu.enqueue_indirect_dma source(%dma_start3A_860 : memref<80x32xf32, #tpu.memory_space<vmem>>) target(%dma_start3A_866 : memref<10240x32xf32, #tpu.memory_space<vmem_shared>>) offsets(%dma_start3A_863 : memref<80xi32, #tpu.memory_space<vmem>>) semaphore(%run_scoped3A_856 : memref<!tpu.dma_semaphore, #tpu.memory_space<semaphore_mem>>) {add = true}
        %dma_wait3A_867 = arith.constant 0 : i32
        %dma_wait3A_868 = arith.constant 0 : i32
        %dma_wait3A_869 = tpu.memref_slice %arg13[%run_scoped3A_638, %dma_wait3A_867, %dma_wait3A_868] : memref<10x80x32xf32, #tpu.memory_space<vmem>> -> memref<1x80x32xf32, #tpu.memory_space<vmem>>
        %dma_wait3A_870 = tpu.memref_squeeze %dma_wait3A_869 : memref<1x80x32xf32, #tpu.memory_space<vmem>> -> memref<80x32xf32, #tpu.memory_space<vmem>>
        %dma_wait3A_871 = arith.constant 0 : i32
        %dma_wait3A_872 = tpu.memref_slice %arg12[%add3A_619, %dma_wait3A_871] : memref<250x80xi32, #tpu.memory_space<vmem>> -> memref<1x80xi32, #tpu.memory_space<vmem>>
        %dma_wait3A_873 = tpu.memref_squeeze %dma_wait3A_872 : memref<1x80xi32, #tpu.memory_space<vmem>> -> memref<80xi32, #tpu.memory_space<vmem>>
        %dma_wait3A_874 = arith.constant 0 : i32
        %dma_wait3A_875 = arith.constant 0 : i32
        %dma_wait3A_876 = tpu.memref_slice %arg18[%dma_wait3A_874, %dma_wait3A_875] : memref<10240x32xf32, #tpu.memory_space<vmem_shared>> -> memref<10240x32xf32, #tpu.memory_space<vmem_shared>>
        tpu.wait_indirect_dma semaphore(%run_scoped3A_856 : memref<!tpu.dma_semaphore, #tpu.memory_space<semaphore_mem>>) src(%dma_wait3A_870 : memref<80x32xf32, #tpu.memory_space<vmem>>) dst(%dma_wait3A_876 : memref<10240x32xf32, #tpu.memory_space<vmem_shared>>)
        tpu.yield
      }) : () -> ()
      %add3A_639 = arith.constant 10 : i32
      %add3A_640 = arith.addi %add3A_619, %add3A_639 : i32
      %lt3A_641 = arith.constant 250 : i32
      %lt3A_642 = arith.cmpi slt, %add3A_640, %lt3A_641 : i32
      %convert_element_type3A_643 = arith.extui %lt3A_642 : i1 to i32
      %cond3A_644 = arith.constant 0 : i32
      %cond3A_645 = arith.cmpi ne, %convert_element_type3A_643, %cond3A_644 : i32
      scf.if %cond3A_645 {
        %dma_start3A_856 = arith.constant 2 : i32
        %dma_start3A_857 = arith.constant 2 : i32
        %dma_start3A_858 = arith.constant 0 : i32
        %dma_start3A_859 = arith.constant 0 : i32
        %dma_start3A_860 = tpu.memref_slice %arg13[%dma_start3A_856, %dma_start3A_858, %dma_start3A_859] : memref<10x80x32xf32, #tpu.memory_space<vmem>> -> memref<1x80x32xf32, #tpu.memory_space<vmem>>
        %dma_start3A_861 = tpu.memref_squeeze %dma_start3A_860 : memref<1x80x32xf32, #tpu.memory_space<vmem>> -> memref<80x32xf32, #tpu.memory_space<vmem>>
        %dma_start3A_862 = arith.constant 0 : i32
        %dma_start3A_863 = tpu.memref_slice %arg11[%add3A_640, %dma_start3A_862] : memref<250x80xi32, #tpu.memory_space<vmem>> -> memref<1x80xi32, #tpu.memory_space<vmem>>
        %dma_start3A_864 = tpu.memref_squeeze %dma_start3A_863 : memref<1x80xi32, #tpu.memory_space<vmem>> -> memref<80xi32, #tpu.memory_space<vmem>>
        %dma_start3A_865 = arith.constant 0 : i32
        %dma_start3A_866 = arith.constant 0 : i32
        %dma_start3A_867 = tpu.memref_slice %arg10[%arg0, %dma_start3A_865, %dma_start3A_866] : memref<2x10240x32xf32, #tpu.memory_space<hbm>> -> memref<1x10240x32xf32, #tpu.memory_space<hbm>>
        %dma_start3A_868 = tpu.memref_squeeze %dma_start3A_867 : memref<1x10240x32xf32, #tpu.memory_space<hbm>> -> memref<10240x32xf32, #tpu.memory_space<hbm>>
        %dma_start3A_869 = arith.constant 0 : i32
        %dma_start3A_870 = arith.constant 0 : i32
        %dma_start3A_871 = tpu.memref_slice %dma_start3A_868[%dma_start3A_869, %dma_start3A_870] : memref<10240x32xf32, #tpu.memory_space<hbm>> -> memref<10240x32xf32, #tpu.memory_space<hbm>>
        %dma_start3A_872 = tpu.memref_slice %arg19[%dma_start3A_857] : memref<10x!tpu.dma_semaphore, #tpu.memory_space<semaphore_mem>> -> memref<1x!tpu.dma_semaphore, #tpu.memory_space<semaphore_mem>>
        %dma_start3A_873 = tpu.memref_squeeze %dma_start3A_872 : memref<1x!tpu.dma_semaphore, #tpu.memory_space<semaphore_mem>> -> memref<!tpu.dma_semaphore, #tpu.memory_space<semaphore_mem>>
        tpu.enqueue_indirect_dma source(%dma_start3A_871 : memref<10240x32xf32, #tpu.memory_space<hbm>>) target(%dma_start3A_861 : memref<80x32xf32, #tpu.memory_space<vmem>>) offsets(%dma_start3A_864 : memref<80xi32, #tpu.memory_space<vmem>>) semaphore(%dma_start3A_873 : memref<!tpu.dma_semaphore, #tpu.memory_space<semaphore_mem>>)
      } else {
      }
      %mul3A_646 = arith.constant 10 : i32
      %mul3A_647 = arith.muli %scan3A_556, %mul3A_646 : i32
      %add3A_648 = arith.constant 3 : i32
      %add3A_649 = arith.addi %mul3A_647, %add3A_648 : i32
      %dma_wait3A_650 = arith.constant 3 : i32
      %dma_wait3A_651 = arith.constant 3 : i32
      %dma_wait3A_652 = arith.constant 0 : i32
      %dma_wait3A_653 = arith.constant 0 : i32
      %dma_wait3A_654 = tpu.memref_slice %arg13[%dma_wait3A_650, %dma_wait3A_652, %dma_wait3A_653] : memref<10x80x32xf32, #tpu.memory_space<vmem>> -> memref<1x80x32xf32, #tpu.memory_space<vmem>>
      %dma_wait3A_655 = tpu.memref_squeeze %dma_wait3A_654 : memref<1x80x32xf32, #tpu.memory_space<vmem>> -> memref<80x32xf32, #tpu.memory_space<vmem>>
      %dma_wait3A_656 = arith.constant 0 : i32
      %dma_wait3A_657 = tpu.memref_slice %arg11[%add3A_649, %dma_wait3A_656] : memref<250x80xi32, #tpu.memory_space<vmem>> -> memref<1x80xi32, #tpu.memory_space<vmem>>
      %dma_wait3A_658 = tpu.memref_squeeze %dma_wait3A_657 : memref<1x80xi32, #tpu.memory_space<vmem>> -> memref<80xi32, #tpu.memory_space<vmem>>
      %dma_wait3A_659 = arith.constant 0 : i32
      %dma_wait3A_660 = arith.constant 0 : i32
      %dma_wait3A_661 = tpu.memref_slice %arg10[%arg0, %dma_wait3A_659, %dma_wait3A_660] : memref<2x10240x32xf32, #tpu.memory_space<hbm>> -> memref<1x10240x32xf32, #tpu.memory_space<hbm>>
      %dma_wait3A_662 = tpu.memref_squeeze %dma_wait3A_661 : memref<1x10240x32xf32, #tpu.memory_space<hbm>> -> memref<10240x32xf32, #tpu.memory_space<hbm>>
      %dma_wait3A_663 = arith.constant 0 : i32
      %dma_wait3A_664 = arith.constant 0 : i32
      %dma_wait3A_665 = tpu.memref_slice %dma_wait3A_662[%dma_wait3A_663, %dma_wait3A_664] : memref<10240x32xf32, #tpu.memory_space<hbm>> -> memref<10240x32xf32, #tpu.memory_space<hbm>>
      %dma_wait3A_666 = tpu.memref_slice %arg19[%dma_wait3A_651] : memref<10x!tpu.dma_semaphore, #tpu.memory_space<semaphore_mem>> -> memref<1x!tpu.dma_semaphore, #tpu.memory_space<semaphore_mem>>
      %dma_wait3A_667 = tpu.memref_squeeze %dma_wait3A_666 : memref<1x!tpu.dma_semaphore, #tpu.memory_space<semaphore_mem>> -> memref<!tpu.dma_semaphore, #tpu.memory_space<semaphore_mem>>
      tpu.wait_indirect_dma semaphore(%dma_wait3A_667 : memref<!tpu.dma_semaphore, #tpu.memory_space<semaphore_mem>>) src(%dma_wait3A_665 : memref<10240x32xf32, #tpu.memory_space<hbm>>) dst(%dma_wait3A_655 : memref<80x32xf32, #tpu.memory_space<vmem>>)
      %run_scoped3A_668 = arith.constant 3 : i32
      "tpu.region"() ({
        %run_scoped3A_856 = tpu.sem_alloc : memref<!tpu.dma_semaphore, #tpu.memory_space<semaphore_mem>>
        %dma_start3A_857 = arith.constant 0 : i32
        %dma_start3A_858 = arith.constant 0 : i32
        %dma_start3A_859 = tpu.memref_slice %arg13[%run_scoped3A_668, %dma_start3A_857, %dma_start3A_858] : memref<10x80x32xf32, #tpu.memory_space<vmem>> -> memref<1x80x32xf32, #tpu.memory_space<vmem>>
        %dma_start3A_860 = tpu.memref_squeeze %dma_start3A_859 : memref<1x80x32xf32, #tpu.memory_space<vmem>> -> memref<80x32xf32, #tpu.memory_space<vmem>>
        %dma_start3A_861 = arith.constant 0 : i32
        %dma_start3A_862 = tpu.memref_slice %arg12[%add3A_649, %dma_start3A_861] : memref<250x80xi32, #tpu.memory_space<vmem>> -> memref<1x80xi32, #tpu.memory_space<vmem>>
        %dma_start3A_863 = tpu.memref_squeeze %dma_start3A_862 : memref<1x80xi32, #tpu.memory_space<vmem>> -> memref<80xi32, #tpu.memory_space<vmem>>
        %dma_start3A_864 = arith.constant 0 : i32
        %dma_start3A_865 = arith.constant 0 : i32
        %dma_start3A_866 = tpu.memref_slice %arg18[%dma_start3A_864, %dma_start3A_865] : memref<10240x32xf32, #tpu.memory_space<vmem_shared>> -> memref<10240x32xf32, #tpu.memory_space<vmem_shared>>
        tpu.enqueue_indirect_dma source(%dma_start3A_860 : memref<80x32xf32, #tpu.memory_space<vmem>>) target(%dma_start3A_866 : memref<10240x32xf32, #tpu.memory_space<vmem_shared>>) offsets(%dma_start3A_863 : memref<80xi32, #tpu.memory_space<vmem>>) semaphore(%run_scoped3A_856 : memref<!tpu.dma_semaphore, #tpu.memory_space<semaphore_mem>>) {add = true}
        %dma_wait3A_867 = arith.constant 0 : i32
        %dma_wait3A_868 = arith.constant 0 : i32
        %dma_wait3A_869 = tpu.memref_slice %arg13[%run_scoped3A_668, %dma_wait3A_867, %dma_wait3A_868] : memref<10x80x32xf32, #tpu.memory_space<vmem>> -> memref<1x80x32xf32, #tpu.memory_space<vmem>>
        %dma_wait3A_870 = tpu.memref_squeeze %dma_wait3A_869 : memref<1x80x32xf32, #tpu.memory_space<vmem>> -> memref<80x32xf32, #tpu.memory_space<vmem>>
        %dma_wait3A_871 = arith.constant 0 : i32
        %dma_wait3A_872 = tpu.memref_slice %arg12[%add3A_649, %dma_wait3A_871] : memref<250x80xi32, #tpu.memory_space<vmem>> -> memref<1x80xi32, #tpu.memory_space<vmem>>
        %dma_wait3A_873 = tpu.memref_squeeze %dma_wait3A_872 : memref<1x80xi32, #tpu.memory_space<vmem>> -> memref<80xi32, #tpu.memory_space<vmem>>
        %dma_wait3A_874 = arith.constant 0 : i32
        %dma_wait3A_875 = arith.constant 0 : i32
        %dma_wait3A_876 = tpu.memref_slice %arg18[%dma_wait3A_874, %dma_wait3A_875] : memref<10240x32xf32, #tpu.memory_space<vmem_shared>> -> memref<10240x32xf32, #tpu.memory_space<vmem_shared>>
        tpu.wait_indirect_dma semaphore(%run_scoped3A_856 : memref<!tpu.dma_semaphore, #tpu.memory_space<semaphore_mem>>) src(%dma_wait3A_870 : memref<80x32xf32, #tpu.memory_space<vmem>>) dst(%dma_wait3A_876 : memref<10240x32xf32, #tpu.memory_space<vmem_shared>>)
        tpu.yield
      }) : () -> ()
      %add3A_669 = arith.constant 10 : i32
      %add3A_670 = arith.addi %add3A_649, %add3A_669 : i32
      %lt3A_671 = arith.constant 250 : i32
      %lt3A_672 = arith.cmpi slt, %add3A_670, %lt3A_671 : i32
      %convert_element_type3A_673 = arith.extui %lt3A_672 : i1 to i32
      %cond3A_674 = arith.constant 0 : i32
      %cond3A_675 = arith.cmpi ne, %convert_element_type3A_673, %cond3A_674 : i32
      scf.if %cond3A_675 {
        %dma_start3A_856 = arith.constant 3 : i32
        %dma_start3A_857 = arith.constant 3 : i32
        %dma_start3A_858 = arith.constant 0 : i32
        %dma_start3A_859 = arith.constant 0 : i32
        %dma_start3A_860 = tpu.memref_slice %arg13[%dma_start3A_856, %dma_start3A_858, %dma_start3A_859] : memref<10x80x32xf32, #tpu.memory_space<vmem>> -> memref<1x80x32xf32, #tpu.memory_space<vmem>>
        %dma_start3A_861 = tpu.memref_squeeze %dma_start3A_860 : memref<1x80x32xf32, #tpu.memory_space<vmem>> -> memref<80x32xf32, #tpu.memory_space<vmem>>
        %dma_start3A_862 = arith.constant 0 : i32
        %dma_start3A_863 = tpu.memref_slice %arg11[%add3A_670, %dma_start3A_862] : memref<250x80xi32, #tpu.memory_space<vmem>> -> memref<1x80xi32, #tpu.memory_space<vmem>>
        %dma_start3A_864 = tpu.memref_squeeze %dma_start3A_863 : memref<1x80xi32, #tpu.memory_space<vmem>> -> memref<80xi32, #tpu.memory_space<vmem>>
        %dma_start3A_865 = arith.constant 0 : i32
        %dma_start3A_866 = arith.constant 0 : i32
        %dma_start3A_867 = tpu.memref_slice %arg10[%arg0, %dma_start3A_865, %dma_start3A_866] : memref<2x10240x32xf32, #tpu.memory_space<hbm>> -> memref<1x10240x32xf32, #tpu.memory_space<hbm>>
        %dma_start3A_868 = tpu.memref_squeeze %dma_start3A_867 : memref<1x10240x32xf32, #tpu.memory_space<hbm>> -> memref<10240x32xf32, #tpu.memory_space<hbm>>
        %dma_start3A_869 = arith.constant 0 : i32
        %dma_start3A_870 = arith.constant 0 : i32
        %dma_start3A_871 = tpu.memref_slice %dma_start3A_868[%dma_start3A_869, %dma_start3A_870] : memref<10240x32xf32, #tpu.memory_space<hbm>> -> memref<10240x32xf32, #tpu.memory_space<hbm>>
        %dma_start3A_872 = tpu.memref_slice %arg19[%dma_start3A_857] : memref<10x!tpu.dma_semaphore, #tpu.memory_space<semaphore_mem>> -> memref<1x!tpu.dma_semaphore, #tpu.memory_space<semaphore_mem>>
        %dma_start3A_873 = tpu.memref_squeeze %dma_start3A_872 : memref<1x!tpu.dma_semaphore, #tpu.memory_space<semaphore_mem>> -> memref<!tpu.dma_semaphore, #tpu.memory_space<semaphore_mem>>
        tpu.enqueue_indirect_dma source(%dma_start3A_871 : memref<10240x32xf32, #tpu.memory_space<hbm>>) target(%dma_start3A_861 : memref<80x32xf32, #tpu.memory_space<vmem>>) offsets(%dma_start3A_864 : memref<80xi32, #tpu.memory_space<vmem>>) semaphore(%dma_start3A_873 : memref<!tpu.dma_semaphore, #tpu.memory_space<semaphore_mem>>)
      } else {
      }
      %mul3A_676 = arith.constant 10 : i32
      %mul3A_677 = arith.muli %scan3A_556, %mul3A_676 : i32
      %add3A_678 = arith.constant 4 : i32
      %add3A_679 = arith.addi %mul3A_677, %add3A_678 : i32
      %dma_wait3A_680 = arith.constant 4 : i32
      %dma_wait3A_681 = arith.constant 4 : i32
      %dma_wait3A_682 = arith.constant 0 : i32
      %dma_wait3A_683 = arith.constant 0 : i32
      %dma_wait3A_684 = tpu.memref_slice %arg13[%dma_wait3A_680, %dma_wait3A_682, %dma_wait3A_683] : memref<10x80x32xf32, #tpu.memory_space<vmem>> -> memref<1x80x32xf32, #tpu.memory_space<vmem>>
      %dma_wait3A_685 = tpu.memref_squeeze %dma_wait3A_684 : memref<1x80x32xf32, #tpu.memory_space<vmem>> -> memref<80x32xf32, #tpu.memory_space<vmem>>
      %dma_wait3A_686 = arith.constant 0 : i32
      %dma_wait3A_687 = tpu.memref_slice %arg11[%add3A_679, %dma_wait3A_686] : memref<250x80xi32, #tpu.memory_space<vmem>> -> memref<1x80xi32, #tpu.memory_space<vmem>>
      %dma_wait3A_688 = tpu.memref_squeeze %dma_wait3A_687 : memref<1x80xi32, #tpu.memory_space<vmem>> -> memref<80xi32, #tpu.memory_space<vmem>>
      %dma_wait3A_689 = arith.constant 0 : i32
      %dma_wait3A_690 = arith.constant 0 : i32
      %dma_wait3A_691 = tpu.memref_slice %arg10[%arg0, %dma_wait3A_689, %dma_wait3A_690] : memref<2x10240x32xf32, #tpu.memory_space<hbm>> -> memref<1x10240x32xf32, #tpu.memory_space<hbm>>
      %dma_wait3A_692 = tpu.memref_squeeze %dma_wait3A_691 : memref<1x10240x32xf32, #tpu.memory_space<hbm>> -> memref<10240x32xf32, #tpu.memory_space<hbm>>
      %dma_wait3A_693 = arith.constant 0 : i32
      %dma_wait3A_694 = arith.constant 0 : i32
      %dma_wait3A_695 = tpu.memref_slice %dma_wait3A_692[%dma_wait3A_693, %dma_wait3A_694] : memref<10240x32xf32, #tpu.memory_space<hbm>> -> memref<10240x32xf32, #tpu.memory_space<hbm>>
      %dma_wait3A_696 = tpu.memref_slice %arg19[%dma_wait3A_681] : memref<10x!tpu.dma_semaphore, #tpu.memory_space<semaphore_mem>> -> memref<1x!tpu.dma_semaphore, #tpu.memory_space<semaphore_mem>>
      %dma_wait3A_697 = tpu.memref_squeeze %dma_wait3A_696 : memref<1x!tpu.dma_semaphore, #tpu.memory_space<semaphore_mem>> -> memref<!tpu.dma_semaphore, #tpu.memory_space<semaphore_mem>>
      tpu.wait_indirect_dma semaphore(%dma_wait3A_697 : memref<!tpu.dma_semaphore, #tpu.memory_space<semaphore_mem>>) src(%dma_wait3A_695 : memref<10240x32xf32, #tpu.memory_space<hbm>>) dst(%dma_wait3A_685 : memref<80x32xf32, #tpu.memory_space<vmem>>)
      %run_scoped3A_698 = arith.constant 4 : i32
      "tpu.region"() ({
        %run_scoped3A_856 = tpu.sem_alloc : memref<!tpu.dma_semaphore, #tpu.memory_space<semaphore_mem>>
        %dma_start3A_857 = arith.constant 0 : i32
        %dma_start3A_858 = arith.constant 0 : i32
        %dma_start3A_859 = tpu.memref_slice %arg13[%run_scoped3A_698, %dma_start3A_857, %dma_start3A_858] : memref<10x80x32xf32, #tpu.memory_space<vmem>> -> memref<1x80x32xf32, #tpu.memory_space<vmem>>
        %dma_start3A_860 = tpu.memref_squeeze %dma_start3A_859 : memref<1x80x32xf32, #tpu.memory_space<vmem>> -> memref<80x32xf32, #tpu.memory_space<vmem>>
        %dma_start3A_861 = arith.constant 0 : i32
        %dma_start3A_862 = tpu.memref_slice %arg12[%add3A_679, %dma_start3A_861] : memref<250x80xi32, #tpu.memory_space<vmem>> -> memref<1x80xi32, #tpu.memory_space<vmem>>
        %dma_start3A_863 = tpu.memref_squeeze %dma_start3A_862 : memref<1x80xi32, #tpu.memory_space<vmem>> -> memref<80xi32, #tpu.memory_space<vmem>>
        %dma_start3A_864 = arith.constant 0 : i32
        %dma_start3A_865 = arith.constant 0 : i32
        %dma_start3A_866 = tpu.memref_slice %arg18[%dma_start3A_864, %dma_start3A_865] : memref<10240x32xf32, #tpu.memory_space<vmem_shared>> -> memref<10240x32xf32, #tpu.memory_space<vmem_shared>>
        tpu.enqueue_indirect_dma source(%dma_start3A_860 : memref<80x32xf32, #tpu.memory_space<vmem>>) target(%dma_start3A_866 : memref<10240x32xf32, #tpu.memory_space<vmem_shared>>) offsets(%dma_start3A_863 : memref<80xi32, #tpu.memory_space<vmem>>) semaphore(%run_scoped3A_856 : memref<!tpu.dma_semaphore, #tpu.memory_space<semaphore_mem>>) {add = true}
        %dma_wait3A_867 = arith.constant 0 : i32
        %dma_wait3A_868 = arith.constant 0 : i32
        %dma_wait3A_869 = tpu.memref_slice %arg13[%run_scoped3A_698, %dma_wait3A_867, %dma_wait3A_868] : memref<10x80x32xf32, #tpu.memory_space<vmem>> -> memref<1x80x32xf32, #tpu.memory_space<vmem>>
        %dma_wait3A_870 = tpu.memref_squeeze %dma_wait3A_869 : memref<1x80x32xf32, #tpu.memory_space<vmem>> -> memref<80x32xf32, #tpu.memory_space<vmem>>
        %dma_wait3A_871 = arith.constant 0 : i32
        %dma_wait3A_872 = tpu.memref_slice %arg12[%add3A_679, %dma_wait3A_871] : memref<250x80xi32, #tpu.memory_space<vmem>> -> memref<1x80xi32, #tpu.memory_space<vmem>>
        %dma_wait3A_873 = tpu.memref_squeeze %dma_wait3A_872 : memref<1x80xi32, #tpu.memory_space<vmem>> -> memref<80xi32, #tpu.memory_space<vmem>>
        %dma_wait3A_874 = arith.constant 0 : i32
        %dma_wait3A_875 = arith.constant 0 : i32
        %dma_wait3A_876 = tpu.memref_slice %arg18[%dma_wait3A_874, %dma_wait3A_875] : memref<10240x32xf32, #tpu.memory_space<vmem_shared>> -> memref<10240x32xf32, #tpu.memory_space<vmem_shared>>
        tpu.wait_indirect_dma semaphore(%run_scoped3A_856 : memref<!tpu.dma_semaphore, #tpu.memory_space<semaphore_mem>>) src(%dma_wait3A_870 : memref<80x32xf32, #tpu.memory_space<vmem>>) dst(%dma_wait3A_876 : memref<10240x32xf32, #tpu.memory_space<vmem_shared>>)
        tpu.yield
      }) : () -> ()
      %add3A_699 = arith.constant 10 : i32
      %add3A_700 = arith.addi %add3A_679, %add3A_699 : i32
      %lt3A_701 = arith.constant 250 : i32
      %lt3A_702 = arith.cmpi slt, %add3A_700, %lt3A_701 : i32
      %convert_element_type3A_703 = arith.extui %lt3A_702 : i1 to i32
      %cond3A_704 = arith.constant 0 : i32
      %cond3A_705 = arith.cmpi ne, %convert_element_type3A_703, %cond3A_704 : i32
      scf.if %cond3A_705 {
        %dma_start3A_856 = arith.constant 4 : i32
        %dma_start3A_857 = arith.constant 4 : i32
        %dma_start3A_858 = arith.constant 0 : i32
        %dma_start3A_859 = arith.constant 0 : i32
        %dma_start3A_860 = tpu.memref_slice %arg13[%dma_start3A_856, %dma_start3A_858, %dma_start3A_859] : memref<10x80x32xf32, #tpu.memory_space<vmem>> -> memref<1x80x32xf32, #tpu.memory_space<vmem>>
        %dma_start3A_861 = tpu.memref_squeeze %dma_start3A_860 : memref<1x80x32xf32, #tpu.memory_space<vmem>> -> memref<80x32xf32, #tpu.memory_space<vmem>>
        %dma_start3A_862 = arith.constant 0 : i32
        %dma_start3A_863 = tpu.memref_slice %arg11[%add3A_700, %dma_start3A_862] : memref<250x80xi32, #tpu.memory_space<vmem>> -> memref<1x80xi32, #tpu.memory_space<vmem>>
        %dma_start3A_864 = tpu.memref_squeeze %dma_start3A_863 : memref<1x80xi32, #tpu.memory_space<vmem>> -> memref<80xi32, #tpu.memory_space<vmem>>
        %dma_start3A_865 = arith.constant 0 : i32
        %dma_start3A_866 = arith.constant 0 : i32
        %dma_start3A_867 = tpu.memref_slice %arg10[%arg0, %dma_start3A_865, %dma_start3A_866] : memref<2x10240x32xf32, #tpu.memory_space<hbm>> -> memref<1x10240x32xf32, #tpu.memory_space<hbm>>
        %dma_start3A_868 = tpu.memref_squeeze %dma_start3A_867 : memref<1x10240x32xf32, #tpu.memory_space<hbm>> -> memref<10240x32xf32, #tpu.memory_space<hbm>>
        %dma_start3A_869 = arith.constant 0 : i32
        %dma_start3A_870 = arith.constant 0 : i32
        %dma_start3A_871 = tpu.memref_slice %dma_start3A_868[%dma_start3A_869, %dma_start3A_870] : memref<10240x32xf32, #tpu.memory_space<hbm>> -> memref<10240x32xf32, #tpu.memory_space<hbm>>
        %dma_start3A_872 = tpu.memref_slice %arg19[%dma_start3A_857] : memref<10x!tpu.dma_semaphore, #tpu.memory_space<semaphore_mem>> -> memref<1x!tpu.dma_semaphore, #tpu.memory_space<semaphore_mem>>
        %dma_start3A_873 = tpu.memref_squeeze %dma_start3A_872 : memref<1x!tpu.dma_semaphore, #tpu.memory_space<semaphore_mem>> -> memref<!tpu.dma_semaphore, #tpu.memory_space<semaphore_mem>>
        tpu.enqueue_indirect_dma source(%dma_start3A_871 : memref<10240x32xf32, #tpu.memory_space<hbm>>) target(%dma_start3A_861 : memref<80x32xf32, #tpu.memory_space<vmem>>) offsets(%dma_start3A_864 : memref<80xi32, #tpu.memory_space<vmem>>) semaphore(%dma_start3A_873 : memref<!tpu.dma_semaphore, #tpu.memory_space<semaphore_mem>>)
      } else {
      }
      %mul3A_706 = arith.constant 10 : i32
      %mul3A_707 = arith.muli %scan3A_556, %mul3A_706 : i32
      %add3A_708 = arith.constant 5 : i32
      %add3A_709 = arith.addi %mul3A_707, %add3A_708 : i32
      %dma_wait3A_710 = arith.constant 5 : i32
      %dma_wait3A_711 = arith.constant 5 : i32
      %dma_wait3A_712 = arith.constant 0 : i32
      %dma_wait3A_713 = arith.constant 0 : i32
      %dma_wait3A_714 = tpu.memref_slice %arg13[%dma_wait3A_710, %dma_wait3A_712, %dma_wait3A_713] : memref<10x80x32xf32, #tpu.memory_space<vmem>> -> memref<1x80x32xf32, #tpu.memory_space<vmem>>
      %dma_wait3A_715 = tpu.memref_squeeze %dma_wait3A_714 : memref<1x80x32xf32, #tpu.memory_space<vmem>> -> memref<80x32xf32, #tpu.memory_space<vmem>>
      %dma_wait3A_716 = arith.constant 0 : i32
      %dma_wait3A_717 = tpu.memref_slice %arg11[%add3A_709, %dma_wait3A_716] : memref<250x80xi32, #tpu.memory_space<vmem>> -> memref<1x80xi32, #tpu.memory_space<vmem>>
      %dma_wait3A_718 = tpu.memref_squeeze %dma_wait3A_717 : memref<1x80xi32, #tpu.memory_space<vmem>> -> memref<80xi32, #tpu.memory_space<vmem>>
      %dma_wait3A_719 = arith.constant 0 : i32
      %dma_wait3A_720 = arith.constant 0 : i32
      %dma_wait3A_721 = tpu.memref_slice %arg10[%arg0, %dma_wait3A_719, %dma_wait3A_720] : memref<2x10240x32xf32, #tpu.memory_space<hbm>> -> memref<1x10240x32xf32, #tpu.memory_space<hbm>>
      %dma_wait3A_722 = tpu.memref_squeeze %dma_wait3A_721 : memref<1x10240x32xf32, #tpu.memory_space<hbm>> -> memref<10240x32xf32, #tpu.memory_space<hbm>>
      %dma_wait3A_723 = arith.constant 0 : i32
      %dma_wait3A_724 = arith.constant 0 : i32
      %dma_wait3A_725 = tpu.memref_slice %dma_wait3A_722[%dma_wait3A_723, %dma_wait3A_724] : memref<10240x32xf32, #tpu.memory_space<hbm>> -> memref<10240x32xf32, #tpu.memory_space<hbm>>
      %dma_wait3A_726 = tpu.memref_slice %arg19[%dma_wait3A_711] : memref<10x!tpu.dma_semaphore, #tpu.memory_space<semaphore_mem>> -> memref<1x!tpu.dma_semaphore, #tpu.memory_space<semaphore_mem>>
      %dma_wait3A_727 = tpu.memref_squeeze %dma_wait3A_726 : memref<1x!tpu.dma_semaphore, #tpu.memory_space<semaphore_mem>> -> memref<!tpu.dma_semaphore, #tpu.memory_space<semaphore_mem>>
      tpu.wait_indirect_dma semaphore(%dma_wait3A_727 : memref<!tpu.dma_semaphore, #tpu.memory_space<semaphore_mem>>) src(%dma_wait3A_725 : memref<10240x32xf32, #tpu.memory_space<hbm>>) dst(%dma_wait3A_715 : memref<80x32xf32, #tpu.memory_space<vmem>>)
      %run_scoped3A_728 = arith.constant 5 : i32
      "tpu.region"() ({
        %run_scoped3A_856 = tpu.sem_alloc : memref<!tpu.dma_semaphore, #tpu.memory_space<semaphore_mem>>
        %dma_start3A_857 = arith.constant 0 : i32
        %dma_start3A_858 = arith.constant 0 : i32
        %dma_start3A_859 = tpu.memref_slice %arg13[%run_scoped3A_728, %dma_start3A_857, %dma_start3A_858] : memref<10x80x32xf32, #tpu.memory_space<vmem>> -> memref<1x80x32xf32, #tpu.memory_space<vmem>>
        %dma_start3A_860 = tpu.memref_squeeze %dma_start3A_859 : memref<1x80x32xf32, #tpu.memory_space<vmem>> -> memref<80x32xf32, #tpu.memory_space<vmem>>
        %dma_start3A_861 = arith.constant 0 : i32
        %dma_start3A_862 = tpu.memref_slice %arg12[%add3A_709, %dma_start3A_861] : memref<250x80xi32, #tpu.memory_space<vmem>> -> memref<1x80xi32, #tpu.memory_space<vmem>>
        %dma_start3A_863 = tpu.memref_squeeze %dma_start3A_862 : memref<1x80xi32, #tpu.memory_space<vmem>> -> memref<80xi32, #tpu.memory_space<vmem>>
        %dma_start3A_864 = arith.constant 0 : i32
        %dma_start3A_865 = arith.constant 0 : i32
        %dma_start3A_866 = tpu.memref_slice %arg18[%dma_start3A_864, %dma_start3A_865] : memref<10240x32xf32, #tpu.memory_space<vmem_shared>> -> memref<10240x32xf32, #tpu.memory_space<vmem_shared>>
        tpu.enqueue_indirect_dma source(%dma_start3A_860 : memref<80x32xf32, #tpu.memory_space<vmem>>) target(%dma_start3A_866 : memref<10240x32xf32, #tpu.memory_space<vmem_shared>>) offsets(%dma_start3A_863 : memref<80xi32, #tpu.memory_space<vmem>>) semaphore(%run_scoped3A_856 : memref<!tpu.dma_semaphore, #tpu.memory_space<semaphore_mem>>) {add = true}
        %dma_wait3A_867 = arith.constant 0 : i32
        %dma_wait3A_868 = arith.constant 0 : i32
        %dma_wait3A_869 = tpu.memref_slice %arg13[%run_scoped3A_728, %dma_wait3A_867, %dma_wait3A_868] : memref<10x80x32xf32, #tpu.memory_space<vmem>> -> memref<1x80x32xf32, #tpu.memory_space<vmem>>
        %dma_wait3A_870 = tpu.memref_squeeze %dma_wait3A_869 : memref<1x80x32xf32, #tpu.memory_space<vmem>> -> memref<80x32xf32, #tpu.memory_space<vmem>>
        %dma_wait3A_871 = arith.constant 0 : i32
        %dma_wait3A_872 = tpu.memref_slice %arg12[%add3A_709, %dma_wait3A_871] : memref<250x80xi32, #tpu.memory_space<vmem>> -> memref<1x80xi32, #tpu.memory_space<vmem>>
        %dma_wait3A_873 = tpu.memref_squeeze %dma_wait3A_872 : memref<1x80xi32, #tpu.memory_space<vmem>> -> memref<80xi32, #tpu.memory_space<vmem>>
        %dma_wait3A_874 = arith.constant 0 : i32
        %dma_wait3A_875 = arith.constant 0 : i32
        %dma_wait3A_876 = tpu.memref_slice %arg18[%dma_wait3A_874, %dma_wait3A_875] : memref<10240x32xf32, #tpu.memory_space<vmem_shared>> -> memref<10240x32xf32, #tpu.memory_space<vmem_shared>>
        tpu.wait_indirect_dma semaphore(%run_scoped3A_856 : memref<!tpu.dma_semaphore, #tpu.memory_space<semaphore_mem>>) src(%dma_wait3A_870 : memref<80x32xf32, #tpu.memory_space<vmem>>) dst(%dma_wait3A_876 : memref<10240x32xf32, #tpu.memory_space<vmem_shared>>)
        tpu.yield
      }) : () -> ()
      %add3A_729 = arith.constant 10 : i32
      %add3A_730 = arith.addi %add3A_709, %add3A_729 : i32
      %lt3A_731 = arith.constant 250 : i32
      %lt3A_732 = arith.cmpi slt, %add3A_730, %lt3A_731 : i32
      %convert_element_type3A_733 = arith.extui %lt3A_732 : i1 to i32
      %cond3A_734 = arith.constant 0 : i32
      %cond3A_735 = arith.cmpi ne, %convert_element_type3A_733, %cond3A_734 : i32
      scf.if %cond3A_735 {
        %dma_start3A_856 = arith.constant 5 : i32
        %dma_start3A_857 = arith.constant 5 : i32
        %dma_start3A_858 = arith.constant 0 : i32
        %dma_start3A_859 = arith.constant 0 : i32
        %dma_start3A_860 = tpu.memref_slice %arg13[%dma_start3A_856, %dma_start3A_858, %dma_start3A_859] : memref<10x80x32xf32, #tpu.memory_space<vmem>> -> memref<1x80x32xf32, #tpu.memory_space<vmem>>
        %dma_start3A_861 = tpu.memref_squeeze %dma_start3A_860 : memref<1x80x32xf32, #tpu.memory_space<vmem>> -> memref<80x32xf32, #tpu.memory_space<vmem>>
        %dma_start3A_862 = arith.constant 0 : i32
        %dma_start3A_863 = tpu.memref_slice %arg11[%add3A_730, %dma_start3A_862] : memref<250x80xi32, #tpu.memory_space<vmem>> -> memref<1x80xi32, #tpu.memory_space<vmem>>
        %dma_start3A_864 = tpu.memref_squeeze %dma_start3A_863 : memref<1x80xi32, #tpu.memory_space<vmem>> -> memref<80xi32, #tpu.memory_space<vmem>>
        %dma_start3A_865 = arith.constant 0 : i32
        %dma_start3A_866 = arith.constant 0 : i32
        %dma_start3A_867 = tpu.memref_slice %arg10[%arg0, %dma_start3A_865, %dma_start3A_866] : memref<2x10240x32xf32, #tpu.memory_space<hbm>> -> memref<1x10240x32xf32, #tpu.memory_space<hbm>>
        %dma_start3A_868 = tpu.memref_squeeze %dma_start3A_867 : memref<1x10240x32xf32, #tpu.memory_space<hbm>> -> memref<10240x32xf32, #tpu.memory_space<hbm>>
        %dma_start3A_869 = arith.constant 0 : i32
        %dma_start3A_870 = arith.constant 0 : i32
        %dma_start3A_871 = tpu.memref_slice %dma_start3A_868[%dma_start3A_869, %dma_start3A_870] : memref<10240x32xf32, #tpu.memory_space<hbm>> -> memref<10240x32xf32, #tpu.memory_space<hbm>>
        %dma_start3A_872 = tpu.memref_slice %arg19[%dma_start3A_857] : memref<10x!tpu.dma_semaphore, #tpu.memory_space<semaphore_mem>> -> memref<1x!tpu.dma_semaphore, #tpu.memory_space<semaphore_mem>>
        %dma_start3A_873 = tpu.memref_squeeze %dma_start3A_872 : memref<1x!tpu.dma_semaphore, #tpu.memory_space<semaphore_mem>> -> memref<!tpu.dma_semaphore, #tpu.memory_space<semaphore_mem>>
        tpu.enqueue_indirect_dma source(%dma_start3A_871 : memref<10240x32xf32, #tpu.memory_space<hbm>>) target(%dma_start3A_861 : memref<80x32xf32, #tpu.memory_space<vmem>>) offsets(%dma_start3A_864 : memref<80xi32, #tpu.memory_space<vmem>>) semaphore(%dma_start3A_873 : memref<!tpu.dma_semaphore, #tpu.memory_space<semaphore_mem>>)
      } else {
      }
      %mul3A_736 = arith.constant 10 : i32
      %mul3A_737 = arith.muli %scan3A_556, %mul3A_736 : i32
      %add3A_738 = arith.constant 6 : i32
      %add3A_739 = arith.addi %mul3A_737, %add3A_738 : i32
      %dma_wait3A_740 = arith.constant 6 : i32
      %dma_wait3A_741 = arith.constant 6 : i32
      %dma_wait3A_742 = arith.constant 0 : i32
      %dma_wait3A_743 = arith.constant 0 : i32
      %dma_wait3A_744 = tpu.memref_slice %arg13[%dma_wait3A_740, %dma_wait3A_742, %dma_wait3A_743] : memref<10x80x32xf32, #tpu.memory_space<vmem>> -> memref<1x80x32xf32, #tpu.memory_space<vmem>>
      %dma_wait3A_745 = tpu.memref_squeeze %dma_wait3A_744 : memref<1x80x32xf32, #tpu.memory_space<vmem>> -> memref<80x32xf32, #tpu.memory_space<vmem>>
      %dma_wait3A_746 = arith.constant 0 : i32
      %dma_wait3A_747 = tpu.memref_slice %arg11[%add3A_739, %dma_wait3A_746] : memref<250x80xi32, #tpu.memory_space<vmem>> -> memref<1x80xi32, #tpu.memory_space<vmem>>
      %dma_wait3A_748 = tpu.memref_squeeze %dma_wait3A_747 : memref<1x80xi32, #tpu.memory_space<vmem>> -> memref<80xi32, #tpu.memory_space<vmem>>
      %dma_wait3A_749 = arith.constant 0 : i32
      %dma_wait3A_750 = arith.constant 0 : i32
      %dma_wait3A_751 = tpu.memref_slice %arg10[%arg0, %dma_wait3A_749, %dma_wait3A_750] : memref<2x10240x32xf32, #tpu.memory_space<hbm>> -> memref<1x10240x32xf32, #tpu.memory_space<hbm>>
      %dma_wait3A_752 = tpu.memref_squeeze %dma_wait3A_751 : memref<1x10240x32xf32, #tpu.memory_space<hbm>> -> memref<10240x32xf32, #tpu.memory_space<hbm>>
      %dma_wait3A_753 = arith.constant 0 : i32
      %dma_wait3A_754 = arith.constant 0 : i32
      %dma_wait3A_755 = tpu.memref_slice %dma_wait3A_752[%dma_wait3A_753, %dma_wait3A_754] : memref<10240x32xf32, #tpu.memory_space<hbm>> -> memref<10240x32xf32, #tpu.memory_space<hbm>>
      %dma_wait3A_756 = tpu.memref_slice %arg19[%dma_wait3A_741] : memref<10x!tpu.dma_semaphore, #tpu.memory_space<semaphore_mem>> -> memref<1x!tpu.dma_semaphore, #tpu.memory_space<semaphore_mem>>
      %dma_wait3A_757 = tpu.memref_squeeze %dma_wait3A_756 : memref<1x!tpu.dma_semaphore, #tpu.memory_space<semaphore_mem>> -> memref<!tpu.dma_semaphore, #tpu.memory_space<semaphore_mem>>
      tpu.wait_indirect_dma semaphore(%dma_wait3A_757 : memref<!tpu.dma_semaphore, #tpu.memory_space<semaphore_mem>>) src(%dma_wait3A_755 : memref<10240x32xf32, #tpu.memory_space<hbm>>) dst(%dma_wait3A_745 : memref<80x32xf32, #tpu.memory_space<vmem>>)
      %run_scoped3A_758 = arith.constant 6 : i32
      "tpu.region"() ({
        %run_scoped3A_856 = tpu.sem_alloc : memref<!tpu.dma_semaphore, #tpu.memory_space<semaphore_mem>>
        %dma_start3A_857 = arith.constant 0 : i32
        %dma_start3A_858 = arith.constant 0 : i32
        %dma_start3A_859 = tpu.memref_slice %arg13[%run_scoped3A_758, %dma_start3A_857, %dma_start3A_858] : memref<10x80x32xf32, #tpu.memory_space<vmem>> -> memref<1x80x32xf32, #tpu.memory_space<vmem>>
        %dma_start3A_860 = tpu.memref_squeeze %dma_start3A_859 : memref<1x80x32xf32, #tpu.memory_space<vmem>> -> memref<80x32xf32, #tpu.memory_space<vmem>>
        %dma_start3A_861 = arith.constant 0 : i32
        %dma_start3A_862 = tpu.memref_slice %arg12[%add3A_739, %dma_start3A_861] : memref<250x80xi32, #tpu.memory_space<vmem>> -> memref<1x80xi32, #tpu.memory_space<vmem>>
        %dma_start3A_863 = tpu.memref_squeeze %dma_start3A_862 : memref<1x80xi32, #tpu.memory_space<vmem>> -> memref<80xi32, #tpu.memory_space<vmem>>
        %dma_start3A_864 = arith.constant 0 : i32
        %dma_start3A_865 = arith.constant 0 : i32
        %dma_start3A_866 = tpu.memref_slice %arg18[%dma_start3A_864, %dma_start3A_865] : memref<10240x32xf32, #tpu.memory_space<vmem_shared>> -> memref<10240x32xf32, #tpu.memory_space<vmem_shared>>
        tpu.enqueue_indirect_dma source(%dma_start3A_860 : memref<80x32xf32, #tpu.memory_space<vmem>>) target(%dma_start3A_866 : memref<10240x32xf32, #tpu.memory_space<vmem_shared>>) offsets(%dma_start3A_863 : memref<80xi32, #tpu.memory_space<vmem>>) semaphore(%run_scoped3A_856 : memref<!tpu.dma_semaphore, #tpu.memory_space<semaphore_mem>>) {add = true}
        %dma_wait3A_867 = arith.constant 0 : i32
        %dma_wait3A_868 = arith.constant 0 : i32
        %dma_wait3A_869 = tpu.memref_slice %arg13[%run_scoped3A_758, %dma_wait3A_867, %dma_wait3A_868] : memref<10x80x32xf32, #tpu.memory_space<vmem>> -> memref<1x80x32xf32, #tpu.memory_space<vmem>>
        %dma_wait3A_870 = tpu.memref_squeeze %dma_wait3A_869 : memref<1x80x32xf32, #tpu.memory_space<vmem>> -> memref<80x32xf32, #tpu.memory_space<vmem>>
        %dma_wait3A_871 = arith.constant 0 : i32
        %dma_wait3A_872 = tpu.memref_slice %arg12[%add3A_739, %dma_wait3A_871] : memref<250x80xi32, #tpu.memory_space<vmem>> -> memref<1x80xi32, #tpu.memory_space<vmem>>
        %dma_wait3A_873 = tpu.memref_squeeze %dma_wait3A_872 : memref<1x80xi32, #tpu.memory_space<vmem>> -> memref<80xi32, #tpu.memory_space<vmem>>
        %dma_wait3A_874 = arith.constant 0 : i32
        %dma_wait3A_875 = arith.constant 0 : i32
        %dma_wait3A_876 = tpu.memref_slice %arg18[%dma_wait3A_874, %dma_wait3A_875] : memref<10240x32xf32, #tpu.memory_space<vmem_shared>> -> memref<10240x32xf32, #tpu.memory_space<vmem_shared>>
        tpu.wait_indirect_dma semaphore(%run_scoped3A_856 : memref<!tpu.dma_semaphore, #tpu.memory_space<semaphore_mem>>) src(%dma_wait3A_870 : memref<80x32xf32, #tpu.memory_space<vmem>>) dst(%dma_wait3A_876 : memref<10240x32xf32, #tpu.memory_space<vmem_shared>>)
        tpu.yield
      }) : () -> ()
      %add3A_759 = arith.constant 10 : i32
      %add3A_760 = arith.addi %add3A_739, %add3A_759 : i32
      %lt3A_761 = arith.constant 250 : i32
      %lt3A_762 = arith.cmpi slt, %add3A_760, %lt3A_761 : i32
      %convert_element_type3A_763 = arith.extui %lt3A_762 : i1 to i32
      %cond3A_764 = arith.constant 0 : i32
      %cond3A_765 = arith.cmpi ne, %convert_element_type3A_763, %cond3A_764 : i32
      scf.if %cond3A_765 {
        %dma_start3A_856 = arith.constant 6 : i32
        %dma_start3A_857 = arith.constant 6 : i32
        %dma_start3A_858 = arith.constant 0 : i32
        %dma_start3A_859 = arith.constant 0 : i32
        %dma_start3A_860 = tpu.memref_slice %arg13[%dma_start3A_856, %dma_start3A_858, %dma_start3A_859] : memref<10x80x32xf32, #tpu.memory_space<vmem>> -> memref<1x80x32xf32, #tpu.memory_space<vmem>>
        %dma_start3A_861 = tpu.memref_squeeze %dma_start3A_860 : memref<1x80x32xf32, #tpu.memory_space<vmem>> -> memref<80x32xf32, #tpu.memory_space<vmem>>
        %dma_start3A_862 = arith.constant 0 : i32
        %dma_start3A_863 = tpu.memref_slice %arg11[%add3A_760, %dma_start3A_862] : memref<250x80xi32, #tpu.memory_space<vmem>> -> memref<1x80xi32, #tpu.memory_space<vmem>>
        %dma_start3A_864 = tpu.memref_squeeze %dma_start3A_863 : memref<1x80xi32, #tpu.memory_space<vmem>> -> memref<80xi32, #tpu.memory_space<vmem>>
        %dma_start3A_865 = arith.constant 0 : i32
        %dma_start3A_866 = arith.constant 0 : i32
        %dma_start3A_867 = tpu.memref_slice %arg10[%arg0, %dma_start3A_865, %dma_start3A_866] : memref<2x10240x32xf32, #tpu.memory_space<hbm>> -> memref<1x10240x32xf32, #tpu.memory_space<hbm>>
        %dma_start3A_868 = tpu.memref_squeeze %dma_start3A_867 : memref<1x10240x32xf32, #tpu.memory_space<hbm>> -> memref<10240x32xf32, #tpu.memory_space<hbm>>
        %dma_start3A_869 = arith.constant 0 : i32
        %dma_start3A_870 = arith.constant 0 : i32
        %dma_start3A_871 = tpu.memref_slice %dma_start3A_868[%dma_start3A_869, %dma_start3A_870] : memref<10240x32xf32, #tpu.memory_space<hbm>> -> memref<10240x32xf32, #tpu.memory_space<hbm>>
        %dma_start3A_872 = tpu.memref_slice %arg19[%dma_start3A_857] : memref<10x!tpu.dma_semaphore, #tpu.memory_space<semaphore_mem>> -> memref<1x!tpu.dma_semaphore, #tpu.memory_space<semaphore_mem>>
        %dma_start3A_873 = tpu.memref_squeeze %dma_start3A_872 : memref<1x!tpu.dma_semaphore, #tpu.memory_space<semaphore_mem>> -> memref<!tpu.dma_semaphore, #tpu.memory_space<semaphore_mem>>
        tpu.enqueue_indirect_dma source(%dma_start3A_871 : memref<10240x32xf32, #tpu.memory_space<hbm>>) target(%dma_start3A_861 : memref<80x32xf32, #tpu.memory_space<vmem>>) offsets(%dma_start3A_864 : memref<80xi32, #tpu.memory_space<vmem>>) semaphore(%dma_start3A_873 : memref<!tpu.dma_semaphore, #tpu.memory_space<semaphore_mem>>)
      } else {
      }
      %mul3A_766 = arith.constant 10 : i32
      %mul3A_767 = arith.muli %scan3A_556, %mul3A_766 : i32
      %add3A_768 = arith.constant 7 : i32
      %add3A_769 = arith.addi %mul3A_767, %add3A_768 : i32
      %dma_wait3A_770 = arith.constant 7 : i32
      %dma_wait3A_771 = arith.constant 7 : i32
      %dma_wait3A_772 = arith.constant 0 : i32
      %dma_wait3A_773 = arith.constant 0 : i32
      %dma_wait3A_774 = tpu.memref_slice %arg13[%dma_wait3A_770, %dma_wait3A_772, %dma_wait3A_773] : memref<10x80x32xf32, #tpu.memory_space<vmem>> -> memref<1x80x32xf32, #tpu.memory_space<vmem>>
      %dma_wait3A_775 = tpu.memref_squeeze %dma_wait3A_774 : memref<1x80x32xf32, #tpu.memory_space<vmem>> -> memref<80x32xf32, #tpu.memory_space<vmem>>
      %dma_wait3A_776 = arith.constant 0 : i32
      %dma_wait3A_777 = tpu.memref_slice %arg11[%add3A_769, %dma_wait3A_776] : memref<250x80xi32, #tpu.memory_space<vmem>> -> memref<1x80xi32, #tpu.memory_space<vmem>>
      %dma_wait3A_778 = tpu.memref_squeeze %dma_wait3A_777 : memref<1x80xi32, #tpu.memory_space<vmem>> -> memref<80xi32, #tpu.memory_space<vmem>>
      %dma_wait3A_779 = arith.constant 0 : i32
      %dma_wait3A_780 = arith.constant 0 : i32
      %dma_wait3A_781 = tpu.memref_slice %arg10[%arg0, %dma_wait3A_779, %dma_wait3A_780] : memref<2x10240x32xf32, #tpu.memory_space<hbm>> -> memref<1x10240x32xf32, #tpu.memory_space<hbm>>
      %dma_wait3A_782 = tpu.memref_squeeze %dma_wait3A_781 : memref<1x10240x32xf32, #tpu.memory_space<hbm>> -> memref<10240x32xf32, #tpu.memory_space<hbm>>
      %dma_wait3A_783 = arith.constant 0 : i32
      %dma_wait3A_784 = arith.constant 0 : i32
      %dma_wait3A_785 = tpu.memref_slice %dma_wait3A_782[%dma_wait3A_783, %dma_wait3A_784] : memref<10240x32xf32, #tpu.memory_space<hbm>> -> memref<10240x32xf32, #tpu.memory_space<hbm>>
      %dma_wait3A_786 = tpu.memref_slice %arg19[%dma_wait3A_771] : memref<10x!tpu.dma_semaphore, #tpu.memory_space<semaphore_mem>> -> memref<1x!tpu.dma_semaphore, #tpu.memory_space<semaphore_mem>>
      %dma_wait3A_787 = tpu.memref_squeeze %dma_wait3A_786 : memref<1x!tpu.dma_semaphore, #tpu.memory_space<semaphore_mem>> -> memref<!tpu.dma_semaphore, #tpu.memory_space<semaphore_mem>>
      tpu.wait_indirect_dma semaphore(%dma_wait3A_787 : memref<!tpu.dma_semaphore, #tpu.memory_space<semaphore_mem>>) src(%dma_wait3A_785 : memref<10240x32xf32, #tpu.memory_space<hbm>>) dst(%dma_wait3A_775 : memref<80x32xf32, #tpu.memory_space<vmem>>)
      %run_scoped3A_788 = arith.constant 7 : i32
      "tpu.region"() ({
        %run_scoped3A_856 = tpu.sem_alloc : memref<!tpu.dma_semaphore, #tpu.memory_space<semaphore_mem>>
        %dma_start3A_857 = arith.constant 0 : i32
        %dma_start3A_858 = arith.constant 0 : i32
        %dma_start3A_859 = tpu.memref_slice %arg13[%run_scoped3A_788, %dma_start3A_857, %dma_start3A_858] : memref<10x80x32xf32, #tpu.memory_space<vmem>> -> memref<1x80x32xf32, #tpu.memory_space<vmem>>
        %dma_start3A_860 = tpu.memref_squeeze %dma_start3A_859 : memref<1x80x32xf32, #tpu.memory_space<vmem>> -> memref<80x32xf32, #tpu.memory_space<vmem>>
        %dma_start3A_861 = arith.constant 0 : i32
        %dma_start3A_862 = tpu.memref_slice %arg12[%add3A_769, %dma_start3A_861] : memref<250x80xi32, #tpu.memory_space<vmem>> -> memref<1x80xi32, #tpu.memory_space<vmem>>
        %dma_start3A_863 = tpu.memref_squeeze %dma_start3A_862 : memref<1x80xi32, #tpu.memory_space<vmem>> -> memref<80xi32, #tpu.memory_space<vmem>>
        %dma_start3A_864 = arith.constant 0 : i32
        %dma_start3A_865 = arith.constant 0 : i32
        %dma_start3A_866 = tpu.memref_slice %arg18[%dma_start3A_864, %dma_start3A_865] : memref<10240x32xf32, #tpu.memory_space<vmem_shared>> -> memref<10240x32xf32, #tpu.memory_space<vmem_shared>>
        tpu.enqueue_indirect_dma source(%dma_start3A_860 : memref<80x32xf32, #tpu.memory_space<vmem>>) target(%dma_start3A_866 : memref<10240x32xf32, #tpu.memory_space<vmem_shared>>) offsets(%dma_start3A_863 : memref<80xi32, #tpu.memory_space<vmem>>) semaphore(%run_scoped3A_856 : memref<!tpu.dma_semaphore, #tpu.memory_space<semaphore_mem>>) {add = true}
        %dma_wait3A_867 = arith.constant 0 : i32
        %dma_wait3A_868 = arith.constant 0 : i32
        %dma_wait3A_869 = tpu.memref_slice %arg13[%run_scoped3A_788, %dma_wait3A_867, %dma_wait3A_868] : memref<10x80x32xf32, #tpu.memory_space<vmem>> -> memref<1x80x32xf32, #tpu.memory_space<vmem>>
        %dma_wait3A_870 = tpu.memref_squeeze %dma_wait3A_869 : memref<1x80x32xf32, #tpu.memory_space<vmem>> -> memref<80x32xf32, #tpu.memory_space<vmem>>
        %dma_wait3A_871 = arith.constant 0 : i32
        %dma_wait3A_872 = tpu.memref_slice %arg12[%add3A_769, %dma_wait3A_871] : memref<250x80xi32, #tpu.memory_space<vmem>> -> memref<1x80xi32, #tpu.memory_space<vmem>>
        %dma_wait3A_873 = tpu.memref_squeeze %dma_wait3A_872 : memref<1x80xi32, #tpu.memory_space<vmem>> -> memref<80xi32, #tpu.memory_space<vmem>>
        %dma_wait3A_874 = arith.constant 0 : i32
        %dma_wait3A_875 = arith.constant 0 : i32
        %dma_wait3A_876 = tpu.memref_slice %arg18[%dma_wait3A_874, %dma_wait3A_875] : memref<10240x32xf32, #tpu.memory_space<vmem_shared>> -> memref<10240x32xf32, #tpu.memory_space<vmem_shared>>
        tpu.wait_indirect_dma semaphore(%run_scoped3A_856 : memref<!tpu.dma_semaphore, #tpu.memory_space<semaphore_mem>>) src(%dma_wait3A_870 : memref<80x32xf32, #tpu.memory_space<vmem>>) dst(%dma_wait3A_876 : memref<10240x32xf32, #tpu.memory_space<vmem_shared>>)
        tpu.yield
      }) : () -> ()
      %add3A_789 = arith.constant 10 : i32
      %add3A_790 = arith.addi %add3A_769, %add3A_789 : i32
      %lt3A_791 = arith.constant 250 : i32
      %lt3A_792 = arith.cmpi slt, %add3A_790, %lt3A_791 : i32
      %convert_element_type3A_793 = arith.extui %lt3A_792 : i1 to i32
      %cond3A_794 = arith.constant 0 : i32
      %cond3A_795 = arith.cmpi ne, %convert_element_type3A_793, %cond3A_794 : i32
      scf.if %cond3A_795 {
        %dma_start3A_856 = arith.constant 7 : i32
        %dma_start3A_857 = arith.constant 7 : i32
        %dma_start3A_858 = arith.constant 0 : i32
        %dma_start3A_859 = arith.constant 0 : i32
        %dma_start3A_860 = tpu.memref_slice %arg13[%dma_start3A_856, %dma_start3A_858, %dma_start3A_859] : memref<10x80x32xf32, #tpu.memory_space<vmem>> -> memref<1x80x32xf32, #tpu.memory_space<vmem>>
        %dma_start3A_861 = tpu.memref_squeeze %dma_start3A_860 : memref<1x80x32xf32, #tpu.memory_space<vmem>> -> memref<80x32xf32, #tpu.memory_space<vmem>>
        %dma_start3A_862 = arith.constant 0 : i32
        %dma_start3A_863 = tpu.memref_slice %arg11[%add3A_790, %dma_start3A_862] : memref<250x80xi32, #tpu.memory_space<vmem>> -> memref<1x80xi32, #tpu.memory_space<vmem>>
        %dma_start3A_864 = tpu.memref_squeeze %dma_start3A_863 : memref<1x80xi32, #tpu.memory_space<vmem>> -> memref<80xi32, #tpu.memory_space<vmem>>
        %dma_start3A_865 = arith.constant 0 : i32
        %dma_start3A_866 = arith.constant 0 : i32
        %dma_start3A_867 = tpu.memref_slice %arg10[%arg0, %dma_start3A_865, %dma_start3A_866] : memref<2x10240x32xf32, #tpu.memory_space<hbm>> -> memref<1x10240x32xf32, #tpu.memory_space<hbm>>
        %dma_start3A_868 = tpu.memref_squeeze %dma_start3A_867 : memref<1x10240x32xf32, #tpu.memory_space<hbm>> -> memref<10240x32xf32, #tpu.memory_space<hbm>>
        %dma_start3A_869 = arith.constant 0 : i32
        %dma_start3A_870 = arith.constant 0 : i32
        %dma_start3A_871 = tpu.memref_slice %dma_start3A_868[%dma_start3A_869, %dma_start3A_870] : memref<10240x32xf32, #tpu.memory_space<hbm>> -> memref<10240x32xf32, #tpu.memory_space<hbm>>
        %dma_start3A_872 = tpu.memref_slice %arg19[%dma_start3A_857] : memref<10x!tpu.dma_semaphore, #tpu.memory_space<semaphore_mem>> -> memref<1x!tpu.dma_semaphore, #tpu.memory_space<semaphore_mem>>
        %dma_start3A_873 = tpu.memref_squeeze %dma_start3A_872 : memref<1x!tpu.dma_semaphore, #tpu.memory_space<semaphore_mem>> -> memref<!tpu.dma_semaphore, #tpu.memory_space<semaphore_mem>>
        tpu.enqueue_indirect_dma source(%dma_start3A_871 : memref<10240x32xf32, #tpu.memory_space<hbm>>) target(%dma_start3A_861 : memref<80x32xf32, #tpu.memory_space<vmem>>) offsets(%dma_start3A_864 : memref<80xi32, #tpu.memory_space<vmem>>) semaphore(%dma_start3A_873 : memref<!tpu.dma_semaphore, #tpu.memory_space<semaphore_mem>>)
      } else {
      }
      %mul3A_796 = arith.constant 10 : i32
      %mul3A_797 = arith.muli %scan3A_556, %mul3A_796 : i32
      %add3A_798 = arith.constant 8 : i32
      %add3A_799 = arith.addi %mul3A_797, %add3A_798 : i32
      %dma_wait3A_800 = arith.constant 8 : i32
      %dma_wait3A_801 = arith.constant 8 : i32
      %dma_wait3A_802 = arith.constant 0 : i32
      %dma_wait3A_803 = arith.constant 0 : i32
      %dma_wait3A_804 = tpu.memref_slice %arg13[%dma_wait3A_800, %dma_wait3A_802, %dma_wait3A_803] : memref<10x80x32xf32, #tpu.memory_space<vmem>> -> memref<1x80x32xf32, #tpu.memory_space<vmem>>
      %dma_wait3A_805 = tpu.memref_squeeze %dma_wait3A_804 : memref<1x80x32xf32, #tpu.memory_space<vmem>> -> memref<80x32xf32, #tpu.memory_space<vmem>>
      %dma_wait3A_806 = arith.constant 0 : i32
      %dma_wait3A_807 = tpu.memref_slice %arg11[%add3A_799, %dma_wait3A_806] : memref<250x80xi32, #tpu.memory_space<vmem>> -> memref<1x80xi32, #tpu.memory_space<vmem>>
      %dma_wait3A_808 = tpu.memref_squeeze %dma_wait3A_807 : memref<1x80xi32, #tpu.memory_space<vmem>> -> memref<80xi32, #tpu.memory_space<vmem>>
      %dma_wait3A_809 = arith.constant 0 : i32
      %dma_wait3A_810 = arith.constant 0 : i32
      %dma_wait3A_811 = tpu.memref_slice %arg10[%arg0, %dma_wait3A_809, %dma_wait3A_810] : memref<2x10240x32xf32, #tpu.memory_space<hbm>> -> memref<1x10240x32xf32, #tpu.memory_space<hbm>>
      %dma_wait3A_812 = tpu.memref_squeeze %dma_wait3A_811 : memref<1x10240x32xf32, #tpu.memory_space<hbm>> -> memref<10240x32xf32, #tpu.memory_space<hbm>>
      %dma_wait3A_813 = arith.constant 0 : i32
      %dma_wait3A_814 = arith.constant 0 : i32
      %dma_wait3A_815 = tpu.memref_slice %dma_wait3A_812[%dma_wait3A_813, %dma_wait3A_814] : memref<10240x32xf32, #tpu.memory_space<hbm>> -> memref<10240x32xf32, #tpu.memory_space<hbm>>
      %dma_wait3A_816 = tpu.memref_slice %arg19[%dma_wait3A_801] : memref<10x!tpu.dma_semaphore, #tpu.memory_space<semaphore_mem>> -> memref<1x!tpu.dma_semaphore, #tpu.memory_space<semaphore_mem>>
      %dma_wait3A_817 = tpu.memref_squeeze %dma_wait3A_816 : memref<1x!tpu.dma_semaphore, #tpu.memory_space<semaphore_mem>> -> memref<!tpu.dma_semaphore, #tpu.memory_space<semaphore_mem>>
      tpu.wait_indirect_dma semaphore(%dma_wait3A_817 : memref<!tpu.dma_semaphore, #tpu.memory_space<semaphore_mem>>) src(%dma_wait3A_815 : memref<10240x32xf32, #tpu.memory_space<hbm>>) dst(%dma_wait3A_805 : memref<80x32xf32, #tpu.memory_space<vmem>>)
      %run_scoped3A_818 = arith.constant 8 : i32
      "tpu.region"() ({
        %run_scoped3A_856 = tpu.sem_alloc : memref<!tpu.dma_semaphore, #tpu.memory_space<semaphore_mem>>
        %dma_start3A_857 = arith.constant 0 : i32
        %dma_start3A_858 = arith.constant 0 : i32
        %dma_start3A_859 = tpu.memref_slice %arg13[%run_scoped3A_818, %dma_start3A_857, %dma_start3A_858] : memref<10x80x32xf32, #tpu.memory_space<vmem>> -> memref<1x80x32xf32, #tpu.memory_space<vmem>>
        %dma_start3A_860 = tpu.memref_squeeze %dma_start3A_859 : memref<1x80x32xf32, #tpu.memory_space<vmem>> -> memref<80x32xf32, #tpu.memory_space<vmem>>
        %dma_start3A_861 = arith.constant 0 : i32
        %dma_start3A_862 = tpu.memref_slice %arg12[%add3A_799, %dma_start3A_861] : memref<250x80xi32, #tpu.memory_space<vmem>> -> memref<1x80xi32, #tpu.memory_space<vmem>>
        %dma_start3A_863 = tpu.memref_squeeze %dma_start3A_862 : memref<1x80xi32, #tpu.memory_space<vmem>> -> memref<80xi32, #tpu.memory_space<vmem>>
        %dma_start3A_864 = arith.constant 0 : i32
        %dma_start3A_865 = arith.constant 0 : i32
        %dma_start3A_866 = tpu.memref_slice %arg18[%dma_start3A_864, %dma_start3A_865] : memref<10240x32xf32, #tpu.memory_space<vmem_shared>> -> memref<10240x32xf32, #tpu.memory_space<vmem_shared>>
        tpu.enqueue_indirect_dma source(%dma_start3A_860 : memref<80x32xf32, #tpu.memory_space<vmem>>) target(%dma_start3A_866 : memref<10240x32xf32, #tpu.memory_space<vmem_shared>>) offsets(%dma_start3A_863 : memref<80xi32, #tpu.memory_space<vmem>>) semaphore(%run_scoped3A_856 : memref<!tpu.dma_semaphore, #tpu.memory_space<semaphore_mem>>) {add = true}
        %dma_wait3A_867 = arith.constant 0 : i32
        %dma_wait3A_868 = arith.constant 0 : i32
        %dma_wait3A_869 = tpu.memref_slice %arg13[%run_scoped3A_818, %dma_wait3A_867, %dma_wait3A_868] : memref<10x80x32xf32, #tpu.memory_space<vmem>> -> memref<1x80x32xf32, #tpu.memory_space<vmem>>
        %dma_wait3A_870 = tpu.memref_squeeze %dma_wait3A_869 : memref<1x80x32xf32, #tpu.memory_space<vmem>> -> memref<80x32xf32, #tpu.memory_space<vmem>>
        %dma_wait3A_871 = arith.constant 0 : i32
        %dma_wait3A_872 = tpu.memref_slice %arg12[%add3A_799, %dma_wait3A_871] : memref<250x80xi32, #tpu.memory_space<vmem>> -> memref<1x80xi32, #tpu.memory_space<vmem>>
        %dma_wait3A_873 = tpu.memref_squeeze %dma_wait3A_872 : memref<1x80xi32, #tpu.memory_space<vmem>> -> memref<80xi32, #tpu.memory_space<vmem>>
        %dma_wait3A_874 = arith.constant 0 : i32
        %dma_wait3A_875 = arith.constant 0 : i32
        %dma_wait3A_876 = tpu.memref_slice %arg18[%dma_wait3A_874, %dma_wait3A_875] : memref<10240x32xf32, #tpu.memory_space<vmem_shared>> -> memref<10240x32xf32, #tpu.memory_space<vmem_shared>>
        tpu.wait_indirect_dma semaphore(%run_scoped3A_856 : memref<!tpu.dma_semaphore, #tpu.memory_space<semaphore_mem>>) src(%dma_wait3A_870 : memref<80x32xf32, #tpu.memory_space<vmem>>) dst(%dma_wait3A_876 : memref<10240x32xf32, #tpu.memory_space<vmem_shared>>)
        tpu.yield
      }) : () -> ()
      %add3A_819 = arith.constant 10 : i32
      %add3A_820 = arith.addi %add3A_799, %add3A_819 : i32
      %lt3A_821 = arith.constant 250 : i32
      %lt3A_822 = arith.cmpi slt, %add3A_820, %lt3A_821 : i32
      %convert_element_type3A_823 = arith.extui %lt3A_822 : i1 to i32
      %cond3A_824 = arith.constant 0 : i32
      %cond3A_825 = arith.cmpi ne, %convert_element_type3A_823, %cond3A_824 : i32
      scf.if %cond3A_825 {
        %dma_start3A_856 = arith.constant 8 : i32
        %dma_start3A_857 = arith.constant 8 : i32
        %dma_start3A_858 = arith.constant 0 : i32
        %dma_start3A_859 = arith.constant 0 : i32
        %dma_start3A_860 = tpu.memref_slice %arg13[%dma_start3A_856, %dma_start3A_858, %dma_start3A_859] : memref<10x80x32xf32, #tpu.memory_space<vmem>> -> memref<1x80x32xf32, #tpu.memory_space<vmem>>
        %dma_start3A_861 = tpu.memref_squeeze %dma_start3A_860 : memref<1x80x32xf32, #tpu.memory_space<vmem>> -> memref<80x32xf32, #tpu.memory_space<vmem>>
        %dma_start3A_862 = arith.constant 0 : i32
        %dma_start3A_863 = tpu.memref_slice %arg11[%add3A_820, %dma_start3A_862] : memref<250x80xi32, #tpu.memory_space<vmem>> -> memref<1x80xi32, #tpu.memory_space<vmem>>
        %dma_start3A_864 = tpu.memref_squeeze %dma_start3A_863 : memref<1x80xi32, #tpu.memory_space<vmem>> -> memref<80xi32, #tpu.memory_space<vmem>>
        %dma_start3A_865 = arith.constant 0 : i32
        %dma_start3A_866 = arith.constant 0 : i32
        %dma_start3A_867 = tpu.memref_slice %arg10[%arg0, %dma_start3A_865, %dma_start3A_866] : memref<2x10240x32xf32, #tpu.memory_space<hbm>> -> memref<1x10240x32xf32, #tpu.memory_space<hbm>>
        %dma_start3A_868 = tpu.memref_squeeze %dma_start3A_867 : memref<1x10240x32xf32, #tpu.memory_space<hbm>> -> memref<10240x32xf32, #tpu.memory_space<hbm>>
        %dma_start3A_869 = arith.constant 0 : i32
        %dma_start3A_870 = arith.constant 0 : i32
        %dma_start3A_871 = tpu.memref_slice %dma_start3A_868[%dma_start3A_869, %dma_start3A_870] : memref<10240x32xf32, #tpu.memory_space<hbm>> -> memref<10240x32xf32, #tpu.memory_space<hbm>>
        %dma_start3A_872 = tpu.memref_slice %arg19[%dma_start3A_857] : memref<10x!tpu.dma_semaphore, #tpu.memory_space<semaphore_mem>> -> memref<1x!tpu.dma_semaphore, #tpu.memory_space<semaphore_mem>>
        %dma_start3A_873 = tpu.memref_squeeze %dma_start3A_872 : memref<1x!tpu.dma_semaphore, #tpu.memory_space<semaphore_mem>> -> memref<!tpu.dma_semaphore, #tpu.memory_space<semaphore_mem>>
        tpu.enqueue_indirect_dma source(%dma_start3A_871 : memref<10240x32xf32, #tpu.memory_space<hbm>>) target(%dma_start3A_861 : memref<80x32xf32, #tpu.memory_space<vmem>>) offsets(%dma_start3A_864 : memref<80xi32, #tpu.memory_space<vmem>>) semaphore(%dma_start3A_873 : memref<!tpu.dma_semaphore, #tpu.memory_space<semaphore_mem>>)
      } else {
      }
      %mul3A_826 = arith.constant 10 : i32
      %mul3A_827 = arith.muli %scan3A_556, %mul3A_826 : i32
      %add3A_828 = arith.constant 9 : i32
      %add3A_829 = arith.addi %mul3A_827, %add3A_828 : i32
      %dma_wait3A_830 = arith.constant 9 : i32
      %dma_wait3A_831 = arith.constant 9 : i32
      %dma_wait3A_832 = arith.constant 0 : i32
      %dma_wait3A_833 = arith.constant 0 : i32
      %dma_wait3A_834 = tpu.memref_slice %arg13[%dma_wait3A_830, %dma_wait3A_832, %dma_wait3A_833] : memref<10x80x32xf32, #tpu.memory_space<vmem>> -> memref<1x80x32xf32, #tpu.memory_space<vmem>>
      %dma_wait3A_835 = tpu.memref_squeeze %dma_wait3A_834 : memref<1x80x32xf32, #tpu.memory_space<vmem>> -> memref<80x32xf32, #tpu.memory_space<vmem>>
      %dma_wait3A_836 = arith.constant 0 : i32
      %dma_wait3A_837 = tpu.memref_slice %arg11[%add3A_829, %dma_wait3A_836] : memref<250x80xi32, #tpu.memory_space<vmem>> -> memref<1x80xi32, #tpu.memory_space<vmem>>
      %dma_wait3A_838 = tpu.memref_squeeze %dma_wait3A_837 : memref<1x80xi32, #tpu.memory_space<vmem>> -> memref<80xi32, #tpu.memory_space<vmem>>
      %dma_wait3A_839 = arith.constant 0 : i32
      %dma_wait3A_840 = arith.constant 0 : i32
      %dma_wait3A_841 = tpu.memref_slice %arg10[%arg0, %dma_wait3A_839, %dma_wait3A_840] : memref<2x10240x32xf32, #tpu.memory_space<hbm>> -> memref<1x10240x32xf32, #tpu.memory_space<hbm>>
      %dma_wait3A_842 = tpu.memref_squeeze %dma_wait3A_841 : memref<1x10240x32xf32, #tpu.memory_space<hbm>> -> memref<10240x32xf32, #tpu.memory_space<hbm>>
      %dma_wait3A_843 = arith.constant 0 : i32
      %dma_wait3A_844 = arith.constant 0 : i32
      %dma_wait3A_845 = tpu.memref_slice %dma_wait3A_842[%dma_wait3A_843, %dma_wait3A_844] : memref<10240x32xf32, #tpu.memory_space<hbm>> -> memref<10240x32xf32, #tpu.memory_space<hbm>>
      %dma_wait3A_846 = tpu.memref_slice %arg19[%dma_wait3A_831] : memref<10x!tpu.dma_semaphore, #tpu.memory_space<semaphore_mem>> -> memref<1x!tpu.dma_semaphore, #tpu.memory_space<semaphore_mem>>
      %dma_wait3A_847 = tpu.memref_squeeze %dma_wait3A_846 : memref<1x!tpu.dma_semaphore, #tpu.memory_space<semaphore_mem>> -> memref<!tpu.dma_semaphore, #tpu.memory_space<semaphore_mem>>
      tpu.wait_indirect_dma semaphore(%dma_wait3A_847 : memref<!tpu.dma_semaphore, #tpu.memory_space<semaphore_mem>>) src(%dma_wait3A_845 : memref<10240x32xf32, #tpu.memory_space<hbm>>) dst(%dma_wait3A_835 : memref<80x32xf32, #tpu.memory_space<vmem>>)
      %run_scoped3A_848 = arith.constant 9 : i32
      "tpu.region"() ({
        %run_scoped3A_856 = tpu.sem_alloc : memref<!tpu.dma_semaphore, #tpu.memory_space<semaphore_mem>>
        %dma_start3A_857 = arith.constant 0 : i32
        %dma_start3A_858 = arith.constant 0 : i32
        %dma_start3A_859 = tpu.memref_slice %arg13[%run_scoped3A_848, %dma_start3A_857, %dma_start3A_858] : memref<10x80x32xf32, #tpu.memory_space<vmem>> -> memref<1x80x32xf32, #tpu.memory_space<vmem>>
        %dma_start3A_860 = tpu.memref_squeeze %dma_start3A_859 : memref<1x80x32xf32, #tpu.memory_space<vmem>> -> memref<80x32xf32, #tpu.memory_space<vmem>>
        %dma_start3A_861 = arith.constant 0 : i32
        %dma_start3A_862 = tpu.memref_slice %arg12[%add3A_829, %dma_start3A_861] : memref<250x80xi32, #tpu.memory_space<vmem>> -> memref<1x80xi32, #tpu.memory_space<vmem>>
        %dma_start3A_863 = tpu.memref_squeeze %dma_start3A_862 : memref<1x80xi32, #tpu.memory_space<vmem>> -> memref<80xi32, #tpu.memory_space<vmem>>
        %dma_start3A_864 = arith.constant 0 : i32
        %dma_start3A_865 = arith.constant 0 : i32
        %dma_start3A_866 = tpu.memref_slice %arg18[%dma_start3A_864, %dma_start3A_865] : memref<10240x32xf32, #tpu.memory_space<vmem_shared>> -> memref<10240x32xf32, #tpu.memory_space<vmem_shared>>
        tpu.enqueue_indirect_dma source(%dma_start3A_860 : memref<80x32xf32, #tpu.memory_space<vmem>>) target(%dma_start3A_866 : memref<10240x32xf32, #tpu.memory_space<vmem_shared>>) offsets(%dma_start3A_863 : memref<80xi32, #tpu.memory_space<vmem>>) semaphore(%run_scoped3A_856 : memref<!tpu.dma_semaphore, #tpu.memory_space<semaphore_mem>>) {add = true}
        %dma_wait3A_867 = arith.constant 0 : i32
        %dma_wait3A_868 = arith.constant 0 : i32
        %dma_wait3A_869 = tpu.memref_slice %arg13[%run_scoped3A_848, %dma_wait3A_867, %dma_wait3A_868] : memref<10x80x32xf32, #tpu.memory_space<vmem>> -> memref<1x80x32xf32, #tpu.memory_space<vmem>>
        %dma_wait3A_870 = tpu.memref_squeeze %dma_wait3A_869 : memref<1x80x32xf32, #tpu.memory_space<vmem>> -> memref<80x32xf32, #tpu.memory_space<vmem>>
        %dma_wait3A_871 = arith.constant 0 : i32
        %dma_wait3A_872 = tpu.memref_slice %arg12[%add3A_829, %dma_wait3A_871] : memref<250x80xi32, #tpu.memory_space<vmem>> -> memref<1x80xi32, #tpu.memory_space<vmem>>
        %dma_wait3A_873 = tpu.memref_squeeze %dma_wait3A_872 : memref<1x80xi32, #tpu.memory_space<vmem>> -> memref<80xi32, #tpu.memory_space<vmem>>
        %dma_wait3A_874 = arith.constant 0 : i32
        %dma_wait3A_875 = arith.constant 0 : i32
        %dma_wait3A_876 = tpu.memref_slice %arg18[%dma_wait3A_874, %dma_wait3A_875] : memref<10240x32xf32, #tpu.memory_space<vmem_shared>> -> memref<10240x32xf32, #tpu.memory_space<vmem_shared>>
        tpu.wait_indirect_dma semaphore(%run_scoped3A_856 : memref<!tpu.dma_semaphore, #tpu.memory_space<semaphore_mem>>) src(%dma_wait3A_870 : memref<80x32xf32, #tpu.memory_space<vmem>>) dst(%dma_wait3A_876 : memref<10240x32xf32, #tpu.memory_space<vmem_shared>>)
        tpu.yield
      }) : () -> ()
      %add3A_849 = arith.constant 10 : i32
      %add3A_850 = arith.addi %add3A_829, %add3A_849 : i32
      %lt3A_851 = arith.constant 250 : i32
      %lt3A_852 = arith.cmpi slt, %add3A_850, %lt3A_851 : i32
      %convert_element_type3A_853 = arith.extui %lt3A_852 : i1 to i32
      %cond3A_854 = arith.constant 0 : i32
      %cond3A_855 = arith.cmpi ne, %convert_element_type3A_853, %cond3A_854 : i32
      scf.if %cond3A_855 {
        %dma_start3A_856 = arith.constant 9 : i32
        %dma_start3A_857 = arith.constant 9 : i32
        %dma_start3A_858 = arith.constant 0 : i32
        %dma_start3A_859 = arith.constant 0 : i32
        %dma_start3A_860 = tpu.memref_slice %arg13[%dma_start3A_856, %dma_start3A_858, %dma_start3A_859] : memref<10x80x32xf32, #tpu.memory_space<vmem>> -> memref<1x80x32xf32, #tpu.memory_space<vmem>>
        %dma_start3A_861 = tpu.memref_squeeze %dma_start3A_860 : memref<1x80x32xf32, #tpu.memory_space<vmem>> -> memref<80x32xf32, #tpu.memory_space<vmem>>
        %dma_start3A_862 = arith.constant 0 : i32
        %dma_start3A_863 = tpu.memref_slice %arg11[%add3A_850, %dma_start3A_862] : memref<250x80xi32, #tpu.memory_space<vmem>> -> memref<1x80xi32, #tpu.memory_space<vmem>>
        %dma_start3A_864 = tpu.memref_squeeze %dma_start3A_863 : memref<1x80xi32, #tpu.memory_space<vmem>> -> memref<80xi32, #tpu.memory_space<vmem>>
        %dma_start3A_865 = arith.constant 0 : i32
        %dma_start3A_866 = arith.constant 0 : i32
        %dma_start3A_867 = tpu.memref_slice %arg10[%arg0, %dma_start3A_865, %dma_start3A_866] : memref<2x10240x32xf32, #tpu.memory_space<hbm>> -> memref<1x10240x32xf32, #tpu.memory_space<hbm>>
        %dma_start3A_868 = tpu.memref_squeeze %dma_start3A_867 : memref<1x10240x32xf32, #tpu.memory_space<hbm>> -> memref<10240x32xf32, #tpu.memory_space<hbm>>
        %dma_start3A_869 = arith.constant 0 : i32
        %dma_start3A_870 = arith.constant 0 : i32
        %dma_start3A_871 = tpu.memref_slice %dma_start3A_868[%dma_start3A_869, %dma_start3A_870] : memref<10240x32xf32, #tpu.memory_space<hbm>> -> memref<10240x32xf32, #tpu.memory_space<hbm>>
        %dma_start3A_872 = tpu.memref_slice %arg19[%dma_start3A_857] : memref<10x!tpu.dma_semaphore, #tpu.memory_space<semaphore_mem>> -> memref<1x!tpu.dma_semaphore, #tpu.memory_space<semaphore_mem>>
        %dma_start3A_873 = tpu.memref_squeeze %dma_start3A_872 : memref<1x!tpu.dma_semaphore, #tpu.memory_space<semaphore_mem>> -> memref<!tpu.dma_semaphore, #tpu.memory_space<semaphore_mem>>
        tpu.enqueue_indirect_dma source(%dma_start3A_871 : memref<10240x32xf32, #tpu.memory_space<hbm>>) target(%dma_start3A_861 : memref<80x32xf32, #tpu.memory_space<vmem>>) offsets(%dma_start3A_864 : memref<80xi32, #tpu.memory_space<vmem>>) semaphore(%dma_start3A_873 : memref<!tpu.dma_semaphore, #tpu.memory_space<semaphore_mem>>)
      } else {
      }
    }
    %scan3A_478 = arith.constant 25 : i32
    %barrier3A_479 = arith.constant 0 : index
    tpu.barrier barrier_id(%barrier3A_479)
    %mul3A_480 = arith.constant 32 : i32
    %mul3A_481 = arith.muli %arg0, %mul3A_480 : i32
    "tpu.region"() ({
      %run_scoped3A_556 = tpu.sem_alloc : memref<!tpu.dma_semaphore, #tpu.memory_space<semaphore_mem>>
      %dma_start3A_557 = tpu.memref_slice %arg7[%mul3A_481] : memref<64xf32, #tpu.memory_space<hbm>> -> memref<32xf32, #tpu.memory_space<hbm>>
      %dma_start3A_558 = tpu.memref_slice %arg7[%mul3A_481] : memref<64xf32, #tpu.memory_space<hbm>> -> memref<32xf32, #tpu.memory_space<hbm>>
      tpu.enqueue_dma source(%dma_start3A_558 : memref<32xf32, #tpu.memory_space<hbm>>) target(%arg17 : memref<32xf32, #tpu.memory_space<vmem>>) target_semaphore(%run_scoped3A_556 : memref<!tpu.dma_semaphore, #tpu.memory_space<semaphore_mem>>)
      %dma_wait3A = tpu.memref_slice %arg7[%mul3A_481] : memref<64xf32, #tpu.memory_space<hbm>> -> memref<32xf32, #tpu.memory_space<hbm>>
      %dma_wait3A_559 = tpu.memref_slice %arg7[%mul3A_481] : memref<64xf32, #tpu.memory_space<hbm>> -> memref<32xf32, #tpu.memory_space<hbm>>
      tpu.wait_dma2 semaphore(%run_scoped3A_556 : memref<!tpu.dma_semaphore, #tpu.memory_space<semaphore_mem>>) src(%dma_wait3A_559 : memref<32xf32, #tpu.memory_space<hbm>>) dst(%arg17 : memref<32xf32, #tpu.memory_space<vmem>>)
      tpu.yield
    }) : () -> ()
    %add3A_482 = arith.constant 0 : i32
    %add3A_483 = arith.addi %mul3A_0, %add3A_482 : i32
    %run_scoped3A_484 = arith.constant 0 : i32
    "tpu.region"() ({
      %run_scoped3A_556 = tpu.sem_alloc : memref<!tpu.dma_semaphore, #tpu.memory_space<semaphore_mem>>
      %dma_start3A_557 = arith.constant 0 : i32
      %dma_start3A_558 = arith.constant 0 : i32
      %dma_start3A_559 = tpu.memref_slice %arg13[%run_scoped3A_484, %dma_start3A_557, %dma_start3A_558] : memref<10x80x32xf32, #tpu.memory_space<vmem>> -> memref<1x80x32xf32, #tpu.memory_space<vmem>>
      %dma_start3A_560 = tpu.memref_squeeze %dma_start3A_559 : memref<1x80x32xf32, #tpu.memory_space<vmem>> -> memref<80x32xf32, #tpu.memory_space<vmem>>
      %dma_start3A_561 = arith.constant 0 : i32
      %dma_start3A_562 = tpu.memref_slice %arg18[%add3A_483, %dma_start3A_561] : memref<10240x32xf32, #tpu.memory_space<vmem_shared>> -> memref<80x32xf32, #tpu.memory_space<vmem_shared>>
      %dma_start3A_563 = arith.constant 0 : i32
      %dma_start3A_564 = arith.constant 0 : i32
      %dma_start3A_565 = tpu.memref_slice %arg13[%run_scoped3A_484, %dma_start3A_563, %dma_start3A_564] : memref<10x80x32xf32, #tpu.memory_space<vmem>> -> memref<1x80x32xf32, #tpu.memory_space<vmem>>
      %dma_start3A_566 = tpu.memref_squeeze %dma_start3A_565 : memref<1x80x32xf32, #tpu.memory_space<vmem>> -> memref<80x32xf32, #tpu.memory_space<vmem>>
      %dma_start3A_567 = arith.constant 0 : i32
      %dma_start3A_568 = tpu.memref_slice %arg18[%add3A_483, %dma_start3A_567] : memref<10240x32xf32, #tpu.memory_space<vmem_shared>> -> memref<80x32xf32, #tpu.memory_space<vmem_shared>>
      tpu.enqueue_dma source(%dma_start3A_568 : memref<80x32xf32, #tpu.memory_space<vmem_shared>>) target(%dma_start3A_566 : memref<80x32xf32, #tpu.memory_space<vmem>>) target_semaphore(%run_scoped3A_556 : memref<!tpu.dma_semaphore, #tpu.memory_space<semaphore_mem>>)
      %dma_wait3A = arith.constant 0 : i32
      %dma_wait3A_569 = arith.constant 0 : i32
      %dma_wait3A_570 = tpu.memref_slice %arg13[%run_scoped3A_484, %dma_wait3A, %dma_wait3A_569] : memref<10x80x32xf32, #tpu.memory_space<vmem>> -> memref<1x80x32xf32, #tpu.memory_space<vmem>>
      %dma_wait3A_571 = tpu.memref_squeeze %dma_wait3A_570 : memref<1x80x32xf32, #tpu.memory_space<vmem>> -> memref<80x32xf32, #tpu.memory_space<vmem>>
      %dma_wait3A_572 = arith.constant 0 : i32
      %dma_wait3A_573 = tpu.memref_slice %arg18[%add3A_483, %dma_wait3A_572] : memref<10240x32xf32, #tpu.memory_space<vmem_shared>> -> memref<80x32xf32, #tpu.memory_space<vmem_shared>>
      %dma_wait3A_574 = arith.constant 0 : i32
      %dma_wait3A_575 = arith.constant 0 : i32
      %dma_wait3A_576 = tpu.memref_slice %arg13[%run_scoped3A_484, %dma_wait3A_574, %dma_wait3A_575] : memref<10x80x32xf32, #tpu.memory_space<vmem>> -> memref<1x80x32xf32, #tpu.memory_space<vmem>>
      %dma_wait3A_577 = tpu.memref_squeeze %dma_wait3A_576 : memref<1x80x32xf32, #tpu.memory_space<vmem>> -> memref<80x32xf32, #tpu.memory_space<vmem>>
      %dma_wait3A_578 = arith.constant 0 : i32
      %dma_wait3A_579 = tpu.memref_slice %arg18[%add3A_483, %dma_wait3A_578] : memref<10240x32xf32, #tpu.memory_space<vmem_shared>> -> memref<80x32xf32, #tpu.memory_space<vmem_shared>>
      tpu.wait_dma2 semaphore(%run_scoped3A_556 : memref<!tpu.dma_semaphore, #tpu.memory_space<semaphore_mem>>) src(%dma_wait3A_579 : memref<80x32xf32, #tpu.memory_space<vmem_shared>>) dst(%dma_wait3A_577 : memref<80x32xf32, #tpu.memory_space<vmem>>)
      tpu.yield
    }) : () -> ()
    %scan3A_485 = arith.constant 0 : i32
    %scan3A_486 = arith.constant 80 : i32
    %scan3A_487 = arith.addi %scan3A_485, %scan3A_486 : i32
    %scan3A_488 = arith.constant 1 : i32
    scf.for %scan3A_556 = %scan3A_485 to %scan3A_487 step %scan3A_488  : i32 {
      %add3A_557 = arith.constant 0 : i32
      %add3A_558 = arith.addi %add3A_557, %scan3A_556 : i32
      %broadcast_in_dim3A = vector.broadcast %add3A_558 : i32 to vector<16xi32>
      %gather3A = tpu.vector_load_idx %arg16[%broadcast_in_dim3A] : memref<640xf32, #tpu.memory_space<vmem>>[vector<16xi32>], vector<16xf32>,
      %get3A = arith.constant 0 : i32
      %get3A_559 = arith.index_cast %get3A : i32 to index
      %get3A_560 = arith.index_cast %scan3A_556 : i32 to index
      %get3A_561 = arith.constant 0 : index
      %get3A_562 = tpu.vector_load %arg13[%get3A_559, %get3A_560, %get3A_561] {strides = array<i32>} : memref<10x80x32xf32, #tpu.memory_space<vmem>>, vector<16xf32>,
      %get3A_563 = arith.index_cast %add3A_558 : i32 to index
      %get3A_564 = arith.constant 0 : index
      %get3A_565 = tpu.vector_load %arg14[%get3A_563, %get3A_564] {strides = array<i32>} : memref<640x32xf32, #tpu.memory_space<vmem>>, vector<16xf32>,
      %add3A_566 = arith.addf %get3A_562, %get3A_565 : vector<16xf32>
      %mul3A_567 = arith.mulf %gather3A, %add3A_566 : vector<16xf32>
      %get3A_568 = arith.constant 0 : index
      %get3A_569 = tpu.vector_load %arg17[%get3A_568] {strides = array<i32>} : memref<32xf32, #tpu.memory_space<vmem>>, vector<16xf32>,
      %add3A_570 = arith.addf %mul3A_567, %get3A_569 : vector<16xf32>
      %swap3A = arith.index_cast %add3A_558 : i32 to index
      %swap3A_571 = arith.constant 0 : index
      %swap3A_572 = tpu.vector_load %arg14[%swap3A, %swap3A_571] {strides = array<i32>} : memref<640x32xf32, #tpu.memory_space<vmem>>, vector<16xf32>,
      tpu.vector_store %arg14[%swap3A, %swap3A_571], %add3A_570 {strides = array<i32>} : memref<640x32xf32, #tpu.memory_space<vmem>>, vector<16xf32>,
      %get3A_573 = arith.constant 0 : i32
      %get3A_574 = arith.index_cast %get3A_573 : i32 to index
      %get3A_575 = arith.index_cast %scan3A_556 : i32 to index
      %get3A_576 = arith.constant 16 : index
      %get3A_577 = tpu.vector_load %arg13[%get3A_574, %get3A_575, %get3A_576] {strides = array<i32>} : memref<10x80x32xf32, #tpu.memory_space<vmem>>, vector<16xf32>,
      %get3A_578 = arith.index_cast %add3A_558 : i32 to index
      %get3A_579 = arith.constant 16 : index
      %get3A_580 = tpu.vector_load %arg14[%get3A_578, %get3A_579] {strides = array<i32>} : memref<640x32xf32, #tpu.memory_space<vmem>>, vector<16xf32>,
      %add3A_581 = arith.addf %get3A_577, %get3A_580 : vector<16xf32>
      %mul3A_582 = arith.mulf %gather3A, %add3A_581 : vector<16xf32>
      %get3A_583 = arith.constant 16 : index
      %get3A_584 = tpu.vector_load %arg17[%get3A_583] {strides = array<i32>} : memref<32xf32, #tpu.memory_space<vmem>>, vector<16xf32>,
      %add3A_585 = arith.addf %mul3A_582, %get3A_584 : vector<16xf32>
      %swap3A_586 = arith.index_cast %add3A_558 : i32 to index
      %swap3A_587 = arith.constant 16 : index
      %swap3A_588 = tpu.vector_load %arg14[%swap3A_586, %swap3A_587] {strides = array<i32>} : memref<640x32xf32, #tpu.memory_space<vmem>>, vector<16xf32>,
      tpu.vector_store %arg14[%swap3A_586, %swap3A_587], %add3A_585 {strides = array<i32>} : memref<640x32xf32, #tpu.memory_space<vmem>>, vector<16xf32>,
    }
    %scan3A_489 = arith.constant 80 : i32
    %add3A_490 = arith.constant 80 : i32
    %add3A_491 = arith.addi %mul3A_0, %add3A_490 : i32
    %run_scoped3A_492 = arith.constant 1 : i32
    "tpu.region"() ({
      %run_scoped3A_556 = tpu.sem_alloc : memref<!tpu.dma_semaphore, #tpu.memory_space<semaphore_mem>>
      %dma_start3A_557 = arith.constant 0 : i32
      %dma_start3A_558 = arith.constant 0 : i32
      %dma_start3A_559 = tpu.memref_slice %arg13[%run_scoped3A_492, %dma_start3A_557, %dma_start3A_558] : memref<10x80x32xf32, #tpu.memory_space<vmem>> -> memref<1x80x32xf32, #tpu.memory_space<vmem>>
      %dma_start3A_560 = tpu.memref_squeeze %dma_start3A_559 : memref<1x80x32xf32, #tpu.memory_space<vmem>> -> memref<80x32xf32, #tpu.memory_space<vmem>>
      %dma_start3A_561 = arith.constant 0 : i32
      %dma_start3A_562 = tpu.memref_slice %arg18[%add3A_491, %dma_start3A_561] : memref<10240x32xf32, #tpu.memory_space<vmem_shared>> -> memref<80x32xf32, #tpu.memory_space<vmem_shared>>
      %dma_start3A_563 = arith.constant 0 : i32
      %dma_start3A_564 = arith.constant 0 : i32
      %dma_start3A_565 = tpu.memref_slice %arg13[%run_scoped3A_492, %dma_start3A_563, %dma_start3A_564] : memref<10x80x32xf32, #tpu.memory_space<vmem>> -> memref<1x80x32xf32, #tpu.memory_space<vmem>>
      %dma_start3A_566 = tpu.memref_squeeze %dma_start3A_565 : memref<1x80x32xf32, #tpu.memory_space<vmem>> -> memref<80x32xf32, #tpu.memory_space<vmem>>
      %dma_start3A_567 = arith.constant 0 : i32
      %dma_start3A_568 = tpu.memref_slice %arg18[%add3A_491, %dma_start3A_567] : memref<10240x32xf32, #tpu.memory_space<vmem_shared>> -> memref<80x32xf32, #tpu.memory_space<vmem_shared>>
      tpu.enqueue_dma source(%dma_start3A_568 : memref<80x32xf32, #tpu.memory_space<vmem_shared>>) target(%dma_start3A_566 : memref<80x32xf32, #tpu.memory_space<vmem>>) target_semaphore(%run_scoped3A_556 : memref<!tpu.dma_semaphore, #tpu.memory_space<semaphore_mem>>)
      %dma_wait3A = arith.constant 0 : i32
      %dma_wait3A_569 = arith.constant 0 : i32
      %dma_wait3A_570 = tpu.memref_slice %arg13[%run_scoped3A_492, %dma_wait3A, %dma_wait3A_569] : memref<10x80x32xf32, #tpu.memory_space<vmem>> -> memref<1x80x32xf32, #tpu.memory_space<vmem>>
      %dma_wait3A_571 = tpu.memref_squeeze %dma_wait3A_570 : memref<1x80x32xf32, #tpu.memory_space<vmem>> -> memref<80x32xf32, #tpu.memory_space<vmem>>
      %dma_wait3A_572 = arith.constant 0 : i32
      %dma_wait3A_573 = tpu.memref_slice %arg18[%add3A_491, %dma_wait3A_572] : memref<10240x32xf32, #tpu.memory_space<vmem_shared>> -> memref<80x32xf32, #tpu.memory_space<vmem_shared>>
      %dma_wait3A_574 = arith.constant 0 : i32
      %dma_wait3A_575 = arith.constant 0 : i32
      %dma_wait3A_576 = tpu.memref_slice %arg13[%run_scoped3A_492, %dma_wait3A_574, %dma_wait3A_575] : memref<10x80x32xf32, #tpu.memory_space<vmem>> -> memref<1x80x32xf32, #tpu.memory_space<vmem>>
      %dma_wait3A_577 = tpu.memref_squeeze %dma_wait3A_576 : memref<1x80x32xf32, #tpu.memory_space<vmem>> -> memref<80x32xf32, #tpu.memory_space<vmem>>
      %dma_wait3A_578 = arith.constant 0 : i32
      %dma_wait3A_579 = tpu.memref_slice %arg18[%add3A_491, %dma_wait3A_578] : memref<10240x32xf32, #tpu.memory_space<vmem_shared>> -> memref<80x32xf32, #tpu.memory_space<vmem_shared>>
      tpu.wait_dma2 semaphore(%run_scoped3A_556 : memref<!tpu.dma_semaphore, #tpu.memory_space<semaphore_mem>>) src(%dma_wait3A_579 : memref<80x32xf32, #tpu.memory_space<vmem_shared>>) dst(%dma_wait3A_577 : memref<80x32xf32, #tpu.memory_space<vmem>>)
      tpu.yield
    }) : () -> ()
    %scan3A_493 = arith.constant 0 : i32
    %scan3A_494 = arith.constant 80 : i32
    %scan3A_495 = arith.addi %scan3A_493, %scan3A_494 : i32
    %scan3A_496 = arith.constant 1 : i32
    scf.for %scan3A_556 = %scan3A_493 to %scan3A_495 step %scan3A_496  : i32 {
      %add3A_557 = arith.constant 80 : i32
      %add3A_558 = arith.addi %add3A_557, %scan3A_556 : i32
      %broadcast_in_dim3A = vector.broadcast %add3A_558 : i32 to vector<16xi32>
      %gather3A = tpu.vector_load_idx %arg16[%broadcast_in_dim3A] : memref<640xf32, #tpu.memory_space<vmem>>[vector<16xi32>], vector<16xf32>,
      %get3A = arith.constant 1 : i32
      %get3A_559 = arith.index_cast %get3A : i32 to index
      %get3A_560 = arith.index_cast %scan3A_556 : i32 to index
      %get3A_561 = arith.constant 0 : index
      %get3A_562 = tpu.vector_load %arg13[%get3A_559, %get3A_560, %get3A_561] {strides = array<i32>} : memref<10x80x32xf32, #tpu.memory_space<vmem>>, vector<16xf32>,
      %get3A_563 = arith.index_cast %add3A_558 : i32 to index
      %get3A_564 = arith.constant 0 : index
      %get3A_565 = tpu.vector_load %arg14[%get3A_563, %get3A_564] {strides = array<i32>} : memref<640x32xf32, #tpu.memory_space<vmem>>, vector<16xf32>,
      %add3A_566 = arith.addf %get3A_562, %get3A_565 : vector<16xf32>
      %mul3A_567 = arith.mulf %gather3A, %add3A_566 : vector<16xf32>
      %get3A_568 = arith.constant 0 : index
      %get3A_569 = tpu.vector_load %arg17[%get3A_568] {strides = array<i32>} : memref<32xf32, #tpu.memory_space<vmem>>, vector<16xf32>,
      %add3A_570 = arith.addf %mul3A_567, %get3A_569 : vector<16xf32>
      %swap3A = arith.index_cast %add3A_558 : i32 to index
      %swap3A_571 = arith.constant 0 : index
      %swap3A_572 = tpu.vector_load %arg14[%swap3A, %swap3A_571] {strides = array<i32>} : memref<640x32xf32, #tpu.memory_space<vmem>>, vector<16xf32>,
      tpu.vector_store %arg14[%swap3A, %swap3A_571], %add3A_570 {strides = array<i32>} : memref<640x32xf32, #tpu.memory_space<vmem>>, vector<16xf32>,
      %get3A_573 = arith.constant 1 : i32
      %get3A_574 = arith.index_cast %get3A_573 : i32 to index
      %get3A_575 = arith.index_cast %scan3A_556 : i32 to index
      %get3A_576 = arith.constant 16 : index
      %get3A_577 = tpu.vector_load %arg13[%get3A_574, %get3A_575, %get3A_576] {strides = array<i32>} : memref<10x80x32xf32, #tpu.memory_space<vmem>>, vector<16xf32>,
      %get3A_578 = arith.index_cast %add3A_558 : i32 to index
      %get3A_579 = arith.constant 16 : index
      %get3A_580 = tpu.vector_load %arg14[%get3A_578, %get3A_579] {strides = array<i32>} : memref<640x32xf32, #tpu.memory_space<vmem>>, vector<16xf32>,
      %add3A_581 = arith.addf %get3A_577, %get3A_580 : vector<16xf32>
      %mul3A_582 = arith.mulf %gather3A, %add3A_581 : vector<16xf32>
      %get3A_583 = arith.constant 16 : index
      %get3A_584 = tpu.vector_load %arg17[%get3A_583] {strides = array<i32>} : memref<32xf32, #tpu.memory_space<vmem>>, vector<16xf32>,
      %add3A_585 = arith.addf %mul3A_582, %get3A_584 : vector<16xf32>
      %swap3A_586 = arith.index_cast %add3A_558 : i32 to index
      %swap3A_587 = arith.constant 16 : index
      %swap3A_588 = tpu.vector_load %arg14[%swap3A_586, %swap3A_587] {strides = array<i32>} : memref<640x32xf32, #tpu.memory_space<vmem>>, vector<16xf32>,
      tpu.vector_store %arg14[%swap3A_586, %swap3A_587], %add3A_585 {strides = array<i32>} : memref<640x32xf32, #tpu.memory_space<vmem>>, vector<16xf32>,
    }
    %scan3A_497 = arith.constant 80 : i32
    %add3A_498 = arith.constant 160 : i32
    %add3A_499 = arith.addi %mul3A_0, %add3A_498 : i32
    %run_scoped3A_500 = arith.constant 2 : i32
    "tpu.region"() ({
      %run_scoped3A_556 = tpu.sem_alloc : memref<!tpu.dma_semaphore, #tpu.memory_space<semaphore_mem>>
      %dma_start3A_557 = arith.constant 0 : i32
      %dma_start3A_558 = arith.constant 0 : i32
      %dma_start3A_559 = tpu.memref_slice %arg13[%run_scoped3A_500, %dma_start3A_557, %dma_start3A_558] : memref<10x80x32xf32, #tpu.memory_space<vmem>> -> memref<1x80x32xf32, #tpu.memory_space<vmem>>
      %dma_start3A_560 = tpu.memref_squeeze %dma_start3A_559 : memref<1x80x32xf32, #tpu.memory_space<vmem>> -> memref<80x32xf32, #tpu.memory_space<vmem>>
      %dma_start3A_561 = arith.constant 0 : i32
      %dma_start3A_562 = tpu.memref_slice %arg18[%add3A_499, %dma_start3A_561] : memref<10240x32xf32, #tpu.memory_space<vmem_shared>> -> memref<80x32xf32, #tpu.memory_space<vmem_shared>>
      %dma_start3A_563 = arith.constant 0 : i32
      %dma_start3A_564 = arith.constant 0 : i32
      %dma_start3A_565 = tpu.memref_slice %arg13[%run_scoped3A_500, %dma_start3A_563, %dma_start3A_564] : memref<10x80x32xf32, #tpu.memory_space<vmem>> -> memref<1x80x32xf32, #tpu.memory_space<vmem>>
      %dma_start3A_566 = tpu.memref_squeeze %dma_start3A_565 : memref<1x80x32xf32, #tpu.memory_space<vmem>> -> memref<80x32xf32, #tpu.memory_space<vmem>>
      %dma_start3A_567 = arith.constant 0 : i32
      %dma_start3A_568 = tpu.memref_slice %arg18[%add3A_499, %dma_start3A_567] : memref<10240x32xf32, #tpu.memory_space<vmem_shared>> -> memref<80x32xf32, #tpu.memory_space<vmem_shared>>
      tpu.enqueue_dma source(%dma_start3A_568 : memref<80x32xf32, #tpu.memory_space<vmem_shared>>) target(%dma_start3A_566 : memref<80x32xf32, #tpu.memory_space<vmem>>) target_semaphore(%run_scoped3A_556 : memref<!tpu.dma_semaphore, #tpu.memory_space<semaphore_mem>>)
      %dma_wait3A = arith.constant 0 : i32
      %dma_wait3A_569 = arith.constant 0 : i32
      %dma_wait3A_570 = tpu.memref_slice %arg13[%run_scoped3A_500, %dma_wait3A, %dma_wait3A_569] : memref<10x80x32xf32, #tpu.memory_space<vmem>> -> memref<1x80x32xf32, #tpu.memory_space<vmem>>
      %dma_wait3A_571 = tpu.memref_squeeze %dma_wait3A_570 : memref<1x80x32xf32, #tpu.memory_space<vmem>> -> memref<80x32xf32, #tpu.memory_space<vmem>>
      %dma_wait3A_572 = arith.constant 0 : i32
      %dma_wait3A_573 = tpu.memref_slice %arg18[%add3A_499, %dma_wait3A_572] : memref<10240x32xf32, #tpu.memory_space<vmem_shared>> -> memref<80x32xf32, #tpu.memory_space<vmem_shared>>
      %dma_wait3A_574 = arith.constant 0 : i32
      %dma_wait3A_575 = arith.constant 0 : i32
      %dma_wait3A_576 = tpu.memref_slice %arg13[%run_scoped3A_500, %dma_wait3A_574, %dma_wait3A_575] : memref<10x80x32xf32, #tpu.memory_space<vmem>> -> memref<1x80x32xf32, #tpu.memory_space<vmem>>
      %dma_wait3A_577 = tpu.memref_squeeze %dma_wait3A_576 : memref<1x80x32xf32, #tpu.memory_space<vmem>> -> memref<80x32xf32, #tpu.memory_space<vmem>>
      %dma_wait3A_578 = arith.constant 0 : i32
      %dma_wait3A_579 = tpu.memref_slice %arg18[%add3A_499, %dma_wait3A_578] : memref<10240x32xf32, #tpu.memory_space<vmem_shared>> -> memref<80x32xf32, #tpu.memory_space<vmem_shared>>
      tpu.wait_dma2 semaphore(%run_scoped3A_556 : memref<!tpu.dma_semaphore, #tpu.memory_space<semaphore_mem>>) src(%dma_wait3A_579 : memref<80x32xf32, #tpu.memory_space<vmem_shared>>) dst(%dma_wait3A_577 : memref<80x32xf32, #tpu.memory_space<vmem>>)
      tpu.yield
    }) : () -> ()
    %scan3A_501 = arith.constant 0 : i32
    %scan3A_502 = arith.constant 80 : i32
    %scan3A_503 = arith.addi %scan3A_501, %scan3A_502 : i32
    %scan3A_504 = arith.constant 1 : i32
    scf.for %scan3A_556 = %scan3A_501 to %scan3A_503 step %scan3A_504  : i32 {
      %add3A_557 = arith.constant 160 : i32
      %add3A_558 = arith.addi %add3A_557, %scan3A_556 : i32
      %broadcast_in_dim3A = vector.broadcast %add3A_558 : i32 to vector<16xi32>
      %gather3A = tpu.vector_load_idx %arg16[%broadcast_in_dim3A] : memref<640xf32, #tpu.memory_space<vmem>>[vector<16xi32>], vector<16xf32>,
      %get3A = arith.constant 2 : i32
      %get3A_559 = arith.index_cast %get3A : i32 to index
      %get3A_560 = arith.index_cast %scan3A_556 : i32 to index
      %get3A_561 = arith.constant 0 : index
      %get3A_562 = tpu.vector_load %arg13[%get3A_559, %get3A_560, %get3A_561] {strides = array<i32>} : memref<10x80x32xf32, #tpu.memory_space<vmem>>, vector<16xf32>,
      %get3A_563 = arith.index_cast %add3A_558 : i32 to index
      %get3A_564 = arith.constant 0 : index
      %get3A_565 = tpu.vector_load %arg14[%get3A_563, %get3A_564] {strides = array<i32>} : memref<640x32xf32, #tpu.memory_space<vmem>>, vector<16xf32>,
      %add3A_566 = arith.addf %get3A_562, %get3A_565 : vector<16xf32>
      %mul3A_567 = arith.mulf %gather3A, %add3A_566 : vector<16xf32>
      %get3A_568 = arith.constant 0 : index
      %get3A_569 = tpu.vector_load %arg17[%get3A_568] {strides = array<i32>} : memref<32xf32, #tpu.memory_space<vmem>>, vector<16xf32>,
      %add3A_570 = arith.addf %mul3A_567, %get3A_569 : vector<16xf32>
      %swap3A = arith.index_cast %add3A_558 : i32 to index
      %swap3A_571 = arith.constant 0 : index
      %swap3A_572 = tpu.vector_load %arg14[%swap3A, %swap3A_571] {strides = array<i32>} : memref<640x32xf32, #tpu.memory_space<vmem>>, vector<16xf32>,
      tpu.vector_store %arg14[%swap3A, %swap3A_571], %add3A_570 {strides = array<i32>} : memref<640x32xf32, #tpu.memory_space<vmem>>, vector<16xf32>,
      %get3A_573 = arith.constant 2 : i32
      %get3A_574 = arith.index_cast %get3A_573 : i32 to index
      %get3A_575 = arith.index_cast %scan3A_556 : i32 to index
      %get3A_576 = arith.constant 16 : index
      %get3A_577 = tpu.vector_load %arg13[%get3A_574, %get3A_575, %get3A_576] {strides = array<i32>} : memref<10x80x32xf32, #tpu.memory_space<vmem>>, vector<16xf32>,
      %get3A_578 = arith.index_cast %add3A_558 : i32 to index
      %get3A_579 = arith.constant 16 : index
      %get3A_580 = tpu.vector_load %arg14[%get3A_578, %get3A_579] {strides = array<i32>} : memref<640x32xf32, #tpu.memory_space<vmem>>, vector<16xf32>,
      %add3A_581 = arith.addf %get3A_577, %get3A_580 : vector<16xf32>
      %mul3A_582 = arith.mulf %gather3A, %add3A_581 : vector<16xf32>
      %get3A_583 = arith.constant 16 : index
      %get3A_584 = tpu.vector_load %arg17[%get3A_583] {strides = array<i32>} : memref<32xf32, #tpu.memory_space<vmem>>, vector<16xf32>,
      %add3A_585 = arith.addf %mul3A_582, %get3A_584 : vector<16xf32>
      %swap3A_586 = arith.index_cast %add3A_558 : i32 to index
      %swap3A_587 = arith.constant 16 : index
      %swap3A_588 = tpu.vector_load %arg14[%swap3A_586, %swap3A_587] {strides = array<i32>} : memref<640x32xf32, #tpu.memory_space<vmem>>, vector<16xf32>,
      tpu.vector_store %arg14[%swap3A_586, %swap3A_587], %add3A_585 {strides = array<i32>} : memref<640x32xf32, #tpu.memory_space<vmem>>, vector<16xf32>,
    }
    %scan3A_505 = arith.constant 80 : i32
    %add3A_506 = arith.constant 240 : i32
    %add3A_507 = arith.addi %mul3A_0, %add3A_506 : i32
    %run_scoped3A_508 = arith.constant 3 : i32
    "tpu.region"() ({
      %run_scoped3A_556 = tpu.sem_alloc : memref<!tpu.dma_semaphore, #tpu.memory_space<semaphore_mem>>
      %dma_start3A_557 = arith.constant 0 : i32
      %dma_start3A_558 = arith.constant 0 : i32
      %dma_start3A_559 = tpu.memref_slice %arg13[%run_scoped3A_508, %dma_start3A_557, %dma_start3A_558] : memref<10x80x32xf32, #tpu.memory_space<vmem>> -> memref<1x80x32xf32, #tpu.memory_space<vmem>>
      %dma_start3A_560 = tpu.memref_squeeze %dma_start3A_559 : memref<1x80x32xf32, #tpu.memory_space<vmem>> -> memref<80x32xf32, #tpu.memory_space<vmem>>
      %dma_start3A_561 = arith.constant 0 : i32
      %dma_start3A_562 = tpu.memref_slice %arg18[%add3A_507, %dma_start3A_561] : memref<10240x32xf32, #tpu.memory_space<vmem_shared>> -> memref<80x32xf32, #tpu.memory_space<vmem_shared>>
      %dma_start3A_563 = arith.constant 0 : i32
      %dma_start3A_564 = arith.constant 0 : i32
      %dma_start3A_565 = tpu.memref_slice %arg13[%run_scoped3A_508, %dma_start3A_563, %dma_start3A_564] : memref<10x80x32xf32, #tpu.memory_space<vmem>> -> memref<1x80x32xf32, #tpu.memory_space<vmem>>
      %dma_start3A_566 = tpu.memref_squeeze %dma_start3A_565 : memref<1x80x32xf32, #tpu.memory_space<vmem>> -> memref<80x32xf32, #tpu.memory_space<vmem>>
      %dma_start3A_567 = arith.constant 0 : i32
      %dma_start3A_568 = tpu.memref_slice %arg18[%add3A_507, %dma_start3A_567] : memref<10240x32xf32, #tpu.memory_space<vmem_shared>> -> memref<80x32xf32, #tpu.memory_space<vmem_shared>>
      tpu.enqueue_dma source(%dma_start3A_568 : memref<80x32xf32, #tpu.memory_space<vmem_shared>>) target(%dma_start3A_566 : memref<80x32xf32, #tpu.memory_space<vmem>>) target_semaphore(%run_scoped3A_556 : memref<!tpu.dma_semaphore, #tpu.memory_space<semaphore_mem>>)
      %dma_wait3A = arith.constant 0 : i32
      %dma_wait3A_569 = arith.constant 0 : i32
      %dma_wait3A_570 = tpu.memref_slice %arg13[%run_scoped3A_508, %dma_wait3A, %dma_wait3A_569] : memref<10x80x32xf32, #tpu.memory_space<vmem>> -> memref<1x80x32xf32, #tpu.memory_space<vmem>>
      %dma_wait3A_571 = tpu.memref_squeeze %dma_wait3A_570 : memref<1x80x32xf32, #tpu.memory_space<vmem>> -> memref<80x32xf32, #tpu.memory_space<vmem>>
      %dma_wait3A_572 = arith.constant 0 : i32
      %dma_wait3A_573 = tpu.memref_slice %arg18[%add3A_507, %dma_wait3A_572] : memref<10240x32xf32, #tpu.memory_space<vmem_shared>> -> memref<80x32xf32, #tpu.memory_space<vmem_shared>>
      %dma_wait3A_574 = arith.constant 0 : i32
      %dma_wait3A_575 = arith.constant 0 : i32
      %dma_wait3A_576 = tpu.memref_slice %arg13[%run_scoped3A_508, %dma_wait3A_574, %dma_wait3A_575] : memref<10x80x32xf32, #tpu.memory_space<vmem>> -> memref<1x80x32xf32, #tpu.memory_space<vmem>>
      %dma_wait3A_577 = tpu.memref_squeeze %dma_wait3A_576 : memref<1x80x32xf32, #tpu.memory_space<vmem>> -> memref<80x32xf32, #tpu.memory_space<vmem>>
      %dma_wait3A_578 = arith.constant 0 : i32
      %dma_wait3A_579 = tpu.memref_slice %arg18[%add3A_507, %dma_wait3A_578] : memref<10240x32xf32, #tpu.memory_space<vmem_shared>> -> memref<80x32xf32, #tpu.memory_space<vmem_shared>>
      tpu.wait_dma2 semaphore(%run_scoped3A_556 : memref<!tpu.dma_semaphore, #tpu.memory_space<semaphore_mem>>) src(%dma_wait3A_579 : memref<80x32xf32, #tpu.memory_space<vmem_shared>>) dst(%dma_wait3A_577 : memref<80x32xf32, #tpu.memory_space<vmem>>)
      tpu.yield
    }) : () -> ()
    %scan3A_509 = arith.constant 0 : i32
    %scan3A_510 = arith.constant 80 : i32
    %scan3A_511 = arith.addi %scan3A_509, %scan3A_510 : i32
    %scan3A_512 = arith.constant 1 : i32
    scf.for %scan3A_556 = %scan3A_509 to %scan3A_511 step %scan3A_512  : i32 {
      %add3A_557 = arith.constant 240 : i32
      %add3A_558 = arith.addi %add3A_557, %scan3A_556 : i32
      %broadcast_in_dim3A = vector.broadcast %add3A_558 : i32 to vector<16xi32>
      %gather3A = tpu.vector_load_idx %arg16[%broadcast_in_dim3A] : memref<640xf32, #tpu.memory_space<vmem>>[vector<16xi32>], vector<16xf32>,
      %get3A = arith.constant 3 : i32
      %get3A_559 = arith.index_cast %get3A : i32 to index
      %get3A_560 = arith.index_cast %scan3A_556 : i32 to index
      %get3A_561 = arith.constant 0 : index
      %get3A_562 = tpu.vector_load %arg13[%get3A_559, %get3A_560, %get3A_561] {strides = array<i32>} : memref<10x80x32xf32, #tpu.memory_space<vmem>>, vector<16xf32>,
      %get3A_563 = arith.index_cast %add3A_558 : i32 to index
      %get3A_564 = arith.constant 0 : index
      %get3A_565 = tpu.vector_load %arg14[%get3A_563, %get3A_564] {strides = array<i32>} : memref<640x32xf32, #tpu.memory_space<vmem>>, vector<16xf32>,
      %add3A_566 = arith.addf %get3A_562, %get3A_565 : vector<16xf32>
      %mul3A_567 = arith.mulf %gather3A, %add3A_566 : vector<16xf32>
      %get3A_568 = arith.constant 0 : index
      %get3A_569 = tpu.vector_load %arg17[%get3A_568] {strides = array<i32>} : memref<32xf32, #tpu.memory_space<vmem>>, vector<16xf32>,
      %add3A_570 = arith.addf %mul3A_567, %get3A_569 : vector<16xf32>
      %swap3A = arith.index_cast %add3A_558 : i32 to index
      %swap3A_571 = arith.constant 0 : index
      %swap3A_572 = tpu.vector_load %arg14[%swap3A, %swap3A_571] {strides = array<i32>} : memref<640x32xf32, #tpu.memory_space<vmem>>, vector<16xf32>,
      tpu.vector_store %arg14[%swap3A, %swap3A_571], %add3A_570 {strides = array<i32>} : memref<640x32xf32, #tpu.memory_space<vmem>>, vector<16xf32>,
      %get3A_573 = arith.constant 3 : i32
      %get3A_574 = arith.index_cast %get3A_573 : i32 to index
      %get3A_575 = arith.index_cast %scan3A_556 : i32 to index
      %get3A_576 = arith.constant 16 : index
      %get3A_577 = tpu.vector_load %arg13[%get3A_574, %get3A_575, %get3A_576] {strides = array<i32>} : memref<10x80x32xf32, #tpu.memory_space<vmem>>, vector<16xf32>,
      %get3A_578 = arith.index_cast %add3A_558 : i32 to index
      %get3A_579 = arith.constant 16 : index
      %get3A_580 = tpu.vector_load %arg14[%get3A_578, %get3A_579] {strides = array<i32>} : memref<640x32xf32, #tpu.memory_space<vmem>>, vector<16xf32>,
      %add3A_581 = arith.addf %get3A_577, %get3A_580 : vector<16xf32>
      %mul3A_582 = arith.mulf %gather3A, %add3A_581 : vector<16xf32>
      %get3A_583 = arith.constant 16 : index
      %get3A_584 = tpu.vector_load %arg17[%get3A_583] {strides = array<i32>} : memref<32xf32, #tpu.memory_space<vmem>>, vector<16xf32>,
      %add3A_585 = arith.addf %mul3A_582, %get3A_584 : vector<16xf32>
      %swap3A_586 = arith.index_cast %add3A_558 : i32 to index
      %swap3A_587 = arith.constant 16 : index
      %swap3A_588 = tpu.vector_load %arg14[%swap3A_586, %swap3A_587] {strides = array<i32>} : memref<640x32xf32, #tpu.memory_space<vmem>>, vector<16xf32>,
      tpu.vector_store %arg14[%swap3A_586, %swap3A_587], %add3A_585 {strides = array<i32>} : memref<640x32xf32, #tpu.memory_space<vmem>>, vector<16xf32>,
    }
    %scan3A_513 = arith.constant 80 : i32
    %add3A_514 = arith.constant 320 : i32
    %add3A_515 = arith.addi %mul3A_0, %add3A_514 : i32
    %run_scoped3A_516 = arith.constant 4 : i32
    "tpu.region"() ({
      %run_scoped3A_556 = tpu.sem_alloc : memref<!tpu.dma_semaphore, #tpu.memory_space<semaphore_mem>>
      %dma_start3A_557 = arith.constant 0 : i32
      %dma_start3A_558 = arith.constant 0 : i32
      %dma_start3A_559 = tpu.memref_slice %arg13[%run_scoped3A_516, %dma_start3A_557, %dma_start3A_558] : memref<10x80x32xf32, #tpu.memory_space<vmem>> -> memref<1x80x32xf32, #tpu.memory_space<vmem>>
      %dma_start3A_560 = tpu.memref_squeeze %dma_start3A_559 : memref<1x80x32xf32, #tpu.memory_space<vmem>> -> memref<80x32xf32, #tpu.memory_space<vmem>>
      %dma_start3A_561 = arith.constant 0 : i32
      %dma_start3A_562 = tpu.memref_slice %arg18[%add3A_515, %dma_start3A_561] : memref<10240x32xf32, #tpu.memory_space<vmem_shared>> -> memref<80x32xf32, #tpu.memory_space<vmem_shared>>
      %dma_start3A_563 = arith.constant 0 : i32
      %dma_start3A_564 = arith.constant 0 : i32
      %dma_start3A_565 = tpu.memref_slice %arg13[%run_scoped3A_516, %dma_start3A_563, %dma_start3A_564] : memref<10x80x32xf32, #tpu.memory_space<vmem>> -> memref<1x80x32xf32, #tpu.memory_space<vmem>>
      %dma_start3A_566 = tpu.memref_squeeze %dma_start3A_565 : memref<1x80x32xf32, #tpu.memory_space<vmem>> -> memref<80x32xf32, #tpu.memory_space<vmem>>
      %dma_start3A_567 = arith.constant 0 : i32
      %dma_start3A_568 = tpu.memref_slice %arg18[%add3A_515, %dma_start3A_567] : memref<10240x32xf32, #tpu.memory_space<vmem_shared>> -> memref<80x32xf32, #tpu.memory_space<vmem_shared>>
      tpu.enqueue_dma source(%dma_start3A_568 : memref<80x32xf32, #tpu.memory_space<vmem_shared>>) target(%dma_start3A_566 : memref<80x32xf32, #tpu.memory_space<vmem>>) target_semaphore(%run_scoped3A_556 : memref<!tpu.dma_semaphore, #tpu.memory_space<semaphore_mem>>)
      %dma_wait3A = arith.constant 0 : i32
      %dma_wait3A_569 = arith.constant 0 : i32
      %dma_wait3A_570 = tpu.memref_slice %arg13[%run_scoped3A_516, %dma_wait3A, %dma_wait3A_569] : memref<10x80x32xf32, #tpu.memory_space<vmem>> -> memref<1x80x32xf32, #tpu.memory_space<vmem>>
      %dma_wait3A_571 = tpu.memref_squeeze %dma_wait3A_570 : memref<1x80x32xf32, #tpu.memory_space<vmem>> -> memref<80x32xf32, #tpu.memory_space<vmem>>
      %dma_wait3A_572 = arith.constant 0 : i32
      %dma_wait3A_573 = tpu.memref_slice %arg18[%add3A_515, %dma_wait3A_572] : memref<10240x32xf32, #tpu.memory_space<vmem_shared>> -> memref<80x32xf32, #tpu.memory_space<vmem_shared>>
      %dma_wait3A_574 = arith.constant 0 : i32
      %dma_wait3A_575 = arith.constant 0 : i32
      %dma_wait3A_576 = tpu.memref_slice %arg13[%run_scoped3A_516, %dma_wait3A_574, %dma_wait3A_575] : memref<10x80x32xf32, #tpu.memory_space<vmem>> -> memref<1x80x32xf32, #tpu.memory_space<vmem>>
      %dma_wait3A_577 = tpu.memref_squeeze %dma_wait3A_576 : memref<1x80x32xf32, #tpu.memory_space<vmem>> -> memref<80x32xf32, #tpu.memory_space<vmem>>
      %dma_wait3A_578 = arith.constant 0 : i32
      %dma_wait3A_579 = tpu.memref_slice %arg18[%add3A_515, %dma_wait3A_578] : memref<10240x32xf32, #tpu.memory_space<vmem_shared>> -> memref<80x32xf32, #tpu.memory_space<vmem_shared>>
      tpu.wait_dma2 semaphore(%run_scoped3A_556 : memref<!tpu.dma_semaphore, #tpu.memory_space<semaphore_mem>>) src(%dma_wait3A_579 : memref<80x32xf32, #tpu.memory_space<vmem_shared>>) dst(%dma_wait3A_577 : memref<80x32xf32, #tpu.memory_space<vmem>>)
      tpu.yield
    }) : () -> ()
    %scan3A_517 = arith.constant 0 : i32
    %scan3A_518 = arith.constant 80 : i32
    %scan3A_519 = arith.addi %scan3A_517, %scan3A_518 : i32
    %scan3A_520 = arith.constant 1 : i32
    scf.for %scan3A_556 = %scan3A_517 to %scan3A_519 step %scan3A_520  : i32 {
      %add3A_557 = arith.constant 320 : i32
      %add3A_558 = arith.addi %add3A_557, %scan3A_556 : i32
      %broadcast_in_dim3A = vector.broadcast %add3A_558 : i32 to vector<16xi32>
      %gather3A = tpu.vector_load_idx %arg16[%broadcast_in_dim3A] : memref<640xf32, #tpu.memory_space<vmem>>[vector<16xi32>], vector<16xf32>,
      %get3A = arith.constant 4 : i32
      %get3A_559 = arith.index_cast %get3A : i32 to index
      %get3A_560 = arith.index_cast %scan3A_556 : i32 to index
      %get3A_561 = arith.constant 0 : index
      %get3A_562 = tpu.vector_load %arg13[%get3A_559, %get3A_560, %get3A_561] {strides = array<i32>} : memref<10x80x32xf32, #tpu.memory_space<vmem>>, vector<16xf32>,
      %get3A_563 = arith.index_cast %add3A_558 : i32 to index
      %get3A_564 = arith.constant 0 : index
      %get3A_565 = tpu.vector_load %arg14[%get3A_563, %get3A_564] {strides = array<i32>} : memref<640x32xf32, #tpu.memory_space<vmem>>, vector<16xf32>,
      %add3A_566 = arith.addf %get3A_562, %get3A_565 : vector<16xf32>
      %mul3A_567 = arith.mulf %gather3A, %add3A_566 : vector<16xf32>
      %get3A_568 = arith.constant 0 : index
      %get3A_569 = tpu.vector_load %arg17[%get3A_568] {strides = array<i32>} : memref<32xf32, #tpu.memory_space<vmem>>, vector<16xf32>,
      %add3A_570 = arith.addf %mul3A_567, %get3A_569 : vector<16xf32>
      %swap3A = arith.index_cast %add3A_558 : i32 to index
      %swap3A_571 = arith.constant 0 : index
      %swap3A_572 = tpu.vector_load %arg14[%swap3A, %swap3A_571] {strides = array<i32>} : memref<640x32xf32, #tpu.memory_space<vmem>>, vector<16xf32>,
      tpu.vector_store %arg14[%swap3A, %swap3A_571], %add3A_570 {strides = array<i32>} : memref<640x32xf32, #tpu.memory_space<vmem>>, vector<16xf32>,
      %get3A_573 = arith.constant 4 : i32
      %get3A_574 = arith.index_cast %get3A_573 : i32 to index
      %get3A_575 = arith.index_cast %scan3A_556 : i32 to index
      %get3A_576 = arith.constant 16 : index
      %get3A_577 = tpu.vector_load %arg13[%get3A_574, %get3A_575, %get3A_576] {strides = array<i32>} : memref<10x80x32xf32, #tpu.memory_space<vmem>>, vector<16xf32>,
      %get3A_578 = arith.index_cast %add3A_558 : i32 to index
      %get3A_579 = arith.constant 16 : index
      %get3A_580 = tpu.vector_load %arg14[%get3A_578, %get3A_579] {strides = array<i32>} : memref<640x32xf32, #tpu.memory_space<vmem>>, vector<16xf32>,
      %add3A_581 = arith.addf %get3A_577, %get3A_580 : vector<16xf32>
      %mul3A_582 = arith.mulf %gather3A, %add3A_581 : vector<16xf32>
      %get3A_583 = arith.constant 16 : index
      %get3A_584 = tpu.vector_load %arg17[%get3A_583] {strides = array<i32>} : memref<32xf32, #tpu.memory_space<vmem>>, vector<16xf32>,
      %add3A_585 = arith.addf %mul3A_582, %get3A_584 : vector<16xf32>
      %swap3A_586 = arith.index_cast %add3A_558 : i32 to index
      %swap3A_587 = arith.constant 16 : index
      %swap3A_588 = tpu.vector_load %arg14[%swap3A_586, %swap3A_587] {strides = array<i32>} : memref<640x32xf32, #tpu.memory_space<vmem>>, vector<16xf32>,
      tpu.vector_store %arg14[%swap3A_586, %swap3A_587], %add3A_585 {strides = array<i32>} : memref<640x32xf32, #tpu.memory_space<vmem>>, vector<16xf32>,
    }
    %scan3A_521 = arith.constant 80 : i32
    %add3A_522 = arith.constant 400 : i32
    %add3A_523 = arith.addi %mul3A_0, %add3A_522 : i32
    %run_scoped3A_524 = arith.constant 5 : i32
    "tpu.region"() ({
      %run_scoped3A_556 = tpu.sem_alloc : memref<!tpu.dma_semaphore, #tpu.memory_space<semaphore_mem>>
      %dma_start3A_557 = arith.constant 0 : i32
      %dma_start3A_558 = arith.constant 0 : i32
      %dma_start3A_559 = tpu.memref_slice %arg13[%run_scoped3A_524, %dma_start3A_557, %dma_start3A_558] : memref<10x80x32xf32, #tpu.memory_space<vmem>> -> memref<1x80x32xf32, #tpu.memory_space<vmem>>
      %dma_start3A_560 = tpu.memref_squeeze %dma_start3A_559 : memref<1x80x32xf32, #tpu.memory_space<vmem>> -> memref<80x32xf32, #tpu.memory_space<vmem>>
      %dma_start3A_561 = arith.constant 0 : i32
      %dma_start3A_562 = tpu.memref_slice %arg18[%add3A_523, %dma_start3A_561] : memref<10240x32xf32, #tpu.memory_space<vmem_shared>> -> memref<80x32xf32, #tpu.memory_space<vmem_shared>>
      %dma_start3A_563 = arith.constant 0 : i32
      %dma_start3A_564 = arith.constant 0 : i32
      %dma_start3A_565 = tpu.memref_slice %arg13[%run_scoped3A_524, %dma_start3A_563, %dma_start3A_564] : memref<10x80x32xf32, #tpu.memory_space<vmem>> -> memref<1x80x32xf32, #tpu.memory_space<vmem>>
      %dma_start3A_566 = tpu.memref_squeeze %dma_start3A_565 : memref<1x80x32xf32, #tpu.memory_space<vmem>> -> memref<80x32xf32, #tpu.memory_space<vmem>>
      %dma_start3A_567 = arith.constant 0 : i32
      %dma_start3A_568 = tpu.memref_slice %arg18[%add3A_523, %dma_start3A_567] : memref<10240x32xf32, #tpu.memory_space<vmem_shared>> -> memref<80x32xf32, #tpu.memory_space<vmem_shared>>
      tpu.enqueue_dma source(%dma_start3A_568 : memref<80x32xf32, #tpu.memory_space<vmem_shared>>) target(%dma_start3A_566 : memref<80x32xf32, #tpu.memory_space<vmem>>) target_semaphore(%run_scoped3A_556 : memref<!tpu.dma_semaphore, #tpu.memory_space<semaphore_mem>>)
      %dma_wait3A = arith.constant 0 : i32
      %dma_wait3A_569 = arith.constant 0 : i32
      %dma_wait3A_570 = tpu.memref_slice %arg13[%run_scoped3A_524, %dma_wait3A, %dma_wait3A_569] : memref<10x80x32xf32, #tpu.memory_space<vmem>> -> memref<1x80x32xf32, #tpu.memory_space<vmem>>
      %dma_wait3A_571 = tpu.memref_squeeze %dma_wait3A_570 : memref<1x80x32xf32, #tpu.memory_space<vmem>> -> memref<80x32xf32, #tpu.memory_space<vmem>>
      %dma_wait3A_572 = arith.constant 0 : i32
      %dma_wait3A_573 = tpu.memref_slice %arg18[%add3A_523, %dma_wait3A_572] : memref<10240x32xf32, #tpu.memory_space<vmem_shared>> -> memref<80x32xf32, #tpu.memory_space<vmem_shared>>
      %dma_wait3A_574 = arith.constant 0 : i32
      %dma_wait3A_575 = arith.constant 0 : i32
      %dma_wait3A_576 = tpu.memref_slice %arg13[%run_scoped3A_524, %dma_wait3A_574, %dma_wait3A_575] : memref<10x80x32xf32, #tpu.memory_space<vmem>> -> memref<1x80x32xf32, #tpu.memory_space<vmem>>
      %dma_wait3A_577 = tpu.memref_squeeze %dma_wait3A_576 : memref<1x80x32xf32, #tpu.memory_space<vmem>> -> memref<80x32xf32, #tpu.memory_space<vmem>>
      %dma_wait3A_578 = arith.constant 0 : i32
      %dma_wait3A_579 = tpu.memref_slice %arg18[%add3A_523, %dma_wait3A_578] : memref<10240x32xf32, #tpu.memory_space<vmem_shared>> -> memref<80x32xf32, #tpu.memory_space<vmem_shared>>
      tpu.wait_dma2 semaphore(%run_scoped3A_556 : memref<!tpu.dma_semaphore, #tpu.memory_space<semaphore_mem>>) src(%dma_wait3A_579 : memref<80x32xf32, #tpu.memory_space<vmem_shared>>) dst(%dma_wait3A_577 : memref<80x32xf32, #tpu.memory_space<vmem>>)
      tpu.yield
    }) : () -> ()
    %scan3A_525 = arith.constant 0 : i32
    %scan3A_526 = arith.constant 80 : i32
    %scan3A_527 = arith.addi %scan3A_525, %scan3A_526 : i32
    %scan3A_528 = arith.constant 1 : i32
    scf.for %scan3A_556 = %scan3A_525 to %scan3A_527 step %scan3A_528  : i32 {
      %add3A_557 = arith.constant 400 : i32
      %add3A_558 = arith.addi %add3A_557, %scan3A_556 : i32
      %broadcast_in_dim3A = vector.broadcast %add3A_558 : i32 to vector<16xi32>
      %gather3A = tpu.vector_load_idx %arg16[%broadcast_in_dim3A] : memref<640xf32, #tpu.memory_space<vmem>>[vector<16xi32>], vector<16xf32>,
      %get3A = arith.constant 5 : i32
      %get3A_559 = arith.index_cast %get3A : i32 to index
      %get3A_560 = arith.index_cast %scan3A_556 : i32 to index
      %get3A_561 = arith.constant 0 : index
      %get3A_562 = tpu.vector_load %arg13[%get3A_559, %get3A_560, %get3A_561] {strides = array<i32>} : memref<10x80x32xf32, #tpu.memory_space<vmem>>, vector<16xf32>,
      %get3A_563 = arith.index_cast %add3A_558 : i32 to index
      %get3A_564 = arith.constant 0 : index
      %get3A_565 = tpu.vector_load %arg14[%get3A_563, %get3A_564] {strides = array<i32>} : memref<640x32xf32, #tpu.memory_space<vmem>>, vector<16xf32>,
      %add3A_566 = arith.addf %get3A_562, %get3A_565 : vector<16xf32>
      %mul3A_567 = arith.mulf %gather3A, %add3A_566 : vector<16xf32>
      %get3A_568 = arith.constant 0 : index
      %get3A_569 = tpu.vector_load %arg17[%get3A_568] {strides = array<i32>} : memref<32xf32, #tpu.memory_space<vmem>>, vector<16xf32>,
      %add3A_570 = arith.addf %mul3A_567, %get3A_569 : vector<16xf32>
      %swap3A = arith.index_cast %add3A_558 : i32 to index
      %swap3A_571 = arith.constant 0 : index
      %swap3A_572 = tpu.vector_load %arg14[%swap3A, %swap3A_571] {strides = array<i32>} : memref<640x32xf32, #tpu.memory_space<vmem>>, vector<16xf32>,
      tpu.vector_store %arg14[%swap3A, %swap3A_571], %add3A_570 {strides = array<i32>} : memref<640x32xf32, #tpu.memory_space<vmem>>, vector<16xf32>,
      %get3A_573 = arith.constant 5 : i32
      %get3A_574 = arith.index_cast %get3A_573 : i32 to index
      %get3A_575 = arith.index_cast %scan3A_556 : i32 to index
      %get3A_576 = arith.constant 16 : index
      %get3A_577 = tpu.vector_load %arg13[%get3A_574, %get3A_575, %get3A_576] {strides = array<i32>} : memref<10x80x32xf32, #tpu.memory_space<vmem>>, vector<16xf32>,
      %get3A_578 = arith.index_cast %add3A_558 : i32 to index
      %get3A_579 = arith.constant 16 : index
      %get3A_580 = tpu.vector_load %arg14[%get3A_578, %get3A_579] {strides = array<i32>} : memref<640x32xf32, #tpu.memory_space<vmem>>, vector<16xf32>,
      %add3A_581 = arith.addf %get3A_577, %get3A_580 : vector<16xf32>
      %mul3A_582 = arith.mulf %gather3A, %add3A_581 : vector<16xf32>
      %get3A_583 = arith.constant 16 : index
      %get3A_584 = tpu.vector_load %arg17[%get3A_583] {strides = array<i32>} : memref<32xf32, #tpu.memory_space<vmem>>, vector<16xf32>,
      %add3A_585 = arith.addf %mul3A_582, %get3A_584 : vector<16xf32>
      %swap3A_586 = arith.index_cast %add3A_558 : i32 to index
      %swap3A_587 = arith.constant 16 : index
      %swap3A_588 = tpu.vector_load %arg14[%swap3A_586, %swap3A_587] {strides = array<i32>} : memref<640x32xf32, #tpu.memory_space<vmem>>, vector<16xf32>,
      tpu.vector_store %arg14[%swap3A_586, %swap3A_587], %add3A_585 {strides = array<i32>} : memref<640x32xf32, #tpu.memory_space<vmem>>, vector<16xf32>,
    }
    %scan3A_529 = arith.constant 80 : i32
    %add3A_530 = arith.constant 480 : i32
    %add3A_531 = arith.addi %mul3A_0, %add3A_530 : i32
    %run_scoped3A_532 = arith.constant 6 : i32
    "tpu.region"() ({
      %run_scoped3A_556 = tpu.sem_alloc : memref<!tpu.dma_semaphore, #tpu.memory_space<semaphore_mem>>
      %dma_start3A_557 = arith.constant 0 : i32
      %dma_start3A_558 = arith.constant 0 : i32
      %dma_start3A_559 = tpu.memref_slice %arg13[%run_scoped3A_532, %dma_start3A_557, %dma_start3A_558] : memref<10x80x32xf32, #tpu.memory_space<vmem>> -> memref<1x80x32xf32, #tpu.memory_space<vmem>>
      %dma_start3A_560 = tpu.memref_squeeze %dma_start3A_559 : memref<1x80x32xf32, #tpu.memory_space<vmem>> -> memref<80x32xf32, #tpu.memory_space<vmem>>
      %dma_start3A_561 = arith.constant 0 : i32
      %dma_start3A_562 = tpu.memref_slice %arg18[%add3A_531, %dma_start3A_561] : memref<10240x32xf32, #tpu.memory_space<vmem_shared>> -> memref<80x32xf32, #tpu.memory_space<vmem_shared>>
      %dma_start3A_563 = arith.constant 0 : i32
      %dma_start3A_564 = arith.constant 0 : i32
      %dma_start3A_565 = tpu.memref_slice %arg13[%run_scoped3A_532, %dma_start3A_563, %dma_start3A_564] : memref<10x80x32xf32, #tpu.memory_space<vmem>> -> memref<1x80x32xf32, #tpu.memory_space<vmem>>
      %dma_start3A_566 = tpu.memref_squeeze %dma_start3A_565 : memref<1x80x32xf32, #tpu.memory_space<vmem>> -> memref<80x32xf32, #tpu.memory_space<vmem>>
      %dma_start3A_567 = arith.constant 0 : i32
      %dma_start3A_568 = tpu.memref_slice %arg18[%add3A_531, %dma_start3A_567] : memref<10240x32xf32, #tpu.memory_space<vmem_shared>> -> memref<80x32xf32, #tpu.memory_space<vmem_shared>>
      tpu.enqueue_dma source(%dma_start3A_568 : memref<80x32xf32, #tpu.memory_space<vmem_shared>>) target(%dma_start3A_566 : memref<80x32xf32, #tpu.memory_space<vmem>>) target_semaphore(%run_scoped3A_556 : memref<!tpu.dma_semaphore, #tpu.memory_space<semaphore_mem>>)
      %dma_wait3A = arith.constant 0 : i32
      %dma_wait3A_569 = arith.constant 0 : i32
      %dma_wait3A_570 = tpu.memref_slice %arg13[%run_scoped3A_532, %dma_wait3A, %dma_wait3A_569] : memref<10x80x32xf32, #tpu.memory_space<vmem>> -> memref<1x80x32xf32, #tpu.memory_space<vmem>>
      %dma_wait3A_571 = tpu.memref_squeeze %dma_wait3A_570 : memref<1x80x32xf32, #tpu.memory_space<vmem>> -> memref<80x32xf32, #tpu.memory_space<vmem>>
      %dma_wait3A_572 = arith.constant 0 : i32
      %dma_wait3A_573 = tpu.memref_slice %arg18[%add3A_531, %dma_wait3A_572] : memref<10240x32xf32, #tpu.memory_space<vmem_shared>> -> memref<80x32xf32, #tpu.memory_space<vmem_shared>>
      %dma_wait3A_574 = arith.constant 0 : i32
      %dma_wait3A_575 = arith.constant 0 : i32
      %dma_wait3A_576 = tpu.memref_slice %arg13[%run_scoped3A_532, %dma_wait3A_574, %dma_wait3A_575] : memref<10x80x32xf32, #tpu.memory_space<vmem>> -> memref<1x80x32xf32, #tpu.memory_space<vmem>>
      %dma_wait3A_577 = tpu.memref_squeeze %dma_wait3A_576 : memref<1x80x32xf32, #tpu.memory_space<vmem>> -> memref<80x32xf32, #tpu.memory_space<vmem>>
      %dma_wait3A_578 = arith.constant 0 : i32
      %dma_wait3A_579 = tpu.memref_slice %arg18[%add3A_531, %dma_wait3A_578] : memref<10240x32xf32, #tpu.memory_space<vmem_shared>> -> memref<80x32xf32, #tpu.memory_space<vmem_shared>>
      tpu.wait_dma2 semaphore(%run_scoped3A_556 : memref<!tpu.dma_semaphore, #tpu.memory_space<semaphore_mem>>) src(%dma_wait3A_579 : memref<80x32xf32, #tpu.memory_space<vmem_shared>>) dst(%dma_wait3A_577 : memref<80x32xf32, #tpu.memory_space<vmem>>)
      tpu.yield
    }) : () -> ()
    %scan3A_533 = arith.constant 0 : i32
    %scan3A_534 = arith.constant 80 : i32
    %scan3A_535 = arith.addi %scan3A_533, %scan3A_534 : i32
    %scan3A_536 = arith.constant 1 : i32
    scf.for %scan3A_556 = %scan3A_533 to %scan3A_535 step %scan3A_536  : i32 {
      %add3A_557 = arith.constant 480 : i32
      %add3A_558 = arith.addi %add3A_557, %scan3A_556 : i32
      %broadcast_in_dim3A = vector.broadcast %add3A_558 : i32 to vector<16xi32>
      %gather3A = tpu.vector_load_idx %arg16[%broadcast_in_dim3A] : memref<640xf32, #tpu.memory_space<vmem>>[vector<16xi32>], vector<16xf32>,
      %get3A = arith.constant 6 : i32
      %get3A_559 = arith.index_cast %get3A : i32 to index
      %get3A_560 = arith.index_cast %scan3A_556 : i32 to index
      %get3A_561 = arith.constant 0 : index
      %get3A_562 = tpu.vector_load %arg13[%get3A_559, %get3A_560, %get3A_561] {strides = array<i32>} : memref<10x80x32xf32, #tpu.memory_space<vmem>>, vector<16xf32>,
      %get3A_563 = arith.index_cast %add3A_558 : i32 to index
      %get3A_564 = arith.constant 0 : index
      %get3A_565 = tpu.vector_load %arg14[%get3A_563, %get3A_564] {strides = array<i32>} : memref<640x32xf32, #tpu.memory_space<vmem>>, vector<16xf32>,
      %add3A_566 = arith.addf %get3A_562, %get3A_565 : vector<16xf32>
      %mul3A_567 = arith.mulf %gather3A, %add3A_566 : vector<16xf32>
      %get3A_568 = arith.constant 0 : index
      %get3A_569 = tpu.vector_load %arg17[%get3A_568] {strides = array<i32>} : memref<32xf32, #tpu.memory_space<vmem>>, vector<16xf32>,
      %add3A_570 = arith.addf %mul3A_567, %get3A_569 : vector<16xf32>
      %swap3A = arith.index_cast %add3A_558 : i32 to index
      %swap3A_571 = arith.constant 0 : index
      %swap3A_572 = tpu.vector_load %arg14[%swap3A, %swap3A_571] {strides = array<i32>} : memref<640x32xf32, #tpu.memory_space<vmem>>, vector<16xf32>,
      tpu.vector_store %arg14[%swap3A, %swap3A_571], %add3A_570 {strides = array<i32>} : memref<640x32xf32, #tpu.memory_space<vmem>>, vector<16xf32>,
      %get3A_573 = arith.constant 6 : i32
      %get3A_574 = arith.index_cast %get3A_573 : i32 to index
      %get3A_575 = arith.index_cast %scan3A_556 : i32 to index
      %get3A_576 = arith.constant 16 : index
      %get3A_577 = tpu.vector_load %arg13[%get3A_574, %get3A_575, %get3A_576] {strides = array<i32>} : memref<10x80x32xf32, #tpu.memory_space<vmem>>, vector<16xf32>,
      %get3A_578 = arith.index_cast %add3A_558 : i32 to index
      %get3A_579 = arith.constant 16 : index
      %get3A_580 = tpu.vector_load %arg14[%get3A_578, %get3A_579] {strides = array<i32>} : memref<640x32xf32, #tpu.memory_space<vmem>>, vector<16xf32>,
      %add3A_581 = arith.addf %get3A_577, %get3A_580 : vector<16xf32>
      %mul3A_582 = arith.mulf %gather3A, %add3A_581 : vector<16xf32>
      %get3A_583 = arith.constant 16 : index
      %get3A_584 = tpu.vector_load %arg17[%get3A_583] {strides = array<i32>} : memref<32xf32, #tpu.memory_space<vmem>>, vector<16xf32>,
      %add3A_585 = arith.addf %mul3A_582, %get3A_584 : vector<16xf32>
      %swap3A_586 = arith.index_cast %add3A_558 : i32 to index
      %swap3A_587 = arith.constant 16 : index
      %swap3A_588 = tpu.vector_load %arg14[%swap3A_586, %swap3A_587] {strides = array<i32>} : memref<640x32xf32, #tpu.memory_space<vmem>>, vector<16xf32>,
      tpu.vector_store %arg14[%swap3A_586, %swap3A_587], %add3A_585 {strides = array<i32>} : memref<640x32xf32, #tpu.memory_space<vmem>>, vector<16xf32>,
    }
    %scan3A_537 = arith.constant 80 : i32
    %add3A_538 = arith.constant 560 : i32
    %add3A_539 = arith.addi %mul3A_0, %add3A_538 : i32
    %run_scoped3A_540 = arith.constant 7 : i32
    "tpu.region"() ({
      %run_scoped3A_556 = tpu.sem_alloc : memref<!tpu.dma_semaphore, #tpu.memory_space<semaphore_mem>>
      %dma_start3A_557 = arith.constant 0 : i32
      %dma_start3A_558 = arith.constant 0 : i32
      %dma_start3A_559 = tpu.memref_slice %arg13[%run_scoped3A_540, %dma_start3A_557, %dma_start3A_558] : memref<10x80x32xf32, #tpu.memory_space<vmem>> -> memref<1x80x32xf32, #tpu.memory_space<vmem>>
      %dma_start3A_560 = tpu.memref_squeeze %dma_start3A_559 : memref<1x80x32xf32, #tpu.memory_space<vmem>> -> memref<80x32xf32, #tpu.memory_space<vmem>>
      %dma_start3A_561 = arith.constant 0 : i32
      %dma_start3A_562 = tpu.memref_slice %arg18[%add3A_539, %dma_start3A_561] : memref<10240x32xf32, #tpu.memory_space<vmem_shared>> -> memref<80x32xf32, #tpu.memory_space<vmem_shared>>
      %dma_start3A_563 = arith.constant 0 : i32
      %dma_start3A_564 = arith.constant 0 : i32
      %dma_start3A_565 = tpu.memref_slice %arg13[%run_scoped3A_540, %dma_start3A_563, %dma_start3A_564] : memref<10x80x32xf32, #tpu.memory_space<vmem>> -> memref<1x80x32xf32, #tpu.memory_space<vmem>>
      %dma_start3A_566 = tpu.memref_squeeze %dma_start3A_565 : memref<1x80x32xf32, #tpu.memory_space<vmem>> -> memref<80x32xf32, #tpu.memory_space<vmem>>
      %dma_start3A_567 = arith.constant 0 : i32
      %dma_start3A_568 = tpu.memref_slice %arg18[%add3A_539, %dma_start3A_567] : memref<10240x32xf32, #tpu.memory_space<vmem_shared>> -> memref<80x32xf32, #tpu.memory_space<vmem_shared>>
      tpu.enqueue_dma source(%dma_start3A_568 : memref<80x32xf32, #tpu.memory_space<vmem_shared>>) target(%dma_start3A_566 : memref<80x32xf32, #tpu.memory_space<vmem>>) target_semaphore(%run_scoped3A_556 : memref<!tpu.dma_semaphore, #tpu.memory_space<semaphore_mem>>)
      %dma_wait3A = arith.constant 0 : i32
      %dma_wait3A_569 = arith.constant 0 : i32
      %dma_wait3A_570 = tpu.memref_slice %arg13[%run_scoped3A_540, %dma_wait3A, %dma_wait3A_569] : memref<10x80x32xf32, #tpu.memory_space<vmem>> -> memref<1x80x32xf32, #tpu.memory_space<vmem>>
      %dma_wait3A_571 = tpu.memref_squeeze %dma_wait3A_570 : memref<1x80x32xf32, #tpu.memory_space<vmem>> -> memref<80x32xf32, #tpu.memory_space<vmem>>
      %dma_wait3A_572 = arith.constant 0 : i32
      %dma_wait3A_573 = tpu.memref_slice %arg18[%add3A_539, %dma_wait3A_572] : memref<10240x32xf32, #tpu.memory_space<vmem_shared>> -> memref<80x32xf32, #tpu.memory_space<vmem_shared>>
      %dma_wait3A_574 = arith.constant 0 : i32
      %dma_wait3A_575 = arith.constant 0 : i32
      %dma_wait3A_576 = tpu.memref_slice %arg13[%run_scoped3A_540, %dma_wait3A_574, %dma_wait3A_575] : memref<10x80x32xf32, #tpu.memory_space<vmem>> -> memref<1x80x32xf32, #tpu.memory_space<vmem>>
      %dma_wait3A_577 = tpu.memref_squeeze %dma_wait3A_576 : memref<1x80x32xf32, #tpu.memory_space<vmem>> -> memref<80x32xf32, #tpu.memory_space<vmem>>
      %dma_wait3A_578 = arith.constant 0 : i32
      %dma_wait3A_579 = tpu.memref_slice %arg18[%add3A_539, %dma_wait3A_578] : memref<10240x32xf32, #tpu.memory_space<vmem_shared>> -> memref<80x32xf32, #tpu.memory_space<vmem_shared>>
      tpu.wait_dma2 semaphore(%run_scoped3A_556 : memref<!tpu.dma_semaphore, #tpu.memory_space<semaphore_mem>>) src(%dma_wait3A_579 : memref<80x32xf32, #tpu.memory_space<vmem_shared>>) dst(%dma_wait3A_577 : memref<80x32xf32, #tpu.memory_space<vmem>>)
      tpu.yield
    }) : () -> ()
    %scan3A_541 = arith.constant 0 : i32
    %scan3A_542 = arith.constant 80 : i32
    %scan3A_543 = arith.addi %scan3A_541, %scan3A_542 : i32
    %scan3A_544 = arith.constant 1 : i32
    scf.for %scan3A_556 = %scan3A_541 to %scan3A_543 step %scan3A_544  : i32 {
      %add3A_557 = arith.constant 560 : i32
      %add3A_558 = arith.addi %add3A_557, %scan3A_556 : i32
      %broadcast_in_dim3A = vector.broadcast %add3A_558 : i32 to vector<16xi32>
      %gather3A = tpu.vector_load_idx %arg16[%broadcast_in_dim3A] : memref<640xf32, #tpu.memory_space<vmem>>[vector<16xi32>], vector<16xf32>,
      %get3A = arith.constant 7 : i32
      %get3A_559 = arith.index_cast %get3A : i32 to index
      %get3A_560 = arith.index_cast %scan3A_556 : i32 to index
      %get3A_561 = arith.constant 0 : index
      %get3A_562 = tpu.vector_load %arg13[%get3A_559, %get3A_560, %get3A_561] {strides = array<i32>} : memref<10x80x32xf32, #tpu.memory_space<vmem>>, vector<16xf32>,
      %get3A_563 = arith.index_cast %add3A_558 : i32 to index
      %get3A_564 = arith.constant 0 : index
      %get3A_565 = tpu.vector_load %arg14[%get3A_563, %get3A_564] {strides = array<i32>} : memref<640x32xf32, #tpu.memory_space<vmem>>, vector<16xf32>,
      %add3A_566 = arith.addf %get3A_562, %get3A_565 : vector<16xf32>
      %mul3A_567 = arith.mulf %gather3A, %add3A_566 : vector<16xf32>
      %get3A_568 = arith.constant 0 : index
      %get3A_569 = tpu.vector_load %arg17[%get3A_568] {strides = array<i32>} : memref<32xf32, #tpu.memory_space<vmem>>, vector<16xf32>,
      %add3A_570 = arith.addf %mul3A_567, %get3A_569 : vector<16xf32>
      %swap3A = arith.index_cast %add3A_558 : i32 to index
      %swap3A_571 = arith.constant 0 : index
      %swap3A_572 = tpu.vector_load %arg14[%swap3A, %swap3A_571] {strides = array<i32>} : memref<640x32xf32, #tpu.memory_space<vmem>>, vector<16xf32>,
      tpu.vector_store %arg14[%swap3A, %swap3A_571], %add3A_570 {strides = array<i32>} : memref<640x32xf32, #tpu.memory_space<vmem>>, vector<16xf32>,
      %get3A_573 = arith.constant 7 : i32
      %get3A_574 = arith.index_cast %get3A_573 : i32 to index
      %get3A_575 = arith.index_cast %scan3A_556 : i32 to index
      %get3A_576 = arith.constant 16 : index
      %get3A_577 = tpu.vector_load %arg13[%get3A_574, %get3A_575, %get3A_576] {strides = array<i32>} : memref<10x80x32xf32, #tpu.memory_space<vmem>>, vector<16xf32>,
      %get3A_578 = arith.index_cast %add3A_558 : i32 to index
      %get3A_579 = arith.constant 16 : index
      %get3A_580 = tpu.vector_load %arg14[%get3A_578, %get3A_579] {strides = array<i32>} : memref<640x32xf32, #tpu.memory_space<vmem>>, vector<16xf32>,
      %add3A_581 = arith.addf %get3A_577, %get3A_580 : vector<16xf32>
      %mul3A_582 = arith.mulf %gather3A, %add3A_581 : vector<16xf32>
      %get3A_583 = arith.constant 16 : index
      %get3A_584 = tpu.vector_load %arg17[%get3A_583] {strides = array<i32>} : memref<32xf32, #tpu.memory_space<vmem>>, vector<16xf32>,
      %add3A_585 = arith.addf %mul3A_582, %get3A_584 : vector<16xf32>
      %swap3A_586 = arith.index_cast %add3A_558 : i32 to index
      %swap3A_587 = arith.constant 16 : index
      %swap3A_588 = tpu.vector_load %arg14[%swap3A_586, %swap3A_587] {strides = array<i32>} : memref<640x32xf32, #tpu.memory_space<vmem>>, vector<16xf32>,
      tpu.vector_store %arg14[%swap3A_586, %swap3A_587], %add3A_585 {strides = array<i32>} : memref<640x32xf32, #tpu.memory_space<vmem>>, vector<16xf32>,
    }
    %scan3A_545 = arith.constant 80 : i32
    %lt3A_546 = arith.constant 15 : i32
    %lt3A_547 = arith.cmpi slt, %arg1, %lt3A_546 : i32
    %convert_element_type3A_548 = arith.extui %lt3A_547 : i1 to i32
    %cond3A_549 = arith.constant 0 : i32
    %cond3A_550 = arith.cmpi ne, %convert_element_type3A_548, %cond3A_549 : i32
    scf.if %cond3A_550 {
      "tpu.region"() ({
        %run_scoped3A_556 = tpu.sem_alloc : memref<!tpu.dma_semaphore, #tpu.memory_space<semaphore_mem>>
        %dma_start3A_557 = tpu.memref_slice %arg8[%mul3A_0, %mul3A_2] : memref<10000x64xf32, #tpu.memory_space<hbm>> -> memref<640x32xf32, #tpu.memory_space<hbm>>
        %dma_start3A_558 = tpu.memref_slice %arg8[%mul3A_0, %mul3A_2] : memref<10000x64xf32, #tpu.memory_space<hbm>> -> memref<640x32xf32, #tpu.memory_space<hbm>>
        tpu.enqueue_dma source(%arg14 : memref<640x32xf32, #tpu.memory_space<vmem>>) target(%dma_start3A_558 : memref<640x32xf32, #tpu.memory_space<hbm>>) target_semaphore(%run_scoped3A_556 : memref<!tpu.dma_semaphore, #tpu.memory_space<semaphore_mem>>)
        %dma_wait3A = tpu.memref_slice %arg8[%mul3A_0, %mul3A_2] : memref<10000x64xf32, #tpu.memory_space<hbm>> -> memref<640x32xf32, #tpu.memory_space<hbm>>
        %dma_wait3A_559 = tpu.memref_slice %arg8[%mul3A_0, %mul3A_2] : memref<10000x64xf32, #tpu.memory_space<hbm>> -> memref<640x32xf32, #tpu.memory_space<hbm>>
        tpu.wait_dma2 semaphore(%run_scoped3A_556 : memref<!tpu.dma_semaphore, #tpu.memory_space<semaphore_mem>>) src(%arg14 : memref<640x32xf32, #tpu.memory_space<vmem>>) dst(%dma_wait3A_559 : memref<640x32xf32, #tpu.memory_space<hbm>>)
        tpu.yield
      }) : () -> ()
    } else {
    }
    %eq3A_551 = arith.constant 15 : i32
    %eq3A_552 = arith.cmpi eq, %arg1, %eq3A_551 : i32
    %convert_element_type3A_553 = arith.extui %eq3A_552 : i1 to i32
    %cond3A_554 = arith.constant 0 : i32
    %cond3A_555 = arith.cmpi ne, %convert_element_type3A_553, %cond3A_554 : i32
    scf.if %cond3A_555 {
      "tpu.region"() ({
        %run_scoped3A_556 = tpu.sem_alloc : memref<!tpu.dma_semaphore, #tpu.memory_space<semaphore_mem>>
        %dma_start3A_557 = arith.constant 0 : i32
        %dma_start3A_558 = arith.constant 0 : i32
        %dma_start3A_559 = tpu.memref_slice %arg14[%dma_start3A_557, %dma_start3A_558] : memref<640x32xf32, #tpu.memory_space<vmem>> -> memref<400x32xf32, #tpu.memory_space<vmem>>
        %dma_start3A_560 = tpu.memref_slice %arg8[%mul3A_0, %mul3A_2] : memref<10000x64xf32, #tpu.memory_space<hbm>> -> memref<400x32xf32, #tpu.memory_space<hbm>>
        %dma_start3A_561 = tpu.memref_slice %arg8[%mul3A_0, %mul3A_2] : memref<10000x64xf32, #tpu.memory_space<hbm>> -> memref<400x32xf32, #tpu.memory_space<hbm>>
        %dma_start3A_562 = arith.constant 0 : i32
        %dma_start3A_563 = arith.constant 0 : i32
        %dma_start3A_564 = tpu.memref_slice %arg14[%dma_start3A_562, %dma_start3A_563] : memref<640x32xf32, #tpu.memory_space<vmem>> -> memref<400x32xf32, #tpu.memory_space<vmem>>
        tpu.enqueue_dma source(%dma_start3A_564 : memref<400x32xf32, #tpu.memory_space<vmem>>) target(%dma_start3A_561 : memref<400x32xf32, #tpu.memory_space<hbm>>) target_semaphore(%run_scoped3A_556 : memref<!tpu.dma_semaphore, #tpu.memory_space<semaphore_mem>>)
        %dma_wait3A = arith.constant 0 : i32
        %dma_wait3A_565 = arith.constant 0 : i32
        %dma_wait3A_566 = tpu.memref_slice %arg14[%dma_wait3A, %dma_wait3A_565] : memref<640x32xf32, #tpu.memory_space<vmem>> -> memref<400x32xf32, #tpu.memory_space<vmem>>
        %dma_wait3A_567 = tpu.memref_slice %arg8[%mul3A_0, %mul3A_2] : memref<10000x64xf32, #tpu.memory_space<hbm>> -> memref<400x32xf32, #tpu.memory_space<hbm>>
        %dma_wait3A_568 = tpu.memref_slice %arg8[%mul3A_0, %mul3A_2] : memref<10000x64xf32, #tpu.memory_space<hbm>> -> memref<400x32xf32, #tpu.memory_space<hbm>>
        %dma_wait3A_569 = arith.constant 0 : i32
        %dma_wait3A_570 = arith.constant 0 : i32
        %dma_wait3A_571 = tpu.memref_slice %arg14[%dma_wait3A_569, %dma_wait3A_570] : memref<640x32xf32, #tpu.memory_space<vmem>> -> memref<400x32xf32, #tpu.memory_space<vmem>>
        tpu.wait_dma2 semaphore(%run_scoped3A_556 : memref<!tpu.dma_semaphore, #tpu.memory_space<semaphore_mem>>) src(%dma_wait3A_571 : memref<400x32xf32, #tpu.memory_space<vmem>>) dst(%dma_wait3A_568 : memref<400x32xf32, #tpu.memory_space<hbm>>)
        tpu.yield
      }) : () -> ()
    } else {
    }
    return
  }
}

#map = affine_map<(d0, d1) -> (0, 0, 0)>
#map1 = affine_map<(d0, d1) -> (0)>
#map2 = affine_map<(d0, d1) -> (0, 0)>
module attributes {stable_mosaic.version = 14 : i64} {
  func.func @_sc_degree(%arg0: i32, %arg1: i32, %arg2: memref<32x125x80xi32, #tpu.memory_space<hbm>>, %arg3: memref<10240xf32, #tpu.memory_space<hbm>>, %arg4: memref<2x10240xf32, #tpu.memory_space<hbm>>, %arg5: memref<125x80xi32, #tpu.memory_space<vmem>>, %arg6: memref<80xf32, #tpu.memory_space<vmem>>, %arg7: memref<10240xf32, #tpu.memory_space<vmem_shared>>, %arg8: memref<!tpu.dma_semaphore, #tpu.memory_space<semaphore_mem>>) attributes {dimension_semantics = [#tpu.dimension_semantics<core_parallel>, #tpu.dimension_semantics<subcore_parallel>], iteration_bounds = array<i64: 2, 16>, scalar_prefetch = 0 : i64, scratch_operands = 4 : i64, tpu.core_type = #tpu.core_type<sc_vector_subcore>, window_params = [{transform_indices = #map}, {transform_indices = #map1}, {transform_indices = #map2}]} {
    %mul3A = arith.constant 16 : i32
    %mul3A_0 = arith.muli %arg0, %mul3A : i32
    %add3A = arith.addi %mul3A_0, %arg1 : i32
    %mul3A_1 = arith.constant 640 : i32
    %mul3A_2 = arith.muli %arg1, %mul3A_1 : i32
    %mul3A_3 = arith.constant 640 : i32
    %mul3A_4 = arith.muli %arg1, %mul3A_3 : i32
    "tpu.region"() ({
      %run_scoped3A = tpu.sem_alloc : memref<!tpu.dma_semaphore, #tpu.memory_space<semaphore_mem>>
      %dma_start3A = tpu.memref_slice %arg7[%mul3A_4] : memref<10240xf32, #tpu.memory_space<vmem_shared>> -> memref<640xf32, #tpu.memory_space<vmem_shared>>
      %dma_start3A_47 = tpu.memref_slice %arg3[%mul3A_2] : memref<10240xf32, #tpu.memory_space<hbm>> -> memref<640xf32, #tpu.memory_space<hbm>>
      tpu.enqueue_dma source(%dma_start3A_47 : memref<640xf32, #tpu.memory_space<hbm>>) target(%dma_start3A : memref<640xf32, #tpu.memory_space<vmem_shared>>) target_semaphore(%run_scoped3A : memref<!tpu.dma_semaphore, #tpu.memory_space<semaphore_mem>>)
      %dma_wait3A = tpu.memref_slice %arg7[%mul3A_4] : memref<10240xf32, #tpu.memory_space<vmem_shared>> -> memref<640xf32, #tpu.memory_space<vmem_shared>>
      %dma_wait3A_48 = tpu.memref_slice %arg3[%mul3A_2] : memref<10240xf32, #tpu.memory_space<hbm>> -> memref<640xf32, #tpu.memory_space<hbm>>
      tpu.wait_dma2 semaphore(%run_scoped3A : memref<!tpu.dma_semaphore, #tpu.memory_space<semaphore_mem>>) src(%dma_wait3A_48 : memref<640xf32, #tpu.memory_space<hbm>>) dst(%dma_wait3A : memref<640xf32, #tpu.memory_space<vmem_shared>>)
      tpu.yield
    }) : () -> ()
    "tpu.region"() ({
      %run_scoped3A = tpu.sem_alloc : memref<!tpu.dma_semaphore, #tpu.memory_space<semaphore_mem>>
      %dma_start3A = arith.constant 0 : i32
      %dma_start3A_47 = arith.constant 0 : i32
      %dma_start3A_48 = tpu.memref_slice %arg2[%add3A, %dma_start3A, %dma_start3A_47] : memref<32x125x80xi32, #tpu.memory_space<hbm>> -> memref<1x125x80xi32, #tpu.memory_space<hbm>>
      %dma_start3A_49 = tpu.memref_squeeze %dma_start3A_48 : memref<1x125x80xi32, #tpu.memory_space<hbm>> -> memref<125x80xi32, #tpu.memory_space<hbm>>
      %dma_start3A_50 = arith.constant 0 : i32
      %dma_start3A_51 = arith.constant 0 : i32
      %dma_start3A_52 = tpu.memref_slice %arg2[%add3A, %dma_start3A_50, %dma_start3A_51] : memref<32x125x80xi32, #tpu.memory_space<hbm>> -> memref<1x125x80xi32, #tpu.memory_space<hbm>>
      %dma_start3A_53 = tpu.memref_squeeze %dma_start3A_52 : memref<1x125x80xi32, #tpu.memory_space<hbm>> -> memref<125x80xi32, #tpu.memory_space<hbm>>
      tpu.enqueue_dma source(%dma_start3A_53 : memref<125x80xi32, #tpu.memory_space<hbm>>) target(%arg5 : memref<125x80xi32, #tpu.memory_space<vmem>>) target_semaphore(%run_scoped3A : memref<!tpu.dma_semaphore, #tpu.memory_space<semaphore_mem>>)
      %dma_wait3A = arith.constant 0 : i32
      %dma_wait3A_54 = arith.constant 0 : i32
      %dma_wait3A_55 = tpu.memref_slice %arg2[%add3A, %dma_wait3A, %dma_wait3A_54] : memref<32x125x80xi32, #tpu.memory_space<hbm>> -> memref<1x125x80xi32, #tpu.memory_space<hbm>>
      %dma_wait3A_56 = tpu.memref_squeeze %dma_wait3A_55 : memref<1x125x80xi32, #tpu.memory_space<hbm>> -> memref<125x80xi32, #tpu.memory_space<hbm>>
      %dma_wait3A_57 = arith.constant 0 : i32
      %dma_wait3A_58 = arith.constant 0 : i32
      %dma_wait3A_59 = tpu.memref_slice %arg2[%add3A, %dma_wait3A_57, %dma_wait3A_58] : memref<32x125x80xi32, #tpu.memory_space<hbm>> -> memref<1x125x80xi32, #tpu.memory_space<hbm>>
      %dma_wait3A_60 = tpu.memref_squeeze %dma_wait3A_59 : memref<1x125x80xi32, #tpu.memory_space<hbm>> -> memref<125x80xi32, #tpu.memory_space<hbm>>
      tpu.wait_dma2 semaphore(%run_scoped3A : memref<!tpu.dma_semaphore, #tpu.memory_space<semaphore_mem>>) src(%dma_wait3A_60 : memref<125x80xi32, #tpu.memory_space<hbm>>) dst(%arg5 : memref<125x80xi32, #tpu.memory_space<vmem>>)
      tpu.yield
    }) : () -> ()
    %broadcast_in_dim3A = arith.constant 1.000000e+00 : f32
    %broadcast_in_dim3A_5 = vector.broadcast %broadcast_in_dim3A : f32 to vector<16xf32>
    %swap3A = arith.constant 0 : index
    %swap3A_6 = tpu.vector_load %arg6[%swap3A] {strides = array<i32>} : memref<80xf32, #tpu.memory_space<vmem>>, vector<16xf32>,
    %swap3A_7 = vector.shape_cast %swap3A_6 : vector<16xf32> to vector<16xf32>
    %swap3A_8 = vector.shape_cast %broadcast_in_dim3A_5 : vector<16xf32> to vector<16xf32>
    tpu.vector_store %arg6[%swap3A], %swap3A_8 {strides = array<i32>} : memref<80xf32, #tpu.memory_space<vmem>>, vector<16xf32>,
    %broadcast_in_dim3A_9 = arith.constant 1.000000e+00 : f32
    %broadcast_in_dim3A_10 = vector.broadcast %broadcast_in_dim3A_9 : f32 to vector<16xf32>
    %swap3A_11 = arith.constant 16 : index
    %swap3A_12 = tpu.vector_load %arg6[%swap3A_11] {strides = array<i32>} : memref<80xf32, #tpu.memory_space<vmem>>, vector<16xf32>,
    %swap3A_13 = vector.shape_cast %swap3A_12 : vector<16xf32> to vector<16xf32>
    %swap3A_14 = vector.shape_cast %broadcast_in_dim3A_10 : vector<16xf32> to vector<16xf32>
    tpu.vector_store %arg6[%swap3A_11], %swap3A_14 {strides = array<i32>} : memref<80xf32, #tpu.memory_space<vmem>>, vector<16xf32>,
    %broadcast_in_dim3A_15 = arith.constant 1.000000e+00 : f32
    %broadcast_in_dim3A_16 = vector.broadcast %broadcast_in_dim3A_15 : f32 to vector<16xf32>
    %swap3A_17 = arith.constant 32 : index
    %swap3A_18 = tpu.vector_load %arg6[%swap3A_17] {strides = array<i32>} : memref<80xf32, #tpu.memory_space<vmem>>, vector<16xf32>,
    %swap3A_19 = vector.shape_cast %swap3A_18 : vector<16xf32> to vector<16xf32>
    %swap3A_20 = vector.shape_cast %broadcast_in_dim3A_16 : vector<16xf32> to vector<16xf32>
    tpu.vector_store %arg6[%swap3A_17], %swap3A_20 {strides = array<i32>} : memref<80xf32, #tpu.memory_space<vmem>>, vector<16xf32>,
    %broadcast_in_dim3A_21 = arith.constant 1.000000e+00 : f32
    %broadcast_in_dim3A_22 = vector.broadcast %broadcast_in_dim3A_21 : f32 to vector<16xf32>
    %swap3A_23 = arith.constant 48 : index
    %swap3A_24 = tpu.vector_load %arg6[%swap3A_23] {strides = array<i32>} : memref<80xf32, #tpu.memory_space<vmem>>, vector<16xf32>,
    %swap3A_25 = vector.shape_cast %swap3A_24 : vector<16xf32> to vector<16xf32>
    %swap3A_26 = vector.shape_cast %broadcast_in_dim3A_22 : vector<16xf32> to vector<16xf32>
    tpu.vector_store %arg6[%swap3A_23], %swap3A_26 {strides = array<i32>} : memref<80xf32, #tpu.memory_space<vmem>>, vector<16xf32>,
    %broadcast_in_dim3A_27 = arith.constant 1.000000e+00 : f32
    %broadcast_in_dim3A_28 = vector.broadcast %broadcast_in_dim3A_27 : f32 to vector<16xf32>
    %swap3A_29 = arith.constant 64 : index
    %swap3A_30 = tpu.vector_load %arg6[%swap3A_29] {strides = array<i32>} : memref<80xf32, #tpu.memory_space<vmem>>, vector<16xf32>,
    %swap3A_31 = vector.shape_cast %swap3A_30 : vector<16xf32> to vector<16xf32>
    %swap3A_32 = vector.shape_cast %broadcast_in_dim3A_28 : vector<16xf32> to vector<16xf32>
    tpu.vector_store %arg6[%swap3A_29], %swap3A_32 {strides = array<i32>} : memref<80xf32, #tpu.memory_space<vmem>>, vector<16xf32>,
    %barrier3A = arith.constant 0 : index
    tpu.barrier barrier_id(%barrier3A)
    %scan3A = arith.constant 0 : i32
    %scan3A_33 = arith.constant 125 : i32
    %scan3A_34 = arith.addi %scan3A, %scan3A_33 : i32
    %scan3A_35 = arith.constant 1 : i32
    scf.for %scan3A_47 = %scan3A to %scan3A_34 step %scan3A_35  : i32 {
      %dma_start3A = arith.constant 0 : i32
      %dma_start3A_48 = tpu.memref_slice %arg5[%scan3A_47, %dma_start3A] : memref<125x80xi32, #tpu.memory_space<vmem>> -> memref<1x80xi32, #tpu.memory_space<vmem>>
      %dma_start3A_49 = tpu.memref_squeeze %dma_start3A_48 : memref<1x80xi32, #tpu.memory_space<vmem>> -> memref<80xi32, #tpu.memory_space<vmem>>
      %dma_start3A_50 = arith.constant 0 : i32
      %dma_start3A_51 = tpu.memref_slice %arg7[%dma_start3A_50] : memref<10240xf32, #tpu.memory_space<vmem_shared>> -> memref<10240xf32, #tpu.memory_space<vmem_shared>>
      tpu.enqueue_indirect_dma source(%arg6 : memref<80xf32, #tpu.memory_space<vmem>>) target(%dma_start3A_51 : memref<10240xf32, #tpu.memory_space<vmem_shared>>) offsets(%dma_start3A_49 : memref<80xi32, #tpu.memory_space<vmem>>) semaphore(%arg8 : memref<!tpu.dma_semaphore, #tpu.memory_space<semaphore_mem>>) {add = true}
    }
    %scan3A_36 = arith.constant 125 : i32
    %scan3A_37 = arith.constant 0 : i32
    %scan3A_38 = arith.constant 125 : i32
    %scan3A_39 = arith.addi %scan3A_37, %scan3A_38 : i32
    %scan3A_40 = arith.constant 1 : i32
    scf.for %scan3A_47 = %scan3A_37 to %scan3A_39 step %scan3A_40  : i32 {
      %dma_wait3A = arith.constant 0 : i32
      %dma_wait3A_48 = arith.constant 0 : i32
      %dma_wait3A_49 = tpu.memref_slice %arg5[%dma_wait3A, %dma_wait3A_48] : memref<125x80xi32, #tpu.memory_space<vmem>> -> memref<1x80xi32, #tpu.memory_space<vmem>>
      %dma_wait3A_50 = tpu.memref_squeeze %dma_wait3A_49 : memref<1x80xi32, #tpu.memory_space<vmem>> -> memref<80xi32, #tpu.memory_space<vmem>>
      %dma_wait3A_51 = arith.constant 0 : i32
      %dma_wait3A_52 = tpu.memref_slice %arg7[%dma_wait3A_51] : memref<10240xf32, #tpu.memory_space<vmem_shared>> -> memref<10240xf32, #tpu.memory_space<vmem_shared>>
      tpu.wait_indirect_dma semaphore(%arg8 : memref<!tpu.dma_semaphore, #tpu.memory_space<semaphore_mem>>) src(%arg6 : memref<80xf32, #tpu.memory_space<vmem>>) dst(%dma_wait3A_52 : memref<10240xf32, #tpu.memory_space<vmem_shared>>)
    }
    %scan3A_41 = arith.constant 125 : i32
    %barrier3A_42 = arith.constant 0 : index
    tpu.barrier barrier_id(%barrier3A_42)
    %mul3A_43 = arith.constant 640 : i32
    %mul3A_44 = arith.muli %arg1, %mul3A_43 : i32
    %mul3A_45 = arith.constant 640 : i32
    %mul3A_46 = arith.muli %arg1, %mul3A_45 : i32
    "tpu.region"() ({
      %run_scoped3A = tpu.sem_alloc : memref<!tpu.dma_semaphore, #tpu.memory_space<semaphore_mem>>
      %dma_start3A = arith.constant 0 : i32
      %dma_start3A_47 = tpu.memref_slice %arg4[%arg0, %dma_start3A] : memref<2x10240xf32, #tpu.memory_space<hbm>> -> memref<1x10240xf32, #tpu.memory_space<hbm>>
      %dma_start3A_48 = tpu.memref_squeeze %dma_start3A_47 : memref<1x10240xf32, #tpu.memory_space<hbm>> -> memref<10240xf32, #tpu.memory_space<hbm>>
      %dma_start3A_49 = tpu.memref_slice %dma_start3A_48[%mul3A_46] : memref<10240xf32, #tpu.memory_space<hbm>> -> memref<640xf32, #tpu.memory_space<hbm>>
      %dma_start3A_50 = tpu.memref_slice %arg7[%mul3A_44] : memref<10240xf32, #tpu.memory_space<vmem_shared>> -> memref<640xf32, #tpu.memory_space<vmem_shared>>
      tpu.enqueue_dma source(%dma_start3A_50 : memref<640xf32, #tpu.memory_space<vmem_shared>>) target(%dma_start3A_49 : memref<640xf32, #tpu.memory_space<hbm>>) target_semaphore(%run_scoped3A : memref<!tpu.dma_semaphore, #tpu.memory_space<semaphore_mem>>)
      %dma_wait3A = arith.constant 0 : i32
      %dma_wait3A_51 = tpu.memref_slice %arg4[%arg0, %dma_wait3A] : memref<2x10240xf32, #tpu.memory_space<hbm>> -> memref<1x10240xf32, #tpu.memory_space<hbm>>
      %dma_wait3A_52 = tpu.memref_squeeze %dma_wait3A_51 : memref<1x10240xf32, #tpu.memory_space<hbm>> -> memref<10240xf32, #tpu.memory_space<hbm>>
      %dma_wait3A_53 = tpu.memref_slice %dma_wait3A_52[%mul3A_46] : memref<10240xf32, #tpu.memory_space<hbm>> -> memref<640xf32, #tpu.memory_space<hbm>>
      %dma_wait3A_54 = tpu.memref_slice %arg7[%mul3A_44] : memref<10240xf32, #tpu.memory_space<vmem_shared>> -> memref<640xf32, #tpu.memory_space<vmem_shared>>
      tpu.wait_dma2 semaphore(%run_scoped3A : memref<!tpu.dma_semaphore, #tpu.memory_space<semaphore_mem>>) src(%dma_wait3A_54 : memref<640xf32, #tpu.memory_space<vmem_shared>>) dst(%dma_wait3A_53 : memref<640xf32, #tpu.memory_space<hbm>>)
      tpu.yield
    }) : () -> ()
    return
  }
}

module attributes {stable_mosaic.version = 14 : i64} {
  func.func @_mm_body(%arg0: i32, %arg1: memref<2000x128xf32, #tpu.memory_space<vmem>>, %arg2: memref<128x128xf32, #tpu.memory_space<vmem>>, %arg3: memref<128x64xf32, #tpu.memory_space<vmem>>, %arg4: memref<2000x64xf32, #tpu.memory_space<vmem>>) attributes {dimension_semantics = [#tpu.dimension_semantics<arbitrary>], iteration_bounds = array<i64: 5>, scalar_prefetch = 0 : i64, scratch_operands = 0 : i64, tpu.core_type = #tpu.core_type<tc>, window_params = [{transform_indices = @transform_0, window_bounds = array<i64: 2000, 128>}, {pipeline_mode = #tpu.pipeline_mode<synchronous>, transform_indices = @transform_1, window_bounds = array<i64: 128, 128>}, {pipeline_mode = #tpu.pipeline_mode<synchronous>, transform_indices = @transform_2, window_bounds = array<i64: 128, 64>}, {transform_indices = @transform_3, window_bounds = array<i64: 2000, 64>}]} {
    %get3A = arith.constant 0 : index
    %get3A_0 = arith.constant 0 : index
    %get3A_1 = vector.load %arg1[%get3A, %get3A_0] : memref<2000x128xf32, #tpu.memory_space<vmem>>, vector<2000x128xf32>
    %get3A_2 = arith.constant 0 : index
    %get3A_3 = arith.constant 0 : index
    %get3A_4 = vector.load %arg2[%get3A_2, %get3A_3] : memref<128x128xf32, #tpu.memory_space<vmem>>, vector<128x128xf32>
    %dot_general3A = arith.constant dense<0.000000e+00> : vector<2000x128xf32>
    %dot_general3A_5 = tpu.matmul %get3A_1, %get3A_4, %dot_general3A {dimension_numbers = #tpu.dot_dimension_numbers<[1], [0], [0], [1], [0, 0, 1, 1], [], []>, transpose_lhs_hint = false} : vector<2000x128xf32>, vector<128x128xf32>, vector<2000x128xf32> -> vector<2000x128xf32>
    %get3A_6 = arith.constant 0 : index
    %get3A_7 = arith.constant 0 : index
    %get3A_8 = vector.load %arg3[%get3A_6, %get3A_7] : memref<128x64xf32, #tpu.memory_space<vmem>>, vector<128x64xf32>
    %dot_general3A_9 = arith.constant dense<0.000000e+00> : vector<2000x64xf32>
    %dot_general3A_10 = tpu.matmul %dot_general3A_5, %get3A_8, %dot_general3A_9 {dimension_numbers = #tpu.dot_dimension_numbers<[1], [0], [0], [1], [0, 0, 1, 1], [], []>, transpose_lhs_hint = false} : vector<2000x128xf32>, vector<128x64xf32>, vector<2000x64xf32> -> vector<2000x64xf32>
    %swap3A = arith.constant 0 : index
    %swap3A_11 = arith.constant 0 : index
    %swap3A_12 = vector.load %arg4[%swap3A, %swap3A_11] : memref<2000x64xf32, #tpu.memory_space<vmem>>, vector<2000x64xf32>
    tpu.vector_store %arg4[%swap3A, %swap3A_11], %dot_general3A_10 {strides = array<i32>} : memref<2000x64xf32, #tpu.memory_space<vmem>>, vector<2000x64xf32>,
    return
  }
  func.func @transform_0(%arg0: i32) -> (i32, i32) {
    %c0_i32 = arith.constant 0 : i32
    %c0_i32_0 = arith.constant 0 : i32
    return %arg0, %c0_i32 : i32, i32
  }
  func.func @transform_1(%arg0: i32) -> (i32, i32) {
    %c0_i32 = arith.constant 0 : i32
    %c0_i32_0 = arith.constant 0 : i32
    %c0_i32_1 = arith.constant 0 : i32
    return %c0_i32, %c0_i32_0 : i32, i32
  }
  func.func @transform_2(%arg0: i32) -> (i32, i32) {
    %c0_i32 = arith.constant 0 : i32
    %c0_i32_0 = arith.constant 0 : i32
    %c0_i32_1 = arith.constant 0 : i32
    return %c0_i32, %c0_i32_0 : i32, i32
  }
  func.func @transform_3(%arg0: i32) -> (i32, i32) {
    %c0_i32 = arith.constant 0 : i32
    %c0_i32_0 = arith.constant 0 : i32
    return %arg0, %c0_i32 : i32, i32
  }
}

</mosaic_0001>

<sc_bundles>
// kernel: kernel.5.cloned.1.call-start
scs
__scs_entry_jumppad:
0x0: {  	(pc) =	sbr.rel $0x88, $3  }
0x1: {  	(tag) =	ssettag $0x0;
	lr =	simm.s32 $0x1  }
0x2: {  	[smem:$0x3F9C] =	sst lr;
	_ =	strace $0xD0000000  }
0x3: {  	_ = 	snop  }
0x4: {  	_ = 	snop  }
0x5: {  	_ = 	snop  }
0x6: {  	_ = 	snop  }
0x7: {  	_ = 	snop  }
__scs_overlays_trampoline_lowered:
0x8: {  	[smem:$0x3FAB] =	sst s0  }
0x9: {  	[smem:$0x3FAC] =	sst s1  }
0xa: {  	[smem:$0x3FAD] =	sst s2  }
0xb: {  	[smem:$0x3FAE] =	sst s3  }
0xc: {  	[smem:$0x3FAF] =	sst s4  }
0xd: {  	[smem:$0x3FB0] =	sst s5  }
0xe: {  	[smem:$0x3FB1] =	sst s6  }
0xf: {  	[smem:$0x3FB2] =	sst s7  }
0x10: {  	[smem:$0x3FB3] =	sst s8  }
0x11: {  	[smem:$0x3FB4] =	sst s9;
	s0 =	simm.s32 @!p0 $0x0  }
0x12: {  	s1 =	sld [smem:$0x3F9A];
	s0 =	simm.s32 @p0 $0x1  }
0x13: {  	[smem:$0x3FB5] =	sst s0;
	s0 =	simm.s32 @!p1 $0x0  }
0x14: {  	s2 =	sld [smem:$0x3F99];
	s0 =	simm.s32 @p1 $0x1  }
0x15: {  	[smem:$0x3FB6] =	sst s0;
	s0 =	simm.s32 @!p2 $0x0  }
0x16: {  	s3 =	sld [smem:$0x3FDB];
	s0 =	simm.s32 @p2 $0x1  }
0x17: {  	s4 =	simm.s32 $0x1BF5;
	[smem:$0x3FB8] =	sst s0  }
0x18: {  	s0 =	sld [smem:$0x3F9B];
	_ =	swait.ge [sflag:s4], $0x0  }
0x19: {  	s7 =	sld [smem:$0x3F9C]  }
0x1a: {  	s8 =	sadd.s32 $0xFFFFE003, lr  }
0x1b: {  	s9 =	sadd.s32 $0xFFFFFEF7, lr;
	s5 =	simm.s32 $0xFFFFFFFF;
	p2 =	slt.u32 s8, $0xFFFFF086  }
0x1c: {  	p1 =	slt.u32 s9, $0xF7A;
	s5 =	simm.s32 @!p2 $0x0  }
0x1d: {  	s5 =	simm.s32 @p1 $0x1;
	p0 =	seq.s32 s7, s2  }
0x1e: {  	s7 =	smul.u32 @!p0 $0xF7A, s2;
	p2 =	seq.s32 @!p0 s5, $0x0  }
0x1f: {  	s9 =	smul.u32 $0xF7A, s1;
	s8 =	simm.s32 @!p0 $0x1BF5;
	p2 =	por !p2, p0  }
0x20: {  	[sflag:s8] =	ssyncset.s32 @!p0 $0xFFFFF086;
	s6 =	sadd.s32 @!p0 s3, s7;
	s7 =	simm.s32 @!p0 $0x108  }
0x21: {  	s3 =	sadd.s32 s3, s9;
	s6 =	sadd.s32 @!p0 $0x88, s6;
	s7 =	simm.s32 @p2 $0x1082  }
0x22: {  	[simem:s7], [sflag:s8] =	dma.local @!p0 [hbm:s6], $0xF7A  }
0x23: {  	s9 =	sor.u32 $0xD0000000, s2;
	s6 =	simm.s32 $0x108;
	_ =	swait.ge @!p0 [sflag:s8], $0x0  }
0x24: {  	s3 =	sadd.s32 $0x88, s3;
	s6 =	simm.s32 @!p1 $0x1082;
	[sflag:s4] =	ssyncset.s32 $0xFFFFF086  }
0x25: {  	[simem:s6], [sflag:s4] =	dma.local [hbm:s3], $0xF7A  }
0x26: {  	[smem:$0x3F9C] =	sst s1;
	(tag) =	ssettag s2;
	_ =	strace s9  }
0x27: {  	s1 =	sld [smem:$0x3FAC]  }
0x28: {  	s2 =	sld [smem:$0x3FAD]  }
0x29: {  	s4 =	sld [smem:$0x3FAF]  }
0x2a: {  	p0 =	seq.s32 s5, $0x0;
	s5 =	sld [smem:$0x3FB0]  }
0x2b: {  	s6 =	sld [smem:$0x3FB1]  }
0x2c: {  	s7 =	sld [smem:$0x3FB2]  }
0x2d: {  	s3 =	simm.s32 $0x108;
	s8 =	sld [smem:$0x3FB3]  }
0x2e: {  	s3 =	simm.s32 @!p0 $0x1082;
	s9 =	sld [smem:$0x3FB4]  }
0x2f: {  	lr =	sadd.s32 s0, s3;
	s0 =	sld [smem:$0x3FAB]  }
0x30: {  	s3 =	sld [smem:$0x3FAE]  }
0x31: {  	[smem:$0x3FB7] =	sst s10  }
0x32: {  	s10 =	sld [smem:$0x3FB5];
	_ =	sdelay $0x3  }
0x33: {  	p0 =	seq.s32 s10, $0x1;
	s10 =	sld [smem:$0x3FB7];
	_ =	sdelay $0x3  }
0x34: {  	[smem:$0x3FB7] =	sst s10  }
0x35: {  	s10 =	sld [smem:$0x3FB6];
	_ =	sdelay $0x3  }
0x36: {  	p1 =	seq.s32 s10, $0x1;
	s10 =	sld [smem:$0x3FB7];
	_ =	sdelay $0x3  }
0x37: {  	[smem:$0x3FB7] =	sst s10  }
0x38: {  	s10 =	sld [smem:$0x3FB8]  }
0x39: {  	_ = 	snop;
	(pc) =	sbr.ind lr, $3  }
0x3a: {  	_ = 	snop  }
0x3b: {  	_ = 	snop  }
0x3c: {  	p2 =	seq.s32 s10, $0x1;
	s10 =	sld [smem:$0x3FB7]  }
0x3d: {  	_ =	shalt  }
0x3e: {  	_ =	shalt  }
0x3f: {  	_ =	shalt  }
0x40: {  	_ =	shalt  }
0x41: {  	_ =	shalt  }
0x42: {  	_ =	shalt  }
0x43: {  	_ =	shalt  }
0x44: {  	_ =	shalt  }
0x45: {  	_ =	shalt  }
0x46: {  	_ =	shalt  }
0x47: {  	_ =	shalt  }
0x48: {  	_ =	shalt  }
0x49: {  	_ =	shalt  }
0x4a: {  	_ =	shalt  }
0x4b: {  	_ =	shalt  }
0x4c: {  	_ =	shalt  }
0x4d: {  	_ =	shalt  }
0x4e: {  	_ =	shalt  }
0x4f: {  	_ =	shalt  }
0x50: {  	_ =	shalt  }
0x51: {  	_ =	shalt  }
0x52: {  	_ =	shalt  }
0x53: {  	_ =	shalt  }
0x54: {  	_ =	shalt  }
0x55: {  	_ =	shalt  }
0x56: {  	_ =	shalt  }
0x57: {  	_ =	shalt  }
0x58: {  	_ =	shalt  }
0x59: {  	_ =	shalt  }
0x5a: {  	_ =	shalt  }
0x5b: {  	_ =	shalt  }
0x5c: {  	_ =	shalt  }
0x5d: {  	_ =	shalt  }
0x5e: {  	_ =	shalt  }
0x5f: {  	_ =	shalt  }
0x60: {  	_ =	shalt  }
0x61: {  	_ =	shalt  }
0x62: {  	_ =	shalt  }
0x63: {  	_ =	shalt  }
0x64: {  	_ =	shalt  }
0x65: {  	_ =	shalt  }
0x66: {  	_ =	shalt  }
0x67: {  	_ =	shalt  }
0x68: {  	_ =	shalt  }
0x69: {  	_ =	shalt  }
0x6a: {  	_ =	shalt  }
0x6b: {  	_ =	shalt  }
0x6c: {  	_ =	shalt  }
0x6d: {  	_ =	shalt  }
0x6e: {  	_ =	shalt  }
0x6f: {  	_ =	shalt  }
0x70: {  	_ =	shalt  }
0x71: {  	_ =	shalt  }
0x72: {  	_ =	shalt  }
0x73: {  	_ =	shalt  }
0x74: {  	_ =	shalt  }
0x75: {  	_ =	shalt  }
0x76: {  	_ =	shalt  }
0x77: {  	_ =	shalt  }
0x78: {  	_ =	shalt  }
0x79: {  	_ =	shalt  }
0x7a: {  	_ =	shalt  }
0x7b: {  	_ =	shalt  }
0x7c: {  	_ =	shalt  }
0x7d: {  	_ =	shalt  }
0x7e: {  	_ =	shalt  }
0x7f: {  	_ =	shalt  }
0x80: {  	_ =	shalt  }
0x81: {  	_ =	shalt  }
0x82: {  	_ =	shalt  }
0x83: {  	_ =	shalt  }
0x84: {  	_ =	shalt  }
0x85: {  	_ =	shalt  }
0x86: {  	_ =	shalt  }
0x87: {  	_ =	shalt  }
.Lfunc_end0:
.L_simem_size_0:
called_computation_lowered:
.L_overlay_start_0:
0x88: {  	s2 =	sld [smem:$0x3FD9]  }
0x89: {  	s3 =	sld [smem:$0x3FFE];
	_ =	sdelay $0x1  }
0x8a: {  	s1 =	srdreg.scid  }
0x8b: {  	s0 =	sand.u32 $0x1, s1  }
0x8c: {  	s16 =	sshll.u32 s0, $0xA;
	s2 =	sadd.s32 s3, s2  }
0x8d: {  	s2 =	sadd.s32 s2, s16  }
0x8e: {  	[smem:$0x3FC3] =	sst s2  }
0x8f: {  	_ = 	snop  }
0x90: {  	(tm) =	ssettm $0x1  }
0x91: {  	s17 =	sld [smem:$0x3FFB];
	_ =	sdelay $0x3  }
0x92: {  	_ =	strace s17  }
0x93: {  	s2 =	sld [smem:$0x3FFC];
	_ =	sdelay $0x3  }
0x94: {  	_ =	strace s2  }
0x95: {  	s2 =	sld [smem:$0x3FFD];
	_ =	sdelay $0x3  }
0x96: {  	_ =	strace s2  }
0x97: {  	_ =	strace $0x8FFFFFFF  }
0x98: {  	s18 =	sld [smem:$0x3FDB];
	_ =	sdelay $0x1  }
0x99: {  	s19 =	simm.s32 $_scs_section_size  }
0x9a: {  	s4 =	simm.s32 $_size__tile_overlayer_lowered;
	s5 =	simm.s32 $_tile_overlayer_lowered  }
0x9b: {  	s22 =	simm.s32 $0x1BFF;
	s21 =	sshll.u32 s5, $0x1;
	s2 =	sadd.s32 s19, s18  }
0x9c: {  	s6 =	simm.s32 $0x0;
	s20 =	sshll.u32 s4, $0x1;
	s4 =	sadd.s32 s21, s2  }
0x9d: {  	[timem:s6], [sflag:s22] =	dma.local [hbm:s4], s20  }
0x9e: {  	_ =	swait.ge [sflag:s22], s20  }
0x9f: {  	s3 =	ssub.s32 $0x0, s20;
	[sflag:s22] =	ssyncset.done $0x0  }
0xa0: {  	[sflag:s22] =	ssyncadd.s32 s3;
	_ =	sdelay $0x1  }
0xa1: {  	s23 =	simm.s32 $0x1B8B  }
0xa2: {  	_ =	swait.ge [sflag:s23], $0x1  }
0xa3: {  	[sflag:s23] =	ssyncset.done $0x0  }
0xa4: {  	s25 =	simm.s32 $0x1B8E;
	s24 =	sld [smem:$0x3FFE];
	[sflag:s23] =	ssyncadd.s32 $0xFFFFFFFF  }
0xa5: {  	s26 =	simm.s32 $execute0_lowered;
	[smem:$0x3FD2] =	sst s25  }
0xa6: {  	s4 =	sshll.u32 s26, $0x1;
	_ =	strace $0x80000046;
	[dreg:$0x1] =	wrdreg $0xFFFFFFFF  }
0xa7: {  	s28 =	simm.s32 $_size_execute0_lowered;
	s2 =	sadd.s32 s2, s4;
	[dreg:$0x0] =	wrdreg $0x0  }
0xa8: {  	s4 =	sshll.u32 s28, $0x1;
	[dreg:$0x2] =	wrdreg s2  }
0xa9: {  	[dreg:$0x3] =	wrdreg s4  }
0xaa: {  	[dreg:$0x4] =	wrdreg $0xC0  }
0xab: {  	_ =	task [dreg:s6], $0x5FFFF  }
0xac: {  	[dreg:$0x1] =	wrdreg $0xFFFFFFFF  }
0xad: {  	[dreg:$0x0] =	wrdreg $0x60  }
0xae: {  	[dreg:$0x2] =	wrdreg s24  }
0xaf: {  	[dreg:$0x3] =	wrdreg $0x40800  }
0xb0: {  	[dreg:$0x4] =	wrdreg $0x9  }
0xb1: {  	_ =	task.clear_ibuf [dreg:s6], $0x5FFFF;
	_ =	strace $0x90000046  }
0xb2: {  	s29 =	simm.s32 $0x9;
	_ =	strace $0x80000048  }
0xb3: {  	_ =	swait.ge [sflag:s29], $0x1  }
0xb4: {  	[sflag:s29] =	ssyncadd.s32 $0xFFFFFFFF  }
0xb5: {  	_ =	strace $0x90000048  }
0xb6: {  	_ =	sfence  }
0xb7: {  	s30 =	sld [smem:$0x0];
	_ =	sdelay $0x2  }
0xb8: {  	s31 =	sshll.u32 s1, $0xD;
	s1 =	sshrl.u32 s1, $0x2  }
0xb9: {  	s3 =	sand.u32 $0x4000, s31;
	s1 =	sadd.s32 s1, s30  }
0xba: {  	s0 =	sor.u32 s3, s0;
	s1 =	sshll.u32 s1, $0x11  }
0xbb: {  	s0 =	sor.u32 s1, s0  }
0xbc: {  	s0 =	sadd.s32 $0x8F2B, s0  }
0xbd: {  	[sflag:s0] =	ssyncadd.remote.s32 $0x1  }
0xbe: {  	_ =	sfence.sel $0xFFFF  }
0xbf: {  	[dreg:$0x0] =	wrdreg $0xFFFFFFFF;
	(pc) =	sbr.abs _section_cstart, $3  }
0xc0: {  	[dreg:$0x1] =	wrdreg $0xFFFFFFFF  }
0xc1: {  	_ =	task.clear_ibuf [dreg:s6], $0x2FFFF;
	_ =	strace $0x9FFFFFFF  }
0xc2: {  	(tm) =	ssettm $0x7FFFFFFF  }
0xc3: {  	_ =	shalt  }
tec
execute0_lowered:
.L_overlay_start_1:
0x0: {  	(tag) =	ssettag $0x1  }
0x1: {  	s4 =	rddreg [dreg:$0x0]  }
0x2: {  	s2 =	rddreg [dreg:$0x1]  }
0x3: {  	s0 =	rddreg [dreg:$0x2];
	s3 =	simm.s32 $0x0;
	s1 =	stileid.u32  }
0x4: {  	s6 =	srdreg.scid;
	s12 =	simm.s32 $0x1;
	s15 =	simm.s32 $0x10  }
0x5: {  	s16 =	simm.s32 $0x0;
	[smem:$0x7FF] =	sst s3;
	s5 =	smul.u32 $0x280, s1  }
0x6: {  	s7 =	sshll.u32 s1, $0xB;
	s6 =	sand.u32 $0x1, s6;
	s31 =	sshll.u32 s1, $0x6  }
0x7: {  	s14 =	smul.u32 $0xA0, s1;
	_ =	strace $0x80000047;
	s7 =	sadd.s32 s7, s4  }
0x8: {  	s9 =	ssub.s32 $0x2, s6;
	s10 =	sshll.u32 s6, $0x4;
	s29 =	sshll.u32 s6, $0xF  }
0x9: {  	s8 =	sshrl.u32 s5, $0x3;
	s11 =	sshrl.u32 s9, $0x1;
	s10 =	sadd.s32 s10, s4  }
0xa: {  	s30 =	sadd.s32 s5, s2;
	s6 =	sadd.s32 s29, s7;
	s5 =	sor.u32 $0x1C02, s31  }
0xb: {  	s8 =	sadd.s32 s8, s4;
	s9 =	ssub.s32 s9, s11;
	s6 =	sadd.s32 $0x14E00, s6  }
0xc: {  	s13 =	sadd.s32 $0x25400, s10;
	s10 =	simm.s32 $0x50;
	s11 =	simm.s32 $0x4000  }
0xd: {  	s4 =	sadd.s32 $0x24E00, s8;
	s7 =	smax.u32 s9, $0x1;
	s8 =	sshrl.u32 s30, $0x3  }
0xe: {  	v0 =	vimm.f32 $1.000000000e+00;
	s9 =	simm.s32 $0x2;
	s13 =	sadd.s32 s14, s13;
	s14 =	simm.s32 $0x20  }
.LBB2_1:
0xf: {  	[spmem:s8], [sflag:s5] =	dma.local [hbm:s4], $0x50  }
0x10: {  	_ =	swait.ge [sflag:s9], $0x50  }
0x11: {  	[sflag:s9] =	ssyncset.done $0x0  }
0x12: {  	[sflag:s9] =	ssyncadd.s32 $0xFFFFFFB0  }
0x13: {  	[tilespmem:s3], [sflag:$0x2] =	stream.linear.gather [hbm4b:s6+s3], $0x3E80, $0x38;
	[tilespmem:$0x4300] =	vst v63  }
0x14: {  	_ =	swait.ge [sflag:s9], $0x3E80  }
0x15: {  	[sflag:s9] =	ssyncset.done $0x0  }
0x16: {  	[sflag:s9] =	ssyncadd.s32 $0xFFFFC180  }
0x17: {  	[tilespmem:$0x4000] =	vst v0  }
0x18: {  	[tilespmem:$0x4010] =	vst v0  }
0x19: {  	[tilespmem:$0x4020] =	vst v0  }
0x1a: {  	[tilespmem:$0x4030] =	vst v0  }
0x1b: {  	[tilespmem:$0x4040] =	vst v0  }
0x1c: {  	s17 =	simm.s32 $0x0;
	[bflag:$0x0] =	sbarrier.arrive $0xFFFF  }
.LBB2_2:
0x1d: {  	p0 =	sne.s32 s17, $0xF800  }
.Ltmp0:
0x1e: {  	_ = 	snop;
	(pc) =	sbr.rel @p0 .LBB2_2-.Ltmp0, $3  }
0x1f: {  	_ =	sdelay $0x1  }
0x20: {  	s18 =	sshra.s32 s17, $0x2;
	s17 =	sadd.s32 $0x200, s17  }
0x21: {  	[spmem:s2] =	stream.indirect.scatter.add.f32 [tilespmem:s11], [sflag:$0x1], $0x1, s18, s10, $0xb8;
	[tilespmem:$0x4300] =	vst v63  }
0x22: {  	_ =	swait.ge [sflag:s12], $0x50  }
0x23: {  	s17 =	simm.s32 $0x7C;
	[sflag:s12] =	ssyncset.done $0x0  }
.LBB2_4:
0x24: {  	p0 =	sne.s32 s17, $0x1;
	s17 =	sadd.s32 $0xFFFFFFFF, s17;
	[sflag:s12] =	ssyncadd.s32 $0xFFFFFFB0  }
.Ltmp1:
0x25: {  	(pc) =	sbr.rel @p0 .LBB2_4-.Ltmp1, $3  }
0x26: {  	_ =	sdelay $0x1  }
0x27: {  	_ =	swait.ge [sflag:s12], $0x50  }
0x28: {  	[sflag:s12] =	ssyncset.done $0x0  }
0x29: {  	s16 =	sadd.s32 $0x1, s16  }
0x2a: {  	[sflag:s12] =	ssyncadd.s32 $0xFFFFFFB0;
	p0 =	sne.s32 s16, s7  }
.Ltmp2:
0x2b: {  	[bflag:$0x0] =	sbarrier.arrive $0xFFFF;
	(pc) =	sbr.rel @p0 .LBB2_1-.Ltmp2, $4  }
0x2c: {  	[hbm:s13@s14], [sflag:s5] =	dma.strided [spmem:s8@s15], $0x50, s12, $0x10   }
0x2d: {  	_ =	swait.ge [sflag:s9], $0x50  }
0x2e: {  	[sflag:s9] =	ssyncset.done $0x0  }
0x2f: {  	[sflag:s9] =	ssyncadd.s32 $0xFFFFFFB0  }
0x30: {  	_ =	sfence.sel $0x180000  }
0x31: {  	[bflag:$0x0] =	sbarrier.arrive $0xFFFF  }
0x32: {  	p0 =	sne.s32 s1, $0x0;
	_ =	strace $0x90000047  }
0x33: {  	s0 =	sadd.s32 @!p0 $0x100000, s0;
	[bflag:$0x2] =	sbarrier.arrive $0xFFFF  }
0x34: {  	[sflag:s0] =	ssyncadd.tile.s32 @!p0 $0x1;
	_ =	shalt  }
.Lfunc_end2:
_tile_overlayer_lowered:
.L_overlay_start_2:
0x35: {  	(tag) =	ssettag $0x2  }
0x36: {  	s0 =	rddreg [dreg:$0x0];
	s2 =	stileid.u32  }
0x37: {  	s1 =	rddreg [dreg:$0x1];
	p0 =	sne.s32 s2, $0x0  }
0x38: {  	s3 =	rddreg [dreg:$0x2];
	[bflag:$0x3] =	sbarrier.arrive $0xFFFF;
	s2 =	simm.s32 @!p0 $0x1C02  }
0x39: {  	[timem:s3], [sflag:s2] =	dma.local @!p0 [hbm:s0], s1  }
0x3a: {  	s0 =	simm.s32 @!p0 $0x2  }
0x3b: {  	_ =	swait.ge @!p0 [sflag:s0], s1  }
0x3c: {  	s1 =	ssub.s32 @!p0 $0x0, s1;
	[sflag:s0] =	ssyncset.done @!p0 $0x0  }
0x3d: {  	[sflag:s0] =	ssyncadd.s32 @!p0 s1  }
0x3e: {  	[bflag:$0x3] =	sbarrier.arrive $0xFFFF  }
0x3f: {  	_ =	shalt  }

// kernel: kernel.8.cloned.1.call-start
scs
__scs_entry_jumppad:
0x0: {  	(pc) =	sbr.rel $0x88, $3  }
0x1: {  	(tag) =	ssettag $0x0;
	lr =	simm.s32 $0x1  }
0x2: {  	[smem:$0x3F9C] =	sst lr;
	_ =	strace $0xD0000000  }
0x3: {  	_ = 	snop  }
0x4: {  	_ = 	snop  }
0x5: {  	_ = 	snop  }
0x6: {  	_ = 	snop  }
0x7: {  	_ = 	snop  }
__scs_overlays_trampoline_lowered:
0x8: {  	[smem:$0x3FAB] =	sst s0  }
0x9: {  	[smem:$0x3FAC] =	sst s1  }
0xa: {  	[smem:$0x3FAD] =	sst s2  }
0xb: {  	[smem:$0x3FAE] =	sst s3  }
0xc: {  	[smem:$0x3FAF] =	sst s4  }
0xd: {  	[smem:$0x3FB0] =	sst s5  }
0xe: {  	[smem:$0x3FB1] =	sst s6  }
0xf: {  	[smem:$0x3FB2] =	sst s7  }
0x10: {  	[smem:$0x3FB3] =	sst s8  }
0x11: {  	[smem:$0x3FB4] =	sst s9;
	s0 =	simm.s32 @!p0 $0x0  }
0x12: {  	s1 =	sld [smem:$0x3F9A];
	s0 =	simm.s32 @p0 $0x1  }
0x13: {  	[smem:$0x3FB5] =	sst s0;
	s0 =	simm.s32 @!p1 $0x0  }
0x14: {  	s2 =	sld [smem:$0x3F99];
	s0 =	simm.s32 @p1 $0x1  }
0x15: {  	[smem:$0x3FB6] =	sst s0;
	s0 =	simm.s32 @!p2 $0x0  }
0x16: {  	s3 =	sld [smem:$0x3FDB];
	s0 =	simm.s32 @p2 $0x1  }
0x17: {  	s4 =	simm.s32 $0x1BF5;
	[smem:$0x3FB8] =	sst s0  }
0x18: {  	s0 =	sld [smem:$0x3F9B];
	_ =	swait.ge [sflag:s4], $0x0  }
0x19: {  	s7 =	sld [smem:$0x3F9C]  }
0x1a: {  	s8 =	sadd.s32 $0xFFFFE003, lr  }
0x1b: {  	s9 =	sadd.s32 $0xFFFFFEF7, lr;
	s5 =	simm.s32 $0xFFFFFFFF;
	p2 =	slt.u32 s8, $0xFFFFF086  }
0x1c: {  	p1 =	slt.u32 s9, $0xF7A;
	s5 =	simm.s32 @!p2 $0x0  }
0x1d: {  	s5 =	simm.s32 @p1 $0x1;
	p0 =	seq.s32 s7, s2  }
0x1e: {  	s7 =	smul.u32 @!p0 $0xF7A, s2;
	p2 =	seq.s32 @!p0 s5, $0x0  }
0x1f: {  	s9 =	smul.u32 $0xF7A, s1;
	s8 =	simm.s32 @!p0 $0x1BF5;
	p2 =	por !p2, p0  }
0x20: {  	[sflag:s8] =	ssyncset.s32 @!p0 $0xFFFFF086;
	s6 =	sadd.s32 @!p0 s3, s7;
	s7 =	simm.s32 @!p0 $0x108  }
0x21: {  	s3 =	sadd.s32 s3, s9;
	s6 =	sadd.s32 @!p0 $0x88, s6;
	s7 =	simm.s32 @p2 $0x1082  }
0x22: {  	[simem:s7], [sflag:s8] =	dma.local @!p0 [hbm:s6], $0xF7A  }
0x23: {  	s9 =	sor.u32 $0xD0000000, s2;
	s6 =	simm.s32 $0x108;
	_ =	swait.ge @!p0 [sflag:s8], $0x0  }
0x24: {  	s3 =	sadd.s32 $0x88, s3;
	s6 =	simm.s32 @!p1 $0x1082;
	[sflag:s4] =	ssyncset.s32 $0xFFFFF086  }
0x25: {  	[simem:s6], [sflag:s4] =	dma.local [hbm:s3], $0xF7A  }
0x26: {  	[smem:$0x3F9C] =	sst s1;
	(tag) =	ssettag s2;
	_ =	strace s9  }
0x27: {  	s1 =	sld [smem:$0x3FAC]  }
0x28: {  	s2 =	sld [smem:$0x3FAD]  }
0x29: {  	s4 =	sld [smem:$0x3FAF]  }
0x2a: {  	p0 =	seq.s32 s5, $0x0;
	s5 =	sld [smem:$0x3FB0]  }
0x2b: {  	s6 =	sld [smem:$0x3FB1]  }
0x2c: {  	s7 =	sld [smem:$0x3FB2]  }
0x2d: {  	s3 =	simm.s32 $0x108;
	s8 =	sld [smem:$0x3FB3]  }
0x2e: {  	s3 =	simm.s32 @!p0 $0x1082;
	s9 =	sld [smem:$0x3FB4]  }
0x2f: {  	lr =	sadd.s32 s0, s3;
	s0 =	sld [smem:$0x3FAB]  }
0x30: {  	s3 =	sld [smem:$0x3FAE]  }
0x31: {  	[smem:$0x3FB7] =	sst s10  }
0x32: {  	s10 =	sld [smem:$0x3FB5];
	_ =	sdelay $0x3  }
0x33: {  	p0 =	seq.s32 s10, $0x1;
	s10 =	sld [smem:$0x3FB7];
	_ =	sdelay $0x3  }
0x34: {  	[smem:$0x3FB7] =	sst s10  }
0x35: {  	s10 =	sld [smem:$0x3FB6];
	_ =	sdelay $0x3  }
0x36: {  	p1 =	seq.s32 s10, $0x1;
	s10 =	sld [smem:$0x3FB7];
	_ =	sdelay $0x3  }
0x37: {  	[smem:$0x3FB7] =	sst s10  }
0x38: {  	s10 =	sld [smem:$0x3FB8]  }
0x39: {  	_ = 	snop;
	(pc) =	sbr.ind lr, $3  }
0x3a: {  	_ = 	snop  }
0x3b: {  	_ = 	snop  }
0x3c: {  	p2 =	seq.s32 s10, $0x1;
	s10 =	sld [smem:$0x3FB7]  }
0x3d: {  	_ =	shalt  }
0x3e: {  	_ =	shalt  }
0x3f: {  	_ =	shalt  }
0x40: {  	_ =	shalt  }
0x41: {  	_ =	shalt  }
0x42: {  	_ =	shalt  }
0x43: {  	_ =	shalt  }
0x44: {  	_ =	shalt  }
0x45: {  	_ =	shalt  }
0x46: {  	_ =	shalt  }
0x47: {  	_ =	shalt  }
0x48: {  	_ =	shalt  }
0x49: {  	_ =	shalt  }
0x4a: {  	_ =	shalt  }
0x4b: {  	_ =	shalt  }
0x4c: {  	_ =	shalt  }
0x4d: {  	_ =	shalt  }
0x4e: {  	_ =	shalt  }
0x4f: {  	_ =	shalt  }
0x50: {  	_ =	shalt  }
0x51: {  	_ =	shalt  }
0x52: {  	_ =	shalt  }
0x53: {  	_ =	shalt  }
0x54: {  	_ =	shalt  }
0x55: {  	_ =	shalt  }
0x56: {  	_ =	shalt  }
0x57: {  	_ =	shalt  }
0x58: {  	_ =	shalt  }
0x59: {  	_ =	shalt  }
0x5a: {  	_ =	shalt  }
0x5b: {  	_ =	shalt  }
0x5c: {  	_ =	shalt  }
0x5d: {  	_ =	shalt  }
0x5e: {  	_ =	shalt  }
0x5f: {  	_ =	shalt  }
0x60: {  	_ =	shalt  }
0x61: {  	_ =	shalt  }
0x62: {  	_ =	shalt  }
0x63: {  	_ =	shalt  }
0x64: {  	_ =	shalt  }
0x65: {  	_ =	shalt  }
0x66: {  	_ =	shalt  }
0x67: {  	_ =	shalt  }
0x68: {  	_ =	shalt  }
0x69: {  	_ =	shalt  }
0x6a: {  	_ =	shalt  }
0x6b: {  	_ =	shalt  }
0x6c: {  	_ =	shalt  }
0x6d: {  	_ =	shalt  }
0x6e: {  	_ =	shalt  }
0x6f: {  	_ =	shalt  }
0x70: {  	_ =	shalt  }
0x71: {  	_ =	shalt  }
0x72: {  	_ =	shalt  }
0x73: {  	_ =	shalt  }
0x74: {  	_ =	shalt  }
0x75: {  	_ =	shalt  }
0x76: {  	_ =	shalt  }
0x77: {  	_ =	shalt  }
0x78: {  	_ =	shalt  }
0x79: {  	_ =	shalt  }
0x7a: {  	_ =	shalt  }
0x7b: {  	_ =	shalt  }
0x7c: {  	_ =	shalt  }
0x7d: {  	_ =	shalt  }
0x7e: {  	_ =	shalt  }
0x7f: {  	_ =	shalt  }
0x80: {  	_ =	shalt  }
0x81: {  	_ =	shalt  }
0x82: {  	_ =	shalt  }
0x83: {  	_ =	shalt  }
0x84: {  	_ =	shalt  }
0x85: {  	_ =	shalt  }
0x86: {  	_ =	shalt  }
0x87: {  	_ =	shalt  }
.Lfunc_end0:
.L_simem_size_0:
called_computation.1_lowered:
.L_overlay_start_0:
0x88: {  	s2 =	sld [smem:$0x3FD9]  }
0x89: {  	s3 =	sld [smem:$0x3FFE];
	_ =	sdelay $0x1  }
0x8a: {  	s1 =	srdreg.scid  }
0x8b: {  	s0 =	sand.u32 $0x1, s1  }
0x8c: {  	s17 =	sshll.u32 s0, $0xA;
	s2 =	sadd.s32 s3, s2  }
0x8d: {  	s2 =	sadd.s32 s2, s17  }
0x8e: {  	[smem:$0x3FC3] =	sst s2  }
0x8f: {  	_ = 	snop  }
0x90: {  	s2 =	sld [smem:$0x3FC5]  }
0x91: {  	s18 =	sld [smem:$0x3FD0];
	(tm) =	ssettm $0x1  }
0x92: {  	s4 =	sld [smem:$0x3FFB];
	_ =	sdelay $0x3  }
0x93: {  	_ =	strace s4  }
0x94: {  	s4 =	sld [smem:$0x3FFC];
	_ =	sdelay $0x3  }
0x95: {  	_ =	strace s4  }
0x96: {  	s4 =	sld [smem:$0x3FFD];
	_ =	sdelay $0x3  }
0x97: {  	_ =	strace s4  }
0x98: {  	_ =	strace $0x8FFFFFFF  }
0x99: {  	s19 =	sld [smem:$0x3FDB];
	_ =	sdelay $0x1  }
0x9a: {  	s5 =	simm.s32 $_scs_section_size  }
0x9b: {  	s6 =	simm.s32 $_size__tile_overlayer_lowered;
	s7 =	simm.s32 $_tile_overlayer_lowered  }
0x9c: {  	s22 =	simm.s32 $0x1BFF;
	s21 =	sshll.u32 s7, $0x1;
	s4 =	sadd.s32 s5, s19  }
0x9d: {  	s8 =	simm.s32 $0x0;
	s20 =	sshll.u32 s6, $0x1;
	s6 =	sadd.s32 s21, s4  }
0x9e: {  	[timem:s8], [sflag:s22] =	dma.local [hbm:s6], s20  }
0x9f: {  	_ =	swait.ge [sflag:s22], s20  }
0xa0: {  	s5 =	ssub.s32 $0x0, s20;
	[sflag:s22] =	ssyncset.done $0x0  }
0xa1: {  	[sflag:s22] =	ssyncadd.s32 s5;
	_ =	sdelay $0x1  }
0xa2: {  	s23 =	simm.s32 $0x1B8B  }
0xa3: {  	_ =	swait.ge [sflag:s23], $0x1  }
0xa4: {  	[sflag:s23] =	ssyncset.done $0x0  }
0xa5: {  	s25 =	simm.s32 $0x1B8E;
	s24 =	sld [smem:$0x3FFE];
	[sflag:s23] =	ssyncadd.s32 $0xFFFFFFFF  }
0xa6: {  	s26 =	simm.s32 $execute0_lowered;
	[smem:$0x3FD2] =	sst s25  }
0xa7: {  	s6 =	sshll.u32 s26, $0x1;
	_ =	strace $0x80000049;
	[dreg:$0x1] =	wrdreg $0xFFFFFFFF  }
0xa8: {  	s28 =	simm.s32 $_size_execute0_lowered;
	s4 =	sadd.s32 s4, s6;
	[dreg:$0x0] =	wrdreg $0x0  }
0xa9: {  	s6 =	sshll.u32 s28, $0x1;
	[dreg:$0x2] =	wrdreg s4  }
0xaa: {  	[dreg:$0x3] =	wrdreg s6  }
0xab: {  	[dreg:$0x4] =	wrdreg $0xC0  }
0xac: {  	_ =	task [dreg:s8], $0x5FFFF  }
0xad: {  	[dreg:$0x1] =	wrdreg $0xFFFFFFFF  }
0xae: {  	[dreg:$0x0] =	wrdreg $0x60  }
0xaf: {  	[dreg:$0x2] =	wrdreg s18  }
0xb0: {  	[dreg:$0x3] =	wrdreg s24  }
0xb1: {  	[dreg:$0x4] =	wrdreg s2  }
0xb2: {  	[dreg:$0x5] =	wrdreg $0x157E00  }
0xb3: {  	[dreg:$0x6] =	wrdreg $0x9  }
0xb4: {  	_ =	task.clear_ibuf [dreg:s8], $0x7FFFF;
	_ =	strace $0x90000049  }
0xb5: {  	s29 =	simm.s32 $0x9;
	_ =	strace $0x8000004B  }
0xb6: {  	_ =	swait.ge [sflag:s29], $0x1  }
0xb7: {  	[sflag:s29] =	ssyncadd.s32 $0xFFFFFFFF  }
0xb8: {  	_ =	strace $0x9000004B  }
0xb9: {  	_ =	sfence  }
0xba: {  	s30 =	sld [smem:$0x0];
	_ =	sdelay $0x2  }
0xbb: {  	s31 =	sshll.u32 s1, $0xD;
	s1 =	sshrl.u32 s1, $0x2  }
0xbc: {  	s3 =	sand.u32 $0x4000, s31;
	s1 =	sadd.s32 s1, s30  }
0xbd: {  	s0 =	sor.u32 s3, s0;
	s1 =	sshll.u32 s1, $0x11  }
0xbe: {  	s0 =	sor.u32 s1, s0  }
0xbf: {  	s0 =	sadd.s32 $0x8F2B, s0  }
0xc0: {  	[sflag:s0] =	ssyncadd.remote.s32 $0x1  }
0xc1: {  	_ =	sfence.sel $0xFFFF  }
0xc2: {  	[dreg:$0x0] =	wrdreg $0xFFFFFFFF;
	(pc) =	sbr.abs _section_cstart, $3  }
0xc3: {  	[dreg:$0x1] =	wrdreg $0xFFFFFFFF  }
0xc4: {  	_ =	task.clear_ibuf [dreg:s8], $0x2FFFF;
	_ =	strace $0x9FFFFFFF  }
0xc5: {  	(tm) =	ssettm $0x7FFFFFFF  }
tec
execute0_lowered:
.L_overlay_start_1:
0x0: {  	(tag) =	ssettag $0x1  }
0x1: {  	s0 =	rddreg [dreg:$0x0]  }
0x2: {  	s1 =	rddreg [dreg:$0x1]  }
0x3: {  	s3 =	rddreg [dreg:$0x2];
	s16 =	stileid.u32  }
0x4: {  	s2 =	rddreg [dreg:$0x3];
	s5 =	simm.s32 $0x0;
	s4 =	smul.u32 $0x280, s16  }
0x5: {  	s9 =	srdreg.scid;
	s31 =	simm.s32 $0xB;
	s18 =	smul.u32 $0x5000, s16  }
0x6: {  	s30 =	simm.s32 $0x3;
	s28 =	simm.s32 $0xA;
	s13 =	smul.u32 $0xA000, s16  }
0x7: {  	[smem:$0x7FF] =	sst s5;
	s6 =	sadd.s32 $0x1200, s1;
	s20 =	smul.u32 $0x2710, s16  }
0x8: {  	s7 =	sadd.s32 $0xB000, s1;
	s11 =	sadd.s32 $0x47800, s1;
	s21 =	smul.u32 $0x4E2, s16  }
0x9: {  	s9 =	sand.u32 $0x1, s9;
	s12 =	sadd.s32 $0x1F800, s1;
	s25 =	smul.u32 $0x14000, s16  }
0xa: {  	p0 =	seq.s32 s16, $0xF;
	_ =	strace $0x8000004A;
	s26 =	ssub.s32 $0x2, s9  }
0xb: {  	s15 =	sshll.u32 s9, $0x5;
	s19 =	sshll.u32 s9, $0x2;
	s9 =	smul.u32 $0x50000, s9  }
0xc: {  	s4 =	sshrl.u32 s4, $0x3;
	s8 =	sshrl.u32 s18, $0x3;
	s14 =	sshrl.u32 s26, $0x1  }
0xd: {  	s15 =	sor.u32 s15, s13;
	s23 =	sshrl.u32 s20, $0x3;
	s24 =	sadd.s32 s6, s21  }
0xe: {  	s13 =	simm.s32 $0xA640;
	s4 =	sadd.s32 s4, s1;
	s10 =	sadd.s32 s8, s1  }
0xf: {  	s1 =	sadd.s32 $0x33800, s1;
	[dreg:$0xa] =	wrdreg s24;
	s29 =	sadd.s32 $0x14E00, s4  }
0x10: {  	s17 =	sshrl.u32 s15, $0x3;
	s4 =	sadd.s32 $0x15300, s4;
	[dreg:$0x5] =	wrdreg s29  }
0x11: {  	s14 =	ssub.s32 s26, s14;
	s8 =	sadd.s32 s0, s17;
	[dreg:$0x6] =	wrdreg s4  }
0x12: {  	s26 =	sadd.s32 s18, s2;
	s22 =	sadd.s32 $0x15800, s10;
	[dreg:$0x7] =	wrdreg s8  }
0x13: {  	s0 =	sadd.s32 s19, s0;
	s24 =	smax.u32 s14, $0x1;
	[dreg:$0x9] =	wrdreg s22  }
0x14: {  	s10 =	sadd.s32 $0x4E20, s23;
	s0 =	sadd.s32 $0x12C00, s0;
	[dreg:$0x19] =	wrdreg s24  }
0x15: {  	s14 =	simm.s32 $0xF640;
	s6 =	sadd.s32 s6, s10;
	[dreg:$0x8] =	wrdreg s0  }
0x16: {  	s29 =	sadd.s32 s18, s9;
	s9 =	sshrl.u32 s9, $0x3;
	[dreg:$0xb] =	wrdreg s6  }
0x17: {  	s0 =	sadd.s32 s7, s21;
	s6 =	sadd.s32 s7, s10;
	s7 =	sshrl.u32 s25, $0x2  }
0x18: {  	s15 =	sadd.s32 s12, s9;
	s18 =	sadd.s32 s1, s9;
	s10 =	sadd.s32 s3, s19  }
0x19: {  	s3 =	simm.s32 $0x9C40;
	s9 =	simm.s32 $0x0;
	[dreg:$0xc] =	wrdreg s0  }
0x1a: {  	[dreg:$0xd] =	wrdreg s6;
	s0 =	sshrl.u32 s29, $0x3;
	s5 =	sadd.s32 s7, s2  }
0x1b: {  	[dreg:$0x11] =	wrdreg s10;
	s6 =	simm.s32 $0xB040;
	s8 =	sadd.s32 s12, s0  }
0x1c: {  	s7 =	simm.s32 $0xD840;
	s0 =	sadd.s32 s1, s0;
	[dreg:$0xe] =	wrdreg s8  }
0x1d: {  	s25 =	sadd.s32 $0xA00, s5;
	s12 =	sadd.s32 s11, s17;
	[dreg:$0xf] =	wrdreg s0  }
0x1e: {  	s17 =	sadd.s32 s19, s11;
	s19 =	sadd.s32 $0x1E00, s5;
	[dreg:$0x12] =	wrdreg s12  }
0x1f: {  	s29 =	sadd.s32 $0x1400, s5;
	s20 =	sadd.s32 $0x2800, s5;
	[dreg:$0x13] =	wrdreg s19  }
0x20: {  	s21 =	sadd.s32 $0x3200, s5;
	s22 =	sadd.s32 $0x3C00, s5;
	[dreg:$0x14] =	wrdreg s20  }
0x21: {  	s23 =	sadd.s32 $0x4600, s5;
	s1 =	simm.s32 $0x15540;
	[dreg:$0x15] =	wrdreg s21  }
0x22: {  	s11 =	simm.s32 $0xC440;
	s5 =	simm.s32 $0x9;
	[dreg:$0x16] =	wrdreg s22  }
0x23: {  	[dreg:$0x17] =	wrdreg s23;
	s0 =	sadd.s32 $0x12C00, s17;
	s17 =	simm.s32 $0xEC40  }
0x24: {  	s20 =	simm.s32 $0x1;
	s21 =	simm.s32 $0x5;
	[dreg:$0x10] =	wrdreg s29  }
0x25: {  	s12 =	simm.s32 $0x7;
	[dreg:$0x18] =	wrdreg s0;
	s0 =	simm.s32 $0x50  }
.LBB2_1:
0x26: {  	[dreg:$0x1a] =	wrdreg s9  }
0x27: {  	s4 =	simm.s32 $0x0;
	s8 =	rddreg [dreg:$0x5];
	s23 =	simm.s32 $0x15040  }
0x28: {  	[tilespmem:s23], [sflag:$0xB] =	stream.linear.gather [hbm4b:s8+s4], $0x280, $0x38;
	[tilespmem:$0x1A7E0] =	vst v63  }
0x29: {  	_ =	swait.ge [sflag:s31], $0x280  }
0x2a: {  	s29 =	smov.u32 s25;
	[sflag:s31] =	ssyncset.done $0x0  }
0x2b: {  	s25 =	simm.s32 $0x152C0;
	s24 =	rddreg [dreg:$0x6];
	[sflag:s31] =	ssyncadd.s32 $0xFFFFFD80  }
0x2c: {  	[tilespmem:s25], [sflag:$0xB] =	stream.linear.gather [hbm4b:s24+s4], $0x280, $0x38;
	[tilespmem:$0x1A7E0] =	vst v63  }
0x2d: {  	_ =	swait.ge [sflag:s31], $0x280  }
0x2e: {  	[sflag:s31] =	ssyncset.done $0x0  }
0x2f: {  	s16 =	simm.s32 $0x0;
	[sflag:s31] =	ssyncadd.s32 $0xFFFFFD80  }
0x30: {  	v0 =	vld [tilespmem:s16+$0x152C0]  }
0x31: {  	v1 =	vld [tilespmem:s16+$0x15040];
	_ =	sdelay $0x2  }
0x32: {  	s9 =	simm.s32 $0x10  }
0x33: {  	v2 =	vld [tilespmem:s9+$0x152C0]  }
0x34: {  	v0 =	vadd.f32 v0, v1;
	v1 =	vld [tilespmem:s9+$0x15040];
	_ =	sdelay $0x1  }
0x35: {  	v0 =	vadd.f32 $1.000000000e+00, v0;
	_ =	sdelay $0x1  }
0x36: {  	s19 =	simm.s32 $0x20;
	v3 =	vshrl.u32 v0, $0x1;
	v4 =	vmul.f32 $5.000000000e-01, v0  }
0x37: {  	v5 =	vld [tilespmem:s19+$0x15040];
	v0 =	vsub.s32 $0x5F3759DF, v3;
	v1 =	vadd.f32 v2, v1  }
0x38: {  	v3 =	vld [tilespmem:s19+$0x152C0];
	v2 =	vmul.f32 v0, v4  }
0x39: {  	v1 =	vadd.f32 $1.000000000e+00, v1  }
0x3a: {  	v2 =	vmul.f32 v0, v2  }
0x3b: {  	s22 =	simm.s32 $0x30;
	v6 =	vshrl.u32 v1, $0x1;
	v8 =	vmul.f32 $5.000000000e-01, v1  }
0x3c: {  	v7 =	vld [tilespmem:s22+$0x15040];
	v1 =	vsub.f32 $1.500000000e+00, v2;
	v2 =	vsub.s32 $0x5F3759DF, v6  }
0x3d: {  	v6 =	vld [tilespmem:s22+$0x152C0];
	v3 =	vadd.f32 v3, v5;
	v5 =	vmul.f32 v2, v8  }
0x3e: {  	s23 =	simm.s32 $0x40;
	v1 =	vmul.f32 v0, v1  }
0x3f: {  	v10 =	vld [tilespmem:s23+$0x152C0];
	v0 =	vadd.f32 $1.000000000e+00, v3;
	v3 =	vmul.f32 v2, v5  }
0x40: {  	v11 =	vld [tilespmem:s23+$0x15040];
	v5 =	vmul.f32 v1, v4  }
0x41: {  	v9 =	vshrl.u32 v0, $0x1;
	v0 =	vmul.f32 $5.000000000e-01, v0;
	v3 =	vsub.f32 $1.500000000e+00, v3  }
0x42: {  	v9 =	vsub.s32 $0x5F3759DF, v9;
	v6 =	vadd.f32 v6, v7;
	v5 =	vmul.f32 v5, v1  }
0x43: {  	v7 =	vmul.f32 v9, v0;
	v2 =	vmul.f32 v2, v3  }
0x44: {  	v3 =	vsub.f32 $1.500000000e+00, v5;
	v5 =	vadd.f32 $1.000000000e+00, v6  }
0x45: {  	v10 =	vadd.f32 v10, v11;
	v6 =	vmul.f32 v9, v7;
	v7 =	vmul.f32 v2, v8  }
0x46: {  	v3 =	vmul.f32 v3, v1;
	v12 =	vshrl.u32 v5, $0x1;
	v1 =	vmul.f32 $5.000000000e-01, v5  }
0x47: {  	s4 =	simm.s32 $0x50;
	v6 =	vsub.f32 $1.500000000e+00, v6;
	v5 =	vsub.s32 $0x5F3759DF, v12;
	v7 =	vmul.f32 v7, v2  }
0x48: {  	v13 =	vld [tilespmem:s4+$0x15040];
	v12 =	vmul.f32 v3, v4;
	v11 =	vmul.f32 v5, v1  }
0x49: {  	v10 =	vadd.f32 $1.000000000e+00, v10;
	v4 =	vmul.f32 v9, v6;
	v9 =	vld [tilespmem:s4+$0x152C0];
	v6 =	vsub.f32 $1.500000000e+00, v7  }
0x4a: {  	v7 =	vmul.f32 v12, v3;
	v11 =	vmul.f32 v5, v11  }
0x4b: {  	v15 =	vshrl.u32 v10, $0x1;
	v14 =	vmul.f32 v4, v0;
	v2 =	vmul.f32 v6, v2  }
0x4c: {  	v6 =	vmul.f32 $5.000000000e-01, v10;
	v7 =	vsub.f32 $1.500000000e+00, v7;
	v12 =	vsub.f32 $1.500000000e+00, v11  }
0x4d: {  	s10 =	simm.s32 $0x1C0;
	s24 =	simm.s32 $0x60;
	v11 =	vsub.s32 $0x5F3759DF, v15;
	v10 =	vmul.f32 v14, v4;
	v8 =	vmul.f32 v2, v8  }
.LBB2_2:
0x4e: {  	s25 =	sshra.s32 s10, $0x2;
	p1 =	sne.s32 s10, $0x9C0;
	s10 =	sadd.s32 $0x40, s10;
	v14 =	vadd.f32 v9, v13;
	v9 =	vld [tilespmem:s24+$0x152C0];
	v15 =	vmul.f32 v11, v6;
	v12 =	vmul.f32 v5, v12;
	v16 =	vmovc v6  }
.Ltmp0:
0x4f: {  	v5 =	vmovc v11;
	v13 =	vld [tilespmem:s24+$0x15040];
	v6 =	vsub.f32 $1.500000000e+00, v10;
	v8 =	vmul.f32 v8, v2;
	v10 =	vmul.f32 v7, v3;
	v3 =	vmovc v2;
	(pc) =	sbr.rel @p1 .LBB2_2-.Ltmp0, $4  }
0x50: {  	v11 =	vadd.f32 $1.000000000e+00, v14;
	v14 =	vmul.f32 v5, v15;
	v15 =	vmul.f32 v12, v1  }
0x51: {  	v2 =	vmul.f32 v6, v4;
	v7 =	vsub.f32 $1.500000000e+00, v8;
	[tilespmem:s16+$0x15540] =	vst v10;
	v4 =	vmov v12;
	s16 =	smov.u32 s9;
	s9 =	smov.u32 s19;
	s19 =	smov.u32 s22  }
0x52: {  	s22 =	smov.u32 s23;
	s23 =	smov.u32 s4;
	s4 =	smov.u32 s24;
	v8 =	vshrl.u32 v11, $0x1;
	v6 =	vmul.f32 $5.000000000e-01, v11;
	v12 =	vsub.f32 $1.500000000e+00, v14  }
0x53: {  	s24 =	smov.u32 s25;
	v10 =	vmul.f32 v15, v4;
	v11 =	vsub.s32 $0x5F3759DF, v8;
	v8 =	vmul.f32 v2, v0;
	v0 =	vmovc v1;
	v1 =	vmovc v16  }
0x54: {  	v14 =	vld [tilespmem:s24+$0x152C0]  }
0x55: {  	v15 =	vld [tilespmem:s24+$0x15040];
	_ =	sdelay $0x3  }
0x56: {  	v9 =	vadd.f32 v9, v13  }
0x57: {  	v50 =	vadd.f32 v14, v15  }
0x58: {  	v9 =	vadd.f32 $1.000000000e+00, v9  }
0x59: {  	v13 =	vadd.f32 $1.000000000e+00, v50  }
0x5a: {  	v51 =	vmul.f32 v11, v6;
	v52 =	vshrl.u32 v9, $0x1;
	v9 =	vmul.f32 $5.000000000e-01, v9  }
0x5b: {  	v15 =	vsub.s32 $0x5F3759DF, v52;
	v16 =	vshrl.u32 v13, $0x1;
	v13 =	vmul.f32 $5.000000000e-01, v13  }
0x5c: {  	v17 =	vmul.f32 v15, v9;
	v16 =	vsub.s32 $0x5F3759DF, v16  }
0x5d: {  	v14 =	vmul.f32 v11, v51;
	v18 =	vmul.f32 v16, v13  }
0x5e: {  	v17 =	vmul.f32 v15, v17  }
0x5f: {  	v5 =	vmul.f32 v5, v12;
	v14 =	vsub.f32 $1.500000000e+00, v14;
	v53 =	vmul.f32 v16, v18  }
0x60: {  	v3 =	vmul.f32 v7, v3;
	v10 =	vsub.f32 $1.500000000e+00, v10;
	v55 =	vsub.f32 $1.500000000e+00, v17  }
0x61: {  	v56 =	vmul.f32 v5, v1;
	v54 =	vmul.f32 v11, v14;
	v12 =	vsub.f32 $1.500000000e+00, v53  }
0x62: {  	v4 =	vmul.f32 v10, v4;
	v14 =	vmul.f32 v15, v55  }
0x63: {  	v57 =	vmul.f32 v54, v6;
	v12 =	vmul.f32 v16, v12  }
0x64: {  	v7 =	vmul.f32 v56, v5;
	v58 =	vmul.f32 v14, v9  }
0x65: {  	v15 =	vmul.f32 v57, v54;
	v59 =	vmul.f32 v12, v13  }
0x66: {  	v7 =	vsub.f32 $1.500000000e+00, v7;
	v16 =	vmul.f32 v58, v14  }
0x67: {  	v0 =	vmul.f32 v4, v0;
	v15 =	vsub.f32 $1.500000000e+00, v15;
	v10 =	vmul.f32 v59, v12  }
0x68: {  	v8 =	vmul.f32 v8, v2;
	v5 =	vmul.f32 v7, v5;
	v61 =	vsub.f32 $1.500000000e+00, v16  }
0x69: {  	v0 =	vmul.f32 v0, v4;
	v60 =	vmul.f32 v15, v54;
	v10 =	vsub.f32 $1.500000000e+00, v10  }
0x6a: {  	v1 =	vmul.f32 v5, v1;
	v11 =	vmul.f32 v61, v14  }
0x6b: {  	v62 =	vmul.f32 v60, v6;
	v10 =	vmul.f32 v10, v12  }
0x6c: {  	v8 =	vsub.f32 $1.500000000e+00, v8;
	v1 =	vmul.f32 v1, v5;
	v9 =	vmul.f32 v11, v9  }
0x6d: {  	v0 =	vsub.f32 $1.500000000e+00, v0;
	v6 =	vmul.f32 v62, v60;
	v12 =	vmul.f32 v10, v13  }
0x6e: {  	v2 =	vmul.f32 v8, v2;
	v1 =	vsub.f32 $1.500000000e+00, v1;
	v63 =	vmul.f32 v9, v11  }
0x6f: {  	[tilespmem:s16+$0x15540] =	vst v3;
	v0 =	vmul.f32 v0, v4;
	v3 =	vsub.f32 $1.500000000e+00, v6;
	v4 =	vmul.f32 v12, v10  }
0x70: {  	[tilespmem:s9+$0x15540] =	vst v2;
	v1 =	vmul.f32 v1, v5;
	v2 =	vsub.f32 $1.500000000e+00, v63  }
0x71: {  	[tilespmem:s19+$0x15540] =	vst v0;
	v0 =	vmul.f32 v3, v60;
	v3 =	vsub.f32 $1.500000000e+00, v4  }
0x72: {  	[tilespmem:s22+$0x15540] =	vst v1;
	v1 =	vmul.f32 v2, v11  }
0x73: {  	[tilespmem:s23+$0x15540] =	vst v0;
	v0 =	vmul.f32 v3, v10  }
0x74: {  	s10 =	simm.s32 @p0 $0x10040;
	[tilespmem:s4+$0x15540] =	vst v1  }
0x75: {  	s8 =	rddreg [dreg:$0x8];
	s9 =	simm.s32 @p0 $0x40;
	s4 =	simm.s32 @p0 $0x20;
	[tilespmem:s24+$0x15540] =	vst v0  }
0x76: {  	[tilespmem:s10], [sflag:$0xB] =	stream.strided.gather @p0 [hbm4b:s8+s4], $0x3200, s9, s4, $0x38;
	[tilespmem:$0x1A7E0] =	vst v63  }
0x77: {  	s4 =	simm.s32 @p0 $0xB  }
0x78: {  	s23 =	stileid.u32;
	_ =	swait.ge @p0 [sflag:s4], $0x3200  }
0x79: {  	s9 =	simm.s32 @!p0 $0x40;
	s10 =	simm.s32 @!p0 $0x10040;
	[sflag:s4] =	ssyncset.done @p0 $0x0  }
0x7a: {  	s8 =	rddreg [dreg:$0x7];
	[sflag:s4] =	ssyncadd.s32 @p0 $0xFFFFCE00;
	s4 =	simm.s32 @!p0 $0x20  }
0x7b: {  	[tilespmem:s10], [sflag:$0xB] =	stream.strided.gather @!p0 [hbm4b:s8+s4], $0x5000, s9, s4, $0x38;
	[tilespmem:$0x1A7E0] =	vst v63  }
0x7c: {  	s24 =	sshll.u32 s23, $0x6;
	s4 =	simm.s32 @!p0 $0xB  }
0x7d: {  	s8 =	sor.u32 $0x1C0B, s24;
	_ =	swait.ge @!p0 [sflag:s4], $0x5000  }
0x7e: {  	[dreg:$0x1b] =	wrdreg s8;
	[sflag:s4] =	ssyncset.done @!p0 $0x0  }
0x7f: {  	s16 =	sshrl.u32 s26, $0x3;
	s25 =	rddreg [dreg:$0x9];
	[sflag:s4] =	ssyncadd.s32 @!p0 $0xFFFFB000  }
0x80: {  	[spmem:s16], [sflag:s8] =	dma.local [hbm:s25], $0xA00  }
0x81: {  	_ =	swait.ge [sflag:s31], $0xA00  }
0x82: {  	s9 =	smov.u32 s26;
	[sflag:s31] =	ssyncset.done $0x0  }
0x83: {  	s4 =	simm.s32 $0x0;
	s26 =	rddreg [dreg:$0xa];
	[sflag:s31] =	ssyncadd.s32 $0xFFFFF600  }
0x84: {  	[tilespmem:s4], [sflag:$0xB] =	stream.linear.gather [hbm4b:s26+s4], $0x2710, $0x38;
	[tilespmem:$0x1A7E0] =	vst v63  }
0x85: {  	_ =	swait.ge [sflag:s31], $0x2710  }
0x86: {  	[sflag:s31] =	ssyncset.done $0x0  }
0x87: {  	s19 =	simm.s32 $0x2710;
	s10 =	rddreg [dreg:$0xb];
	[sflag:s31] =	ssyncadd.s32 $0xFFFFD8F0  }
0x88: {  	[tilespmem:s19], [sflag:$0xB] =	stream.linear.gather [hbm4b:s10+s4], $0x2710, $0x38;
	[tilespmem:$0x1A7E0] =	vst v63  }
0x89: {  	_ =	swait.ge [sflag:s31], $0x2710  }
0x8a: {  	[sflag:s31] =	ssyncset.done $0x0  }
0x8b: {  	s23 =	simm.s32 $0x4E20;
	s22 =	rddreg [dreg:$0xc];
	[sflag:s31] =	ssyncadd.s32 $0xFFFFD8F0  }
0x8c: {  	[tilespmem:s23], [sflag:$0xB] =	stream.linear.gather [hbm4b:s22+s4], $0x2710, $0x38;
	[tilespmem:$0x1A7E0] =	vst v63  }
0x8d: {  	_ =	swait.ge [sflag:s31], $0x2710  }
0x8e: {  	[sflag:s31] =	ssyncset.done $0x0  }
0x8f: {  	s25 =	simm.s32 $0x7530;
	s24 =	rddreg [dreg:$0xd];
	[sflag:s31] =	ssyncadd.s32 $0xFFFFD8F0  }
0x90: {  	v0 =	vmov s4;
	[tilespmem:s25], [sflag:$0xB] =	stream.linear.gather [hbm4b:s24+s4], $0x2710, $0x38;
	[tilespmem:$0x1A7E0] =	vst v63  }
0x91: {  	_ =	swait.ge [sflag:s31], $0x2710  }
0x92: {  	[sflag:s31] =	ssyncset.done $0x0  }
0x93: {  	s4 =	simm.s32 $0x10050;
	[sflag:s31] =	ssyncadd.s32 $0xFFFFD8F0  }
0x94: {  	v1 =	vld [tilespmem:s4+$0xFFFFFFF0]  }
0x95: {  	v2 =	vld.idx.msk [tilespmem:v0+s1+$0x0], $0xffff  }
0x96: {  	v3 =	vld [tilespmem:s4+$0x0];
	_ =	sdelay $0x2  }
0x97: {  	s26 =	simm.s32 $0x1  }
0x98: {  	s19 =	simm.s32 $0x2;
	s10 =	simm.s32 $0x10050;
	v0 =	vmov s26  }
.LBB2_4:
0x99: {  	p1 =	sne.s32 s19, $0x27F;
	v1 =	vmul.f32 v1, v2;
	v2 =	vmul.f32 v3, v2;
	_ =	sdelay $0x1  }
0x9a: {  	s10 =	sadd.s32 $0x20, s10;
	[tilespmem:s4+$0xFFFFFFF0] =	vst v1  }
0x9b: {  	v1 =	vld [tilespmem:s10+$0xFFFFFFF0];
	[tilespmem:s4+$0x0] =	vst v2;
	s4 =	smov.u32 s10  }
0x9c: {  	v2 =	vld.idx.msk [tilespmem:v0+s1+$0x0], $0xffff  }
.Ltmp1:
0x9d: {  	v3 =	vld [tilespmem:s10+$0x0];
	(pc) =	sbr.rel @p1 .LBB2_4-.Ltmp1, $2  }
0x9e: {  	_ =	sdelay $0x2  }
0x9f: {  	v0 =	vmov s19;
	s19 =	sadd.s32 $0x1, s19  }
0xa0: {  	v1 =	vmul.f32 v1, v2  }
0xa1: {  	v63 =	vmul.f32 v3, v2  }
0xa2: {  	s10 =	sadd.s32 $0x20, s10;
	[tilespmem:s4+$0xFFFFFFF0] =	vst v1  }
0xa3: {  	v1 =	vld [tilespmem:s10+$0xFFFFFFF0];
	[tilespmem:s4+$0x0] =	vst v63  }
0xa4: {  	v0 =	vld.idx.msk [tilespmem:v0+s1+$0x0], $0xffff  }
0xa5: {  	v2 =	vld [tilespmem:s10+$0x0];
	_ =	sdelay $0x3  }
0xa6: {  	v1 =	vmul.f32 v1, v0  }
0xa7: {  	v0 =	vmul.f32 v2, v0  }
0xa8: {  	[tilespmem:s10+$0xFFFFFFF0] =	vst v1  }
0xa9: {  	s19 =	simm.s32 $0x0;
	s23 =	rddreg [dreg:$0xe];
	s8 =	simm.s32 $0x10040;
	[tilespmem:s10+$0x0] =	vst v0  }
0xaa: {  	[hbm4b:s23+s19] =	stream.linear.scatter [tilespmem:s8], [sflag:$0xB], $0x5000, $0x38;
	[tilespmem:$0x1A7E0] =	vst v63  }
0xab: {  	_ =	swait.ge [sflag:s31], $0x5000  }
0xac: {  	[sflag:s31] =	ssyncset.done $0x0  }
0xad: {  	[sflag:s31] =	ssyncadd.s32 $0xFFFFB000  }
0xae: {  	[bflag:$0x0] =	sbarrier.arrive $0xFFFF  }
0xaf: {  	[tilespmem:s3], [sflag:$0x1] =	stream.indirect.gather [hbm4b:s15+s0], $0x20, s19, s0, $0xb8;
	[tilespmem:$0x1A7E0] =	vst v63  }
0xb0: {  	_ = 	snop  }
0xb1: {  	[tilespmem:s13], [sflag:$0x2] =	stream.indirect.gather [hbm4b:s15+s0], $0x20, s0, s0, $0xb8;
	[tilespmem:$0x1A7E0] =	vst v63  }
0xb2: {  	s24 =	simm.s32 $0xA0  }
0xb3: {  	[tilespmem:s6], [sflag:$0x3] =	stream.indirect.gather [hbm4b:s15+s0], $0x20, s24, s0, $0xb8;
	[tilespmem:$0x1A7E0] =	vst v63  }
0xb4: {  	s25 =	simm.s32 $0xF0;
	s26 =	simm.s32 $0xBA40  }
0xb5: {  	[tilespmem:s26], [sflag:$0x4] =	stream.indirect.gather [hbm4b:s15+s0], $0x20, s25, s0, $0xb8;
	[tilespmem:$0x1A7E0] =	vst v63  }
0xb6: {  	s8 =	simm.s32 $0x140  }
0xb7: {  	[tilespmem:s11], [sflag:$0x5] =	stream.indirect.gather [hbm4b:s15+s0], $0x20, s8, s0, $0xb8;
	[tilespmem:$0x1A7E0] =	vst v63  }
0xb8: {  	s10 =	simm.s32 $0x190;
	s13 =	simm.s32 $0xCE40  }
0xb9: {  	[tilespmem:s13], [sflag:$0x6] =	stream.indirect.gather [hbm4b:s15+s0], $0x20, s10, s0, $0xb8;
	[tilespmem:$0x1A7E0] =	vst v63  }
0xba: {  	s22 =	simm.s32 $0x1E0  }
0xbb: {  	[tilespmem:s7], [sflag:$0x7] =	stream.indirect.gather [hbm4b:s15+s0], $0x20, s22, s0, $0xb8;
	[tilespmem:$0x1A7E0] =	vst v63  }
0xbc: {  	s23 =	simm.s32 $0x230;
	s24 =	simm.s32 $0xE240  }
0xbd: {  	[tilespmem:s24], [sflag:$0x8] =	stream.indirect.gather [hbm4b:s15+s0], $0x20, s23, s0, $0xb8;
	[tilespmem:$0x1A7E0] =	vst v63  }
0xbe: {  	s25 =	simm.s32 $0x280  }
0xbf: {  	[tilespmem:s17], [sflag:$0x9] =	stream.indirect.gather [hbm4b:s15+s0], $0x20, s25, s0, $0xb8;
	[tilespmem:$0x1A7E0] =	vst v63  }
0xc0: {  	s26 =	simm.s32 $0x2D0  }
0xc1: {  	[tilespmem:s14], [sflag:$0xA] =	stream.indirect.gather [hbm4b:s15+s0], $0x20, s26, s0, $0xb8;
	[tilespmem:$0x1A7E0] =	vst v63  }
.LBB2_6:
0xc2: {  	_ =	swait.ge [sflag:s20], $0xA00  }
0xc3: {  	s22 =	sshra.s32 s19, $0x2;
	[sflag:s20] =	ssyncset.done $0x0  }
0xc4: {  	s4 =	sadd.s32 $0x4E20, s22;
	[sflag:s20] =	ssyncadd.s32 $0xFFFFF600  }
0xc5: {  	[spmem:s2] =	stream.indirect.scatter.add.f32 [tilespmem:s3], [sflag:$0xB], $0x20, s4, s0, $0xb8;
	[tilespmem:$0x1A7E0] =	vst v63  }
0xc6: {  	_ =	swait.ge [sflag:s31], $0xA00  }
0xc7: {  	p1 =	seq.s32 s19, $0x12C00;
	[sflag:s31] =	ssyncset.done $0x0  }
0xc8: {  	s4 =	simm.s32 @p1 $0x2;
	[sflag:s31] =	ssyncadd.s32 $0xFFFFF600  }
0xc9: {  	s24 =	sshra.s32 @p1 s19, $0x2;
	_ =	swait.ge @p1 [sflag:s4], $0xA00  }
0xca: {  	s25 =	simm.s32 @p1 $0x50;
	s10 =	simm.s32 @p1 $0xA640;
	[sflag:s4] =	ssyncset.done @p1 $0x0  }
0xcb: {  	s26 =	simm.s32 @p1 $0xB;
	[sflag:s4] =	ssyncadd.s32 @p1 $0xFFFFF600;
	s4 =	sadd.s32 @p1 $0x4E70, s24  }
0xcc: {  	[spmem:s2] =	stream.indirect.scatter.add.f32 @p1 [tilespmem:s10], [sflag:$0xB], $0x20, s4, s25, $0xb8;
	[tilespmem:$0x1A7E0] =	vst v63  }
0xcd: {  	_ =	swait.ge @p1 [sflag:s26], $0xA00  }
0xce: {  	s23 =	simm.s32 @!p1 $0x50;
	s4 =	sshra.s32 @!p1 s19, $0x2;
	[sflag:s26] =	ssyncset.done @p1 $0x0  }
0xcf: {  	s13 =	simm.s32 @!p1 $0x9C40;
	s10 =	sadd.s32 @!p1 $0x320, s4;
	[sflag:s26] =	ssyncadd.s32 @p1 $0xFFFFF600  }
0xd0: {  	[tilespmem:s13], [sflag:$0x1] =	stream.indirect.gather @!p1 [hbm4b:s15+s23], $0x20, s10, s23, $0xb8;
	[tilespmem:$0x1A7E0] =	vst v63  }
0xd1: {  	s10 =	simm.s32 @!p1 $0x2  }
0xd2: {  	_ =	swait.ge @!p1 [sflag:s10], $0xA00  }
0xd3: {  	[sflag:s10] =	ssyncset.done @!p1 $0x0  }
0xd4: {  	s13 =	simm.s32 @!p1 $0xA640;
	[sflag:s10] =	ssyncadd.s32 @!p1 $0xFFFFF600;
	s10 =	sadd.s32 @!p1 $0x4E70, s4  }
0xd5: {  	[spmem:s2] =	stream.indirect.scatter.add.f32 @!p1 [tilespmem:s13], [sflag:$0xB], $0x20, s10, s23, $0xb8;
	[tilespmem:$0x1A7E0] =	vst v63  }
0xd6: {  	s10 =	simm.s32 @!p1 $0xB  }
0xd7: {  	_ =	swait.ge @!p1 [sflag:s10], $0xA00  }
0xd8: {  	[sflag:s10] =	ssyncset.done @!p1 $0x0  }
0xd9: {  	s8 =	sadd.s32 @!p1 $0x370, s4;
	[sflag:s10] =	ssyncadd.s32 @!p1 $0xFFFFF600  }
0xda: {  	[tilespmem:s13], [sflag:$0x2] =	stream.indirect.gather @!p1 [hbm4b:s15+s23], $0x20, s8, s23, $0xb8;
	[tilespmem:$0x1A7E0] =	vst v63  }
0xdb: {  	_ =	swait.ge [sflag:s30], $0xA00  }
0xdc: {  	[sflag:s30] =	ssyncset.done $0x0  }
0xdd: {  	s13 =	sadd.s32 $0x4EC0, s22;
	[sflag:s30] =	ssyncadd.s32 $0xFFFFF600  }
0xde: {  	[spmem:s2] =	stream.indirect.scatter.add.f32 [tilespmem:s6], [sflag:$0xB], $0x20, s13, s0, $0xb8;
	[tilespmem:$0x1A7E0] =	vst v63  }
0xdf: {  	_ =	swait.ge [sflag:s31], $0xA00  }
0xe0: {  	[sflag:s31] =	ssyncset.done $0x0  }
0xe1: {  	s8 =	simm.s32 @p1 $0x4;
	[sflag:s31] =	ssyncadd.s32 $0xFFFFF600  }
0xe2: {  	_ =	swait.ge @p1 [sflag:s8], $0xA00  }
0xe3: {  	[sflag:s8] =	ssyncset.done @p1 $0x0  }
0xe4: {  	s13 =	simm.s32 @p1 $0xBA40;
	[sflag:s8] =	ssyncadd.s32 @p1 $0xFFFFF600;
	s8 =	sadd.s32 @p1 $0x4F10, s24  }
0xe5: {  	[spmem:s2] =	stream.indirect.scatter.add.f32 @p1 [tilespmem:s13], [sflag:$0xB], $0x20, s8, s25, $0xb8;
	[tilespmem:$0x1A7E0] =	vst v63  }
0xe6: {  	_ =	swait.ge @p1 [sflag:s26], $0xA00  }
0xe7: {  	[sflag:s26] =	ssyncset.done @p1 $0x0  }
0xe8: {  	s8 =	sadd.s32 @!p1 $0x3C0, s4;
	s13 =	simm.s32 @!p1 $0xB040;
	[sflag:s26] =	ssyncadd.s32 @p1 $0xFFFFF600  }
0xe9: {  	[tilespmem:s13], [sflag:$0x3] =	stream.indirect.gather @!p1 [hbm4b:s15+s23], $0x20, s8, s23, $0xb8;
	[tilespmem:$0x1A7E0] =	vst v63  }
0xea: {  	s8 =	simm.s32 @!p1 $0x4  }
0xeb: {  	_ =	swait.ge @!p1 [sflag:s8], $0xA00  }
0xec: {  	[sflag:s8] =	ssyncset.done @!p1 $0x0  }
0xed: {  	s13 =	simm.s32 @!p1 $0xBA40;
	[sflag:s8] =	ssyncadd.s32 @!p1 $0xFFFFF600;
	s8 =	sadd.s32 @!p1 $0x4F10, s4  }
0xee: {  	[spmem:s2] =	stream.indirect.scatter.add.f32 @!p1 [tilespmem:s13], [sflag:$0xB], $0x20, s8, s23, $0xb8;
	[tilespmem:$0x1A7E0] =	vst v63  }
0xef: {  	_ =	swait.ge @!p1 [sflag:s10], $0xA00  }
0xf0: {  	[sflag:s10] =	ssyncset.done @!p1 $0x0  }
0xf1: {  	s8 =	sadd.s32 @!p1 $0x410, s4;
	[sflag:s10] =	ssyncadd.s32 @!p1 $0xFFFFF600  }
0xf2: {  	[tilespmem:s13], [sflag:$0x4] =	stream.indirect.gather @!p1 [hbm4b:s15+s23], $0x20, s8, s23, $0xb8;
	[tilespmem:$0x1A7E0] =	vst v63  }
0xf3: {  	_ =	swait.ge [sflag:s21], $0xA00  }
0xf4: {  	[sflag:s21] =	ssyncset.done $0x0  }
0xf5: {  	s13 =	sadd.s32 $0x4F60, s22;
	[sflag:s21] =	ssyncadd.s32 $0xFFFFF600  }
0xf6: {  	[spmem:s2] =	stream.indirect.scatter.add.f32 [tilespmem:s11], [sflag:$0xB], $0x20, s13, s0, $0xb8;
	[tilespmem:$0x1A7E0] =	vst v63  }
0xf7: {  	_ =	swait.ge [sflag:s31], $0xA00  }
0xf8: {  	[sflag:s31] =	ssyncset.done $0x0  }
0xf9: {  	s8 =	simm.s32 @p1 $0x6;
	[sflag:s31] =	ssyncadd.s32 $0xFFFFF600  }
0xfa: {  	_ =	swait.ge @p1 [sflag:s8], $0xA00  }
0xfb: {  	[sflag:s8] =	ssyncset.done @p1 $0x0  }
0xfc: {  	s13 =	simm.s32 @p1 $0xCE40;
	[sflag:s8] =	ssyncadd.s32 @p1 $0xFFFFF600;
	s8 =	sadd.s32 @p1 $0x4FB0, s24  }
0xfd: {  	[spmem:s2] =	stream.indirect.scatter.add.f32 @p1 [tilespmem:s13], [sflag:$0xB], $0x20, s8, s25, $0xb8;
	[tilespmem:$0x1A7E0] =	vst v63  }
0xfe: {  	_ =	swait.ge @p1 [sflag:s26], $0xA00  }
0xff: {  	[sflag:s26] =	ssyncset.done @p1 $0x0  }
0x100: {  	s8 =	sadd.s32 @!p1 $0x460, s4;
	s13 =	simm.s32 @!p1 $0xC440;
	[sflag:s26] =	ssyncadd.s32 @p1 $0xFFFFF600  }
0x101: {  	[tilespmem:s13], [sflag:$0x5] =	stream.indirect.gather @!p1 [hbm4b:s15+s23], $0x20, s8, s23, $0xb8;
	[tilespmem:$0x1A7E0] =	vst v63  }
0x102: {  	s8 =	simm.s32 @!p1 $0x6  }
0x103: {  	_ =	swait.ge @!p1 [sflag:s8], $0xA00  }
0x104: {  	[sflag:s8] =	ssyncset.done @!p1 $0x0  }
0x105: {  	s13 =	simm.s32 @!p1 $0xCE40;
	[sflag:s8] =	ssyncadd.s32 @!p1 $0xFFFFF600;
	s8 =	sadd.s32 @!p1 $0x4FB0, s4  }
0x106: {  	[spmem:s2] =	stream.indirect.scatter.add.f32 @!p1 [tilespmem:s13], [sflag:$0xB], $0x20, s8, s23, $0xb8;
	[tilespmem:$0x1A7E0] =	vst v63  }
0x107: {  	_ =	swait.ge @!p1 [sflag:s10], $0xA00  }
0x108: {  	[sflag:s10] =	ssyncset.done @!p1 $0x0  }
0x109: {  	s8 =	sadd.s32 @!p1 $0x4B0, s4;
	[sflag:s10] =	ssyncadd.s32 @!p1 $0xFFFFF600  }
0x10a: {  	[tilespmem:s13], [sflag:$0x6] =	stream.indirect.gather @!p1 [hbm4b:s15+s23], $0x20, s8, s23, $0xb8;
	[tilespmem:$0x1A7E0] =	vst v63  }
0x10b: {  	_ =	swait.ge [sflag:s12], $0xA00  }
0x10c: {  	[sflag:s12] =	ssyncset.done $0x0  }
0x10d: {  	s13 =	sadd.s32 $0x5000, s22;
	[sflag:s12] =	ssyncadd.s32 $0xFFFFF600  }
0x10e: {  	[spmem:s2] =	stream.indirect.scatter.add.f32 [tilespmem:s7], [sflag:$0xB], $0x20, s13, s0, $0xb8;
	[tilespmem:$0x1A7E0] =	vst v63  }
0x10f: {  	_ =	swait.ge [sflag:s31], $0xA00  }
0x110: {  	[sflag:s31] =	ssyncset.done $0x0  }
0x111: {  	s8 =	simm.s32 @p1 $0x8;
	[sflag:s31] =	ssyncadd.s32 $0xFFFFF600  }
0x112: {  	_ =	swait.ge @p1 [sflag:s8], $0xA00  }
0x113: {  	[sflag:s8] =	ssyncset.done @p1 $0x0  }
0x114: {  	s13 =	simm.s32 @p1 $0xE240;
	[sflag:s8] =	ssyncadd.s32 @p1 $0xFFFFF600;
	s8 =	sadd.s32 @p1 $0x5050, s24  }
0x115: {  	[spmem:s2] =	stream.indirect.scatter.add.f32 @p1 [tilespmem:s13], [sflag:$0xB], $0x20, s8, s25, $0xb8;
	[tilespmem:$0x1A7E0] =	vst v63  }
0x116: {  	_ =	swait.ge @p1 [sflag:s26], $0xA00  }
0x117: {  	[sflag:s26] =	ssyncset.done @p1 $0x0  }
0x118: {  	s8 =	sadd.s32 @!p1 $0x500, s4;
	s13 =	simm.s32 @!p1 $0xD840;
	[sflag:s26] =	ssyncadd.s32 @p1 $0xFFFFF600  }
0x119: {  	[tilespmem:s13], [sflag:$0x7] =	stream.indirect.gather @!p1 [hbm4b:s15+s23], $0x20, s8, s23, $0xb8;
	[tilespmem:$0x1A7E0] =	vst v63  }
0x11a: {  	s8 =	simm.s32 @!p1 $0x8  }
0x11b: {  	_ =	swait.ge @!p1 [sflag:s8], $0xA00  }
0x11c: {  	[sflag:s8] =	ssyncset.done @!p1 $0x0  }
0x11d: {  	s13 =	simm.s32 @!p1 $0xE240;
	[sflag:s8] =	ssyncadd.s32 @!p1 $0xFFFFF600;
	s8 =	sadd.s32 @!p1 $0x5050, s4  }
0x11e: {  	[spmem:s2] =	stream.indirect.scatter.add.f32 @!p1 [tilespmem:s13], [sflag:$0xB], $0x20, s8, s23, $0xb8;
	[tilespmem:$0x1A7E0] =	vst v63  }
0x11f: {  	_ =	swait.ge @!p1 [sflag:s10], $0xA00  }
0x120: {  	[sflag:s10] =	ssyncset.done @!p1 $0x0  }
0x121: {  	s4 =	sadd.s32 @!p1 $0x550, s4;
	[sflag:s10] =	ssyncadd.s32 @!p1 $0xFFFFF600  }
0x122: {  	[tilespmem:s13], [sflag:$0x8] =	stream.indirect.gather @!p1 [hbm4b:s15+s23], $0x20, s4, s23, $0xb8;
	[tilespmem:$0x1A7E0] =	vst v63  }
0x123: {  	_ =	swait.ge [sflag:s5], $0xA00  }
0x124: {  	[sflag:s5] =	ssyncset.done $0x0  }
.Ltmp2:
0x125: {  	s26 =	sadd.s32 $0x50A0, s22;
	[sflag:s5] =	ssyncadd.s32 $0xFFFFF600;
	(pc) =	sbr.rel @p1 .LBB2_8-.Ltmp2, $4  }
0x126: {  	[spmem:s2] =	stream.indirect.scatter.add.f32 [tilespmem:s17], [sflag:$0xB], $0x20, s26, s0, $0xb8;
	[tilespmem:$0x1A7E0] =	vst v63  }
0x127: {  	_ =	swait.ge [sflag:s31], $0xA00  }
0x128: {  	[sflag:s31] =	ssyncset.done $0x0  }
0x129: {  	s4 =	sadd.s32 $0x50F0, s22;
	[sflag:s31] =	ssyncadd.s32 $0xFFFFF600  }
0x12a: {  	s8 =	sadd.s32 $0x5A0, s22  }
0x12b: {  	[tilespmem:s17], [sflag:$0x9] =	stream.indirect.gather [hbm4b:s15+s0], $0x20, s8, s0, $0xb8;
	[tilespmem:$0x1A7E0] =	vst v63  }
0x12c: {  	_ =	swait.ge [sflag:s28], $0xA00  }
0x12d: {  	[sflag:s28] =	ssyncset.done $0x0  }
0x12e: {  	[sflag:s28] =	ssyncadd.s32 $0xFFFFF600  }
0x12f: {  	[spmem:s2] =	stream.indirect.scatter.add.f32 [tilespmem:s14], [sflag:$0xB], $0x20, s4, s0, $0xb8;
	[tilespmem:$0x1A7E0] =	vst v63  }
.Ltmp3:
0x130: {  	_ = 	snop;
	(pc) =	sbr.rel .LBB2_6-.Ltmp3, $4  }
0x131: {  	_ =	swait.ge [sflag:s31], $0xA00  }
0x132: {  	[sflag:s31] =	ssyncset.done $0x0  }
0x133: {  	s26 =	sadd.s32 $0x5F0, s22;
	s19 =	sadd.s32 $0xC80, s19;
	[sflag:s31] =	ssyncadd.s32 $0xFFFFF600  }
0x134: {  	[tilespmem:s14], [sflag:$0xA] =	stream.indirect.gather [hbm4b:s15+s0], $0x20, s26, s0, $0xb8;
	[tilespmem:$0x1A7E0] =	vst v63  }
.LBB2_8:
0x135: {  	_ =	swait.ge [sflag:s28], $0xA00  }
0x136: {  	[sflag:s28] =	ssyncset.done $0x0  }
0x137: {  	[sflag:s28] =	ssyncadd.s32 $0xFFFFF600  }
0x138: {  	[spmem:s2] =	stream.indirect.scatter.add.f32 [tilespmem:s14], [sflag:$0xB], $0x20, s4, s0, $0xb8;
	[tilespmem:$0x1A7E0] =	vst v63  }
0x139: {  	_ =	swait.ge [sflag:s31], $0xA00  }
0x13a: {  	[sflag:s31] =	ssyncset.done $0x0  }
0x13b: {  	[sflag:s31] =	ssyncadd.s32 $0xFFFFF600  }
0x13c: {  	s25 =	simm.s32 $0x0;
	[bflag:$0x0] =	sbarrier.arrive $0xFFFF  }
0x13d: {  	v0 =	vmov s25;
	[tilespmem:s3], [sflag:$0xB] =	stream.linear.gather [spmem:s9], $0xA00, $0x38;
	[tilespmem:$0x1A7E0] =	vst v63  }
0x13e: {  	_ =	swait.ge [sflag:s31], $0xA00  }
0x13f: {  	[sflag:s31] =	ssyncset.done $0x0  }
0x140: {  	s10 =	simm.s32 $0x10050;
	[sflag:s31] =	ssyncadd.s32 $0xFFFFF600  }
0x141: {  	v1 =	vld [tilespmem:s10+$0xFFFFFFF0]  }
0x142: {  	s4 =	simm.s32 $0x9C50;
	v0 =	vld.idx.msk [tilespmem:v0+s1+$0x0], $0xffff  }
0x143: {  	v2 =	vld [tilespmem:s4+$0xFFFFFFF0];
	_ =	sdelay $0x4  }
0x144: {  	v3 =	vmul.f32 v0, v0;
	v0 =	vadd.f32 v1, v2;
	_ =	sdelay $0x1  }
0x145: {  	v0 =	vmul.f32 v0, v3;
	_ =	sdelay $0x1  }
0x146: {  	[tilespmem:s10+$0xFFFFFFF0] =	vst v0;
	v0 =	vld [tilespmem:s10+$0x0]  }
0x147: {  	v1 =	vld [tilespmem:s4+$0x0];
	_ =	sdelay $0x3  }
0x148: {  	s8 =	simm.s32 $0x1  }
0x149: {  	v1 =	vadd.f32 v0, v1;
	v0 =	vmov s8  }
0x14a: {  	s26 =	smov.u32 s9  }
0x14b: {  	s22 =	simm.s32 $0x2;
	s19 =	simm.s32 $0x10070;
	s13 =	simm.s32 $0xA640;
	v1 =	vmul.f32 v1, v3  }
.LBB2_9:
0x14c: {  	p1 =	sne.s32 s22, $0x4F;
	s4 =	sadd.s32 $0x20, s4  }
0x14d: {  	v2 =	vld [tilespmem:s19+$0xFFFFFFF0];
	[tilespmem:s10+$0x0] =	vst v1;
	s8 =	smov.u32 s22;
	s22 =	sadd.s32 $0x1, s22;
	s10 =	smov.u32 s19  }
0x14e: {  	v0 =	vld.idx.msk [tilespmem:v0+s1+$0x0], $0xffff  }
0x14f: {  	v1 =	vld [tilespmem:s4+$0xFFFFFFF0];
	_ =	sdelay $0x4  }
0x150: {  	v3 =	vmul.f32 v0, v0;
	v0 =	vadd.f32 v2, v1;
	_ =	sdelay $0x1  }
0x151: {  	v0 =	vmul.f32 v0, v3;
	_ =	sdelay $0x1  }
0x152: {  	[tilespmem:s19+$0xFFFFFFF0] =	vst v0;
	v1 =	vld [tilespmem:s19+$0x0]  }
0x153: {  	v2 =	vld [tilespmem:s4+$0x0];
	_ =	sdelay $0x3  }
.Ltmp4:
0x154: {  	(pc) =	sbr.rel @p1 .LBB2_9-.Ltmp4, $3  }
0x155: {  	v0 =	vmov s8;
	v1 =	vadd.f32 v1, v2;
	_ =	sdelay $0x1  }
0x156: {  	v1 =	vmul.f32 v1, v3  }
0x157: {  	s19 =	sadd.s32 $0x20, s19  }
0x158: {  	_ =	sdelay $0x2  }
0x159: {  	v2 =	vld [tilespmem:s19+$0xFFFFFFF0];
	[tilespmem:s10+$0x0] =	vst v1  }
0x15a: {  	s4 =	sadd.s32 $0x20, s4;
	v0 =	vld.idx.msk [tilespmem:v0+s1+$0x0], $0xffff  }
0x15b: {  	v1 =	vld [tilespmem:s4+$0xFFFFFFF0];
	_ =	sdelay $0x4  }
0x15c: {  	v0 =	vmul.f32 v0, v0;
	v1 =	vadd.f32 v2, v1;
	_ =	sdelay $0x1  }
0x15d: {  	v1 =	vmul.f32 v1, v0;
	_ =	sdelay $0x1  }
0x15e: {  	[tilespmem:s19+$0xFFFFFFF0] =	vst v1;
	v1 =	vld [tilespmem:s19+$0x0]  }
0x15f: {  	v2 =	vld [tilespmem:s4+$0x0];
	_ =	sdelay $0x4  }
0x160: {  	v1 =	vadd.f32 v1, v2;
	_ =	sdelay $0x1  }
0x161: {  	v0 =	vmul.f32 v1, v0;
	_ =	sdelay $0x1  }
0x162: {  	s24 =	simm.s32 $0x50;
	[tilespmem:s19+$0x0] =	vst v0  }
0x163: {  	v0 =	vmov s24;
	[tilespmem:s13], [sflag:$0xB] =	stream.linear.gather [spmem:s29], $0xA00, $0x38;
	[tilespmem:$0x1A7E0] =	vst v63  }
0x164: {  	_ =	swait.ge [sflag:s31], $0xA00  }
0x165: {  	[sflag:s31] =	ssyncset.done $0x0  }
0x166: {  	s10 =	simm.s32 $0x10A50;
	[sflag:s31] =	ssyncadd.s32 $0xFFFFF600  }
0x167: {  	v1 =	vld [tilespmem:s10+$0xFFFFFFF0]  }
0x168: {  	s4 =	simm.s32 $0xA650;
	v0 =	vld.idx.msk [tilespmem:v0+s1+$0x0], $0xffff  }
0x169: {  	v2 =	vld [tilespmem:s4+$0xFFFFFFF0];
	_ =	sdelay $0x4  }
0x16a: {  	v3 =	vmul.f32 v0, v0;
	v0 =	vadd.f32 v1, v2;
	_ =	sdelay $0x1  }
0x16b: {  	v0 =	vmul.f32 v0, v3;
	_ =	sdelay $0x1  }
0x16c: {  	[tilespmem:s10+$0xFFFFFFF0] =	vst v0;
	v0 =	vld [tilespmem:s10+$0x0]  }
0x16d: {  	v1 =	vld [tilespmem:s4+$0x0];
	_ =	sdelay $0x3  }
0x16e: {  	s8 =	simm.s32 $0x51  }
0x16f: {  	v1 =	vadd.f32 v0, v1;
	v0 =	vmov s8;
	_ =	sdelay $0x1  }
0x170: {  	s25 =	smov.u32 s29;
	s22 =	simm.s32 $0x52;
	s19 =	simm.s32 $0x10A70;
	v1 =	vmul.f32 v1, v3  }
.LBB2_11:
0x171: {  	p1 =	sne.s32 s22, $0x9F;
	s4 =	sadd.s32 $0x20, s4  }
0x172: {  	v2 =	vld [tilespmem:s19+$0xFFFFFFF0];
	[tilespmem:s10+$0x0] =	vst v1;
	s8 =	smov.u32 s22;
	s22 =	sadd.s32 $0x1, s22;
	s10 =	smov.u32 s19  }
0x173: {  	v0 =	vld.idx.msk [tilespmem:v0+s1+$0x0], $0xffff  }
0x174: {  	v1 =	vld [tilespmem:s4+$0xFFFFFFF0];
	_ =	sdelay $0x4  }
0x175: {  	v3 =	vmul.f32 v0, v0;
	v0 =	vadd.f32 v2, v1;
	_ =	sdelay $0x1  }
0x176: {  	v0 =	vmul.f32 v0, v3;
	_ =	sdelay $0x1  }
0x177: {  	[tilespmem:s19+$0xFFFFFFF0] =	vst v0;
	v1 =	vld [tilespmem:s19+$0x0]  }
0x178: {  	v2 =	vld [tilespmem:s4+$0x0];
	_ =	sdelay $0x3  }
.Ltmp5:
0x179: {  	(pc) =	sbr.rel @p1 .LBB2_11-.Ltmp5, $3  }
0x17a: {  	v0 =	vmov s8;
	v1 =	vadd.f32 v1, v2;
	_ =	sdelay $0x1  }
0x17b: {  	v1 =	vmul.f32 v1, v3  }
0x17c: {  	s19 =	sadd.s32 $0x20, s19  }
0x17d: {  	_ =	sdelay $0x2  }
0x17e: {  	v2 =	vld [tilespmem:s19+$0xFFFFFFF0];
	[tilespmem:s10+$0x0] =	vst v1  }
0x17f: {  	s4 =	sadd.s32 $0x20, s4;
	v0 =	vld.idx.msk [tilespmem:v0+s1+$0x0], $0xffff  }
0x180: {  	v1 =	vld [tilespmem:s4+$0xFFFFFFF0];
	_ =	sdelay $0x4  }
0x181: {  	v0 =	vmul.f32 v0, v0;
	v1 =	vadd.f32 v2, v1;
	_ =	sdelay $0x1  }
0x182: {  	v1 =	vmul.f32 v1, v0;
	_ =	sdelay $0x1  }
0x183: {  	[tilespmem:s19+$0xFFFFFFF0] =	vst v1;
	v1 =	vld [tilespmem:s19+$0x0]  }
0x184: {  	v2 =	vld [tilespmem:s4+$0x0];
	_ =	sdelay $0x4  }
0x185: {  	v1 =	vadd.f32 v1, v2;
	_ =	sdelay $0x1  }
0x186: {  	v0 =	vmul.f32 v1, v0;
	_ =	sdelay $0x1  }
0x187: {  	s24 =	simm.s32 $0xA0;
	s29 =	rddreg [dreg:$0x10];
	[tilespmem:s19+$0x0] =	vst v0  }
0x188: {  	v0 =	vmov s24;
	[tilespmem:s6], [sflag:$0xB] =	stream.linear.gather [spmem:s29], $0xA00, $0x38;
	[tilespmem:$0x1A7E0] =	vst v63  }
0x189: {  	_ =	swait.ge [sflag:s31], $0xA00  }
0x18a: {  	[sflag:s31] =	ssyncset.done $0x0  }
0x18b: {  	s10 =	simm.s32 $0x11450;
	[sflag:s31] =	ssyncadd.s32 $0xFFFFF600  }
0x18c: {  	v1 =	vld [tilespmem:s10+$0xFFFFFFF0]  }
0x18d: {  	s4 =	simm.s32 $0xB050;
	v0 =	vld.idx.msk [tilespmem:v0+s1+$0x0], $0xffff  }
0x18e: {  	v2 =	vld [tilespmem:s4+$0xFFFFFFF0];
	_ =	sdelay $0x4  }
0x18f: {  	v3 =	vmul.f32 v0, v0;
	v0 =	vadd.f32 v1, v2;
	_ =	sdelay $0x1  }
0x190: {  	v0 =	vmul.f32 v0, v3;
	_ =	sdelay $0x1  }
0x191: {  	[tilespmem:s10+$0xFFFFFFF0] =	vst v0;
	v0 =	vld [tilespmem:s10+$0x0]  }
0x192: {  	v1 =	vld [tilespmem:s4+$0x0];
	_ =	sdelay $0x3  }
0x193: {  	s8 =	simm.s32 $0xA1  }
0x194: {  	v1 =	vadd.f32 v0, v1;
	v0 =	vmov s8;
	_ =	sdelay $0x1  }
0x195: {  	s22 =	simm.s32 $0xA2;
	s19 =	simm.s32 $0x11470;
	v1 =	vmul.f32 v1, v3  }
.LBB2_13:
0x196: {  	p1 =	sne.s32 s22, $0xEF;
	s4 =	sadd.s32 $0x20, s4  }
0x197: {  	v2 =	vld [tilespmem:s19+$0xFFFFFFF0];
	[tilespmem:s10+$0x0] =	vst v1;
	s8 =	smov.u32 s22;
	s22 =	sadd.s32 $0x1, s22;
	s10 =	smov.u32 s19  }
0x198: {  	v0 =	vld.idx.msk [tilespmem:v0+s1+$0x0], $0xffff  }
0x199: {  	v1 =	vld [tilespmem:s4+$0xFFFFFFF0];
	_ =	sdelay $0x4  }
0x19a: {  	v3 =	vmul.f32 v0, v0;
	v0 =	vadd.f32 v2, v1;
	_ =	sdelay $0x1  }
0x19b: {  	v0 =	vmul.f32 v0, v3;
	_ =	sdelay $0x1  }
0x19c: {  	[tilespmem:s19+$0xFFFFFFF0] =	vst v0;
	v1 =	vld [tilespmem:s19+$0x0]  }
0x19d: {  	v2 =	vld [tilespmem:s4+$0x0];
	_ =	sdelay $0x3  }
.Ltmp6:
0x19e: {  	(pc) =	sbr.rel @p1 .LBB2_13-.Ltmp6, $3  }
0x19f: {  	v0 =	vmov s8;
	v1 =	vadd.f32 v1, v2;
	_ =	sdelay $0x1  }
0x1a0: {  	v1 =	vmul.f32 v1, v3  }
0x1a1: {  	s19 =	sadd.s32 $0x20, s19  }
0x1a2: {  	_ =	sdelay $0x2  }
0x1a3: {  	v2 =	vld [tilespmem:s19+$0xFFFFFFF0];
	[tilespmem:s10+$0x0] =	vst v1  }
0x1a4: {  	s4 =	sadd.s32 $0x20, s4;
	v0 =	vld.idx.msk [tilespmem:v0+s1+$0x0], $0xffff  }
0x1a5: {  	v1 =	vld [tilespmem:s4+$0xFFFFFFF0];
	_ =	sdelay $0x4  }
0x1a6: {  	v0 =	vmul.f32 v0, v0;
	v1 =	vadd.f32 v2, v1;
	_ =	sdelay $0x1  }
0x1a7: {  	v1 =	vmul.f32 v1, v0;
	_ =	sdelay $0x1  }
0x1a8: {  	[tilespmem:s19+$0xFFFFFFF0] =	vst v1;
	v1 =	vld [tilespmem:s19+$0x0]  }
0x1a9: {  	v2 =	vld [tilespmem:s4+$0x0];
	_ =	sdelay $0x4  }
0x1aa: {  	v1 =	vadd.f32 v1, v2;
	_ =	sdelay $0x1  }
0x1ab: {  	v0 =	vmul.f32 v1, v0;
	_ =	sdelay $0x1  }
0x1ac: {  	s23 =	simm.s32 $0xF0;
	s8 =	rddreg [dreg:$0x13];
	s9 =	simm.s32 $0xBA40;
	[tilespmem:s19+$0x0] =	vst v0  }
0x1ad: {  	v0 =	vmov s23;
	[tilespmem:s9], [sflag:$0xB] =	stream.linear.gather [spmem:s8], $0xA00, $0x38;
	[tilespmem:$0x1A7E0] =	vst v63  }
0x1ae: {  	_ =	swait.ge [sflag:s31], $0xA00  }
0x1af: {  	[sflag:s31] =	ssyncset.done $0x0  }
0x1b0: {  	s10 =	simm.s32 $0x11E50;
	[sflag:s31] =	ssyncadd.s32 $0xFFFFF600  }
0x1b1: {  	v1 =	vld [tilespmem:s10+$0xFFFFFFF0]  }
0x1b2: {  	s4 =	simm.s32 $0xBA50;
	v0 =	vld.idx.msk [tilespmem:v0+s1+$0x0], $0xffff  }
0x1b3: {  	v2 =	vld [tilespmem:s4+$0xFFFFFFF0];
	_ =	sdelay $0x4  }
0x1b4: {  	v3 =	vmul.f32 v0, v0;
	v0 =	vadd.f32 v1, v2;
	_ =	sdelay $0x1  }
0x1b5: {  	v0 =	vmul.f32 v0, v3;
	_ =	sdelay $0x1  }
0x1b6: {  	[tilespmem:s10+$0xFFFFFFF0] =	vst v0;
	v0 =	vld [tilespmem:s10+$0x0]  }
0x1b7: {  	v1 =	vld [tilespmem:s4+$0x0];
	_ =	sdelay $0x3  }
0x1b8: {  	s24 =	simm.s32 $0xF1  }
0x1b9: {  	v1 =	vadd.f32 v0, v1;
	v0 =	vmov s24;
	_ =	sdelay $0x1  }
0x1ba: {  	s22 =	simm.s32 $0xF2;
	s19 =	simm.s32 $0x11E70;
	v1 =	vmul.f32 v1, v3  }
.LBB2_15:
0x1bb: {  	p1 =	sne.s32 s22, $0x13F;
	s4 =	sadd.s32 $0x20, s4  }
0x1bc: {  	v2 =	vld [tilespmem:s19+$0xFFFFFFF0];
	[tilespmem:s10+$0x0] =	vst v1;
	s8 =	smov.u32 s22;
	s22 =	sadd.s32 $0x1, s22;
	s10 =	smov.u32 s19  }
0x1bd: {  	v0 =	vld.idx.msk [tilespmem:v0+s1+$0x0], $0xffff  }
0x1be: {  	v1 =	vld [tilespmem:s4+$0xFFFFFFF0];
	_ =	sdelay $0x4  }
0x1bf: {  	v3 =	vmul.f32 v0, v0;
	v0 =	vadd.f32 v2, v1;
	_ =	sdelay $0x1  }
0x1c0: {  	v0 =	vmul.f32 v0, v3;
	_ =	sdelay $0x1  }
0x1c1: {  	[tilespmem:s19+$0xFFFFFFF0] =	vst v0;
	v1 =	vld [tilespmem:s19+$0x0]  }
0x1c2: {  	v2 =	vld [tilespmem:s4+$0x0];
	_ =	sdelay $0x3  }
.Ltmp7:
0x1c3: {  	(pc) =	sbr.rel @p1 .LBB2_15-.Ltmp7, $3  }
0x1c4: {  	v0 =	vmov s8;
	v1 =	vadd.f32 v1, v2;
	_ =	sdelay $0x1  }
0x1c5: {  	v1 =	vmul.f32 v1, v3  }
0x1c6: {  	s19 =	sadd.s32 $0x20, s19  }
0x1c7: {  	_ =	sdelay $0x2  }
0x1c8: {  	v2 =	vld [tilespmem:s19+$0xFFFFFFF0];
	[tilespmem:s10+$0x0] =	vst v1  }
0x1c9: {  	s4 =	sadd.s32 $0x20, s4;
	v0 =	vld.idx.msk [tilespmem:v0+s1+$0x0], $0xffff  }
0x1ca: {  	v1 =	vld [tilespmem:s4+$0xFFFFFFF0];
	_ =	sdelay $0x4  }
0x1cb: {  	v0 =	vmul.f32 v0, v0;
	v1 =	vadd.f32 v2, v1;
	_ =	sdelay $0x1  }
0x1cc: {  	v1 =	vmul.f32 v1, v0;
	_ =	sdelay $0x1  }
0x1cd: {  	[tilespmem:s19+$0xFFFFFFF0] =	vst v1;
	v1 =	vld [tilespmem:s19+$0x0]  }
0x1ce: {  	v2 =	vld [tilespmem:s4+$0x0];
	_ =	sdelay $0x4  }
0x1cf: {  	v1 =	vadd.f32 v1, v2;
	_ =	sdelay $0x1  }
0x1d0: {  	v0 =	vmul.f32 v1, v0;
	_ =	sdelay $0x1  }
0x1d1: {  	s23 =	simm.s32 $0x140;
	s8 =	rddreg [dreg:$0x14];
	[tilespmem:s19+$0x0] =	vst v0  }
0x1d2: {  	v0 =	vmov s23;
	[tilespmem:s11], [sflag:$0xB] =	stream.linear.gather [spmem:s8], $0xA00, $0x38;
	[tilespmem:$0x1A7E0] =	vst v63  }
0x1d3: {  	_ =	swait.ge [sflag:s31], $0xA00  }
0x1d4: {  	[sflag:s31] =	ssyncset.done $0x0  }
0x1d5: {  	s10 =	simm.s32 $0x12850;
	[sflag:s31] =	ssyncadd.s32 $0xFFFFF600  }
0x1d6: {  	v1 =	vld [tilespmem:s10+$0xFFFFFFF0]  }
0x1d7: {  	s4 =	simm.s32 $0xC450;
	v0 =	vld.idx.msk [tilespmem:v0+s1+$0x0], $0xffff  }
0x1d8: {  	v2 =	vld [tilespmem:s4+$0xFFFFFFF0];
	_ =	sdelay $0x4  }
0x1d9: {  	v3 =	vmul.f32 v0, v0;
	v0 =	vadd.f32 v1, v2;
	_ =	sdelay $0x1  }
0x1da: {  	v0 =	vmul.f32 v0, v3;
	_ =	sdelay $0x1  }
0x1db: {  	[tilespmem:s10+$0xFFFFFFF0] =	vst v0;
	v0 =	vld [tilespmem:s10+$0x0]  }
0x1dc: {  	v1 =	vld [tilespmem:s4+$0x0];
	_ =	sdelay $0x3  }
0x1dd: {  	s24 =	simm.s32 $0x141  }
0x1de: {  	v1 =	vadd.f32 v0, v1;
	v0 =	vmov s24;
	_ =	sdelay $0x1  }
0x1df: {  	s22 =	simm.s32 $0x142;
	s19 =	simm.s32 $0x12870;
	v1 =	vmul.f32 v1, v3  }
.LBB2_17:
0x1e0: {  	p1 =	sne.s32 s22, $0x18F;
	s4 =	sadd.s32 $0x20, s4  }
0x1e1: {  	v2 =	vld [tilespmem:s19+$0xFFFFFFF0];
	[tilespmem:s10+$0x0] =	vst v1;
	s8 =	smov.u32 s22;
	s22 =	sadd.s32 $0x1, s22;
	s10 =	smov.u32 s19  }
0x1e2: {  	v0 =	vld.idx.msk [tilespmem:v0+s1+$0x0], $0xffff  }
0x1e3: {  	v1 =	vld [tilespmem:s4+$0xFFFFFFF0];
	_ =	sdelay $0x4  }
0x1e4: {  	v3 =	vmul.f32 v0, v0;
	v0 =	vadd.f32 v2, v1;
	_ =	sdelay $0x1  }
0x1e5: {  	v0 =	vmul.f32 v0, v3;
	_ =	sdelay $0x1  }
0x1e6: {  	[tilespmem:s19+$0xFFFFFFF0] =	vst v0;
	v1 =	vld [tilespmem:s19+$0x0]  }
0x1e7: {  	v2 =	vld [tilespmem:s4+$0x0];
	_ =	sdelay $0x3  }
.Ltmp8:
0x1e8: {  	(pc) =	sbr.rel @p1 .LBB2_17-.Ltmp8, $3  }
0x1e9: {  	v0 =	vmov s8;
	v1 =	vadd.f32 v1, v2;
	_ =	sdelay $0x1  }
0x1ea: {  	v1 =	vmul.f32 v1, v3  }
0x1eb: {  	s19 =	sadd.s32 $0x20, s19  }
0x1ec: {  	_ =	sdelay $0x2  }
0x1ed: {  	v2 =	vld [tilespmem:s19+$0xFFFFFFF0];
	[tilespmem:s10+$0x0] =	vst v1  }
0x1ee: {  	s4 =	sadd.s32 $0x20, s4;
	v0 =	vld.idx.msk [tilespmem:v0+s1+$0x0], $0xffff  }
0x1ef: {  	v1 =	vld [tilespmem:s4+$0xFFFFFFF0];
	_ =	sdelay $0x4  }
0x1f0: {  	v0 =	vmul.f32 v0, v0;
	v1 =	vadd.f32 v2, v1;
	_ =	sdelay $0x1  }
0x1f1: {  	v1 =	vmul.f32 v1, v0;
	_ =	sdelay $0x1  }
0x1f2: {  	[tilespmem:s19+$0xFFFFFFF0] =	vst v1;
	v1 =	vld [tilespmem:s19+$0x0]  }
0x1f3: {  	v2 =	vld [tilespmem:s4+$0x0];
	_ =	sdelay $0x4  }
0x1f4: {  	v1 =	vadd.f32 v1, v2;
	_ =	sdelay $0x1  }
0x1f5: {  	v0 =	vmul.f32 v1, v0;
	_ =	sdelay $0x1  }
0x1f6: {  	s23 =	simm.s32 $0x190;
	s8 =	rddreg [dreg:$0x15];
	s9 =	simm.s32 $0xCE40;
	[tilespmem:s19+$0x0] =	vst v0  }
0x1f7: {  	v0 =	vmov s23;
	[tilespmem:s9], [sflag:$0xB] =	stream.linear.gather [spmem:s8], $0xA00, $0x38;
	[tilespmem:$0x1A7E0] =	vst v63  }
0x1f8: {  	_ =	swait.ge [sflag:s31], $0xA00  }
0x1f9: {  	[sflag:s31] =	ssyncset.done $0x0  }
0x1fa: {  	s10 =	simm.s32 $0x13250;
	[sflag:s31] =	ssyncadd.s32 $0xFFFFF600  }
0x1fb: {  	v1 =	vld [tilespmem:s10+$0xFFFFFFF0]  }
0x1fc: {  	s4 =	simm.s32 $0xCE50;
	v0 =	vld.idx.msk [tilespmem:v0+s1+$0x0], $0xffff  }
0x1fd: {  	v2 =	vld [tilespmem:s4+$0xFFFFFFF0];
	_ =	sdelay $0x4  }
0x1fe: {  	v3 =	vmul.f32 v0, v0;
	v0 =	vadd.f32 v1, v2;
	_ =	sdelay $0x1  }
0x1ff: {  	v0 =	vmul.f32 v0, v3;
	_ =	sdelay $0x1  }
0x200: {  	[tilespmem:s10+$0xFFFFFFF0] =	vst v0;
	v0 =	vld [tilespmem:s10+$0x0]  }
0x201: {  	v1 =	vld [tilespmem:s4+$0x0];
	_ =	sdelay $0x3  }
0x202: {  	s24 =	simm.s32 $0x191  }
0x203: {  	v1 =	vadd.f32 v0, v1;
	v0 =	vmov s24;
	_ =	sdelay $0x1  }
0x204: {  	s22 =	simm.s32 $0x192;
	s19 =	simm.s32 $0x13270;
	v1 =	vmul.f32 v1, v3  }
.LBB2_19:
0x205: {  	p1 =	sne.s32 s22, $0x1DF;
	s4 =	sadd.s32 $0x20, s4  }
0x206: {  	v2 =	vld [tilespmem:s19+$0xFFFFFFF0];
	[tilespmem:s10+$0x0] =	vst v1;
	s8 =	smov.u32 s22;
	s22 =	sadd.s32 $0x1, s22;
	s10 =	smov.u32 s19  }
0x207: {  	v0 =	vld.idx.msk [tilespmem:v0+s1+$0x0], $0xffff  }
0x208: {  	v1 =	vld [tilespmem:s4+$0xFFFFFFF0];
	_ =	sdelay $0x4  }
0x209: {  	v3 =	vmul.f32 v0, v0;
	v0 =	vadd.f32 v2, v1;
	_ =	sdelay $0x1  }
0x20a: {  	v0 =	vmul.f32 v0, v3;
	_ =	sdelay $0x1  }
0x20b: {  	[tilespmem:s19+$0xFFFFFFF0] =	vst v0;
	v1 =	vld [tilespmem:s19+$0x0]  }
0x20c: {  	v2 =	vld [tilespmem:s4+$0x0];
	_ =	sdelay $0x3  }
.Ltmp9:
0x20d: {  	(pc) =	sbr.rel @p1 .LBB2_19-.Ltmp9, $3  }
0x20e: {  	v0 =	vmov s8;
	v1 =	vadd.f32 v1, v2;
	_ =	sdelay $0x1  }
0x20f: {  	v1 =	vmul.f32 v1, v3  }
0x210: {  	s19 =	sadd.s32 $0x20, s19  }
0x211: {  	_ =	sdelay $0x2  }
0x212: {  	v2 =	vld [tilespmem:s19+$0xFFFFFFF0];
	[tilespmem:s10+$0x0] =	vst v1  }
0x213: {  	s4 =	sadd.s32 $0x20, s4;
	v0 =	vld.idx.msk [tilespmem:v0+s1+$0x0], $0xffff  }
0x214: {  	v1 =	vld [tilespmem:s4+$0xFFFFFFF0];
	_ =	sdelay $0x4  }
0x215: {  	v0 =	vmul.f32 v0, v0;
	v1 =	vadd.f32 v2, v1;
	_ =	sdelay $0x1  }
0x216: {  	v1 =	vmul.f32 v1, v0;
	_ =	sdelay $0x1  }
0x217: {  	[tilespmem:s19+$0xFFFFFFF0] =	vst v1;
	v1 =	vld [tilespmem:s19+$0x0]  }
0x218: {  	v2 =	vld [tilespmem:s4+$0x0];
	_ =	sdelay $0x4  }
0x219: {  	v1 =	vadd.f32 v1, v2;
	_ =	sdelay $0x1  }
0x21a: {  	v0 =	vmul.f32 v1, v0;
	_ =	sdelay $0x1  }
0x21b: {  	s23 =	simm.s32 $0x1E0;
	s8 =	rddreg [dreg:$0x16];
	[tilespmem:s19+$0x0] =	vst v0  }
0x21c: {  	v0 =	vmov s23;
	[tilespmem:s7], [sflag:$0xB] =	stream.linear.gather [spmem:s8], $0xA00, $0x38;
	[tilespmem:$0x1A7E0] =	vst v63  }
0x21d: {  	_ =	swait.ge [sflag:s31], $0xA00  }
0x21e: {  	[sflag:s31] =	ssyncset.done $0x0  }
0x21f: {  	s10 =	simm.s32 $0x13C50;
	[sflag:s31] =	ssyncadd.s32 $0xFFFFF600  }
0x220: {  	v1 =	vld [tilespmem:s10+$0xFFFFFFF0]  }
0x221: {  	s4 =	simm.s32 $0xD850;
	v0 =	vld.idx.msk [tilespmem:v0+s1+$0x0], $0xffff  }
0x222: {  	v2 =	vld [tilespmem:s4+$0xFFFFFFF0];
	_ =	sdelay $0x4  }
0x223: {  	v3 =	vmul.f32 v0, v0;
	v0 =	vadd.f32 v1, v2;
	_ =	sdelay $0x1  }
0x224: {  	v0 =	vmul.f32 v0, v3;
	_ =	sdelay $0x1  }
0x225: {  	[tilespmem:s10+$0xFFFFFFF0] =	vst v0;
	v0 =	vld [tilespmem:s10+$0x0]  }
0x226: {  	v1 =	vld [tilespmem:s4+$0x0];
	_ =	sdelay $0x3  }
0x227: {  	s24 =	simm.s32 $0x1E1  }
0x228: {  	v1 =	vadd.f32 v0, v1;
	v0 =	vmov s24;
	_ =	sdelay $0x1  }
0x229: {  	s22 =	simm.s32 $0x1E2;
	s19 =	simm.s32 $0x13C70;
	v1 =	vmul.f32 v1, v3  }
.LBB2_21:
0x22a: {  	p1 =	sne.s32 s22, $0x22F;
	s4 =	sadd.s32 $0x20, s4  }
0x22b: {  	v2 =	vld [tilespmem:s19+$0xFFFFFFF0];
	[tilespmem:s10+$0x0] =	vst v1;
	s8 =	smov.u32 s22;
	s22 =	sadd.s32 $0x1, s22;
	s10 =	smov.u32 s19  }
0x22c: {  	v0 =	vld.idx.msk [tilespmem:v0+s1+$0x0], $0xffff  }
0x22d: {  	v1 =	vld [tilespmem:s4+$0xFFFFFFF0];
	_ =	sdelay $0x4  }
0x22e: {  	v3 =	vmul.f32 v0, v0;
	v0 =	vadd.f32 v2, v1;
	_ =	sdelay $0x1  }
0x22f: {  	v0 =	vmul.f32 v0, v3;
	_ =	sdelay $0x1  }
0x230: {  	[tilespmem:s19+$0xFFFFFFF0] =	vst v0;
	v1 =	vld [tilespmem:s19+$0x0]  }
0x231: {  	v2 =	vld [tilespmem:s4+$0x0];
	_ =	sdelay $0x3  }
.Ltmp10:
0x232: {  	(pc) =	sbr.rel @p1 .LBB2_21-.Ltmp10, $3  }
0x233: {  	v0 =	vmov s8;
	v1 =	vadd.f32 v1, v2;
	_ =	sdelay $0x1  }
0x234: {  	v1 =	vmul.f32 v1, v3  }
0x235: {  	s19 =	sadd.s32 $0x20, s19  }
0x236: {  	_ =	sdelay $0x2  }
0x237: {  	v2 =	vld [tilespmem:s19+$0xFFFFFFF0];
	[tilespmem:s10+$0x0] =	vst v1  }
0x238: {  	s4 =	sadd.s32 $0x20, s4;
	v0 =	vld.idx.msk [tilespmem:v0+s1+$0x0], $0xffff  }
0x239: {  	v1 =	vld [tilespmem:s4+$0xFFFFFFF0];
	_ =	sdelay $0x4  }
0x23a: {  	v0 =	vmul.f32 v0, v0;
	v1 =	vadd.f32 v2, v1;
	_ =	sdelay $0x1  }
0x23b: {  	v1 =	vmul.f32 v1, v0;
	_ =	sdelay $0x1  }
0x23c: {  	[tilespmem:s19+$0xFFFFFFF0] =	vst v1;
	v1 =	vld [tilespmem:s19+$0x0]  }
0x23d: {  	v2 =	vld [tilespmem:s4+$0x0];
	_ =	sdelay $0x4  }
0x23e: {  	v1 =	vadd.f32 v1, v2;
	_ =	sdelay $0x1  }
0x23f: {  	v0 =	vmul.f32 v1, v0;
	_ =	sdelay $0x1  }
0x240: {  	s8 =	simm.s32 $0x230;
	s9 =	rddreg [dreg:$0x17];
	s4 =	simm.s32 $0xE240;
	[tilespmem:s19+$0x0] =	vst v0  }
0x241: {  	v0 =	vmov s8;
	[tilespmem:s4], [sflag:$0xB] =	stream.linear.gather [spmem:s9], $0xA00, $0x38;
	[tilespmem:$0x1A7E0] =	vst v63  }
0x242: {  	_ =	swait.ge [sflag:s31], $0xA00  }
0x243: {  	[sflag:s31] =	ssyncset.done $0x0  }
0x244: {  	s19 =	simm.s32 $0x14640;
	[sflag:s31] =	ssyncadd.s32 $0xFFFFF600  }
0x245: {  	v1 =	vld [tilespmem:s19+$0x0]  }
0x246: {  	v0 =	vld.idx.msk [tilespmem:v0+s1+$0x0], $0xffff  }
0x247: {  	v2 =	vld [tilespmem:s4+$0x0];
	_ =	sdelay $0x4  }
0x248: {  	v3 =	vmul.f32 v0, v0;
	v0 =	vadd.f32 v1, v2;
	_ =	sdelay $0x1  }
0x249: {  	v0 =	vmul.f32 v0, v3;
	_ =	sdelay $0x1  }
0x24a: {  	[tilespmem:s19+$0x0] =	vst v0;
	v0 =	vld [tilespmem:s19+$0x10]  }
0x24b: {  	v1 =	vld [tilespmem:s4+$0x10];
	_ =	sdelay $0x3  }
0x24c: {  	s24 =	simm.s32 $0x231  }
0x24d: {  	v1 =	vadd.f32 v0, v1;
	v0 =	vmov s24;
	_ =	sdelay $0x1  }
0x24e: {  	s22 =	simm.s32 $0x232;
	s10 =	simm.s32 $0x14660;
	v1 =	vmul.f32 v1, v3  }
.LBB2_23:
0x24f: {  	p1 =	sne.s32 s22, $0x27F;
	s4 =	sadd.s32 $0x20, s4  }
0x250: {  	v2 =	vld [tilespmem:s10+$0x0];
	[tilespmem:s19+$0x10] =	vst v1;
	s8 =	smov.u32 s22;
	s22 =	sadd.s32 $0x1, s22;
	s19 =	smov.u32 s10  }
0x251: {  	v0 =	vld.idx.msk [tilespmem:v0+s1+$0x0], $0xffff  }
0x252: {  	v1 =	vld [tilespmem:s4+$0x0];
	_ =	sdelay $0x4  }
0x253: {  	v3 =	vmul.f32 v0, v0;
	v0 =	vadd.f32 v2, v1;
	_ =	sdelay $0x1  }
0x254: {  	v0 =	vmul.f32 v0, v3;
	_ =	sdelay $0x1  }
0x255: {  	[tilespmem:s10+$0x0] =	vst v0;
	v1 =	vld [tilespmem:s10+$0x10]  }
0x256: {  	v2 =	vld [tilespmem:s4+$0x10];
	_ =	sdelay $0x3  }
.Ltmp11:
0x257: {  	(pc) =	sbr.rel @p1 .LBB2_23-.Ltmp11, $3  }
0x258: {  	v0 =	vmov s8;
	v1 =	vadd.f32 v1, v2;
	_ =	sdelay $0x1  }
0x259: {  	v1 =	vmul.f32 v1, v3  }
0x25a: {  	s10 =	sadd.s32 $0x20, s10  }
0x25b: {  	_ =	sdelay $0x2  }
0x25c: {  	v2 =	vld [tilespmem:s10+$0x0];
	[tilespmem:s19+$0x10] =	vst v1  }
0x25d: {  	s4 =	sadd.s32 $0x20, s4;
	v0 =	vld.idx.msk [tilespmem:v0+s1+$0x0], $0xffff  }
0x25e: {  	v1 =	vld [tilespmem:s4+$0x0];
	_ =	sdelay $0x4  }
0x25f: {  	v0 =	vmul.f32 v0, v0;
	v1 =	vadd.f32 v2, v1;
	_ =	sdelay $0x1  }
0x260: {  	v1 =	vmul.f32 v1, v0;
	_ =	sdelay $0x1  }
0x261: {  	v63 =	vld [tilespmem:s10+$0x10];
	[tilespmem:s10+$0x0] =	vst v1  }
0x262: {  	v1 =	vld [tilespmem:s4+$0x10];
	_ =	sdelay $0x4  }
0x263: {  	v1 =	vadd.f32 v63, v1;
	_ =	sdelay $0x1  }
0x264: {  	v0 =	vmul.f32 v1, v0  }
0x265: {  	s8 =	rddreg [dreg:$0x1b]  }
0x266: {  	[tilespmem:s10+$0x10] =	vst v0;
	s10 =	rddreg [dreg:$0x9]  }
0x267: {  	[spmem:s16], [sflag:s8] =	dma.local [hbm:s10], $0xA00  }
0x268: {  	_ =	swait.ge [sflag:s31], $0xA00  }
0x269: {  	s9 =	simm.s32 $0x0;
	[sflag:s31] =	ssyncset.done $0x0  }
0x26a: {  	s19 =	simm.s32 $0x10040;
	s16 =	rddreg [dreg:$0xf];
	[sflag:s31] =	ssyncadd.s32 $0xFFFFF600  }
0x26b: {  	[hbm4b:s16+s9] =	stream.linear.scatter [tilespmem:s19], [sflag:$0xB], $0x5000, $0x38;
	[tilespmem:$0x1A7E0] =	vst v63  }
0x26c: {  	_ =	swait.ge [sflag:s31], $0x5000  }
0x26d: {  	[sflag:s31] =	ssyncset.done $0x0  }
0x26e: {  	[sflag:s31] =	ssyncadd.s32 $0xFFFFB000  }
0x26f: {  	[bflag:$0x0] =	sbarrier.arrive $0xFFFF  }
0x270: {  	[tilespmem:s3], [sflag:$0x1] =	stream.indirect.gather [hbm4b:s18+s0], $0x20, s9, s0, $0xb8;
	[tilespmem:$0x1A7E0] =	vst v63  }
0x271: {  	_ = 	snop  }
0x272: {  	[tilespmem:s13], [sflag:$0x2] =	stream.indirect.gather [hbm4b:s18+s0], $0x20, s0, s0, $0xb8;
	[tilespmem:$0x1A7E0] =	vst v63  }
0x273: {  	s22 =	simm.s32 $0xA0  }
0x274: {  	[tilespmem:s6], [sflag:$0x3] =	stream.indirect.gather [hbm4b:s18+s0], $0x20, s22, s0, $0xb8;
	[tilespmem:$0x1A7E0] =	vst v63  }
0x275: {  	s23 =	simm.s32 $0xF0;
	s24 =	simm.s32 $0xBA40  }
0x276: {  	[tilespmem:s24], [sflag:$0x4] =	stream.indirect.gather [hbm4b:s18+s0], $0x20, s23, s0, $0xb8;
	[tilespmem:$0x1A7E0] =	vst v63  }
0x277: {  	s8 =	simm.s32 $0x140  }
0x278: {  	[tilespmem:s11], [sflag:$0x5] =	stream.indirect.gather [hbm4b:s18+s0], $0x20, s8, s0, $0xb8;
	[tilespmem:$0x1A7E0] =	vst v63  }
0x279: {  	s10 =	simm.s32 $0x190;
	s13 =	simm.s32 $0xCE40  }
0x27a: {  	[tilespmem:s13], [sflag:$0x6] =	stream.indirect.gather [hbm4b:s18+s0], $0x20, s10, s0, $0xb8;
	[tilespmem:$0x1A7E0] =	vst v63  }
0x27b: {  	s16 =	simm.s32 $0x1E0  }
0x27c: {  	[tilespmem:s7], [sflag:$0x7] =	stream.indirect.gather [hbm4b:s18+s0], $0x20, s16, s0, $0xb8;
	[tilespmem:$0x1A7E0] =	vst v63  }
0x27d: {  	s19 =	simm.s32 $0x230;
	s22 =	simm.s32 $0xE240  }
0x27e: {  	[tilespmem:s22], [sflag:$0x8] =	stream.indirect.gather [hbm4b:s18+s0], $0x20, s19, s0, $0xb8;
	[tilespmem:$0x1A7E0] =	vst v63  }
0x27f: {  	s23 =	simm.s32 $0x280  }
0x280: {  	[tilespmem:s17], [sflag:$0x9] =	stream.indirect.gather [hbm4b:s18+s0], $0x20, s23, s0, $0xb8;
	[tilespmem:$0x1A7E0] =	vst v63  }
0x281: {  	s24 =	simm.s32 $0x2D0  }
0x282: {  	[tilespmem:s14], [sflag:$0xA] =	stream.indirect.gather [hbm4b:s18+s0], $0x20, s24, s0, $0xb8;
	[tilespmem:$0x1A7E0] =	vst v63  }
.LBB2_25:
0x283: {  	_ =	swait.ge [sflag:s20], $0xA00  }
0x284: {  	s16 =	sshra.s32 s9, $0x2;
	[sflag:s20] =	ssyncset.done $0x0  }
0x285: {  	s4 =	sadd.s32 $0x4E20, s16;
	[sflag:s20] =	ssyncadd.s32 $0xFFFFF600  }
0x286: {  	[spmem:s2] =	stream.indirect.scatter.add.f32 [tilespmem:s3], [sflag:$0xB], $0x20, s4, s0, $0xb8;
	[tilespmem:$0x1A7E0] =	vst v63  }
0x287: {  	_ =	swait.ge [sflag:s31], $0xA00  }
0x288: {  	p1 =	seq.s32 s9, $0x12C00;
	[sflag:s31] =	ssyncset.done $0x0  }
0x289: {  	s4 =	simm.s32 @p1 $0x2;
	[sflag:s31] =	ssyncadd.s32 $0xFFFFF600  }
0x28a: {  	s22 =	sshra.s32 @p1 s9, $0x2;
	_ =	swait.ge @p1 [sflag:s4], $0xA00  }
0x28b: {  	s23 =	simm.s32 @p1 $0x50;
	s8 =	simm.s32 @p1 $0xA640;
	[sflag:s4] =	ssyncset.done @p1 $0x0  }
0x28c: {  	s24 =	simm.s32 @p1 $0xB;
	[sflag:s4] =	ssyncadd.s32 @p1 $0xFFFFF600;
	s4 =	sadd.s32 @p1 $0x4E70, s22  }
0x28d: {  	[spmem:s2] =	stream.indirect.scatter.add.f32 @p1 [tilespmem:s8], [sflag:$0xB], $0x20, s4, s23, $0xb8;
	[tilespmem:$0x1A7E0] =	vst v63  }
0x28e: {  	_ =	swait.ge @p1 [sflag:s24], $0xA00  }
0x28f: {  	s19 =	simm.s32 @!p1 $0x50;
	s4 =	sshra.s32 @!p1 s9, $0x2;
	[sflag:s24] =	ssyncset.done @p1 $0x0  }
0x290: {  	s10 =	simm.s32 @!p1 $0x9C40;
	s8 =	sadd.s32 @!p1 $0x320, s4;
	[sflag:s24] =	ssyncadd.s32 @p1 $0xFFFFF600  }
0x291: {  	[tilespmem:s10], [sflag:$0x1] =	stream.indirect.gather @!p1 [hbm4b:s18+s19], $0x20, s8, s19, $0xb8;
	[tilespmem:$0x1A7E0] =	vst v63  }
0x292: {  	s8 =	simm.s32 @!p1 $0x2  }
0x293: {  	_ =	swait.ge @!p1 [sflag:s8], $0xA00  }
0x294: {  	s13 =	simm.s32 @!p1 $0xA640;
	[sflag:s8] =	ssyncset.done @!p1 $0x0  }
0x295: {  	s10 =	simm.s32 @!p1 $0xB;
	[sflag:s8] =	ssyncadd.s32 @!p1 $0xFFFFF600;
	s8 =	sadd.s32 @!p1 $0x4E70, s4  }
0x296: {  	[spmem:s2] =	stream.indirect.scatter.add.f32 @!p1 [tilespmem:s13], [sflag:$0xB], $0x20, s8, s19, $0xb8;
	[tilespmem:$0x1A7E0] =	vst v63  }
0x297: {  	_ =	swait.ge @!p1 [sflag:s10], $0xA00  }
0x298: {  	[sflag:s10] =	ssyncset.done @!p1 $0x0  }
0x299: {  	s8 =	sadd.s32 @!p1 $0x370, s4;
	[sflag:s10] =	ssyncadd.s32 @!p1 $0xFFFFF600  }
0x29a: {  	[tilespmem:s13], [sflag:$0x2] =	stream.indirect.gather @!p1 [hbm4b:s18+s19], $0x20, s8, s19, $0xb8;
	[tilespmem:$0x1A7E0] =	vst v63  }
0x29b: {  	_ =	swait.ge [sflag:s30], $0xA00  }
0x29c: {  	[sflag:s30] =	ssyncset.done $0x0  }
0x29d: {  	s13 =	sadd.s32 $0x4EC0, s16;
	[sflag:s30] =	ssyncadd.s32 $0xFFFFF600  }
0x29e: {  	[spmem:s2] =	stream.indirect.scatter.add.f32 [tilespmem:s6], [sflag:$0xB], $0x20, s13, s0, $0xb8;
	[tilespmem:$0x1A7E0] =	vst v63  }
0x29f: {  	_ =	swait.ge [sflag:s31], $0xA00  }
0x2a0: {  	[sflag:s31] =	ssyncset.done $0x0  }
0x2a1: {  	s8 =	simm.s32 @p1 $0x4;
	[sflag:s31] =	ssyncadd.s32 $0xFFFFF600  }
0x2a2: {  	_ =	swait.ge @p1 [sflag:s8], $0xA00  }
0x2a3: {  	[sflag:s8] =	ssyncset.done @p1 $0x0  }
0x2a4: {  	s13 =	simm.s32 @p1 $0xBA40;
	[sflag:s8] =	ssyncadd.s32 @p1 $0xFFFFF600;
	s8 =	sadd.s32 @p1 $0x4F10, s22  }
0x2a5: {  	[spmem:s2] =	stream.indirect.scatter.add.f32 @p1 [tilespmem:s13], [sflag:$0xB], $0x20, s8, s23, $0xb8;
	[tilespmem:$0x1A7E0] =	vst v63  }
0x2a6: {  	_ =	swait.ge @p1 [sflag:s24], $0xA00  }
0x2a7: {  	[sflag:s24] =	ssyncset.done @p1 $0x0  }
0x2a8: {  	s8 =	sadd.s32 @!p1 $0x3C0, s4;
	s13 =	simm.s32 @!p1 $0xB040;
	[sflag:s24] =	ssyncadd.s32 @p1 $0xFFFFF600  }
0x2a9: {  	[tilespmem:s13], [sflag:$0x3] =	stream.indirect.gather @!p1 [hbm4b:s18+s19], $0x20, s8, s19, $0xb8;
	[tilespmem:$0x1A7E0] =	vst v63  }
0x2aa: {  	s8 =	simm.s32 @!p1 $0x4  }
0x2ab: {  	_ =	swait.ge @!p1 [sflag:s8], $0xA00  }
0x2ac: {  	[sflag:s8] =	ssyncset.done @!p1 $0x0  }
0x2ad: {  	s13 =	simm.s32 @!p1 $0xBA40;
	[sflag:s8] =	ssyncadd.s32 @!p1 $0xFFFFF600;
	s8 =	sadd.s32 @!p1 $0x4F10, s4  }
0x2ae: {  	[spmem:s2] =	stream.indirect.scatter.add.f32 @!p1 [tilespmem:s13], [sflag:$0xB], $0x20, s8, s19, $0xb8;
	[tilespmem:$0x1A7E0] =	vst v63  }
0x2af: {  	_ =	swait.ge @!p1 [sflag:s10], $0xA00  }
0x2b0: {  	[sflag:s10] =	ssyncset.done @!p1 $0x0  }
0x2b1: {  	s8 =	sadd.s32 @!p1 $0x410, s4;
	[sflag:s10] =	ssyncadd.s32 @!p1 $0xFFFFF600  }
0x2b2: {  	[tilespmem:s13], [sflag:$0x4] =	stream.indirect.gather @!p1 [hbm4b:s18+s19], $0x20, s8, s19, $0xb8;
	[tilespmem:$0x1A7E0] =	vst v63  }
0x2b3: {  	_ =	swait.ge [sflag:s21], $0xA00  }
0x2b4: {  	[sflag:s21] =	ssyncset.done $0x0  }
0x2b5: {  	s13 =	sadd.s32 $0x4F60, s16;
	[sflag:s21] =	ssyncadd.s32 $0xFFFFF600  }
0x2b6: {  	[spmem:s2] =	stream.indirect.scatter.add.f32 [tilespmem:s11], [sflag:$0xB], $0x20, s13, s0, $0xb8;
	[tilespmem:$0x1A7E0] =	vst v63  }
0x2b7: {  	_ =	swait.ge [sflag:s31], $0xA00  }
0x2b8: {  	[sflag:s31] =	ssyncset.done $0x0  }
0x2b9: {  	s8 =	simm.s32 @p1 $0x6;
	[sflag:s31] =	ssyncadd.s32 $0xFFFFF600  }
0x2ba: {  	_ =	swait.ge @p1 [sflag:s8], $0xA00  }
0x2bb: {  	[sflag:s8] =	ssyncset.done @p1 $0x0  }
0x2bc: {  	s13 =	simm.s32 @p1 $0xCE40;
	[sflag:s8] =	ssyncadd.s32 @p1 $0xFFFFF600;
	s8 =	sadd.s32 @p1 $0x4FB0, s22  }
0x2bd: {  	[spmem:s2] =	stream.indirect.scatter.add.f32 @p1 [tilespmem:s13], [sflag:$0xB], $0x20, s8, s23, $0xb8;
	[tilespmem:$0x1A7E0] =	vst v63  }
0x2be: {  	_ =	swait.ge @p1 [sflag:s24], $0xA00  }
0x2bf: {  	[sflag:s24] =	ssyncset.done @p1 $0x0  }
0x2c0: {  	s8 =	sadd.s32 @!p1 $0x460, s4;
	s13 =	simm.s32 @!p1 $0xC440;
	[sflag:s24] =	ssyncadd.s32 @p1 $0xFFFFF600  }
0x2c1: {  	[tilespmem:s13], [sflag:$0x5] =	stream.indirect.gather @!p1 [hbm4b:s18+s19], $0x20, s8, s19, $0xb8;
	[tilespmem:$0x1A7E0] =	vst v63  }
0x2c2: {  	s8 =	simm.s32 @!p1 $0x6  }
0x2c3: {  	_ =	swait.ge @!p1 [sflag:s8], $0xA00  }
0x2c4: {  	[sflag:s8] =	ssyncset.done @!p1 $0x0  }
0x2c5: {  	s13 =	simm.s32 @!p1 $0xCE40;
	[sflag:s8] =	ssyncadd.s32 @!p1 $0xFFFFF600;
	s8 =	sadd.s32 @!p1 $0x4FB0, s4  }
0x2c6: {  	[spmem:s2] =	stream.indirect.scatter.add.f32 @!p1 [tilespmem:s13], [sflag:$0xB], $0x20, s8, s19, $0xb8;
	[tilespmem:$0x1A7E0] =	vst v63  }
0x2c7: {  	_ =	swait.ge @!p1 [sflag:s10], $0xA00  }
0x2c8: {  	[sflag:s10] =	ssyncset.done @!p1 $0x0  }
0x2c9: {  	s8 =	sadd.s32 @!p1 $0x4B0, s4;
	[sflag:s10] =	ssyncadd.s32 @!p1 $0xFFFFF600  }
0x2ca: {  	[tilespmem:s13], [sflag:$0x6] =	stream.indirect.gather @!p1 [hbm4b:s18+s19], $0x20, s8, s19, $0xb8;
	[tilespmem:$0x1A7E0] =	vst v63  }
0x2cb: {  	_ =	swait.ge [sflag:s12], $0xA00  }
0x2cc: {  	[sflag:s12] =	ssyncset.done $0x0  }
0x2cd: {  	s13 =	sadd.s32 $0x5000, s16;
	[sflag:s12] =	ssyncadd.s32 $0xFFFFF600  }
0x2ce: {  	[spmem:s2] =	stream.indirect.scatter.add.f32 [tilespmem:s7], [sflag:$0xB], $0x20, s13, s0, $0xb8;
	[tilespmem:$0x1A7E0] =	vst v63  }
0x2cf: {  	_ =	swait.ge [sflag:s31], $0xA00  }
0x2d0: {  	[sflag:s31] =	ssyncset.done $0x0  }
0x2d1: {  	s8 =	simm.s32 @p1 $0x8;
	[sflag:s31] =	ssyncadd.s32 $0xFFFFF600  }
0x2d2: {  	_ =	swait.ge @p1 [sflag:s8], $0xA00  }
0x2d3: {  	[sflag:s8] =	ssyncset.done @p1 $0x0  }
0x2d4: {  	s13 =	simm.s32 @p1 $0xE240;
	[sflag:s8] =	ssyncadd.s32 @p1 $0xFFFFF600;
	s8 =	sadd.s32 @p1 $0x5050, s22  }
0x2d5: {  	[spmem:s2] =	stream.indirect.scatter.add.f32 @p1 [tilespmem:s13], [sflag:$0xB], $0x20, s8, s23, $0xb8;
	[tilespmem:$0x1A7E0] =	vst v63  }
0x2d6: {  	_ =	swait.ge @p1 [sflag:s24], $0xA00  }
0x2d7: {  	[sflag:s24] =	ssyncset.done @p1 $0x0  }
0x2d8: {  	s8 =	sadd.s32 @!p1 $0x500, s4;
	s13 =	simm.s32 @!p1 $0xD840;
	[sflag:s24] =	ssyncadd.s32 @p1 $0xFFFFF600  }
0x2d9: {  	[tilespmem:s13], [sflag:$0x7] =	stream.indirect.gather @!p1 [hbm4b:s18+s19], $0x20, s8, s19, $0xb8;
	[tilespmem:$0x1A7E0] =	vst v63  }
0x2da: {  	s8 =	simm.s32 @!p1 $0x8  }
0x2db: {  	_ =	swait.ge @!p1 [sflag:s8], $0xA00  }
0x2dc: {  	[sflag:s8] =	ssyncset.done @!p1 $0x0  }
0x2dd: {  	s13 =	simm.s32 @!p1 $0xE240;
	[sflag:s8] =	ssyncadd.s32 @!p1 $0xFFFFF600;
	s8 =	sadd.s32 @!p1 $0x5050, s4  }
0x2de: {  	[spmem:s2] =	stream.indirect.scatter.add.f32 @!p1 [tilespmem:s13], [sflag:$0xB], $0x20, s8, s19, $0xb8;
	[tilespmem:$0x1A7E0] =	vst v63  }
0x2df: {  	_ =	swait.ge @!p1 [sflag:s10], $0xA00  }
0x2e0: {  	[sflag:s10] =	ssyncset.done @!p1 $0x0  }
0x2e1: {  	s4 =	sadd.s32 @!p1 $0x550, s4;
	[sflag:s10] =	ssyncadd.s32 @!p1 $0xFFFFF600  }
0x2e2: {  	[tilespmem:s13], [sflag:$0x8] =	stream.indirect.gather @!p1 [hbm4b:s18+s19], $0x20, s4, s19, $0xb8;
	[tilespmem:$0x1A7E0] =	vst v63  }
0x2e3: {  	_ =	swait.ge [sflag:s5], $0xA00  }
0x2e4: {  	[sflag:s5] =	ssyncset.done $0x0  }
.Ltmp12:
0x2e5: {  	s24 =	sadd.s32 $0x50A0, s16;
	[sflag:s5] =	ssyncadd.s32 $0xFFFFF600;
	(pc) =	sbr.rel @p1 .LBB2_27-.Ltmp12, $4  }
0x2e6: {  	[spmem:s2] =	stream.indirect.scatter.add.f32 [tilespmem:s17], [sflag:$0xB], $0x20, s24, s0, $0xb8;
	[tilespmem:$0x1A7E0] =	vst v63  }
0x2e7: {  	_ =	swait.ge [sflag:s31], $0xA00  }
0x2e8: {  	[sflag:s31] =	ssyncset.done $0x0  }
0x2e9: {  	s4 =	sadd.s32 $0x50F0, s16;
	[sflag:s31] =	ssyncadd.s32 $0xFFFFF600  }
0x2ea: {  	s8 =	sadd.s32 $0x5A0, s16  }
0x2eb: {  	[tilespmem:s17], [sflag:$0x9] =	stream.indirect.gather [hbm4b:s18+s0], $0x20, s8, s0, $0xb8;
	[tilespmem:$0x1A7E0] =	vst v63  }
0x2ec: {  	_ =	swait.ge [sflag:s28], $0xA00  }
0x2ed: {  	[sflag:s28] =	ssyncset.done $0x0  }
0x2ee: {  	[sflag:s28] =	ssyncadd.s32 $0xFFFFF600  }
0x2ef: {  	[spmem:s2] =	stream.indirect.scatter.add.f32 [tilespmem:s14], [sflag:$0xB], $0x20, s4, s0, $0xb8;
	[tilespmem:$0x1A7E0] =	vst v63  }
.Ltmp13:
0x2f0: {  	_ = 	snop;
	(pc) =	sbr.rel .LBB2_25-.Ltmp13, $4  }
0x2f1: {  	_ =	swait.ge [sflag:s31], $0xA00  }
0x2f2: {  	[sflag:s31] =	ssyncset.done $0x0  }
0x2f3: {  	s24 =	sadd.s32 $0x5F0, s16;
	s9 =	sadd.s32 $0xC80, s9;
	[sflag:s31] =	ssyncadd.s32 $0xFFFFF600  }
0x2f4: {  	[tilespmem:s14], [sflag:$0xA] =	stream.indirect.gather [hbm4b:s18+s0], $0x20, s24, s0, $0xb8;
	[tilespmem:$0x1A7E0] =	vst v63  }
.LBB2_27:
0x2f5: {  	_ =	swait.ge [sflag:s28], $0xA00  }
0x2f6: {  	[sflag:s28] =	ssyncset.done $0x0  }
0x2f7: {  	[sflag:s28] =	ssyncadd.s32 $0xFFFFF600  }
0x2f8: {  	[spmem:s2] =	stream.indirect.scatter.add.f32 [tilespmem:s14], [sflag:$0xB], $0x20, s4, s0, $0xb8;
	[tilespmem:$0x1A7E0] =	vst v63  }
0x2f9: {  	_ =	swait.ge [sflag:s31], $0xA00  }
0x2fa: {  	[sflag:s31] =	ssyncset.done $0x0  }
0x2fb: {  	[sflag:s31] =	ssyncadd.s32 $0xFFFFF600  }
0x2fc: {  	[bflag:$0x0] =	sbarrier.arrive $0xFFFF  }
0x2fd: {  	s23 =	simm.s32 $0x0;
	s9 =	simm.s32 $0x157C0;
	s8 =	rddreg [dreg:$0x11]  }
0x2fe: {  	[tilespmem:s9], [sflag:$0xB] =	stream.linear.gather [hbm4b:s8+s23], $0x20, $0x38;
	[tilespmem:$0x1A7E0] =	vst v63  }
0x2ff: {  	_ =	swait.ge [sflag:s31], $0x20  }
0x300: {  	[sflag:s31] =	ssyncset.done $0x0  }
0x301: {  	[sflag:s31] =	ssyncadd.s32 $0xFFFFFFE0  }
0x302: {  	[tilespmem:s3], [sflag:$0xB] =	stream.linear.gather [spmem:s26], $0xA00, $0x38;
	[tilespmem:$0x1A7E0] =	vst v63  }
0x303: {  	_ =	swait.ge [sflag:s31], $0xA00  }
0x304: {  	v0 =	vmov s23;
	[sflag:s31] =	ssyncset.done $0x0  }
0x305: {  	s9 =	simm.s32 $0x10050;
	[sflag:s31] =	ssyncadd.s32 $0xFFFFF600  }
0x306: {  	s4 =	simm.s32 $0x9C50;
	v1 =	vld [tilespmem:s9+$0xFFFFFFF0]  }
0x307: {  	v2 =	vld [tilespmem:s4+$0xFFFFFFF0];
	_ =	sdelay $0x1  }
0x308: {  	v0 =	vld.idx.msk [tilespmem:v0+s1+$0x0], $0xffff;
	_ =	sdelay $0x1  }
0x309: {  	v3 =	vld [tilespmem:$0x157C0]  }
0x30a: {  	v1 =	vadd.f32 v1, v2;
	_ =	sdelay $0x1  }
0x30b: {  	v1 =	vmul.f32 v1, v0;
	_ =	sdelay $0x1  }
0x30c: {  	v1 =	vadd.f32 v1, v3;
	_ =	sdelay $0x1  }
0x30d: {  	[tilespmem:s9+$0xFFFFFFF0] =	vst v1;
	v1 =	vld [tilespmem:s9+$0x0]  }
0x30e: {  	v2 =	vld [tilespmem:s4+$0x0];
	_ =	sdelay $0x4  }
0x30f: {  	v2 =	vadd.f32 v1, v2;
	v1 =	vld [tilespmem:$0x157D0];
	_ =	sdelay $0x2  }
0x310: {  	s24 =	simm.s32 $0x1;
	v2 =	vmul.f32 v2, v0  }
0x311: {  	s16 =	simm.s32 $0x2;
	s10 =	simm.s32 $0x10050;
	s13 =	simm.s32 $0xA640;
	v0 =	vmov s24  }
.LBB2_28:
0x312: {  	p1 =	sne.s32 s16, $0x4F;
	v1 =	vadd.f32 v2, v1  }
0x313: {  	s9 =	sadd.s32 $0x20, s9  }
0x314: {  	s4 =	sadd.s32 $0x20, s4;
	v2 =	vld [tilespmem:s9+$0xFFFFFFF0];
	[tilespmem:s10+$0x0] =	vst v1;
	s10 =	smov.u32 s9  }
0x315: {  	v1 =	vld [tilespmem:s4+$0xFFFFFFF0]  }
0x316: {  	v0 =	vld.idx.msk [tilespmem:v0+s1+$0x0], $0xffff  }
0x317: {  	v3 =	vld [tilespmem:$0x157C0];
	_ =	sdelay $0x2  }
0x318: {  	v1 =	vadd.f32 v2, v1;
	_ =	sdelay $0x1  }
0x319: {  	v1 =	vmul.f32 v1, v0;
	_ =	sdelay $0x1  }
0x31a: {  	v1 =	vadd.f32 v1, v3;
	_ =	sdelay $0x1  }
0x31b: {  	[tilespmem:s9+$0xFFFFFFF0] =	vst v1;
	v2 =	vld [tilespmem:s9+$0x0]  }
0x31c: {  	v3 =	vld [tilespmem:s4+$0x0]  }
0x31d: {  	v1 =	vld [tilespmem:$0x157D0];
	_ =	sdelay $0x2  }
.Ltmp14:
0x31e: {  	(pc) =	sbr.rel @p1 .LBB2_28-.Ltmp14, $3  }
0x31f: {  	v2 =	vadd.f32 v2, v3;
	_ =	sdelay $0x1  }
0x320: {  	v2 =	vmul.f32 v2, v0  }
0x321: {  	v0 =	vmov s16;
	s16 =	sadd.s32 $0x1, s16  }
0x322: {  	v1 =	vadd.f32 v2, v1  }
0x323: {  	s8 =	sadd.s32 $0x20, s9  }
0x324: {  	s4 =	sadd.s32 $0x20, s4;
	v2 =	vld [tilespmem:s8+$0xFFFFFFF0];
	[tilespmem:s10+$0x0] =	vst v1  }
0x325: {  	v1 =	vld [tilespmem:s4+$0xFFFFFFF0];
	_ =	sdelay $0x1  }
0x326: {  	v0 =	vld.idx.msk [tilespmem:v0+s1+$0x0], $0xffff;
	_ =	sdelay $0x1  }
0x327: {  	v3 =	vld [tilespmem:$0x157C0]  }
0x328: {  	v1 =	vadd.f32 v2, v1;
	_ =	sdelay $0x1  }
0x329: {  	v1 =	vmul.f32 v1, v0;
	_ =	sdelay $0x1  }
0x32a: {  	v1 =	vadd.f32 v1, v3;
	_ =	sdelay $0x1  }
0x32b: {  	[tilespmem:s8+$0xFFFFFFF0] =	vst v1;
	v1 =	vld [tilespmem:s8+$0x0]  }
0x32c: {  	v2 =	vld [tilespmem:s4+$0x0];
	_ =	sdelay $0x3  }
0x32d: {  	v3 =	vld [tilespmem:$0x157D0]  }
0x32e: {  	v1 =	vadd.f32 v1, v2;
	_ =	sdelay $0x1  }
0x32f: {  	v0 =	vmul.f32 v1, v0;
	_ =	sdelay $0x1  }
0x330: {  	v0 =	vadd.f32 v0, v3;
	_ =	sdelay $0x1  }
0x331: {  	[tilespmem:s8+$0x0] =	vst v0  }
0x332: {  	[tilespmem:s13], [sflag:$0xB] =	stream.linear.gather [spmem:s25], $0xA00, $0x38;
	[tilespmem:$0x1A7E0] =	vst v63  }
0x333: {  	s23 =	simm.s32 $0x50;
	_ =	swait.ge [sflag:s31], $0xA00  }
0x334: {  	v0 =	vmov s23;
	[sflag:s31] =	ssyncset.done $0x0  }
0x335: {  	s9 =	simm.s32 $0x10A50;
	[sflag:s31] =	ssyncadd.s32 $0xFFFFF600  }
0x336: {  	s4 =	simm.s32 $0xA650;
	v1 =	vld [tilespmem:s9+$0xFFFFFFF0]  }
0x337: {  	v2 =	vld [tilespmem:s4+$0xFFFFFFF0];
	_ =	sdelay $0x1  }
0x338: {  	v0 =	vld.idx.msk [tilespmem:v0+s1+$0x0], $0xffff;
	_ =	sdelay $0x1  }
0x339: {  	v3 =	vld [tilespmem:$0x157C0]  }
0x33a: {  	v1 =	vadd.f32 v1, v2;
	_ =	sdelay $0x1  }
0x33b: {  	v1 =	vmul.f32 v1, v0;
	_ =	sdelay $0x1  }
0x33c: {  	v1 =	vadd.f32 v1, v3;
	_ =	sdelay $0x1  }
0x33d: {  	[tilespmem:s9+$0xFFFFFFF0] =	vst v1;
	v1 =	vld [tilespmem:s9+$0x0]  }
0x33e: {  	v2 =	vld [tilespmem:s4+$0x0];
	_ =	sdelay $0x4  }
0x33f: {  	v2 =	vadd.f32 v1, v2;
	v1 =	vld [tilespmem:$0x157D0];
	_ =	sdelay $0x2  }
0x340: {  	s24 =	simm.s32 $0x51;
	v2 =	vmul.f32 v2, v0  }
0x341: {  	s16 =	simm.s32 $0x52;
	s10 =	simm.s32 $0x10A50;
	v0 =	vmov s24  }
.LBB2_30:
0x342: {  	p1 =	sne.s32 s16, $0x9F;
	v1 =	vadd.f32 v2, v1  }
0x343: {  	s9 =	sadd.s32 $0x20, s9  }
0x344: {  	s4 =	sadd.s32 $0x20, s4;
	v2 =	vld [tilespmem:s9+$0xFFFFFFF0];
	[tilespmem:s10+$0x0] =	vst v1;
	s10 =	smov.u32 s9  }
0x345: {  	v1 =	vld [tilespmem:s4+$0xFFFFFFF0]  }
0x346: {  	v0 =	vld.idx.msk [tilespmem:v0+s1+$0x0], $0xffff  }
0x347: {  	v3 =	vld [tilespmem:$0x157C0];
	_ =	sdelay $0x2  }
0x348: {  	v1 =	vadd.f32 v2, v1;
	_ =	sdelay $0x1  }
0x349: {  	v1 =	vmul.f32 v1, v0;
	_ =	sdelay $0x1  }
0x34a: {  	v1 =	vadd.f32 v1, v3;
	_ =	sdelay $0x1  }
0x34b: {  	[tilespmem:s9+$0xFFFFFFF0] =	vst v1;
	v2 =	vld [tilespmem:s9+$0x0]  }
0x34c: {  	v3 =	vld [tilespmem:s4+$0x0]  }
0x34d: {  	v1 =	vld [tilespmem:$0x157D0];
	_ =	sdelay $0x2  }
.Ltmp15:
0x34e: {  	(pc) =	sbr.rel @p1 .LBB2_30-.Ltmp15, $3  }
0x34f: {  	v2 =	vadd.f32 v2, v3;
	_ =	sdelay $0x1  }
0x350: {  	v2 =	vmul.f32 v2, v0  }
0x351: {  	v0 =	vmov s16;
	s16 =	sadd.s32 $0x1, s16  }
0x352: {  	v1 =	vadd.f32 v2, v1  }
0x353: {  	s8 =	sadd.s32 $0x20, s9  }
0x354: {  	s4 =	sadd.s32 $0x20, s4;
	v2 =	vld [tilespmem:s8+$0xFFFFFFF0];
	[tilespmem:s10+$0x0] =	vst v1  }
0x355: {  	v1 =	vld [tilespmem:s4+$0xFFFFFFF0];
	_ =	sdelay $0x1  }
0x356: {  	v0 =	vld.idx.msk [tilespmem:v0+s1+$0x0], $0xffff;
	_ =	sdelay $0x1  }
0x357: {  	v3 =	vld [tilespmem:$0x157C0]  }
0x358: {  	v1 =	vadd.f32 v2, v1;
	_ =	sdelay $0x1  }
0x359: {  	v1 =	vmul.f32 v1, v0;
	_ =	sdelay $0x1  }
0x35a: {  	v1 =	vadd.f32 v1, v3;
	_ =	sdelay $0x1  }
0x35b: {  	[tilespmem:s8+$0xFFFFFFF0] =	vst v1;
	v1 =	vld [tilespmem:s8+$0x0]  }
0x35c: {  	v2 =	vld [tilespmem:s4+$0x0];
	_ =	sdelay $0x3  }
0x35d: {  	v3 =	vld [tilespmem:$0x157D0]  }
0x35e: {  	v1 =	vadd.f32 v1, v2;
	_ =	sdelay $0x1  }
0x35f: {  	v0 =	vmul.f32 v1, v0;
	_ =	sdelay $0x1  }
0x360: {  	v0 =	vadd.f32 v0, v3;
	_ =	sdelay $0x1  }
0x361: {  	[tilespmem:s8+$0x0] =	vst v0  }
0x362: {  	[tilespmem:s6], [sflag:$0xB] =	stream.linear.gather [spmem:s29], $0xA00, $0x38;
	[tilespmem:$0x1A7E0] =	vst v63  }
0x363: {  	s24 =	simm.s32 $0xA0;
	_ =	swait.ge [sflag:s31], $0xA00  }
0x364: {  	v0 =	vmov s24;
	[sflag:s31] =	ssyncset.done $0x0  }
0x365: {  	s9 =	simm.s32 $0x11450;
	[sflag:s31] =	ssyncadd.s32 $0xFFFFF600  }
0x366: {  	s4 =	simm.s32 $0xB050;
	v1 =	vld [tilespmem:s9+$0xFFFFFFF0]  }
0x367: {  	v2 =	vld [tilespmem:s4+$0xFFFFFFF0];
	_ =	sdelay $0x1  }
0x368: {  	v0 =	vld.idx.msk [tilespmem:v0+s1+$0x0], $0xffff;
	_ =	sdelay $0x1  }
0x369: {  	v3 =	vld [tilespmem:$0x157C0]  }
0x36a: {  	v1 =	vadd.f32 v1, v2;
	_ =	sdelay $0x1  }
0x36b: {  	v1 =	vmul.f32 v1, v0;
	_ =	sdelay $0x1  }
0x36c: {  	v1 =	vadd.f32 v1, v3;
	_ =	sdelay $0x1  }
0x36d: {  	[tilespmem:s9+$0xFFFFFFF0] =	vst v1;
	v1 =	vld [tilespmem:s9+$0x0]  }
0x36e: {  	v2 =	vld [tilespmem:s4+$0x0];
	_ =	sdelay $0x4  }
0x36f: {  	v2 =	vadd.f32 v1, v2;
	v1 =	vld [tilespmem:$0x157D0];
	_ =	sdelay $0x2  }
0x370: {  	s29 =	simm.s32 $0xA1;
	v2 =	vmul.f32 v2, v0  }
0x371: {  	s16 =	simm.s32 $0xA2;
	s10 =	simm.s32 $0x11450;
	v0 =	vmov s29  }
.LBB2_32:
0x372: {  	p1 =	sne.s32 s16, $0xEF;
	v1 =	vadd.f32 v2, v1  }
0x373: {  	s9 =	sadd.s32 $0x20, s9  }
0x374: {  	s4 =	sadd.s32 $0x20, s4;
	v2 =	vld [tilespmem:s9+$0xFFFFFFF0];
	[tilespmem:s10+$0x0] =	vst v1;
	s10 =	smov.u32 s9  }
0x375: {  	v1 =	vld [tilespmem:s4+$0xFFFFFFF0]  }
0x376: {  	v0 =	vld.idx.msk [tilespmem:v0+s1+$0x0], $0xffff  }
0x377: {  	v3 =	vld [tilespmem:$0x157C0];
	_ =	sdelay $0x2  }
0x378: {  	v1 =	vadd.f32 v2, v1;
	_ =	sdelay $0x1  }
0x379: {  	v1 =	vmul.f32 v1, v0;
	_ =	sdelay $0x1  }
0x37a: {  	v1 =	vadd.f32 v1, v3;
	_ =	sdelay $0x1  }
0x37b: {  	[tilespmem:s9+$0xFFFFFFF0] =	vst v1;
	v2 =	vld [tilespmem:s9+$0x0]  }
0x37c: {  	v3 =	vld [tilespmem:s4+$0x0]  }
0x37d: {  	v1 =	vld [tilespmem:$0x157D0];
	_ =	sdelay $0x2  }
.Ltmp16:
0x37e: {  	(pc) =	sbr.rel @p1 .LBB2_32-.Ltmp16, $3  }
0x37f: {  	v2 =	vadd.f32 v2, v3;
	_ =	sdelay $0x1  }
0x380: {  	v2 =	vmul.f32 v2, v0  }
0x381: {  	v0 =	vmov s16;
	s16 =	sadd.s32 $0x1, s16  }
0x382: {  	v1 =	vadd.f32 v2, v1  }
0x383: {  	s8 =	sadd.s32 $0x20, s9  }
0x384: {  	s4 =	sadd.s32 $0x20, s4;
	v2 =	vld [tilespmem:s8+$0xFFFFFFF0];
	[tilespmem:s10+$0x0] =	vst v1  }
0x385: {  	v1 =	vld [tilespmem:s4+$0xFFFFFFF0];
	_ =	sdelay $0x1  }
0x386: {  	v0 =	vld.idx.msk [tilespmem:v0+s1+$0x0], $0xffff;
	_ =	sdelay $0x1  }
0x387: {  	v3 =	vld [tilespmem:$0x157C0]  }
0x388: {  	v1 =	vadd.f32 v2, v1;
	_ =	sdelay $0x1  }
0x389: {  	v1 =	vmul.f32 v1, v0;
	_ =	sdelay $0x1  }
0x38a: {  	v1 =	vadd.f32 v1, v3;
	_ =	sdelay $0x1  }
0x38b: {  	[tilespmem:s8+$0xFFFFFFF0] =	vst v1;
	v1 =	vld [tilespmem:s8+$0x0]  }
0x38c: {  	v2 =	vld [tilespmem:s4+$0x0];
	_ =	sdelay $0x3  }
0x38d: {  	v3 =	vld [tilespmem:$0x157D0]  }
0x38e: {  	v1 =	vadd.f32 v1, v2;
	_ =	sdelay $0x1  }
0x38f: {  	v0 =	vmul.f32 v1, v0;
	_ =	sdelay $0x1  }
0x390: {  	v0 =	vadd.f32 v0, v3;
	_ =	sdelay $0x1  }
0x391: {  	s22 =	rddreg [dreg:$0x13];
	s23 =	simm.s32 $0xBA40;
	[tilespmem:s8+$0x0] =	vst v0  }
0x392: {  	[tilespmem:s23], [sflag:$0xB] =	stream.linear.gather [spmem:s22], $0xA00, $0x38;
	[tilespmem:$0x1A7E0] =	vst v63  }
0x393: {  	s24 =	simm.s32 $0xF0;
	_ =	swait.ge [sflag:s31], $0xA00  }
0x394: {  	v0 =	vmov s24;
	[sflag:s31] =	ssyncset.done $0x0  }
0x395: {  	s9 =	simm.s32 $0x11E50;
	[sflag:s31] =	ssyncadd.s32 $0xFFFFF600  }
0x396: {  	s4 =	simm.s32 $0xBA50;
	v1 =	vld [tilespmem:s9+$0xFFFFFFF0]  }
0x397: {  	v2 =	vld [tilespmem:s4+$0xFFFFFFF0];
	_ =	sdelay $0x1  }
0x398: {  	v0 =	vld.idx.msk [tilespmem:v0+s1+$0x0], $0xffff;
	_ =	sdelay $0x1  }
0x399: {  	v3 =	vld [tilespmem:$0x157C0]  }
0x39a: {  	v1 =	vadd.f32 v1, v2;
	_ =	sdelay $0x1  }
0x39b: {  	v1 =	vmul.f32 v1, v0;
	_ =	sdelay $0x1  }
0x39c: {  	v1 =	vadd.f32 v1, v3;
	_ =	sdelay $0x1  }
0x39d: {  	[tilespmem:s9+$0xFFFFFFF0] =	vst v1;
	v1 =	vld [tilespmem:s9+$0x0]  }
0x39e: {  	v2 =	vld [tilespmem:s4+$0x0];
	_ =	sdelay $0x4  }
0x39f: {  	v2 =	vadd.f32 v1, v2;
	v1 =	vld [tilespmem:$0x157D0];
	_ =	sdelay $0x2  }
0x3a0: {  	s29 =	simm.s32 $0xF1;
	v2 =	vmul.f32 v2, v0  }
0x3a1: {  	s16 =	simm.s32 $0xF2;
	s10 =	simm.s32 $0x11E50;
	v0 =	vmov s29  }
.LBB2_34:
0x3a2: {  	p1 =	sne.s32 s16, $0x13F;
	v1 =	vadd.f32 v2, v1  }
0x3a3: {  	s9 =	sadd.s32 $0x20, s9  }
0x3a4: {  	s4 =	sadd.s32 $0x20, s4;
	v2 =	vld [tilespmem:s9+$0xFFFFFFF0];
	[tilespmem:s10+$0x0] =	vst v1;
	s10 =	smov.u32 s9  }
0x3a5: {  	v1 =	vld [tilespmem:s4+$0xFFFFFFF0]  }
0x3a6: {  	v0 =	vld.idx.msk [tilespmem:v0+s1+$0x0], $0xffff  }
0x3a7: {  	v3 =	vld [tilespmem:$0x157C0];
	_ =	sdelay $0x2  }
0x3a8: {  	v1 =	vadd.f32 v2, v1;
	_ =	sdelay $0x1  }
0x3a9: {  	v1 =	vmul.f32 v1, v0;
	_ =	sdelay $0x1  }
0x3aa: {  	v1 =	vadd.f32 v1, v3;
	_ =	sdelay $0x1  }
0x3ab: {  	[tilespmem:s9+$0xFFFFFFF0] =	vst v1;
	v2 =	vld [tilespmem:s9+$0x0]  }
0x3ac: {  	v3 =	vld [tilespmem:s4+$0x0]  }
0x3ad: {  	v1 =	vld [tilespmem:$0x157D0];
	_ =	sdelay $0x2  }
.Ltmp17:
0x3ae: {  	(pc) =	sbr.rel @p1 .LBB2_34-.Ltmp17, $3  }
0x3af: {  	v2 =	vadd.f32 v2, v3;
	_ =	sdelay $0x1  }
0x3b0: {  	v2 =	vmul.f32 v2, v0  }
0x3b1: {  	v0 =	vmov s16;
	s16 =	sadd.s32 $0x1, s16  }
0x3b2: {  	v1 =	vadd.f32 v2, v1  }
0x3b3: {  	s8 =	sadd.s32 $0x20, s9  }
0x3b4: {  	s4 =	sadd.s32 $0x20, s4;
	v2 =	vld [tilespmem:s8+$0xFFFFFFF0];
	[tilespmem:s10+$0x0] =	vst v1  }
0x3b5: {  	v1 =	vld [tilespmem:s4+$0xFFFFFFF0];
	_ =	sdelay $0x1  }
0x3b6: {  	v0 =	vld.idx.msk [tilespmem:v0+s1+$0x0], $0xffff;
	_ =	sdelay $0x1  }
0x3b7: {  	v3 =	vld [tilespmem:$0x157C0]  }
0x3b8: {  	v1 =	vadd.f32 v2, v1;
	_ =	sdelay $0x1  }
0x3b9: {  	v1 =	vmul.f32 v1, v0;
	_ =	sdelay $0x1  }
0x3ba: {  	v1 =	vadd.f32 v1, v3;
	_ =	sdelay $0x1  }
0x3bb: {  	[tilespmem:s8+$0xFFFFFFF0] =	vst v1;
	v1 =	vld [tilespmem:s8+$0x0]  }
0x3bc: {  	v2 =	vld [tilespmem:s4+$0x0];
	_ =	sdelay $0x3  }
0x3bd: {  	v3 =	vld [tilespmem:$0x157D0]  }
0x3be: {  	v1 =	vadd.f32 v1, v2;
	_ =	sdelay $0x1  }
0x3bf: {  	v0 =	vmul.f32 v1, v0;
	_ =	sdelay $0x1  }
0x3c0: {  	v0 =	vadd.f32 v0, v3;
	_ =	sdelay $0x1  }
0x3c1: {  	s23 =	rddreg [dreg:$0x14];
	[tilespmem:s8+$0x0] =	vst v0  }
0x3c2: {  	[tilespmem:s11], [sflag:$0xB] =	stream.linear.gather [spmem:s23], $0xA00, $0x38;
	[tilespmem:$0x1A7E0] =	vst v63  }
0x3c3: {  	s24 =	simm.s32 $0x140;
	_ =	swait.ge [sflag:s31], $0xA00  }
0x3c4: {  	v0 =	vmov s24;
	[sflag:s31] =	ssyncset.done $0x0  }
0x3c5: {  	s9 =	simm.s32 $0x12850;
	[sflag:s31] =	ssyncadd.s32 $0xFFFFF600  }
0x3c6: {  	s4 =	simm.s32 $0xC450;
	v1 =	vld [tilespmem:s9+$0xFFFFFFF0]  }
0x3c7: {  	v2 =	vld [tilespmem:s4+$0xFFFFFFF0];
	_ =	sdelay $0x1  }
0x3c8: {  	v0 =	vld.idx.msk [tilespmem:v0+s1+$0x0], $0xffff;
	_ =	sdelay $0x1  }
0x3c9: {  	v3 =	vld [tilespmem:$0x157C0]  }
0x3ca: {  	v1 =	vadd.f32 v1, v2;
	_ =	sdelay $0x1  }
0x3cb: {  	v1 =	vmul.f32 v1, v0;
	_ =	sdelay $0x1  }
0x3cc: {  	v1 =	vadd.f32 v1, v3;
	_ =	sdelay $0x1  }
0x3cd: {  	[tilespmem:s9+$0xFFFFFFF0] =	vst v1;
	v1 =	vld [tilespmem:s9+$0x0]  }
0x3ce: {  	v2 =	vld [tilespmem:s4+$0x0];
	_ =	sdelay $0x4  }
0x3cf: {  	v2 =	vadd.f32 v1, v2;
	v1 =	vld [tilespmem:$0x157D0];
	_ =	sdelay $0x2  }
0x3d0: {  	s29 =	simm.s32 $0x141;
	v2 =	vmul.f32 v2, v0  }
0x3d1: {  	s16 =	simm.s32 $0x142;
	s10 =	simm.s32 $0x12850;
	v0 =	vmov s29  }
.LBB2_36:
0x3d2: {  	p1 =	sne.s32 s16, $0x18F;
	v1 =	vadd.f32 v2, v1  }
0x3d3: {  	s9 =	sadd.s32 $0x20, s9  }
0x3d4: {  	s4 =	sadd.s32 $0x20, s4;
	v2 =	vld [tilespmem:s9+$0xFFFFFFF0];
	[tilespmem:s10+$0x0] =	vst v1;
	s10 =	smov.u32 s9  }
0x3d5: {  	v1 =	vld [tilespmem:s4+$0xFFFFFFF0]  }
0x3d6: {  	v0 =	vld.idx.msk [tilespmem:v0+s1+$0x0], $0xffff  }
0x3d7: {  	v3 =	vld [tilespmem:$0x157C0];
	_ =	sdelay $0x2  }
0x3d8: {  	v1 =	vadd.f32 v2, v1;
	_ =	sdelay $0x1  }
0x3d9: {  	v1 =	vmul.f32 v1, v0;
	_ =	sdelay $0x1  }
0x3da: {  	v1 =	vadd.f32 v1, v3;
	_ =	sdelay $0x1  }
0x3db: {  	[tilespmem:s9+$0xFFFFFFF0] =	vst v1;
	v2 =	vld [tilespmem:s9+$0x0]  }
0x3dc: {  	v3 =	vld [tilespmem:s4+$0x0]  }
0x3dd: {  	v1 =	vld [tilespmem:$0x157D0];
	_ =	sdelay $0x2  }
.Ltmp18:
0x3de: {  	(pc) =	sbr.rel @p1 .LBB2_36-.Ltmp18, $3  }
0x3df: {  	v2 =	vadd.f32 v2, v3;
	_ =	sdelay $0x1  }
0x3e0: {  	v2 =	vmul.f32 v2, v0  }
0x3e1: {  	v0 =	vmov s16;
	s16 =	sadd.s32 $0x1, s16  }
0x3e2: {  	v1 =	vadd.f32 v2, v1  }
0x3e3: {  	s8 =	sadd.s32 $0x20, s9  }
0x3e4: {  	s4 =	sadd.s32 $0x20, s4;
	v2 =	vld [tilespmem:s8+$0xFFFFFFF0];
	[tilespmem:s10+$0x0] =	vst v1  }
0x3e5: {  	v1 =	vld [tilespmem:s4+$0xFFFFFFF0];
	_ =	sdelay $0x1  }
0x3e6: {  	v0 =	vld.idx.msk [tilespmem:v0+s1+$0x0], $0xffff;
	_ =	sdelay $0x1  }
0x3e7: {  	v3 =	vld [tilespmem:$0x157C0]  }
0x3e8: {  	v1 =	vadd.f32 v2, v1;
	_ =	sdelay $0x1  }
0x3e9: {  	v1 =	vmul.f32 v1, v0;
	_ =	sdelay $0x1  }
0x3ea: {  	v1 =	vadd.f32 v1, v3;
	_ =	sdelay $0x1  }
0x3eb: {  	[tilespmem:s8+$0xFFFFFFF0] =	vst v1;
	v1 =	vld [tilespmem:s8+$0x0]  }
0x3ec: {  	v2 =	vld [tilespmem:s4+$0x0];
	_ =	sdelay $0x3  }
0x3ed: {  	v3 =	vld [tilespmem:$0x157D0]  }
0x3ee: {  	v1 =	vadd.f32 v1, v2;
	_ =	sdelay $0x1  }
0x3ef: {  	v0 =	vmul.f32 v1, v0;
	_ =	sdelay $0x1  }
0x3f0: {  	v0 =	vadd.f32 v0, v3;
	_ =	sdelay $0x1  }
0x3f1: {  	s22 =	rddreg [dreg:$0x15];
	s23 =	simm.s32 $0xCE40;
	[tilespmem:s8+$0x0] =	vst v0  }
0x3f2: {  	[tilespmem:s23], [sflag:$0xB] =	stream.linear.gather [spmem:s22], $0xA00, $0x38;
	[tilespmem:$0x1A7E0] =	vst v63  }
0x3f3: {  	s24 =	simm.s32 $0x190;
	_ =	swait.ge [sflag:s31], $0xA00  }
0x3f4: {  	v0 =	vmov s24;
	[sflag:s31] =	ssyncset.done $0x0  }
0x3f5: {  	s9 =	simm.s32 $0x13250;
	[sflag:s31] =	ssyncadd.s32 $0xFFFFF600  }
0x3f6: {  	s4 =	simm.s32 $0xCE50;
	v1 =	vld [tilespmem:s9+$0xFFFFFFF0]  }
0x3f7: {  	v2 =	vld [tilespmem:s4+$0xFFFFFFF0];
	_ =	sdelay $0x1  }
0x3f8: {  	v0 =	vld.idx.msk [tilespmem:v0+s1+$0x0], $0xffff;
	_ =	sdelay $0x1  }
0x3f9: {  	v3 =	vld [tilespmem:$0x157C0]  }
0x3fa: {  	v1 =	vadd.f32 v1, v2;
	_ =	sdelay $0x1  }
0x3fb: {  	v1 =	vmul.f32 v1, v0;
	_ =	sdelay $0x1  }
0x3fc: {  	v1 =	vadd.f32 v1, v3;
	_ =	sdelay $0x1  }
0x3fd: {  	[tilespmem:s9+$0xFFFFFFF0] =	vst v1;
	v1 =	vld [tilespmem:s9+$0x0]  }
0x3fe: {  	v2 =	vld [tilespmem:s4+$0x0];
	_ =	sdelay $0x4  }
0x3ff: {  	v2 =	vadd.f32 v1, v2;
	v1 =	vld [tilespmem:$0x157D0];
	_ =	sdelay $0x2  }
0x400: {  	s29 =	simm.s32 $0x191;
	v2 =	vmul.f32 v2, v0  }
0x401: {  	s16 =	simm.s32 $0x192;
	s10 =	simm.s32 $0x13250;
	v0 =	vmov s29  }
.LBB2_38:
0x402: {  	p1 =	sne.s32 s16, $0x1DF;
	v1 =	vadd.f32 v2, v1  }
0x403: {  	s9 =	sadd.s32 $0x20, s9  }
0x404: {  	s4 =	sadd.s32 $0x20, s4;
	v2 =	vld [tilespmem:s9+$0xFFFFFFF0];
	[tilespmem:s10+$0x0] =	vst v1;
	s10 =	smov.u32 s9  }
0x405: {  	v1 =	vld [tilespmem:s4+$0xFFFFFFF0]  }
0x406: {  	v0 =	vld.idx.msk [tilespmem:v0+s1+$0x0], $0xffff  }
0x407: {  	v3 =	vld [tilespmem:$0x157C0];
	_ =	sdelay $0x2  }
0x408: {  	v1 =	vadd.f32 v2, v1;
	_ =	sdelay $0x1  }
0x409: {  	v1 =	vmul.f32 v1, v0;
	_ =	sdelay $0x1  }
0x40a: {  	v1 =	vadd.f32 v1, v3;
	_ =	sdelay $0x1  }
0x40b: {  	[tilespmem:s9+$0xFFFFFFF0] =	vst v1;
	v2 =	vld [tilespmem:s9+$0x0]  }
0x40c: {  	v3 =	vld [tilespmem:s4+$0x0]  }
0x40d: {  	v1 =	vld [tilespmem:$0x157D0];
	_ =	sdelay $0x2  }
.Ltmp19:
0x40e: {  	(pc) =	sbr.rel @p1 .LBB2_38-.Ltmp19, $3  }
0x40f: {  	v2 =	vadd.f32 v2, v3;
	_ =	sdelay $0x1  }
0x410: {  	v2 =	vmul.f32 v2, v0  }
0x411: {  	v0 =	vmov s16;
	s16 =	sadd.s32 $0x1, s16  }
0x412: {  	v1 =	vadd.f32 v2, v1  }
0x413: {  	s8 =	sadd.s32 $0x20, s9  }
0x414: {  	s4 =	sadd.s32 $0x20, s4;
	v2 =	vld [tilespmem:s8+$0xFFFFFFF0];
	[tilespmem:s10+$0x0] =	vst v1  }
0x415: {  	v1 =	vld [tilespmem:s4+$0xFFFFFFF0];
	_ =	sdelay $0x1  }
0x416: {  	v0 =	vld.idx.msk [tilespmem:v0+s1+$0x0], $0xffff;
	_ =	sdelay $0x1  }
0x417: {  	v3 =	vld [tilespmem:$0x157C0]  }
0x418: {  	v1 =	vadd.f32 v2, v1;
	_ =	sdelay $0x1  }
0x419: {  	v1 =	vmul.f32 v1, v0;
	_ =	sdelay $0x1  }
0x41a: {  	v1 =	vadd.f32 v1, v3;
	_ =	sdelay $0x1  }
0x41b: {  	[tilespmem:s8+$0xFFFFFFF0] =	vst v1;
	v1 =	vld [tilespmem:s8+$0x0]  }
0x41c: {  	v2 =	vld [tilespmem:s4+$0x0];
	_ =	sdelay $0x3  }
0x41d: {  	v3 =	vld [tilespmem:$0x157D0]  }
0x41e: {  	v1 =	vadd.f32 v1, v2;
	_ =	sdelay $0x1  }
0x41f: {  	v0 =	vmul.f32 v1, v0;
	_ =	sdelay $0x1  }
0x420: {  	v0 =	vadd.f32 v0, v3;
	_ =	sdelay $0x1  }
0x421: {  	s23 =	rddreg [dreg:$0x16];
	[tilespmem:s8+$0x0] =	vst v0  }
0x422: {  	[tilespmem:s7], [sflag:$0xB] =	stream.linear.gather [spmem:s23], $0xA00, $0x38;
	[tilespmem:$0x1A7E0] =	vst v63  }
0x423: {  	s24 =	simm.s32 $0x1E0;
	_ =	swait.ge [sflag:s31], $0xA00  }
0x424: {  	v0 =	vmov s24;
	[sflag:s31] =	ssyncset.done $0x0  }
0x425: {  	s9 =	simm.s32 $0x13C50;
	[sflag:s31] =	ssyncadd.s32 $0xFFFFF600  }
0x426: {  	s4 =	simm.s32 $0xD850;
	v1 =	vld [tilespmem:s9+$0xFFFFFFF0]  }
0x427: {  	v2 =	vld [tilespmem:s4+$0xFFFFFFF0];
	_ =	sdelay $0x1  }
0x428: {  	v0 =	vld.idx.msk [tilespmem:v0+s1+$0x0], $0xffff;
	_ =	sdelay $0x1  }
0x429: {  	v3 =	vld [tilespmem:$0x157C0]  }
0x42a: {  	v1 =	vadd.f32 v1, v2;
	_ =	sdelay $0x1  }
0x42b: {  	v1 =	vmul.f32 v1, v0;
	_ =	sdelay $0x1  }
0x42c: {  	v1 =	vadd.f32 v1, v3;
	_ =	sdelay $0x1  }
0x42d: {  	[tilespmem:s9+$0xFFFFFFF0] =	vst v1;
	v1 =	vld [tilespmem:s9+$0x0]  }
0x42e: {  	v2 =	vld [tilespmem:s4+$0x0];
	_ =	sdelay $0x4  }
0x42f: {  	v2 =	vadd.f32 v1, v2;
	v1 =	vld [tilespmem:$0x157D0];
	_ =	sdelay $0x2  }
0x430: {  	s29 =	simm.s32 $0x1E1;
	v2 =	vmul.f32 v2, v0  }
0x431: {  	s16 =	simm.s32 $0x1E2;
	s10 =	simm.s32 $0x13C50;
	v0 =	vmov s29  }
.LBB2_40:
0x432: {  	p1 =	sne.s32 s16, $0x22F;
	v1 =	vadd.f32 v2, v1  }
0x433: {  	s9 =	sadd.s32 $0x20, s9  }
0x434: {  	s4 =	sadd.s32 $0x20, s4;
	v2 =	vld [tilespmem:s9+$0xFFFFFFF0];
	[tilespmem:s10+$0x0] =	vst v1;
	s10 =	smov.u32 s9  }
0x435: {  	v1 =	vld [tilespmem:s4+$0xFFFFFFF0]  }
0x436: {  	v0 =	vld.idx.msk [tilespmem:v0+s1+$0x0], $0xffff  }
0x437: {  	v3 =	vld [tilespmem:$0x157C0];
	_ =	sdelay $0x2  }
0x438: {  	v1 =	vadd.f32 v2, v1;
	_ =	sdelay $0x1  }
0x439: {  	v1 =	vmul.f32 v1, v0;
	_ =	sdelay $0x1  }
0x43a: {  	v1 =	vadd.f32 v1, v3;
	_ =	sdelay $0x1  }
0x43b: {  	[tilespmem:s9+$0xFFFFFFF0] =	vst v1;
	v2 =	vld [tilespmem:s9+$0x0]  }
0x43c: {  	v3 =	vld [tilespmem:s4+$0x0]  }
0x43d: {  	v1 =	vld [tilespmem:$0x157D0];
	_ =	sdelay $0x2  }
.Ltmp20:
0x43e: {  	(pc) =	sbr.rel @p1 .LBB2_40-.Ltmp20, $3  }
0x43f: {  	v2 =	vadd.f32 v2, v3;
	_ =	sdelay $0x1  }
0x440: {  	v2 =	vmul.f32 v2, v0  }
0x441: {  	v0 =	vmov s16;
	s16 =	sadd.s32 $0x1, s16  }
0x442: {  	v1 =	vadd.f32 v2, v1  }
0x443: {  	s8 =	sadd.s32 $0x20, s9  }
0x444: {  	s4 =	sadd.s32 $0x20, s4;
	v2 =	vld [tilespmem:s8+$0xFFFFFFF0];
	[tilespmem:s10+$0x0] =	vst v1  }
0x445: {  	v1 =	vld [tilespmem:s4+$0xFFFFFFF0];
	_ =	sdelay $0x1  }
0x446: {  	v0 =	vld.idx.msk [tilespmem:v0+s1+$0x0], $0xffff;
	_ =	sdelay $0x1  }
0x447: {  	v3 =	vld [tilespmem:$0x157C0]  }
0x448: {  	v1 =	vadd.f32 v2, v1;
	_ =	sdelay $0x1  }
0x449: {  	v1 =	vmul.f32 v1, v0;
	_ =	sdelay $0x1  }
0x44a: {  	v1 =	vadd.f32 v1, v3;
	_ =	sdelay $0x1  }
0x44b: {  	[tilespmem:s8+$0xFFFFFFF0] =	vst v1;
	v1 =	vld [tilespmem:s8+$0x0]  }
0x44c: {  	v2 =	vld [tilespmem:s4+$0x0];
	_ =	sdelay $0x3  }
0x44d: {  	v3 =	vld [tilespmem:$0x157D0]  }
0x44e: {  	v1 =	vadd.f32 v1, v2;
	_ =	sdelay $0x1  }
0x44f: {  	v0 =	vmul.f32 v1, v0;
	_ =	sdelay $0x1  }
0x450: {  	v0 =	vadd.f32 v0, v3;
	_ =	sdelay $0x1  }
0x451: {  	s23 =	rddreg [dreg:$0x17];
	s4 =	simm.s32 $0xE240;
	[tilespmem:s8+$0x0] =	vst v0  }
0x452: {  	[tilespmem:s4], [sflag:$0xB] =	stream.linear.gather [spmem:s23], $0xA00, $0x38;
	[tilespmem:$0x1A7E0] =	vst v63  }
0x453: {  	s24 =	simm.s32 $0x230;
	_ =	swait.ge [sflag:s31], $0xA00  }
0x454: {  	v0 =	vmov s24;
	[sflag:s31] =	ssyncset.done $0x0  }
0x455: {  	s9 =	simm.s32 $0x14640;
	[sflag:s31] =	ssyncadd.s32 $0xFFFFF600  }
0x456: {  	v1 =	vld [tilespmem:s9+$0x0]  }
0x457: {  	v2 =	vld [tilespmem:s4+$0x0];
	_ =	sdelay $0x1  }
0x458: {  	v0 =	vld.idx.msk [tilespmem:v0+s1+$0x0], $0xffff;
	_ =	sdelay $0x1  }
0x459: {  	v3 =	vld [tilespmem:$0x157C0]  }
0x45a: {  	v1 =	vadd.f32 v1, v2;
	_ =	sdelay $0x1  }
0x45b: {  	v1 =	vmul.f32 v1, v0;
	_ =	sdelay $0x1  }
0x45c: {  	v1 =	vadd.f32 v1, v3;
	_ =	sdelay $0x1  }
0x45d: {  	[tilespmem:s9+$0x0] =	vst v1;
	v1 =	vld [tilespmem:s9+$0x10]  }
0x45e: {  	v2 =	vld [tilespmem:s4+$0x10];
	_ =	sdelay $0x4  }
0x45f: {  	v2 =	vadd.f32 v1, v2;
	v1 =	vld [tilespmem:$0x157D0];
	_ =	sdelay $0x2  }
0x460: {  	s29 =	simm.s32 $0x231;
	v2 =	vmul.f32 v2, v0  }
0x461: {  	s16 =	simm.s32 $0x232;
	s10 =	simm.s32 $0x14640;
	v0 =	vmov s29  }
.LBB2_42:
0x462: {  	p1 =	sne.s32 s16, $0x27F;
	v1 =	vadd.f32 v2, v1  }
0x463: {  	s9 =	sadd.s32 $0x20, s9  }
0x464: {  	s4 =	sadd.s32 $0x20, s4;
	v2 =	vld [tilespmem:s9+$0x0];
	[tilespmem:s10+$0x10] =	vst v1;
	s10 =	smov.u32 s9  }
0x465: {  	v1 =	vld [tilespmem:s4+$0x0]  }
0x466: {  	v0 =	vld.idx.msk [tilespmem:v0+s1+$0x0], $0xffff  }
0x467: {  	v3 =	vld [tilespmem:$0x157C0];
	_ =	sdelay $0x2  }
0x468: {  	v1 =	vadd.f32 v2, v1;
	_ =	sdelay $0x1  }
0x469: {  	v1 =	vmul.f32 v1, v0;
	_ =	sdelay $0x1  }
0x46a: {  	v1 =	vadd.f32 v1, v3;
	_ =	sdelay $0x1  }
0x46b: {  	[tilespmem:s9+$0x0] =	vst v1;
	v2 =	vld [tilespmem:s9+$0x10]  }
0x46c: {  	v3 =	vld [tilespmem:s4+$0x10]  }
0x46d: {  	v1 =	vld [tilespmem:$0x157D0];
	_ =	sdelay $0x2  }
.Ltmp21:
0x46e: {  	(pc) =	sbr.rel @p1 .LBB2_42-.Ltmp21, $3  }
0x46f: {  	v2 =	vadd.f32 v2, v3;
	_ =	sdelay $0x1  }
0x470: {  	v2 =	vmul.f32 v2, v0  }
0x471: {  	v0 =	vmov s16;
	s16 =	sadd.s32 $0x1, s16  }
0x472: {  	v1 =	vadd.f32 v2, v1  }
0x473: {  	s8 =	sadd.s32 $0x20, s9  }
0x474: {  	s4 =	sadd.s32 $0x20, s4;
	v60 =	vld [tilespmem:s8+$0x0];
	[tilespmem:s10+$0x10] =	vst v1  }
0x475: {  	v1 =	vld [tilespmem:s4+$0x0];
	_ =	sdelay $0x1  }
0x476: {  	v0 =	vld.idx.msk [tilespmem:v0+s1+$0x0], $0xffff;
	_ =	sdelay $0x1  }
0x477: {  	v3 =	vld [tilespmem:$0x157C0]  }
0x478: {  	v1 =	vadd.f32 v60, v1;
	_ =	sdelay $0x1  }
0x479: {  	v1 =	vmul.f32 v1, v0;
	_ =	sdelay $0x1  }
0x47a: {  	v1 =	vadd.f32 v1, v3;
	_ =	sdelay $0x1  }
0x47b: {  	v61 =	vld [tilespmem:s8+$0x10];
	[tilespmem:s8+$0x0] =	vst v1  }
0x47c: {  	v62 =	vld [tilespmem:s4+$0x10];
	_ =	sdelay $0x3  }
0x47d: {  	v63 =	vld [tilespmem:$0x157D0]  }
0x47e: {  	v1 =	vadd.f32 v61, v62;
	_ =	sdelay $0x1  }
0x47f: {  	v0 =	vmul.f32 v1, v0;
	_ =	sdelay $0x1  }
0x480: {  	v0 =	vadd.f32 v0, v63  }
0x481: {  	s9 =	simm.s32 @p0 $0x10040  }
0x482: {  	s10 =	rddreg [dreg:$0x18];
	s4 =	simm.s32 @p0 $0x20;
	[tilespmem:s8+$0x10] =	vst v0;
	s8 =	simm.s32 @p0 $0x40  }
0x483: {  	[hbm4b:s10+s4] =	stream.strided.scatter @p0 [tilespmem:s9], [sflag:$0xB], $0x3200, s8, s4, $0x38;
	[tilespmem:$0x1A7E0] =	vst v63  }
0x484: {  	s4 =	simm.s32 @p0 $0xB  }
0x485: {  	_ =	swait.ge @p0 [sflag:s4], $0x3200  }
0x486: {  	s8 =	simm.s32 @!p0 $0x40;
	s9 =	simm.s32 @!p0 $0x10040;
	[sflag:s4] =	ssyncset.done @p0 $0x0  }
0x487: {  	s10 =	rddreg [dreg:$0x12];
	[sflag:s4] =	ssyncadd.s32 @p0 $0xFFFFCE00;
	s4 =	simm.s32 @!p0 $0x20  }
0x488: {  	[hbm4b:s10+s4] =	stream.strided.scatter @!p0 [tilespmem:s9], [sflag:$0xB], $0x5000, s8, s4, $0x38;
	[tilespmem:$0x1A7E0] =	vst v63  }
0x489: {  	s4 =	simm.s32 @!p0 $0xB  }
0x48a: {  	_ =	swait.ge @!p0 [sflag:s4], $0x5000  }
0x48b: {  	s24 =	rddreg [dreg:$0x1a]  }
0x48c: {  	s29 =	rddreg [dreg:$0x19];
	s9 =	sadd.s32 $0x1, s24  }
0x48d: {  	p1 =	sne.s32 s9, s29  }
.Ltmp22:
0x48e: {  	_ = 	snop;
	(pc) =	sbr.rel @p1 .LBB2_1-.Ltmp22, $3  }
0x48f: {  	_ =	sdelay $0x1  }
0x490: {  	[sflag:s4] =	ssyncset.done @!p0 $0x0  }
0x491: {  	[sflag:s4] =	ssyncadd.s32 @!p0 $0xFFFFB000  }
0x492: {  	_ =	sfence.sel $0x180000  }
0x493: {  	[bflag:$0x0] =	sbarrier.arrive $0xFFFF  }
0x494: {  	_ =	strace $0x9000004A  }
0x495: {  	s0 =	stileid.u32;
	[bflag:$0x2] =	sbarrier.arrive $0xFFFF  }
0x496: {  	p0 =	sne.s32 s0, $0x0;
	s0 =	rddreg [dreg:$0x4]  }
0x497: {  	s0 =	sadd.s32 @!p0 $0x100000, s0  }
0x498: {  	[sflag:s0] =	ssyncadd.tile.s32 @!p0 $0x1;
	_ =	shalt  }
.Lfunc_end2:
_tile_overlayer_lowered:
.L_overlay_start_2:
0x499: {  	(tag) =	ssettag $0x2  }
0x49a: {  	s0 =	rddreg [dreg:$0x0];
	s2 =	stileid.u32  }
0x49b: {  	s1 =	rddreg [dreg:$0x1];
	p0 =	sne.s32 s2, $0x0  }
0x49c: {  	s3 =	rddreg [dreg:$0x2];
	[bflag:$0x3] =	sbarrier.arrive $0xFFFF;
	s2 =	simm.s32 @!p0 $0x1C0B  }
0x49d: {  	[timem:s3], [sflag:s2] =	dma.local @!p0 [hbm:s0], s1  }
0x49e: {  	s0 =	simm.s32 @!p0 $0xB  }
0x49f: {  	_ =	swait.ge @!p0 [sflag:s0], s1  }
0x4a0: {  	s1 =	ssub.s32 @!p0 $0x0, s1;
	[sflag:s0] =	ssyncset.done @!p0 $0x0  }
0x4a1: {  	[sflag:s0] =	ssyncadd.s32 @!p0 s1  }
0x4a2: {  	[bflag:$0x3] =	sbarrier.arrive $0xFFFF  }
0x4a3: {  	_ =	shalt  }

</sc_bundles>
